<compile_context>
chip_gen: v7x
topology: tpu7x:2x2x1
jax: 0.10.2.dev20260603
libtpu: 0.0.44.dev20260713+nightly
codegen_flags: <defaults>
</compile_context>

<pallas_src>
import functools

import jax
import jax.numpy as jnp
from jax import lax
from jax.experimental import pallas as pl
from jax.experimental.pallas import tpu as pltpu
from jax.experimental.pallas import tpu_sc as plsc

B, DIM, H, W = 8, 768, 32, 32
E, K = 8, 2
HIDDEN = DIM * 2
N_TOK = B * H * W
TB = 1024
NB = N_TOK // TB
NPAIR = K * N_TOK
BLK = 512
T_TILES = NPAIR // BLK + E
NROWS = T_TILES * BLK

NC, NS = 2, 16
NWK = NC * NS
CH = 64
CHC = 32

_INV_SQRT2 = 0.7071067811865476



def _bfpack(y):
    def bfbits(v):
        vi = lax.bitcast_convert_type(v, jnp.int32)
        r = (vi + 0x7FFF + ((vi >> 16) & 1)) >> 16
        return r & 0xFFFF

    half = y.shape[1] // 2
    return bfbits(y[:, :half]) | (bfbits(y[:, half:]) << 16)


def _bfunpack_bf16(p):
    lo = lax.bitcast_convert_type(p << 16, jnp.float32)
    hi = lax.bitcast_convert_type(p & jnp.int32(-65536), jnp.float32)
    return jnp.concatenate([lo, hi], axis=1).astype(jnp.bfloat16)


def _router_body(tok_ref, rw_ref, rb_ref,
                 topi_ref, rank_ref, w0_ref, w1_ref, counts_ref, tokp_ref,
                 carry_ref, u_ref, ident_ref):
    b = pl.program_id(0)

    @pl.when(b == 0)
    def _():
        carry_ref[...] = jnp.zeros_like(carry_ref)
        ii2 = lax.broadcasted_iota(jnp.int32, (2 * TB, 2 * TB), 0)
        jj2 = lax.broadcasted_iota(jnp.int32, (2 * TB, 2 * TB), 1)
        u_ref[...] = (ii2 < jj2).astype(jnp.bfloat16)
        ii1 = lax.broadcasted_iota(jnp.int32, (TB, TB), 0)
        jj1 = lax.broadcasted_iota(jnp.int32, (TB, TB), 1)
        ident_ref[...] = (ii1 == jj1).astype(jnp.float32)

    xb = tok_ref[...]
    tokp_ref[...] = _bfpack(xb)
    logits = lax.dot_general(xb, rw_ref[...],
                             (((1,), (1,)), ((), ())),
                             preferred_element_type=jnp.float32)
    logits = logits + rb_ref[...]
    idx = lax.broadcasted_iota(jnp.int32, (TB, E), 1)
    m1 = jnp.max(logits, axis=1, keepdims=True)
    i1 = jnp.min(jnp.where(logits == m1, idx, E), axis=1, keepdims=True)
    l2 = jnp.where(idx == i1, -jnp.inf, logits)
    m2 = jnp.max(l2, axis=1, keepdims=True)
    i2 = jnp.min(jnp.where(l2 == m2, idx, E), axis=1, keepdims=True)
    e21 = jnp.exp(m2 - m1)
    w1 = 1.0 / (1.0 + e21)
    w2 = 1.0 - w1
    w0_ref[...] = w1
    w1_ref[...] = w2

    ident = ident_ref[...]
    i1r = lax.dot_general(i1.astype(jnp.float32), ident,
                          (((0,), (0,)), ((), ())),
                          preferred_element_type=jnp.float32)
    i2r = lax.dot_general(i2.astype(jnp.float32), ident,
                          (((0,), (0,)), ((), ())),
                          preferred_element_type=jnp.float32)
    ir = jnp.concatenate([i1r, i2r], axis=1).astype(jnp.int32)

    idx_e = lax.broadcasted_iota(jnp.int32, (E, 2 * TB), 0)
    mt = (idx_e == ir).astype(jnp.float32)
    prefix = lax.dot_general(mt.astype(jnp.bfloat16), u_ref[...],
                             (((1,), (0,)), ((), ())),
                             preferred_element_type=jnp.float32)
    prefix = prefix + carry_ref[...]
    rank_row = jnp.sum(mt * prefix, axis=0, keepdims=True)
    carry_ref[...] += jnp.sum(mt, axis=1, keepdims=True)
    counts_ref[...] = carry_ref[...]

    topi_ref[...] = ir.reshape(1, 1, 2 * TB)
    rank_ref[...] = rank_row.astype(jnp.int32).reshape(1, 1, 2 * TB)


_router = pl.pallas_call(
    _router_body,
    grid=(NB,),
    in_specs=[
        pl.BlockSpec((TB, DIM), lambda b: (b, 0)),
        pl.BlockSpec((E, DIM), lambda b: (0, 0)),
        pl.BlockSpec((1, E), lambda b: (0, 0)),
    ],
    out_specs=[
        pl.BlockSpec((1, 1, 2 * TB), lambda b: (b, 0, 0)),
        pl.BlockSpec((1, 1, 2 * TB), lambda b: (b, 0, 0)),
        pl.BlockSpec((TB, 1), lambda b: (b, 0)),
        pl.BlockSpec((TB, 1), lambda b: (b, 0)),
        pl.BlockSpec((E, 1), lambda b: (0, 0)),
        pl.BlockSpec((TB, DIM // 2), lambda b: (b, 0)),
    ],
    out_shape=[
        jax.ShapeDtypeStruct((NB, 1, 2 * TB), jnp.int32),
        jax.ShapeDtypeStruct((NB, 1, 2 * TB), jnp.int32),
        jax.ShapeDtypeStruct((N_TOK, 1), jnp.float32),
        jax.ShapeDtypeStruct((N_TOK, 1), jnp.float32),
        jax.ShapeDtypeStruct((E, 1), jnp.float32),
        jax.ShapeDtypeStruct((N_TOK, DIM // 2), jnp.int32),
    ],
    scratch_shapes=[
        pltpu.VMEM((E, 1), jnp.float32),
        pltpu.VMEM((2 * TB, 2 * TB), jnp.bfloat16),
        pltpu.VMEM((TB, TB), jnp.float32),
    ],
    compiler_params=pltpu.CompilerParams(dimension_semantics=("arbitrary",)),
)



def _posmap_body(start_ref, topi_ref, rank_ref, pos_ref):
    t = topi_ref[...]
    acc = rank_ref[...]
    for e in range(E):
        acc = acc + jnp.where(t == e, start_ref[e], 0)
    pos_ref[...] = acc


_posmap = pl.pallas_call(
    _posmap_body,
    grid_spec=pltpu.PrefetchScalarGridSpec(
        num_scalar_prefetch=1,
        grid=(NB,),
        in_specs=[
            pl.BlockSpec((1, 1, 2 * TB), lambda b, s: (b, 0, 0)),
            pl.BlockSpec((1, 1, 2 * TB), lambda b, s: (b, 0, 0)),
        ],
        out_specs=pl.BlockSpec((1, 1, 2 * TB), lambda b, s: (b, 0, 0)),
    ),
    out_shape=jax.ShapeDtypeStruct((NB, 1, 2 * TB), jnp.int32),
    compiler_params=pltpu.CompilerParams(dimension_semantics=("arbitrary",)),
)



_sc_mesh = plsc.VectorSubcoreMesh(core_axis_name="c", subcore_axis_name="s")

_PW = NPAIR // NWK
_NCH = _PW // CH


@functools.partial(
    pl.kernel,
    mesh=_sc_mesh,
    out_type=jax.ShapeDtypeStruct((NROWS, DIM // 2), jnp.int32),
    scratch_types=[
        pltpu.VMEM((_PW,), jnp.int32),
        pltpu.VMEM((CH,), jnp.int32),
        pltpu.VMEM((CH,), jnp.int32),
        pltpu.VMEM((CH,), jnp.int32),
        pltpu.VMEM((CH,), jnp.int32),
        pltpu.VMEM((CH, DIM // 2), jnp.int32),
        pltpu.VMEM((CH, DIM // 2), jnp.int32),
        pltpu.SemaphoreType.DMA,
        pltpu.SemaphoreType.DMA,
        pltpu.SemaphoreType.DMA,
        pltpu.SemaphoreType.DMA,
    ],
)
def _dispatch(tok_hbm, pos_hbm, xs_hbm,
              pos_all, pos_c0, pos_c1, tok_c0, tok_c1, row0, row1,
              g0, g1, s0, s1):
    wid = lax.axis_index("s") * NC + lax.axis_index("c")
    base = wid * _PW
    pos_c = [pos_c0, pos_c1]
    tok_c = [tok_c0, tok_c1]
    row = [row0, row1]
    gsem = [g0, g1]
    ssem = [s0, s1]
    pltpu.sync_copy(pos_hbm.at[pl.ds(base, _PW)], pos_all)

    def fill(bi, c):
        for j in range(CH // 16):
            sl = pl.ds(16 * j, 16)
            pos_c[bi][sl] = pos_all[pl.ds(c * CH + 16 * j, 16)]
            pvec = jnp.full((16,), base + c * CH + 16 * j, jnp.int32) + \
                lax.iota(jnp.int32, 16)
            tok_c[bi][sl] = ((pvec >> 11) << 10) + (pvec & (TB - 1))

    d_g = [None, None]
    d_s = [None, None]
    fill(0, 0)
    d_g[0] = pltpu.async_copy(tok_hbm.at[tok_c[0]], row[0], gsem[0])
    for c in range(_NCH):
        cb = c % 2
        nb = (c + 1) % 2
        if c + 1 < _NCH:
            if d_s[nb] is not None:
                d_s[nb].wait()
            fill(nb, c + 1)
            d_g[nb] = pltpu.async_copy(tok_hbm.at[tok_c[nb]], row[nb],
                                       gsem[nb])
        d_g[cb].wait()
        d_s[cb] = pltpu.async_copy(row[cb], xs_hbm.at[pos_c[cb]], ssem[cb])
    d_s[0].wait()
    d_s[1].wait()



def _gmm_body(te_ref, xs_ref, f1w_ref, f1b_ref, f2w_ref, f2b_ref, out_ref,
              w1c_ref, w2c_ref, prev_ref):
    t = pl.program_id(0)
    e = te_ref[t]

    @pl.when(jnp.logical_or(t == 0, e != prev_ref[0]))
    def _():
        w1c_ref[...] = f1w_ref[0].astype(jnp.bfloat16)
        w2c_ref[...] = f2w_ref[0].astype(jnp.bfloat16)

    prev_ref[0] = e

    @pl.when(t < te_ref[T_TILES])
    def _():
        xb = _bfunpack_bf16(xs_ref[...])
        h = lax.dot_general(xb, w1c_ref[...],
                            (((1,), (1,)), ((), ())),
                            preferred_element_type=jnp.float32)
        h = h + f1b_ref[0]
        h = 0.5 * h * (1.0 + lax.erf(h * _INV_SQRT2))
        y = lax.dot_general(h.astype(jnp.bfloat16), w2c_ref[...],
                            (((1,), (1,)), ((), ())),
                            preferred_element_type=jnp.float32)
        y = y + f2b_ref[0]
        out_ref[...] = _bfpack(y)


_gmm = pl.pallas_call(
    _gmm_body,
    grid_spec=pltpu.PrefetchScalarGridSpec(
        num_scalar_prefetch=1,
        grid=(T_TILES,),
        in_specs=[
            pl.BlockSpec((BLK, DIM // 2), lambda t, te: (t, 0)),
            pl.BlockSpec((1, HIDDEN, DIM), lambda t, te: (te[t], 0, 0)),
            pl.BlockSpec((1, 1, HIDDEN), lambda t, te: (te[t], 0, 0)),
            pl.BlockSpec((1, DIM, HIDDEN), lambda t, te: (te[t], 0, 0)),
            pl.BlockSpec((1, 1, DIM), lambda t, te: (te[t], 0, 0)),
        ],
        out_specs=pl.BlockSpec((BLK, DIM // 2), lambda t, te: (t, 0)),
        scratch_shapes=[
            pltpu.VMEM((HIDDEN, DIM), jnp.bfloat16),
            pltpu.VMEM((DIM, HIDDEN), jnp.bfloat16),
            pltpu.SMEM((1,), jnp.int32),
        ],
    ),
    out_shape=jax.ShapeDtypeStruct((NROWS, DIM // 2), jnp.int32),
    compiler_params=pltpu.CompilerParams(dimension_semantics=("arbitrary",)),
)



_TW = N_TOK // NWK
_NCHC = _TW // CHC


@functools.partial(
    pl.kernel,
    mesh=_sc_mesh,
    out_type=(
        jax.ShapeDtypeStruct((N_TOK, DIM // 2), jnp.int32),
        jax.ShapeDtypeStruct((N_TOK, DIM // 2), jnp.int32),
    ),
    scratch_types=[
        pltpu.VMEM((_TW,), jnp.int32),
        pltpu.VMEM((_TW,), jnp.int32),
        pltpu.VMEM((CHC,), jnp.int32),
        pltpu.VMEM((CHC,), jnp.int32),
        pltpu.VMEM((CHC,), jnp.int32),
        pltpu.VMEM((CHC,), jnp.int32),
        pltpu.VMEM((CHC, DIM // 2), jnp.int32),
        pltpu.VMEM((CHC, DIM // 2), jnp.int32),
        pltpu.VMEM((CHC, DIM // 2), jnp.int32),
        pltpu.VMEM((CHC, DIM // 2), jnp.int32),
        pltpu.SemaphoreType.DMA,
        pltpu.SemaphoreType.DMA,
        pltpu.SemaphoreType.DMA,
        pltpu.SemaphoreType.DMA,
        pltpu.SemaphoreType.DMA,
        pltpu.SemaphoreType.DMA,
        pltpu.SemaphoreType.DMA,
        pltpu.SemaphoreType.DMA,
    ],
)
def _combine(yw_hbm, pos_hbm, yg0_hbm, yg1_hbm,
             p0_all, p1_all, i00, i01, i10, i11,
             b00, b01, b10, b11,
             g00, g01, g10, g11, s00, s01, s10, s11):
    wid = lax.axis_index("s") * NC + lax.axis_index("c")
    tbase = wid * _TW
    p0base = (tbase // TB) * (2 * TB) + (tbase % TB)
    p1base = p0base + TB
    pltpu.sync_copy(pos_hbm.at[pl.ds(p0base, _TW)], p0_all)
    pltpu.sync_copy(pos_hbm.at[pl.ds(p1base, _TW)], p1_all)

    p_all = [p0_all, p1_all]
    idx = [[i00, i01], [i10, i11]]
    buf = [[b00, b01], [b10, b11]]
    gsem = [[g00, g01], [g10, g11]]
    ssem = [[s00, s01], [s10, s11]]
    out = [yg0_hbm, yg1_hbm]

    def fill(k, bi, c):
        for j in range(CHC // 16):
            sl = pl.ds(16 * j, 16)
            idx[k][bi][sl] = p_all[k][pl.ds(c * CHC + 16 * j, 16)]

    d_g = [[None, None], [None, None]]
    d_s = [[None, None], [None, None]]
    for k in (0, 1):
        fill(k, 0, 0)
        d_g[k][0] = pltpu.async_copy(yw_hbm.at[idx[k][0]], buf[k][0],
                                     gsem[k][0])
    for c in range(_NCHC):
        cb = c % 2
        nb = (c + 1) % 2
        for k in (0, 1):
            if c + 1 < _NCHC:
                if d_s[k][nb] is not None:
                    d_s[k][nb].wait()
                fill(k, nb, c + 1)
                d_g[k][nb] = pltpu.async_copy(yw_hbm.at[idx[k][nb]],
                                              buf[k][nb], gsem[k][nb])
            d_g[k][cb].wait()
            d_s[k][cb] = pltpu.async_copy(
                buf[k][cb],
                out[k].at[pl.ds(tbase + c * CHC, CHC), :], ssem[k][cb])
    for k in (0, 1):
        d_s[k][0].wait()
        d_s[k][1].wait()



def _unpack_f32(p):
    lo = lax.bitcast_convert_type(p << 16, jnp.float32)
    hi = lax.bitcast_convert_type(p & jnp.int32(-65536), jnp.float32)
    return jnp.concatenate([lo, hi], axis=1)


def _finish_body(x_ref, a_ref, b_ref, w0_ref, w1_ref, scale_ref, out_ref):
    s = scale_ref[0, 0]
    a = _unpack_f32(a_ref[...])
    bb = _unpack_f32(b_ref[...])
    out_ref[...] = x_ref[...] + s * (w0_ref[...] * a + w1_ref[...] * bb)


_finish = pl.pallas_call(
    _finish_body,
    grid=(NB,),
    in_specs=[
        pl.BlockSpec((TB, DIM), lambda b: (b, 0)),
        pl.BlockSpec((TB, DIM // 2), lambda b: (b, 0)),
        pl.BlockSpec((TB, DIM // 2), lambda b: (b, 0)),
        pl.BlockSpec((TB, 1), lambda b: (b, 0)),
        pl.BlockSpec((TB, 1), lambda b: (b, 0)),
        pl.BlockSpec((1, 1), lambda b: (0, 0)),
    ],
    out_specs=pl.BlockSpec((TB, DIM), lambda b: (b, 0)),
    out_shape=jax.ShapeDtypeStruct((N_TOK, DIM), jnp.float32),
    compiler_params=pltpu.CompilerParams(dimension_semantics=("arbitrary",)),
)



@jax.jit
def _moe(tokens, router_w, router_b, f1w, f1b, f2w, f2b, scale):
    topi3, rank3, w0, w1, counts_f, tokp = _router(
        tokens, router_w, router_b.reshape(1, E))

    counts = counts_f[:, 0].astype(jnp.int32)
    nt = (counts + BLK - 1) // BLK
    tile_cum = jnp.cumsum(nt)
    start = (BLK * (tile_cum - nt)).astype(jnp.int32)
    t_idx = jnp.arange(T_TILES, dtype=jnp.int32)
    te_map = jnp.minimum(
        jnp.sum((t_idx[:, None] >= tile_cum[None, :]).astype(jnp.int32),
                axis=1), E - 1).astype(jnp.int32)
    te_plus = jnp.concatenate([te_map, tile_cum[-1:]])

    pos3 = _posmap(start, topi3, rank3)
    pos = pos3.reshape(NPAIR)
    xs = _dispatch(tokp, pos)
    yw = _gmm(te_plus, xs,
              f1w, f1b.reshape(E, 1, HIDDEN),
              f2w, f2b.reshape(E, 1, DIM))
    yg0, yg1 = _combine(yw, pos)
    return _finish(tokens, yg0, yg1, w0, w1, scale.reshape(1, 1))


def kernel(x, router_w, router_b, fc1_w, fc1_b, fc2_w, fc2_b, scale):
    b, c, h, w = x.shape
    tokens = jnp.transpose(x, (0, 2, 3, 1)).reshape(b * h * w, c)
    out = _moe(tokens, router_w, router_b, fc1_w, fc1_b, fc2_w, fc2_b,
               scale)
    return jnp.transpose(out.reshape(b, h, w, c), (0, 3, 1, 2))

# --- scband reference (transcript-rebuilt; emitter-appended) ---
"""Pipeline reference for scband-sparse-top-kmo-e-773094113657 (READ-ONLY COPY).

The authoritative reference and input builder live on the scoring server;
editing this copy changes nothing except your own understanding.
"""

import jax, jax.numpy as jnp
import numpy as np

B, DIM, H, W = 8, 768, 32, 32
E, K = 8, 2
HIDDEN = int(DIM * 2.0)


def setup_inputs(seed: int = 0) -> dict:
    key = jax.random.key(seed)
    ks = jax.random.split(key, 8)
    x = jax.random.normal(ks[0], (B, DIM, H, W), dtype=jnp.float32)
    router_w = jax.random.normal(ks[1], (E, DIM), dtype=jnp.float32) * 0.02
    router_b = jnp.zeros((E,), dtype=jnp.float32)
    fc1_w = jax.random.normal(ks[2], (E, HIDDEN, DIM), dtype=jnp.float32) * 0.02
    fc1_b = jnp.zeros((E, HIDDEN), dtype=jnp.float32)
    fc2_w = jax.random.normal(ks[3], (E, DIM, HIDDEN), dtype=jnp.float32) * 0.02
    fc2_b = jnp.zeros((E, DIM), dtype=jnp.float32)
    scale = jnp.full((1,), 0.5, dtype=jnp.float32)
    return {"x": x, "router_w": router_w, "router_b": router_b,
            "fc1_w": fc1_w, "fc1_b": fc1_b, "fc2_w": fc2_w, "fc2_b": fc2_b,
            "scale": scale}


def reference(x, router_w, router_b, fc1_w, fc1_b, fc2_w, fc2_b, scale):
    b, c, h, w = x.shape
    tokens = jnp.transpose(x, (0, 2, 3, 1)).reshape(b, h * w, c)
    logits = tokens @ router_w.T + router_b
    topv, topi = jax.lax.top_k(logits, K)
    wts = jax.nn.softmax(topv, axis=-1)
    out = jnp.zeros_like(tokens)
    for e in range(E):
        h1 = jax.nn.gelu(tokens @ fc1_w[e].T + fc1_b[e], approximate=False)
        y_e = h1 @ fc2_w[e].T + fc2_b[e]
        for k in range(K):
            mask = (topi[..., k] == e).astype(tokens.dtype)
            out = out + (mask * wts[..., k])[..., None] * y_e
    out = jnp.transpose(out.reshape(b, h, w, c), (0, 3, 1, 2))
    return x + scale * out

if __name__ == "__main__":
    import jax
    _d = setup_inputs()
    print(jax.jit(kernel)(*tuple(_d.values())))

</pallas_src>

<mosaic_0001>
#map = affine_map<(d0, d1) -> (0, 0)>
#map1 = affine_map<(d0, d1) -> (0)>
module attributes {stable_mosaic.version = 14 : i64} {
  func.func @_combine(%arg0: i32, %arg1: i32, %arg2: memref<20480x384xi32, #tpu.memory_space<hbm>>, %arg3: memref<16384xi32, #tpu.memory_space<hbm>>, %arg4: memref<8192x384xi32, #tpu.memory_space<hbm>>, %arg5: memref<8192x384xi32, #tpu.memory_space<hbm>>, %arg6: memref<256xi32, #tpu.memory_space<vmem>>, %arg7: memref<256xi32, #tpu.memory_space<vmem>>, %arg8: memref<32xi32, #tpu.memory_space<vmem>>, %arg9: memref<32xi32, #tpu.memory_space<vmem>>, %arg10: memref<32xi32, #tpu.memory_space<vmem>>, %arg11: memref<32xi32, #tpu.memory_space<vmem>>, %arg12: memref<32x384xi32, #tpu.memory_space<vmem>>, %arg13: memref<32x384xi32, #tpu.memory_space<vmem>>, %arg14: memref<32x384xi32, #tpu.memory_space<vmem>>, %arg15: memref<32x384xi32, #tpu.memory_space<vmem>>, %arg16: memref<!tpu.dma_semaphore, #tpu.memory_space<semaphore_mem>>, %arg17: memref<!tpu.dma_semaphore, #tpu.memory_space<semaphore_mem>>, %arg18: memref<!tpu.dma_semaphore, #tpu.memory_space<semaphore_mem>>, %arg19: memref<!tpu.dma_semaphore, #tpu.memory_space<semaphore_mem>>, %arg20: memref<!tpu.dma_semaphore, #tpu.memory_space<semaphore_mem>>, %arg21: memref<!tpu.dma_semaphore, #tpu.memory_space<semaphore_mem>>, %arg22: memref<!tpu.dma_semaphore, #tpu.memory_space<semaphore_mem>>, %arg23: memref<!tpu.dma_semaphore, #tpu.memory_space<semaphore_mem>>) attributes {dimension_semantics = [#tpu.dimension_semantics<core_parallel>, #tpu.dimension_semantics<subcore_parallel>], iteration_bounds = array<i64: 2, 16>, scalar_prefetch = 0 : i64, scratch_operands = 18 : i64, tpu.core_type = #tpu.core_type<sc_vector_subcore>, window_params = [{transform_indices = #map}, {transform_indices = #map1}, {transform_indices = #map}, {transform_indices = #map}]} {
    %mul3A = arith.constant 2 : i32
    %mul3A_0 = arith.muli %arg1, %mul3A : i32
    %add3A = arith.addi %mul3A_0, %arg0 : i32
    %mul3A_1 = arith.constant 256 : i32
    %mul3A_2 = arith.muli %add3A, %mul3A_1 : i32
    %jit3A = arith.constant 1024 : i32
    %div3A = arith.divsi %mul3A_2, %jit3A : i32
    %sign3A = arith.constant 0 : i32
    %sign3A_3 = arith.cmpi sgt, %mul3A_2, %sign3A : i32
    %sign3A_4 = arith.extui %sign3A_3 : i1 to i32
    %sign3A_5 = arith.constant 0 : i32
    %sign3A_6 = arith.cmpi slt, %mul3A_2, %sign3A_5 : i32
    %sign3A_7 = arith.extui %sign3A_6 : i1 to i32
    %sign3A_8 = arith.subi %sign3A_4, %sign3A_7 : i32
    %sign3A_9 = arith.constant 0 : i32
    %sign3A_10 = arith.cmpi sgt, %jit3A, %sign3A_9 : i32
    %sign3A_11 = arith.extui %sign3A_10 : i1 to i32
    %sign3A_12 = arith.constant 0 : i32
    %sign3A_13 = arith.cmpi slt, %jit3A, %sign3A_12 : i32
    %sign3A_14 = arith.extui %sign3A_13 : i1 to i32
    %sign3A_15 = arith.subi %sign3A_11, %sign3A_14 : i32
    %ne3A = arith.cmpi ne, %sign3A_8, %sign3A_15 : i32
    %rem3A = arith.remsi %mul3A_2, %jit3A : i32
    %ne3A_16 = arith.constant 0 : i32
    %ne3A_17 = arith.cmpi ne, %rem3A, %ne3A_16 : i32
    %and3A = arith.andi %ne3A, %ne3A_17 : i1
    %sub3A = arith.constant 1 : i32
    %sub3A_18 = arith.subi %div3A, %sub3A : i32
    %select_n3A = arith.select %and3A, %sub3A_18, %div3A : i32
    %mul3A_19 = arith.constant 2048 : i32
    %mul3A_20 = arith.muli %select_n3A, %mul3A_19 : i32
    %jit3A_21 = arith.constant 1024 : i32
    %eq3A = arith.constant 0 : i32
    %eq3A_22 = arith.cmpi eq, %jit3A_21, %eq3A : i32
    %jit3A_23 = arith.constant 1 : i32
    %select_n3A_24 = arith.select %eq3A_22, %jit3A_23, %jit3A_21 : i32
    %rem3A_25 = arith.remsi %mul3A_2, %select_n3A_24 : i32
    %ne3A_26 = arith.constant 0 : i32
    %ne3A_27 = arith.cmpi ne, %rem3A_25, %ne3A_26 : i32
    %lt3A = arith.constant 0 : i32
    %lt3A_28 = arith.cmpi slt, %rem3A_25, %lt3A : i32
    %lt3A_29 = arith.constant 0 : i32
    %lt3A_30 = arith.cmpi slt, %select_n3A_24, %lt3A_29 : i32
    %ne3A_31 = arith.xori %lt3A_28, %lt3A_30 : i1
    %and3A_32 = arith.andi %ne3A_31, %ne3A_27 : i1
    %add3A_33 = arith.addi %rem3A_25, %select_n3A_24 : i32
    %select_n3A_34 = arith.select %and3A_32, %add3A_33, %rem3A_25 : i32
    %add3A_35 = arith.addi %mul3A_20, %select_n3A_34 : i32
    %add3A_36 = arith.constant 1024 : i32
    %add3A_37 = arith.addi %add3A_35, %add3A_36 : i32
    "tpu.region"() ({
      %run_scoped3A = tpu.sem_alloc : memref<!tpu.dma_semaphore, #tpu.memory_space<semaphore_mem>>
      %dma_start3A_514 = tpu.memref_slice %arg3[%add3A_35] : memref<16384xi32, #tpu.memory_space<hbm>> -> memref<256xi32, #tpu.memory_space<hbm>>
      %dma_start3A_515 = tpu.memref_slice %arg3[%add3A_35] : memref<16384xi32, #tpu.memory_space<hbm>> -> memref<256xi32, #tpu.memory_space<hbm>>
      tpu.enqueue_dma source(%dma_start3A_515 : memref<256xi32, #tpu.memory_space<hbm>>) target(%arg6 : memref<256xi32, #tpu.memory_space<vmem>>) target_semaphore(%run_scoped3A : memref<!tpu.dma_semaphore, #tpu.memory_space<semaphore_mem>>)
      %dma_wait3A_516 = tpu.memref_slice %arg3[%add3A_35] : memref<16384xi32, #tpu.memory_space<hbm>> -> memref<256xi32, #tpu.memory_space<hbm>>
      %dma_wait3A_517 = tpu.memref_slice %arg3[%add3A_35] : memref<16384xi32, #tpu.memory_space<hbm>> -> memref<256xi32, #tpu.memory_space<hbm>>
      tpu.wait_dma2 semaphore(%run_scoped3A : memref<!tpu.dma_semaphore, #tpu.memory_space<semaphore_mem>>) src(%dma_wait3A_517 : memref<256xi32, #tpu.memory_space<hbm>>) dst(%arg6 : memref<256xi32, #tpu.memory_space<vmem>>)
      tpu.yield
    }) : () -> ()
    "tpu.region"() ({
      %run_scoped3A = tpu.sem_alloc : memref<!tpu.dma_semaphore, #tpu.memory_space<semaphore_mem>>
      %dma_start3A_514 = tpu.memref_slice %arg3[%add3A_37] : memref<16384xi32, #tpu.memory_space<hbm>> -> memref<256xi32, #tpu.memory_space<hbm>>
      %dma_start3A_515 = tpu.memref_slice %arg3[%add3A_37] : memref<16384xi32, #tpu.memory_space<hbm>> -> memref<256xi32, #tpu.memory_space<hbm>>
      tpu.enqueue_dma source(%dma_start3A_515 : memref<256xi32, #tpu.memory_space<hbm>>) target(%arg7 : memref<256xi32, #tpu.memory_space<vmem>>) target_semaphore(%run_scoped3A : memref<!tpu.dma_semaphore, #tpu.memory_space<semaphore_mem>>)
      %dma_wait3A_516 = tpu.memref_slice %arg3[%add3A_37] : memref<16384xi32, #tpu.memory_space<hbm>> -> memref<256xi32, #tpu.memory_space<hbm>>
      %dma_wait3A_517 = tpu.memref_slice %arg3[%add3A_37] : memref<16384xi32, #tpu.memory_space<hbm>> -> memref<256xi32, #tpu.memory_space<hbm>>
      tpu.wait_dma2 semaphore(%run_scoped3A : memref<!tpu.dma_semaphore, #tpu.memory_space<semaphore_mem>>) src(%dma_wait3A_517 : memref<256xi32, #tpu.memory_space<hbm>>) dst(%arg7 : memref<256xi32, #tpu.memory_space<vmem>>)
      tpu.yield
    }) : () -> ()
    %get3A = arith.constant 0 : index
    %get3A_38 = tpu.vector_load %arg6[%get3A] {strides = array<i32>} : memref<256xi32, #tpu.memory_space<vmem>>, vector<16xi32>,
    %get3A_39 = vector.shape_cast %get3A_38 : vector<16xi32> to vector<16xi32>
    %swap3A = arith.constant 0 : index
    %swap3A_40 = tpu.vector_load %arg8[%swap3A] {strides = array<i32>} : memref<32xi32, #tpu.memory_space<vmem>>, vector<16xi32>,
    %swap3A_41 = vector.shape_cast %swap3A_40 : vector<16xi32> to vector<16xi32>
    %swap3A_42 = vector.shape_cast %get3A_39 : vector<16xi32> to vector<16xi32>
    tpu.vector_store %arg8[%swap3A], %swap3A_42 {strides = array<i32>} : memref<32xi32, #tpu.memory_space<vmem>>, vector<16xi32>,
    %get3A_43 = arith.constant 16 : index
    %get3A_44 = tpu.vector_load %arg6[%get3A_43] {strides = array<i32>} : memref<256xi32, #tpu.memory_space<vmem>>, vector<16xi32>,
    %get3A_45 = vector.shape_cast %get3A_44 : vector<16xi32> to vector<16xi32>
    %swap3A_46 = arith.constant 16 : index
    %swap3A_47 = tpu.vector_load %arg8[%swap3A_46] {strides = array<i32>} : memref<32xi32, #tpu.memory_space<vmem>>, vector<16xi32>,
    %swap3A_48 = vector.shape_cast %swap3A_47 : vector<16xi32> to vector<16xi32>
    %swap3A_49 = vector.shape_cast %get3A_45 : vector<16xi32> to vector<16xi32>
    tpu.vector_store %arg8[%swap3A_46], %swap3A_49 {strides = array<i32>} : memref<32xi32, #tpu.memory_space<vmem>>, vector<16xi32>,
    %dma_start3A = arith.constant 0 : i32
    %dma_start3A_50 = arith.constant 0 : i32
    %dma_start3A_51 = tpu.memref_slice %arg2[%dma_start3A, %dma_start3A_50] : memref<20480x384xi32, #tpu.memory_space<hbm>> -> memref<20480x384xi32, #tpu.memory_space<hbm>>
    tpu.enqueue_indirect_dma source(%dma_start3A_51 : memref<20480x384xi32, #tpu.memory_space<hbm>>) target(%arg12 : memref<32x384xi32, #tpu.memory_space<vmem>>) offsets(%arg8 : memref<32xi32, #tpu.memory_space<vmem>>) semaphore(%arg16 : memref<!tpu.dma_semaphore, #tpu.memory_space<semaphore_mem>>)
    %get3A_52 = arith.constant 0 : index
    %get3A_53 = tpu.vector_load %arg7[%get3A_52] {strides = array<i32>} : memref<256xi32, #tpu.memory_space<vmem>>, vector<16xi32>,
    %get3A_54 = vector.shape_cast %get3A_53 : vector<16xi32> to vector<16xi32>
    %swap3A_55 = arith.constant 0 : index
    %swap3A_56 = tpu.vector_load %arg10[%swap3A_55] {strides = array<i32>} : memref<32xi32, #tpu.memory_space<vmem>>, vector<16xi32>,
    %swap3A_57 = vector.shape_cast %swap3A_56 : vector<16xi32> to vector<16xi32>
    %swap3A_58 = vector.shape_cast %get3A_54 : vector<16xi32> to vector<16xi32>
    tpu.vector_store %arg10[%swap3A_55], %swap3A_58 {strides = array<i32>} : memref<32xi32, #tpu.memory_space<vmem>>, vector<16xi32>,
    %get3A_59 = arith.constant 16 : index
    %get3A_60 = tpu.vector_load %arg7[%get3A_59] {strides = array<i32>} : memref<256xi32, #tpu.memory_space<vmem>>, vector<16xi32>,
    %get3A_61 = vector.shape_cast %get3A_60 : vector<16xi32> to vector<16xi32>
    %swap3A_62 = arith.constant 16 : index
    %swap3A_63 = tpu.vector_load %arg10[%swap3A_62] {strides = array<i32>} : memref<32xi32, #tpu.memory_space<vmem>>, vector<16xi32>,
    %swap3A_64 = vector.shape_cast %swap3A_63 : vector<16xi32> to vector<16xi32>
    %swap3A_65 = vector.shape_cast %get3A_61 : vector<16xi32> to vector<16xi32>
    tpu.vector_store %arg10[%swap3A_62], %swap3A_65 {strides = array<i32>} : memref<32xi32, #tpu.memory_space<vmem>>, vector<16xi32>,
    %dma_start3A_66 = arith.constant 0 : i32
    %dma_start3A_67 = arith.constant 0 : i32
    %dma_start3A_68 = tpu.memref_slice %arg2[%dma_start3A_66, %dma_start3A_67] : memref<20480x384xi32, #tpu.memory_space<hbm>> -> memref<20480x384xi32, #tpu.memory_space<hbm>>
    tpu.enqueue_indirect_dma source(%dma_start3A_68 : memref<20480x384xi32, #tpu.memory_space<hbm>>) target(%arg14 : memref<32x384xi32, #tpu.memory_space<vmem>>) offsets(%arg10 : memref<32xi32, #tpu.memory_space<vmem>>) semaphore(%arg18 : memref<!tpu.dma_semaphore, #tpu.memory_space<semaphore_mem>>)
    %get3A_69 = arith.constant 32 : index
    %get3A_70 = tpu.vector_load %arg6[%get3A_69] {strides = array<i32>} : memref<256xi32, #tpu.memory_space<vmem>>, vector<16xi32>,
    %get3A_71 = vector.shape_cast %get3A_70 : vector<16xi32> to vector<16xi32>
    %swap3A_72 = arith.constant 0 : index
    %swap3A_73 = tpu.vector_load %arg9[%swap3A_72] {strides = array<i32>} : memref<32xi32, #tpu.memory_space<vmem>>, vector<16xi32>,
    %swap3A_74 = vector.shape_cast %swap3A_73 : vector<16xi32> to vector<16xi32>
    %swap3A_75 = vector.shape_cast %get3A_71 : vector<16xi32> to vector<16xi32>
    tpu.vector_store %arg9[%swap3A_72], %swap3A_75 {strides = array<i32>} : memref<32xi32, #tpu.memory_space<vmem>>, vector<16xi32>,
    %get3A_76 = arith.constant 48 : index
    %get3A_77 = tpu.vector_load %arg6[%get3A_76] {strides = array<i32>} : memref<256xi32, #tpu.memory_space<vmem>>, vector<16xi32>,
    %get3A_78 = vector.shape_cast %get3A_77 : vector<16xi32> to vector<16xi32>
    %swap3A_79 = arith.constant 16 : index
    %swap3A_80 = tpu.vector_load %arg9[%swap3A_79] {strides = array<i32>} : memref<32xi32, #tpu.memory_space<vmem>>, vector<16xi32>,
    %swap3A_81 = vector.shape_cast %swap3A_80 : vector<16xi32> to vector<16xi32>
    %swap3A_82 = vector.shape_cast %get3A_78 : vector<16xi32> to vector<16xi32>
    tpu.vector_store %arg9[%swap3A_79], %swap3A_82 {strides = array<i32>} : memref<32xi32, #tpu.memory_space<vmem>>, vector<16xi32>,
    %dma_start3A_83 = arith.constant 0 : i32
    %dma_start3A_84 = arith.constant 0 : i32
    %dma_start3A_85 = tpu.memref_slice %arg2[%dma_start3A_83, %dma_start3A_84] : memref<20480x384xi32, #tpu.memory_space<hbm>> -> memref<20480x384xi32, #tpu.memory_space<hbm>>
    tpu.enqueue_indirect_dma source(%dma_start3A_85 : memref<20480x384xi32, #tpu.memory_space<hbm>>) target(%arg13 : memref<32x384xi32, #tpu.memory_space<vmem>>) offsets(%arg9 : memref<32xi32, #tpu.memory_space<vmem>>) semaphore(%arg17 : memref<!tpu.dma_semaphore, #tpu.memory_space<semaphore_mem>>)
    %dma_wait3A = arith.constant 0 : i32
    %dma_wait3A_86 = arith.constant 0 : i32
    %dma_wait3A_87 = tpu.memref_slice %arg2[%dma_wait3A, %dma_wait3A_86] : memref<20480x384xi32, #tpu.memory_space<hbm>> -> memref<20480x384xi32, #tpu.memory_space<hbm>>
    tpu.wait_indirect_dma semaphore(%arg16 : memref<!tpu.dma_semaphore, #tpu.memory_space<semaphore_mem>>) src(%dma_wait3A_87 : memref<20480x384xi32, #tpu.memory_space<hbm>>) dst(%arg12 : memref<32x384xi32, #tpu.memory_space<vmem>>)
    %add3A_88 = arith.constant 0 : i32
    %add3A_89 = arith.addi %mul3A_2, %add3A_88 : i32
    %dma_start3A_90 = arith.constant 0 : i32
    %dma_start3A_91 = tpu.memref_slice %arg4[%add3A_89, %dma_start3A_90] : memref<8192x384xi32, #tpu.memory_space<hbm>> -> memref<32x384xi32, #tpu.memory_space<hbm>>
    %dma_start3A_92 = arith.constant 0 : i32
    %dma_start3A_93 = tpu.memref_slice %arg4[%add3A_89, %dma_start3A_92] : memref<8192x384xi32, #tpu.memory_space<hbm>> -> memref<32x384xi32, #tpu.memory_space<hbm>>
    tpu.enqueue_dma source(%arg12 : memref<32x384xi32, #tpu.memory_space<vmem>>) target(%dma_start3A_93 : memref<32x384xi32, #tpu.memory_space<hbm>>) target_semaphore(%arg20 : memref<!tpu.dma_semaphore, #tpu.memory_space<semaphore_mem>>)
    %get3A_94 = arith.constant 32 : index
    %get3A_95 = tpu.vector_load %arg7[%get3A_94] {strides = array<i32>} : memref<256xi32, #tpu.memory_space<vmem>>, vector<16xi32>,
    %get3A_96 = vector.shape_cast %get3A_95 : vector<16xi32> to vector<16xi32>
    %swap3A_97 = arith.constant 0 : index
    %swap3A_98 = tpu.vector_load %arg11[%swap3A_97] {strides = array<i32>} : memref<32xi32, #tpu.memory_space<vmem>>, vector<16xi32>,
    %swap3A_99 = vector.shape_cast %swap3A_98 : vector<16xi32> to vector<16xi32>
    %swap3A_100 = vector.shape_cast %get3A_96 : vector<16xi32> to vector<16xi32>
    tpu.vector_store %arg11[%swap3A_97], %swap3A_100 {strides = array<i32>} : memref<32xi32, #tpu.memory_space<vmem>>, vector<16xi32>,
    %get3A_101 = arith.constant 48 : index
    %get3A_102 = tpu.vector_load %arg7[%get3A_101] {strides = array<i32>} : memref<256xi32, #tpu.memory_space<vmem>>, vector<16xi32>,
    %get3A_103 = vector.shape_cast %get3A_102 : vector<16xi32> to vector<16xi32>
    %swap3A_104 = arith.constant 16 : index
    %swap3A_105 = tpu.vector_load %arg11[%swap3A_104] {strides = array<i32>} : memref<32xi32, #tpu.memory_space<vmem>>, vector<16xi32>,
    %swap3A_106 = vector.shape_cast %swap3A_105 : vector<16xi32> to vector<16xi32>
    %swap3A_107 = vector.shape_cast %get3A_103 : vector<16xi32> to vector<16xi32>
    tpu.vector_store %arg11[%swap3A_104], %swap3A_107 {strides = array<i32>} : memref<32xi32, #tpu.memory_space<vmem>>, vector<16xi32>,
    %dma_start3A_108 = arith.constant 0 : i32
    %dma_start3A_109 = arith.constant 0 : i32
    %dma_start3A_110 = tpu.memref_slice %arg2[%dma_start3A_108, %dma_start3A_109] : memref<20480x384xi32, #tpu.memory_space<hbm>> -> memref<20480x384xi32, #tpu.memory_space<hbm>>
    tpu.enqueue_indirect_dma source(%dma_start3A_110 : memref<20480x384xi32, #tpu.memory_space<hbm>>) target(%arg15 : memref<32x384xi32, #tpu.memory_space<vmem>>) offsets(%arg11 : memref<32xi32, #tpu.memory_space<vmem>>) semaphore(%arg19 : memref<!tpu.dma_semaphore, #tpu.memory_space<semaphore_mem>>)
    %dma_wait3A_111 = arith.constant 0 : i32
    %dma_wait3A_112 = arith.constant 0 : i32
    %dma_wait3A_113 = tpu.memref_slice %arg2[%dma_wait3A_111, %dma_wait3A_112] : memref<20480x384xi32, #tpu.memory_space<hbm>> -> memref<20480x384xi32, #tpu.memory_space<hbm>>
    tpu.wait_indirect_dma semaphore(%arg18 : memref<!tpu.dma_semaphore, #tpu.memory_space<semaphore_mem>>) src(%dma_wait3A_113 : memref<20480x384xi32, #tpu.memory_space<hbm>>) dst(%arg14 : memref<32x384xi32, #tpu.memory_space<vmem>>)
    %add3A_114 = arith.constant 0 : i32
    %add3A_115 = arith.addi %mul3A_2, %add3A_114 : i32
    %dma_start3A_116 = arith.constant 0 : i32
    %dma_start3A_117 = tpu.memref_slice %arg5[%add3A_115, %dma_start3A_116] : memref<8192x384xi32, #tpu.memory_space<hbm>> -> memref<32x384xi32, #tpu.memory_space<hbm>>
    %dma_start3A_118 = arith.constant 0 : i32
    %dma_start3A_119 = tpu.memref_slice %arg5[%add3A_115, %dma_start3A_118] : memref<8192x384xi32, #tpu.memory_space<hbm>> -> memref<32x384xi32, #tpu.memory_space<hbm>>
    tpu.enqueue_dma source(%arg14 : memref<32x384xi32, #tpu.memory_space<vmem>>) target(%dma_start3A_119 : memref<32x384xi32, #tpu.memory_space<hbm>>) target_semaphore(%arg22 : memref<!tpu.dma_semaphore, #tpu.memory_space<semaphore_mem>>)
    %dma_wait3A_120 = arith.constant 0 : i32
    %dma_wait3A_121 = tpu.memref_slice %arg4[%add3A_89, %dma_wait3A_120] : memref<8192x384xi32, #tpu.memory_space<hbm>> -> memref<32x384xi32, #tpu.memory_space<hbm>>
    %dma_wait3A_122 = arith.constant 0 : i32
    %dma_wait3A_123 = tpu.memref_slice %arg4[%add3A_89, %dma_wait3A_122] : memref<8192x384xi32, #tpu.memory_space<hbm>> -> memref<32x384xi32, #tpu.memory_space<hbm>>
    tpu.wait_dma2 semaphore(%arg20 : memref<!tpu.dma_semaphore, #tpu.memory_space<semaphore_mem>>) src(%arg12 : memref<32x384xi32, #tpu.memory_space<vmem>>) dst(%dma_wait3A_123 : memref<32x384xi32, #tpu.memory_space<hbm>>)
    %get3A_124 = arith.constant 64 : index
    %get3A_125 = tpu.vector_load %arg6[%get3A_124] {strides = array<i32>} : memref<256xi32, #tpu.memory_space<vmem>>, vector<16xi32>,
    %get3A_126 = vector.shape_cast %get3A_125 : vector<16xi32> to vector<16xi32>
    %swap3A_127 = arith.constant 0 : index
    %swap3A_128 = tpu.vector_load %arg8[%swap3A_127] {strides = array<i32>} : memref<32xi32, #tpu.memory_space<vmem>>, vector<16xi32>,
    %swap3A_129 = vector.shape_cast %swap3A_128 : vector<16xi32> to vector<16xi32>
    %swap3A_130 = vector.shape_cast %get3A_126 : vector<16xi32> to vector<16xi32>
    tpu.vector_store %arg8[%swap3A_127], %swap3A_130 {strides = array<i32>} : memref<32xi32, #tpu.memory_space<vmem>>, vector<16xi32>,
    %get3A_131 = arith.constant 80 : index
    %get3A_132 = tpu.vector_load %arg6[%get3A_131] {strides = array<i32>} : memref<256xi32, #tpu.memory_space<vmem>>, vector<16xi32>,
    %get3A_133 = vector.shape_cast %get3A_132 : vector<16xi32> to vector<16xi32>
    %swap3A_134 = arith.constant 16 : index
    %swap3A_135 = tpu.vector_load %arg8[%swap3A_134] {strides = array<i32>} : memref<32xi32, #tpu.memory_space<vmem>>, vector<16xi32>,
    %swap3A_136 = vector.shape_cast %swap3A_135 : vector<16xi32> to vector<16xi32>
    %swap3A_137 = vector.shape_cast %get3A_133 : vector<16xi32> to vector<16xi32>
    tpu.vector_store %arg8[%swap3A_134], %swap3A_137 {strides = array<i32>} : memref<32xi32, #tpu.memory_space<vmem>>, vector<16xi32>,
    %dma_start3A_138 = arith.constant 0 : i32
    %dma_start3A_139 = arith.constant 0 : i32
    %dma_start3A_140 = tpu.memref_slice %arg2[%dma_start3A_138, %dma_start3A_139] : memref<20480x384xi32, #tpu.memory_space<hbm>> -> memref<20480x384xi32, #tpu.memory_space<hbm>>
    tpu.enqueue_indirect_dma source(%dma_start3A_140 : memref<20480x384xi32, #tpu.memory_space<hbm>>) target(%arg12 : memref<32x384xi32, #tpu.memory_space<vmem>>) offsets(%arg8 : memref<32xi32, #tpu.memory_space<vmem>>) semaphore(%arg16 : memref<!tpu.dma_semaphore, #tpu.memory_space<semaphore_mem>>)
    %dma_wait3A_141 = arith.constant 0 : i32
    %dma_wait3A_142 = arith.constant 0 : i32
    %dma_wait3A_143 = tpu.memref_slice %arg2[%dma_wait3A_141, %dma_wait3A_142] : memref<20480x384xi32, #tpu.memory_space<hbm>> -> memref<20480x384xi32, #tpu.memory_space<hbm>>
    tpu.wait_indirect_dma semaphore(%arg17 : memref<!tpu.dma_semaphore, #tpu.memory_space<semaphore_mem>>) src(%dma_wait3A_143 : memref<20480x384xi32, #tpu.memory_space<hbm>>) dst(%arg13 : memref<32x384xi32, #tpu.memory_space<vmem>>)
    %add3A_144 = arith.constant 32 : i32
    %add3A_145 = arith.addi %mul3A_2, %add3A_144 : i32
    %dma_start3A_146 = arith.constant 0 : i32
    %dma_start3A_147 = tpu.memref_slice %arg4[%add3A_145, %dma_start3A_146] : memref<8192x384xi32, #tpu.memory_space<hbm>> -> memref<32x384xi32, #tpu.memory_space<hbm>>
    %dma_start3A_148 = arith.constant 0 : i32
    %dma_start3A_149 = tpu.memref_slice %arg4[%add3A_145, %dma_start3A_148] : memref<8192x384xi32, #tpu.memory_space<hbm>> -> memref<32x384xi32, #tpu.memory_space<hbm>>
    tpu.enqueue_dma source(%arg13 : memref<32x384xi32, #tpu.memory_space<vmem>>) target(%dma_start3A_149 : memref<32x384xi32, #tpu.memory_space<hbm>>) target_semaphore(%arg21 : memref<!tpu.dma_semaphore, #tpu.memory_space<semaphore_mem>>)
    %dma_wait3A_150 = arith.constant 0 : i32
    %dma_wait3A_151 = tpu.memref_slice %arg5[%add3A_115, %dma_wait3A_150] : memref<8192x384xi32, #tpu.memory_space<hbm>> -> memref<32x384xi32, #tpu.memory_space<hbm>>
    %dma_wait3A_152 = arith.constant 0 : i32
    %dma_wait3A_153 = tpu.memref_slice %arg5[%add3A_115, %dma_wait3A_152] : memref<8192x384xi32, #tpu.memory_space<hbm>> -> memref<32x384xi32, #tpu.memory_space<hbm>>
    tpu.wait_dma2 semaphore(%arg22 : memref<!tpu.dma_semaphore, #tpu.memory_space<semaphore_mem>>) src(%arg14 : memref<32x384xi32, #tpu.memory_space<vmem>>) dst(%dma_wait3A_153 : memref<32x384xi32, #tpu.memory_space<hbm>>)
    %get3A_154 = arith.constant 64 : index
    %get3A_155 = tpu.vector_load %arg7[%get3A_154] {strides = array<i32>} : memref<256xi32, #tpu.memory_space<vmem>>, vector<16xi32>,
    %get3A_156 = vector.shape_cast %get3A_155 : vector<16xi32> to vector<16xi32>
    %swap3A_157 = arith.constant 0 : index
    %swap3A_158 = tpu.vector_load %arg10[%swap3A_157] {strides = array<i32>} : memref<32xi32, #tpu.memory_space<vmem>>, vector<16xi32>,
    %swap3A_159 = vector.shape_cast %swap3A_158 : vector<16xi32> to vector<16xi32>
    %swap3A_160 = vector.shape_cast %get3A_156 : vector<16xi32> to vector<16xi32>
    tpu.vector_store %arg10[%swap3A_157], %swap3A_160 {strides = array<i32>} : memref<32xi32, #tpu.memory_space<vmem>>, vector<16xi32>,
    %get3A_161 = arith.constant 80 : index
    %get3A_162 = tpu.vector_load %arg7[%get3A_161] {strides = array<i32>} : memref<256xi32, #tpu.memory_space<vmem>>, vector<16xi32>,
    %get3A_163 = vector.shape_cast %get3A_162 : vector<16xi32> to vector<16xi32>
    %swap3A_164 = arith.constant 16 : index
    %swap3A_165 = tpu.vector_load %arg10[%swap3A_164] {strides = array<i32>} : memref<32xi32, #tpu.memory_space<vmem>>, vector<16xi32>,
    %swap3A_166 = vector.shape_cast %swap3A_165 : vector<16xi32> to vector<16xi32>
    %swap3A_167 = vector.shape_cast %get3A_163 : vector<16xi32> to vector<16xi32>
    tpu.vector_store %arg10[%swap3A_164], %swap3A_167 {strides = array<i32>} : memref<32xi32, #tpu.memory_space<vmem>>, vector<16xi32>,
    %dma_start3A_168 = arith.constant 0 : i32
    %dma_start3A_169 = arith.constant 0 : i32
    %dma_start3A_170 = tpu.memref_slice %arg2[%dma_start3A_168, %dma_start3A_169] : memref<20480x384xi32, #tpu.memory_space<hbm>> -> memref<20480x384xi32, #tpu.memory_space<hbm>>
    tpu.enqueue_indirect_dma source(%dma_start3A_170 : memref<20480x384xi32, #tpu.memory_space<hbm>>) target(%arg14 : memref<32x384xi32, #tpu.memory_space<vmem>>) offsets(%arg10 : memref<32xi32, #tpu.memory_space<vmem>>) semaphore(%arg18 : memref<!tpu.dma_semaphore, #tpu.memory_space<semaphore_mem>>)
    %dma_wait3A_171 = arith.constant 0 : i32
    %dma_wait3A_172 = arith.constant 0 : i32
    %dma_wait3A_173 = tpu.memref_slice %arg2[%dma_wait3A_171, %dma_wait3A_172] : memref<20480x384xi32, #tpu.memory_space<hbm>> -> memref<20480x384xi32, #tpu.memory_space<hbm>>
    tpu.wait_indirect_dma semaphore(%arg19 : memref<!tpu.dma_semaphore, #tpu.memory_space<semaphore_mem>>) src(%dma_wait3A_173 : memref<20480x384xi32, #tpu.memory_space<hbm>>) dst(%arg15 : memref<32x384xi32, #tpu.memory_space<vmem>>)
    %add3A_174 = arith.constant 32 : i32
    %add3A_175 = arith.addi %mul3A_2, %add3A_174 : i32
    %dma_start3A_176 = arith.constant 0 : i32
    %dma_start3A_177 = tpu.memref_slice %arg5[%add3A_175, %dma_start3A_176] : memref<8192x384xi32, #tpu.memory_space<hbm>> -> memref<32x384xi32, #tpu.memory_space<hbm>>
    %dma_start3A_178 = arith.constant 0 : i32
    %dma_start3A_179 = tpu.memref_slice %arg5[%add3A_175, %dma_start3A_178] : memref<8192x384xi32, #tpu.memory_space<hbm>> -> memref<32x384xi32, #tpu.memory_space<hbm>>
    tpu.enqueue_dma source(%arg15 : memref<32x384xi32, #tpu.memory_space<vmem>>) target(%dma_start3A_179 : memref<32x384xi32, #tpu.memory_space<hbm>>) target_semaphore(%arg23 : memref<!tpu.dma_semaphore, #tpu.memory_space<semaphore_mem>>)
    %dma_wait3A_180 = arith.constant 0 : i32
    %dma_wait3A_181 = tpu.memref_slice %arg4[%add3A_145, %dma_wait3A_180] : memref<8192x384xi32, #tpu.memory_space<hbm>> -> memref<32x384xi32, #tpu.memory_space<hbm>>
    %dma_wait3A_182 = arith.constant 0 : i32
    %dma_wait3A_183 = tpu.memref_slice %arg4[%add3A_145, %dma_wait3A_182] : memref<8192x384xi32, #tpu.memory_space<hbm>> -> memref<32x384xi32, #tpu.memory_space<hbm>>
    tpu.wait_dma2 semaphore(%arg21 : memref<!tpu.dma_semaphore, #tpu.memory_space<semaphore_mem>>) src(%arg13 : memref<32x384xi32, #tpu.memory_space<vmem>>) dst(%dma_wait3A_183 : memref<32x384xi32, #tpu.memory_space<hbm>>)
    %get3A_184 = arith.constant 96 : index
    %get3A_185 = tpu.vector_load %arg6[%get3A_184] {strides = array<i32>} : memref<256xi32, #tpu.memory_space<vmem>>, vector<16xi32>,
    %get3A_186 = vector.shape_cast %get3A_185 : vector<16xi32> to vector<16xi32>
    %swap3A_187 = arith.constant 0 : index
    %swap3A_188 = tpu.vector_load %arg9[%swap3A_187] {strides = array<i32>} : memref<32xi32, #tpu.memory_space<vmem>>, vector<16xi32>,
    %swap3A_189 = vector.shape_cast %swap3A_188 : vector<16xi32> to vector<16xi32>
    %swap3A_190 = vector.shape_cast %get3A_186 : vector<16xi32> to vector<16xi32>
    tpu.vector_store %arg9[%swap3A_187], %swap3A_190 {strides = array<i32>} : memref<32xi32, #tpu.memory_space<vmem>>, vector<16xi32>,
    %get3A_191 = arith.constant 112 : index
    %get3A_192 = tpu.vector_load %arg6[%get3A_191] {strides = array<i32>} : memref<256xi32, #tpu.memory_space<vmem>>, vector<16xi32>,
    %get3A_193 = vector.shape_cast %get3A_192 : vector<16xi32> to vector<16xi32>
    %swap3A_194 = arith.constant 16 : index
    %swap3A_195 = tpu.vector_load %arg9[%swap3A_194] {strides = array<i32>} : memref<32xi32, #tpu.memory_space<vmem>>, vector<16xi32>,
    %swap3A_196 = vector.shape_cast %swap3A_195 : vector<16xi32> to vector<16xi32>
    %swap3A_197 = vector.shape_cast %get3A_193 : vector<16xi32> to vector<16xi32>
    tpu.vector_store %arg9[%swap3A_194], %swap3A_197 {strides = array<i32>} : memref<32xi32, #tpu.memory_space<vmem>>, vector<16xi32>,
    %dma_start3A_198 = arith.constant 0 : i32
    %dma_start3A_199 = arith.constant 0 : i32
    %dma_start3A_200 = tpu.memref_slice %arg2[%dma_start3A_198, %dma_start3A_199] : memref<20480x384xi32, #tpu.memory_space<hbm>> -> memref<20480x384xi32, #tpu.memory_space<hbm>>
    tpu.enqueue_indirect_dma source(%dma_start3A_200 : memref<20480x384xi32, #tpu.memory_space<hbm>>) target(%arg13 : memref<32x384xi32, #tpu.memory_space<vmem>>) offsets(%arg9 : memref<32xi32, #tpu.memory_space<vmem>>) semaphore(%arg17 : memref<!tpu.dma_semaphore, #tpu.memory_space<semaphore_mem>>)
    %dma_wait3A_201 = arith.constant 0 : i32
    %dma_wait3A_202 = arith.constant 0 : i32
    %dma_wait3A_203 = tpu.memref_slice %arg2[%dma_wait3A_201, %dma_wait3A_202] : memref<20480x384xi32, #tpu.memory_space<hbm>> -> memref<20480x384xi32, #tpu.memory_space<hbm>>
    tpu.wait_indirect_dma semaphore(%arg16 : memref<!tpu.dma_semaphore, #tpu.memory_space<semaphore_mem>>) src(%dma_wait3A_203 : memref<20480x384xi32, #tpu.memory_space<hbm>>) dst(%arg12 : memref<32x384xi32, #tpu.memory_space<vmem>>)
    %add3A_204 = arith.constant 64 : i32
    %add3A_205 = arith.addi %mul3A_2, %add3A_204 : i32
    %dma_start3A_206 = arith.constant 0 : i32
    %dma_start3A_207 = tpu.memref_slice %arg4[%add3A_205, %dma_start3A_206] : memref<8192x384xi32, #tpu.memory_space<hbm>> -> memref<32x384xi32, #tpu.memory_space<hbm>>
    %dma_start3A_208 = arith.constant 0 : i32
    %dma_start3A_209 = tpu.memref_slice %arg4[%add3A_205, %dma_start3A_208] : memref<8192x384xi32, #tpu.memory_space<hbm>> -> memref<32x384xi32, #tpu.memory_space<hbm>>
    tpu.enqueue_dma source(%arg12 : memref<32x384xi32, #tpu.memory_space<vmem>>) target(%dma_start3A_209 : memref<32x384xi32, #tpu.memory_space<hbm>>) target_semaphore(%arg20 : memref<!tpu.dma_semaphore, #tpu.memory_space<semaphore_mem>>)
    %dma_wait3A_210 = arith.constant 0 : i32
    %dma_wait3A_211 = tpu.memref_slice %arg5[%add3A_175, %dma_wait3A_210] : memref<8192x384xi32, #tpu.memory_space<hbm>> -> memref<32x384xi32, #tpu.memory_space<hbm>>
    %dma_wait3A_212 = arith.constant 0 : i32
    %dma_wait3A_213 = tpu.memref_slice %arg5[%add3A_175, %dma_wait3A_212] : memref<8192x384xi32, #tpu.memory_space<hbm>> -> memref<32x384xi32, #tpu.memory_space<hbm>>
    tpu.wait_dma2 semaphore(%arg23 : memref<!tpu.dma_semaphore, #tpu.memory_space<semaphore_mem>>) src(%arg15 : memref<32x384xi32, #tpu.memory_space<vmem>>) dst(%dma_wait3A_213 : memref<32x384xi32, #tpu.memory_space<hbm>>)
    %get3A_214 = arith.constant 96 : index
    %get3A_215 = tpu.vector_load %arg7[%get3A_214] {strides = array<i32>} : memref<256xi32, #tpu.memory_space<vmem>>, vector<16xi32>,
    %get3A_216 = vector.shape_cast %get3A_215 : vector<16xi32> to vector<16xi32>
    %swap3A_217 = arith.constant 0 : index
    %swap3A_218 = tpu.vector_load %arg11[%swap3A_217] {strides = array<i32>} : memref<32xi32, #tpu.memory_space<vmem>>, vector<16xi32>,
    %swap3A_219 = vector.shape_cast %swap3A_218 : vector<16xi32> to vector<16xi32>
    %swap3A_220 = vector.shape_cast %get3A_216 : vector<16xi32> to vector<16xi32>
    tpu.vector_store %arg11[%swap3A_217], %swap3A_220 {strides = array<i32>} : memref<32xi32, #tpu.memory_space<vmem>>, vector<16xi32>,
    %get3A_221 = arith.constant 112 : index
    %get3A_222 = tpu.vector_load %arg7[%get3A_221] {strides = array<i32>} : memref<256xi32, #tpu.memory_space<vmem>>, vector<16xi32>,
    %get3A_223 = vector.shape_cast %get3A_222 : vector<16xi32> to vector<16xi32>
    %swap3A_224 = arith.constant 16 : index
    %swap3A_225 = tpu.vector_load %arg11[%swap3A_224] {strides = array<i32>} : memref<32xi32, #tpu.memory_space<vmem>>, vector<16xi32>,
    %swap3A_226 = vector.shape_cast %swap3A_225 : vector<16xi32> to vector<16xi32>
    %swap3A_227 = vector.shape_cast %get3A_223 : vector<16xi32> to vector<16xi32>
    tpu.vector_store %arg11[%swap3A_224], %swap3A_227 {strides = array<i32>} : memref<32xi32, #tpu.memory_space<vmem>>, vector<16xi32>,
    %dma_start3A_228 = arith.constant 0 : i32
    %dma_start3A_229 = arith.constant 0 : i32
    %dma_start3A_230 = tpu.memref_slice %arg2[%dma_start3A_228, %dma_start3A_229] : memref<20480x384xi32, #tpu.memory_space<hbm>> -> memref<20480x384xi32, #tpu.memory_space<hbm>>
    tpu.enqueue_indirect_dma source(%dma_start3A_230 : memref<20480x384xi32, #tpu.memory_space<hbm>>) target(%arg15 : memref<32x384xi32, #tpu.memory_space<vmem>>) offsets(%arg11 : memref<32xi32, #tpu.memory_space<vmem>>) semaphore(%arg19 : memref<!tpu.dma_semaphore, #tpu.memory_space<semaphore_mem>>)
    %dma_wait3A_231 = arith.constant 0 : i32
    %dma_wait3A_232 = arith.constant 0 : i32
    %dma_wait3A_233 = tpu.memref_slice %arg2[%dma_wait3A_231, %dma_wait3A_232] : memref<20480x384xi32, #tpu.memory_space<hbm>> -> memref<20480x384xi32, #tpu.memory_space<hbm>>
    tpu.wait_indirect_dma semaphore(%arg18 : memref<!tpu.dma_semaphore, #tpu.memory_space<semaphore_mem>>) src(%dma_wait3A_233 : memref<20480x384xi32, #tpu.memory_space<hbm>>) dst(%arg14 : memref<32x384xi32, #tpu.memory_space<vmem>>)
    %add3A_234 = arith.constant 64 : i32
    %add3A_235 = arith.addi %mul3A_2, %add3A_234 : i32
    %dma_start3A_236 = arith.constant 0 : i32
    %dma_start3A_237 = tpu.memref_slice %arg5[%add3A_235, %dma_start3A_236] : memref<8192x384xi32, #tpu.memory_space<hbm>> -> memref<32x384xi32, #tpu.memory_space<hbm>>
    %dma_start3A_238 = arith.constant 0 : i32
    %dma_start3A_239 = tpu.memref_slice %arg5[%add3A_235, %dma_start3A_238] : memref<8192x384xi32, #tpu.memory_space<hbm>> -> memref<32x384xi32, #tpu.memory_space<hbm>>
    tpu.enqueue_dma source(%arg14 : memref<32x384xi32, #tpu.memory_space<vmem>>) target(%dma_start3A_239 : memref<32x384xi32, #tpu.memory_space<hbm>>) target_semaphore(%arg22 : memref<!tpu.dma_semaphore, #tpu.memory_space<semaphore_mem>>)
    %dma_wait3A_240 = arith.constant 0 : i32
    %dma_wait3A_241 = tpu.memref_slice %arg4[%add3A_205, %dma_wait3A_240] : memref<8192x384xi32, #tpu.memory_space<hbm>> -> memref<32x384xi32, #tpu.memory_space<hbm>>
    %dma_wait3A_242 = arith.constant 0 : i32
    %dma_wait3A_243 = tpu.memref_slice %arg4[%add3A_205, %dma_wait3A_242] : memref<8192x384xi32, #tpu.memory_space<hbm>> -> memref<32x384xi32, #tpu.memory_space<hbm>>
    tpu.wait_dma2 semaphore(%arg20 : memref<!tpu.dma_semaphore, #tpu.memory_space<semaphore_mem>>) src(%arg12 : memref<32x384xi32, #tpu.memory_space<vmem>>) dst(%dma_wait3A_243 : memref<32x384xi32, #tpu.memory_space<hbm>>)
    %get3A_244 = arith.constant 128 : index
    %get3A_245 = tpu.vector_load %arg6[%get3A_244] {strides = array<i32>} : memref<256xi32, #tpu.memory_space<vmem>>, vector<16xi32>,
    %get3A_246 = vector.shape_cast %get3A_245 : vector<16xi32> to vector<16xi32>
    %swap3A_247 = arith.constant 0 : index
    %swap3A_248 = tpu.vector_load %arg8[%swap3A_247] {strides = array<i32>} : memref<32xi32, #tpu.memory_space<vmem>>, vector<16xi32>,
    %swap3A_249 = vector.shape_cast %swap3A_248 : vector<16xi32> to vector<16xi32>
    %swap3A_250 = vector.shape_cast %get3A_246 : vector<16xi32> to vector<16xi32>
    tpu.vector_store %arg8[%swap3A_247], %swap3A_250 {strides = array<i32>} : memref<32xi32, #tpu.memory_space<vmem>>, vector<16xi32>,
    %get3A_251 = arith.constant 144 : index
    %get3A_252 = tpu.vector_load %arg6[%get3A_251] {strides = array<i32>} : memref<256xi32, #tpu.memory_space<vmem>>, vector<16xi32>,
    %get3A_253 = vector.shape_cast %get3A_252 : vector<16xi32> to vector<16xi32>
    %swap3A_254 = arith.constant 16 : index
    %swap3A_255 = tpu.vector_load %arg8[%swap3A_254] {strides = array<i32>} : memref<32xi32, #tpu.memory_space<vmem>>, vector<16xi32>,
    %swap3A_256 = vector.shape_cast %swap3A_255 : vector<16xi32> to vector<16xi32>
    %swap3A_257 = vector.shape_cast %get3A_253 : vector<16xi32> to vector<16xi32>
    tpu.vector_store %arg8[%swap3A_254], %swap3A_257 {strides = array<i32>} : memref<32xi32, #tpu.memory_space<vmem>>, vector<16xi32>,
    %dma_start3A_258 = arith.constant 0 : i32
    %dma_start3A_259 = arith.constant 0 : i32
    %dma_start3A_260 = tpu.memref_slice %arg2[%dma_start3A_258, %dma_start3A_259] : memref<20480x384xi32, #tpu.memory_space<hbm>> -> memref<20480x384xi32, #tpu.memory_space<hbm>>
    tpu.enqueue_indirect_dma source(%dma_start3A_260 : memref<20480x384xi32, #tpu.memory_space<hbm>>) target(%arg12 : memref<32x384xi32, #tpu.memory_space<vmem>>) offsets(%arg8 : memref<32xi32, #tpu.memory_space<vmem>>) semaphore(%arg16 : memref<!tpu.dma_semaphore, #tpu.memory_space<semaphore_mem>>)
    %dma_wait3A_261 = arith.constant 0 : i32
    %dma_wait3A_262 = arith.constant 0 : i32
    %dma_wait3A_263 = tpu.memref_slice %arg2[%dma_wait3A_261, %dma_wait3A_262] : memref<20480x384xi32, #tpu.memory_space<hbm>> -> memref<20480x384xi32, #tpu.memory_space<hbm>>
    tpu.wait_indirect_dma semaphore(%arg17 : memref<!tpu.dma_semaphore, #tpu.memory_space<semaphore_mem>>) src(%dma_wait3A_263 : memref<20480x384xi32, #tpu.memory_space<hbm>>) dst(%arg13 : memref<32x384xi32, #tpu.memory_space<vmem>>)
    %add3A_264 = arith.constant 96 : i32
    %add3A_265 = arith.addi %mul3A_2, %add3A_264 : i32
    %dma_start3A_266 = arith.constant 0 : i32
    %dma_start3A_267 = tpu.memref_slice %arg4[%add3A_265, %dma_start3A_266] : memref<8192x384xi32, #tpu.memory_space<hbm>> -> memref<32x384xi32, #tpu.memory_space<hbm>>
    %dma_start3A_268 = arith.constant 0 : i32
    %dma_start3A_269 = tpu.memref_slice %arg4[%add3A_265, %dma_start3A_268] : memref<8192x384xi32, #tpu.memory_space<hbm>> -> memref<32x384xi32, #tpu.memory_space<hbm>>
    tpu.enqueue_dma source(%arg13 : memref<32x384xi32, #tpu.memory_space<vmem>>) target(%dma_start3A_269 : memref<32x384xi32, #tpu.memory_space<hbm>>) target_semaphore(%arg21 : memref<!tpu.dma_semaphore, #tpu.memory_space<semaphore_mem>>)
    %dma_wait3A_270 = arith.constant 0 : i32
    %dma_wait3A_271 = tpu.memref_slice %arg5[%add3A_235, %dma_wait3A_270] : memref<8192x384xi32, #tpu.memory_space<hbm>> -> memref<32x384xi32, #tpu.memory_space<hbm>>
    %dma_wait3A_272 = arith.constant 0 : i32
    %dma_wait3A_273 = tpu.memref_slice %arg5[%add3A_235, %dma_wait3A_272] : memref<8192x384xi32, #tpu.memory_space<hbm>> -> memref<32x384xi32, #tpu.memory_space<hbm>>
    tpu.wait_dma2 semaphore(%arg22 : memref<!tpu.dma_semaphore, #tpu.memory_space<semaphore_mem>>) src(%arg14 : memref<32x384xi32, #tpu.memory_space<vmem>>) dst(%dma_wait3A_273 : memref<32x384xi32, #tpu.memory_space<hbm>>)
    %get3A_274 = arith.constant 128 : index
    %get3A_275 = tpu.vector_load %arg7[%get3A_274] {strides = array<i32>} : memref<256xi32, #tpu.memory_space<vmem>>, vector<16xi32>,
    %get3A_276 = vector.shape_cast %get3A_275 : vector<16xi32> to vector<16xi32>
    %swap3A_277 = arith.constant 0 : index
    %swap3A_278 = tpu.vector_load %arg10[%swap3A_277] {strides = array<i32>} : memref<32xi32, #tpu.memory_space<vmem>>, vector<16xi32>,
    %swap3A_279 = vector.shape_cast %swap3A_278 : vector<16xi32> to vector<16xi32>
    %swap3A_280 = vector.shape_cast %get3A_276 : vector<16xi32> to vector<16xi32>
    tpu.vector_store %arg10[%swap3A_277], %swap3A_280 {strides = array<i32>} : memref<32xi32, #tpu.memory_space<vmem>>, vector<16xi32>,
    %get3A_281 = arith.constant 144 : index
    %get3A_282 = tpu.vector_load %arg7[%get3A_281] {strides = array<i32>} : memref<256xi32, #tpu.memory_space<vmem>>, vector<16xi32>,
    %get3A_283 = vector.shape_cast %get3A_282 : vector<16xi32> to vector<16xi32>
    %swap3A_284 = arith.constant 16 : index
    %swap3A_285 = tpu.vector_load %arg10[%swap3A_284] {strides = array<i32>} : memref<32xi32, #tpu.memory_space<vmem>>, vector<16xi32>,
    %swap3A_286 = vector.shape_cast %swap3A_285 : vector<16xi32> to vector<16xi32>
    %swap3A_287 = vector.shape_cast %get3A_283 : vector<16xi32> to vector<16xi32>
    tpu.vector_store %arg10[%swap3A_284], %swap3A_287 {strides = array<i32>} : memref<32xi32, #tpu.memory_space<vmem>>, vector<16xi32>,
    %dma_start3A_288 = arith.constant 0 : i32
    %dma_start3A_289 = arith.constant 0 : i32
    %dma_start3A_290 = tpu.memref_slice %arg2[%dma_start3A_288, %dma_start3A_289] : memref<20480x384xi32, #tpu.memory_space<hbm>> -> memref<20480x384xi32, #tpu.memory_space<hbm>>
    tpu.enqueue_indirect_dma source(%dma_start3A_290 : memref<20480x384xi32, #tpu.memory_space<hbm>>) target(%arg14 : memref<32x384xi32, #tpu.memory_space<vmem>>) offsets(%arg10 : memref<32xi32, #tpu.memory_space<vmem>>) semaphore(%arg18 : memref<!tpu.dma_semaphore, #tpu.memory_space<semaphore_mem>>)
    %dma_wait3A_291 = arith.constant 0 : i32
    %dma_wait3A_292 = arith.constant 0 : i32
    %dma_wait3A_293 = tpu.memref_slice %arg2[%dma_wait3A_291, %dma_wait3A_292] : memref<20480x384xi32, #tpu.memory_space<hbm>> -> memref<20480x384xi32, #tpu.memory_space<hbm>>
    tpu.wait_indirect_dma semaphore(%arg19 : memref<!tpu.dma_semaphore, #tpu.memory_space<semaphore_mem>>) src(%dma_wait3A_293 : memref<20480x384xi32, #tpu.memory_space<hbm>>) dst(%arg15 : memref<32x384xi32, #tpu.memory_space<vmem>>)
    %add3A_294 = arith.constant 96 : i32
    %add3A_295 = arith.addi %mul3A_2, %add3A_294 : i32
    %dma_start3A_296 = arith.constant 0 : i32
    %dma_start3A_297 = tpu.memref_slice %arg5[%add3A_295, %dma_start3A_296] : memref<8192x384xi32, #tpu.memory_space<hbm>> -> memref<32x384xi32, #tpu.memory_space<hbm>>
    %dma_start3A_298 = arith.constant 0 : i32
    %dma_start3A_299 = tpu.memref_slice %arg5[%add3A_295, %dma_start3A_298] : memref<8192x384xi32, #tpu.memory_space<hbm>> -> memref<32x384xi32, #tpu.memory_space<hbm>>
    tpu.enqueue_dma source(%arg15 : memref<32x384xi32, #tpu.memory_space<vmem>>) target(%dma_start3A_299 : memref<32x384xi32, #tpu.memory_space<hbm>>) target_semaphore(%arg23 : memref<!tpu.dma_semaphore, #tpu.memory_space<semaphore_mem>>)
    %dma_wait3A_300 = arith.constant 0 : i32
    %dma_wait3A_301 = tpu.memref_slice %arg4[%add3A_265, %dma_wait3A_300] : memref<8192x384xi32, #tpu.memory_space<hbm>> -> memref<32x384xi32, #tpu.memory_space<hbm>>
    %dma_wait3A_302 = arith.constant 0 : i32
    %dma_wait3A_303 = tpu.memref_slice %arg4[%add3A_265, %dma_wait3A_302] : memref<8192x384xi32, #tpu.memory_space<hbm>> -> memref<32x384xi32, #tpu.memory_space<hbm>>
    tpu.wait_dma2 semaphore(%arg21 : memref<!tpu.dma_semaphore, #tpu.memory_space<semaphore_mem>>) src(%arg13 : memref<32x384xi32, #tpu.memory_space<vmem>>) dst(%dma_wait3A_303 : memref<32x384xi32, #tpu.memory_space<hbm>>)
    %get3A_304 = arith.constant 160 : index
    %get3A_305 = tpu.vector_load %arg6[%get3A_304] {strides = array<i32>} : memref<256xi32, #tpu.memory_space<vmem>>, vector<16xi32>,
    %get3A_306 = vector.shape_cast %get3A_305 : vector<16xi32> to vector<16xi32>
    %swap3A_307 = arith.constant 0 : index
    %swap3A_308 = tpu.vector_load %arg9[%swap3A_307] {strides = array<i32>} : memref<32xi32, #tpu.memory_space<vmem>>, vector<16xi32>,
    %swap3A_309 = vector.shape_cast %swap3A_308 : vector<16xi32> to vector<16xi32>
    %swap3A_310 = vector.shape_cast %get3A_306 : vector<16xi32> to vector<16xi32>
    tpu.vector_store %arg9[%swap3A_307], %swap3A_310 {strides = array<i32>} : memref<32xi32, #tpu.memory_space<vmem>>, vector<16xi32>,
    %get3A_311 = arith.constant 176 : index
    %get3A_312 = tpu.vector_load %arg6[%get3A_311] {strides = array<i32>} : memref<256xi32, #tpu.memory_space<vmem>>, vector<16xi32>,
    %get3A_313 = vector.shape_cast %get3A_312 : vector<16xi32> to vector<16xi32>
    %swap3A_314 = arith.constant 16 : index
    %swap3A_315 = tpu.vector_load %arg9[%swap3A_314] {strides = array<i32>} : memref<32xi32, #tpu.memory_space<vmem>>, vector<16xi32>,
    %swap3A_316 = vector.shape_cast %swap3A_315 : vector<16xi32> to vector<16xi32>
    %swap3A_317 = vector.shape_cast %get3A_313 : vector<16xi32> to vector<16xi32>
    tpu.vector_store %arg9[%swap3A_314], %swap3A_317 {strides = array<i32>} : memref<32xi32, #tpu.memory_space<vmem>>, vector<16xi32>,
    %dma_start3A_318 = arith.constant 0 : i32
    %dma_start3A_319 = arith.constant 0 : i32
    %dma_start3A_320 = tpu.memref_slice %arg2[%dma_start3A_318, %dma_start3A_319] : memref<20480x384xi32, #tpu.memory_space<hbm>> -> memref<20480x384xi32, #tpu.memory_space<hbm>>
    tpu.enqueue_indirect_dma source(%dma_start3A_320 : memref<20480x384xi32, #tpu.memory_space<hbm>>) target(%arg13 : memref<32x384xi32, #tpu.memory_space<vmem>>) offsets(%arg9 : memref<32xi32, #tpu.memory_space<vmem>>) semaphore(%arg17 : memref<!tpu.dma_semaphore, #tpu.memory_space<semaphore_mem>>)
    %dma_wait3A_321 = arith.constant 0 : i32
    %dma_wait3A_322 = arith.constant 0 : i32
    %dma_wait3A_323 = tpu.memref_slice %arg2[%dma_wait3A_321, %dma_wait3A_322] : memref<20480x384xi32, #tpu.memory_space<hbm>> -> memref<20480x384xi32, #tpu.memory_space<hbm>>
    tpu.wait_indirect_dma semaphore(%arg16 : memref<!tpu.dma_semaphore, #tpu.memory_space<semaphore_mem>>) src(%dma_wait3A_323 : memref<20480x384xi32, #tpu.memory_space<hbm>>) dst(%arg12 : memref<32x384xi32, #tpu.memory_space<vmem>>)
    %add3A_324 = arith.constant 128 : i32
    %add3A_325 = arith.addi %mul3A_2, %add3A_324 : i32
    %dma_start3A_326 = arith.constant 0 : i32
    %dma_start3A_327 = tpu.memref_slice %arg4[%add3A_325, %dma_start3A_326] : memref<8192x384xi32, #tpu.memory_space<hbm>> -> memref<32x384xi32, #tpu.memory_space<hbm>>
    %dma_start3A_328 = arith.constant 0 : i32
    %dma_start3A_329 = tpu.memref_slice %arg4[%add3A_325, %dma_start3A_328] : memref<8192x384xi32, #tpu.memory_space<hbm>> -> memref<32x384xi32, #tpu.memory_space<hbm>>
    tpu.enqueue_dma source(%arg12 : memref<32x384xi32, #tpu.memory_space<vmem>>) target(%dma_start3A_329 : memref<32x384xi32, #tpu.memory_space<hbm>>) target_semaphore(%arg20 : memref<!tpu.dma_semaphore, #tpu.memory_space<semaphore_mem>>)
    %dma_wait3A_330 = arith.constant 0 : i32
    %dma_wait3A_331 = tpu.memref_slice %arg5[%add3A_295, %dma_wait3A_330] : memref<8192x384xi32, #tpu.memory_space<hbm>> -> memref<32x384xi32, #tpu.memory_space<hbm>>
    %dma_wait3A_332 = arith.constant 0 : i32
    %dma_wait3A_333 = tpu.memref_slice %arg5[%add3A_295, %dma_wait3A_332] : memref<8192x384xi32, #tpu.memory_space<hbm>> -> memref<32x384xi32, #tpu.memory_space<hbm>>
    tpu.wait_dma2 semaphore(%arg23 : memref<!tpu.dma_semaphore, #tpu.memory_space<semaphore_mem>>) src(%arg15 : memref<32x384xi32, #tpu.memory_space<vmem>>) dst(%dma_wait3A_333 : memref<32x384xi32, #tpu.memory_space<hbm>>)
    %get3A_334 = arith.constant 160 : index
    %get3A_335 = tpu.vector_load %arg7[%get3A_334] {strides = array<i32>} : memref<256xi32, #tpu.memory_space<vmem>>, vector<16xi32>,
    %get3A_336 = vector.shape_cast %get3A_335 : vector<16xi32> to vector<16xi32>
    %swap3A_337 = arith.constant 0 : index
    %swap3A_338 = tpu.vector_load %arg11[%swap3A_337] {strides = array<i32>} : memref<32xi32, #tpu.memory_space<vmem>>, vector<16xi32>,
    %swap3A_339 = vector.shape_cast %swap3A_338 : vector<16xi32> to vector<16xi32>
    %swap3A_340 = vector.shape_cast %get3A_336 : vector<16xi32> to vector<16xi32>
    tpu.vector_store %arg11[%swap3A_337], %swap3A_340 {strides = array<i32>} : memref<32xi32, #tpu.memory_space<vmem>>, vector<16xi32>,
    %get3A_341 = arith.constant 176 : index
    %get3A_342 = tpu.vector_load %arg7[%get3A_341] {strides = array<i32>} : memref<256xi32, #tpu.memory_space<vmem>>, vector<16xi32>,
    %get3A_343 = vector.shape_cast %get3A_342 : vector<16xi32> to vector<16xi32>
    %swap3A_344 = arith.constant 16 : index
    %swap3A_345 = tpu.vector_load %arg11[%swap3A_344] {strides = array<i32>} : memref<32xi32, #tpu.memory_space<vmem>>, vector<16xi32>,
    %swap3A_346 = vector.shape_cast %swap3A_345 : vector<16xi32> to vector<16xi32>
    %swap3A_347 = vector.shape_cast %get3A_343 : vector<16xi32> to vector<16xi32>
    tpu.vector_store %arg11[%swap3A_344], %swap3A_347 {strides = array<i32>} : memref<32xi32, #tpu.memory_space<vmem>>, vector<16xi32>,
    %dma_start3A_348 = arith.constant 0 : i32
    %dma_start3A_349 = arith.constant 0 : i32
    %dma_start3A_350 = tpu.memref_slice %arg2[%dma_start3A_348, %dma_start3A_349] : memref<20480x384xi32, #tpu.memory_space<hbm>> -> memref<20480x384xi32, #tpu.memory_space<hbm>>
    tpu.enqueue_indirect_dma source(%dma_start3A_350 : memref<20480x384xi32, #tpu.memory_space<hbm>>) target(%arg15 : memref<32x384xi32, #tpu.memory_space<vmem>>) offsets(%arg11 : memref<32xi32, #tpu.memory_space<vmem>>) semaphore(%arg19 : memref<!tpu.dma_semaphore, #tpu.memory_space<semaphore_mem>>)
    %dma_wait3A_351 = arith.constant 0 : i32
    %dma_wait3A_352 = arith.constant 0 : i32
    %dma_wait3A_353 = tpu.memref_slice %arg2[%dma_wait3A_351, %dma_wait3A_352] : memref<20480x384xi32, #tpu.memory_space<hbm>> -> memref<20480x384xi32, #tpu.memory_space<hbm>>
    tpu.wait_indirect_dma semaphore(%arg18 : memref<!tpu.dma_semaphore, #tpu.memory_space<semaphore_mem>>) src(%dma_wait3A_353 : memref<20480x384xi32, #tpu.memory_space<hbm>>) dst(%arg14 : memref<32x384xi32, #tpu.memory_space<vmem>>)
    %add3A_354 = arith.constant 128 : i32
    %add3A_355 = arith.addi %mul3A_2, %add3A_354 : i32
    %dma_start3A_356 = arith.constant 0 : i32
    %dma_start3A_357 = tpu.memref_slice %arg5[%add3A_355, %dma_start3A_356] : memref<8192x384xi32, #tpu.memory_space<hbm>> -> memref<32x384xi32, #tpu.memory_space<hbm>>
    %dma_start3A_358 = arith.constant 0 : i32
    %dma_start3A_359 = tpu.memref_slice %arg5[%add3A_355, %dma_start3A_358] : memref<8192x384xi32, #tpu.memory_space<hbm>> -> memref<32x384xi32, #tpu.memory_space<hbm>>
    tpu.enqueue_dma source(%arg14 : memref<32x384xi32, #tpu.memory_space<vmem>>) target(%dma_start3A_359 : memref<32x384xi32, #tpu.memory_space<hbm>>) target_semaphore(%arg22 : memref<!tpu.dma_semaphore, #tpu.memory_space<semaphore_mem>>)
    %dma_wait3A_360 = arith.constant 0 : i32
    %dma_wait3A_361 = tpu.memref_slice %arg4[%add3A_325, %dma_wait3A_360] : memref<8192x384xi32, #tpu.memory_space<hbm>> -> memref<32x384xi32, #tpu.memory_space<hbm>>
    %dma_wait3A_362 = arith.constant 0 : i32
    %dma_wait3A_363 = tpu.memref_slice %arg4[%add3A_325, %dma_wait3A_362] : memref<8192x384xi32, #tpu.memory_space<hbm>> -> memref<32x384xi32, #tpu.memory_space<hbm>>
    tpu.wait_dma2 semaphore(%arg20 : memref<!tpu.dma_semaphore, #tpu.memory_space<semaphore_mem>>) src(%arg12 : memref<32x384xi32, #tpu.memory_space<vmem>>) dst(%dma_wait3A_363 : memref<32x384xi32, #tpu.memory_space<hbm>>)
    %get3A_364 = arith.constant 192 : index
    %get3A_365 = tpu.vector_load %arg6[%get3A_364] {strides = array<i32>} : memref<256xi32, #tpu.memory_space<vmem>>, vector<16xi32>,
    %get3A_366 = vector.shape_cast %get3A_365 : vector<16xi32> to vector<16xi32>
    %swap3A_367 = arith.constant 0 : index
    %swap3A_368 = tpu.vector_load %arg8[%swap3A_367] {strides = array<i32>} : memref<32xi32, #tpu.memory_space<vmem>>, vector<16xi32>,
    %swap3A_369 = vector.shape_cast %swap3A_368 : vector<16xi32> to vector<16xi32>
    %swap3A_370 = vector.shape_cast %get3A_366 : vector<16xi32> to vector<16xi32>
    tpu.vector_store %arg8[%swap3A_367], %swap3A_370 {strides = array<i32>} : memref<32xi32, #tpu.memory_space<vmem>>, vector<16xi32>,
    %get3A_371 = arith.constant 208 : index
    %get3A_372 = tpu.vector_load %arg6[%get3A_371] {strides = array<i32>} : memref<256xi32, #tpu.memory_space<vmem>>, vector<16xi32>,
    %get3A_373 = vector.shape_cast %get3A_372 : vector<16xi32> to vector<16xi32>
    %swap3A_374 = arith.constant 16 : index
    %swap3A_375 = tpu.vector_load %arg8[%swap3A_374] {strides = array<i32>} : memref<32xi32, #tpu.memory_space<vmem>>, vector<16xi32>,
    %swap3A_376 = vector.shape_cast %swap3A_375 : vector<16xi32> to vector<16xi32>
    %swap3A_377 = vector.shape_cast %get3A_373 : vector<16xi32> to vector<16xi32>
    tpu.vector_store %arg8[%swap3A_374], %swap3A_377 {strides = array<i32>} : memref<32xi32, #tpu.memory_space<vmem>>, vector<16xi32>,
    %dma_start3A_378 = arith.constant 0 : i32
    %dma_start3A_379 = arith.constant 0 : i32
    %dma_start3A_380 = tpu.memref_slice %arg2[%dma_start3A_378, %dma_start3A_379] : memref<20480x384xi32, #tpu.memory_space<hbm>> -> memref<20480x384xi32, #tpu.memory_space<hbm>>
    tpu.enqueue_indirect_dma source(%dma_start3A_380 : memref<20480x384xi32, #tpu.memory_space<hbm>>) target(%arg12 : memref<32x384xi32, #tpu.memory_space<vmem>>) offsets(%arg8 : memref<32xi32, #tpu.memory_space<vmem>>) semaphore(%arg16 : memref<!tpu.dma_semaphore, #tpu.memory_space<semaphore_mem>>)
    %dma_wait3A_381 = arith.constant 0 : i32
    %dma_wait3A_382 = arith.constant 0 : i32
    %dma_wait3A_383 = tpu.memref_slice %arg2[%dma_wait3A_381, %dma_wait3A_382] : memref<20480x384xi32, #tpu.memory_space<hbm>> -> memref<20480x384xi32, #tpu.memory_space<hbm>>
    tpu.wait_indirect_dma semaphore(%arg17 : memref<!tpu.dma_semaphore, #tpu.memory_space<semaphore_mem>>) src(%dma_wait3A_383 : memref<20480x384xi32, #tpu.memory_space<hbm>>) dst(%arg13 : memref<32x384xi32, #tpu.memory_space<vmem>>)
    %add3A_384 = arith.constant 160 : i32
    %add3A_385 = arith.addi %mul3A_2, %add3A_384 : i32
    %dma_start3A_386 = arith.constant 0 : i32
    %dma_start3A_387 = tpu.memref_slice %arg4[%add3A_385, %dma_start3A_386] : memref<8192x384xi32, #tpu.memory_space<hbm>> -> memref<32x384xi32, #tpu.memory_space<hbm>>
    %dma_start3A_388 = arith.constant 0 : i32
    %dma_start3A_389 = tpu.memref_slice %arg4[%add3A_385, %dma_start3A_388] : memref<8192x384xi32, #tpu.memory_space<hbm>> -> memref<32x384xi32, #tpu.memory_space<hbm>>
    tpu.enqueue_dma source(%arg13 : memref<32x384xi32, #tpu.memory_space<vmem>>) target(%dma_start3A_389 : memref<32x384xi32, #tpu.memory_space<hbm>>) target_semaphore(%arg21 : memref<!tpu.dma_semaphore, #tpu.memory_space<semaphore_mem>>)
    %dma_wait3A_390 = arith.constant 0 : i32
    %dma_wait3A_391 = tpu.memref_slice %arg5[%add3A_355, %dma_wait3A_390] : memref<8192x384xi32, #tpu.memory_space<hbm>> -> memref<32x384xi32, #tpu.memory_space<hbm>>
    %dma_wait3A_392 = arith.constant 0 : i32
    %dma_wait3A_393 = tpu.memref_slice %arg5[%add3A_355, %dma_wait3A_392] : memref<8192x384xi32, #tpu.memory_space<hbm>> -> memref<32x384xi32, #tpu.memory_space<hbm>>
    tpu.wait_dma2 semaphore(%arg22 : memref<!tpu.dma_semaphore, #tpu.memory_space<semaphore_mem>>) src(%arg14 : memref<32x384xi32, #tpu.memory_space<vmem>>) dst(%dma_wait3A_393 : memref<32x384xi32, #tpu.memory_space<hbm>>)
    %get3A_394 = arith.constant 192 : index
    %get3A_395 = tpu.vector_load %arg7[%get3A_394] {strides = array<i32>} : memref<256xi32, #tpu.memory_space<vmem>>, vector<16xi32>,
    %get3A_396 = vector.shape_cast %get3A_395 : vector<16xi32> to vector<16xi32>
    %swap3A_397 = arith.constant 0 : index
    %swap3A_398 = tpu.vector_load %arg10[%swap3A_397] {strides = array<i32>} : memref<32xi32, #tpu.memory_space<vmem>>, vector<16xi32>,
    %swap3A_399 = vector.shape_cast %swap3A_398 : vector<16xi32> to vector<16xi32>
    %swap3A_400 = vector.shape_cast %get3A_396 : vector<16xi32> to vector<16xi32>
    tpu.vector_store %arg10[%swap3A_397], %swap3A_400 {strides = array<i32>} : memref<32xi32, #tpu.memory_space<vmem>>, vector<16xi32>,
    %get3A_401 = arith.constant 208 : index
    %get3A_402 = tpu.vector_load %arg7[%get3A_401] {strides = array<i32>} : memref<256xi32, #tpu.memory_space<vmem>>, vector<16xi32>,
    %get3A_403 = vector.shape_cast %get3A_402 : vector<16xi32> to vector<16xi32>
    %swap3A_404 = arith.constant 16 : index
    %swap3A_405 = tpu.vector_load %arg10[%swap3A_404] {strides = array<i32>} : memref<32xi32, #tpu.memory_space<vmem>>, vector<16xi32>,
    %swap3A_406 = vector.shape_cast %swap3A_405 : vector<16xi32> to vector<16xi32>
    %swap3A_407 = vector.shape_cast %get3A_403 : vector<16xi32> to vector<16xi32>
    tpu.vector_store %arg10[%swap3A_404], %swap3A_407 {strides = array<i32>} : memref<32xi32, #tpu.memory_space<vmem>>, vector<16xi32>,
    %dma_start3A_408 = arith.constant 0 : i32
    %dma_start3A_409 = arith.constant 0 : i32
    %dma_start3A_410 = tpu.memref_slice %arg2[%dma_start3A_408, %dma_start3A_409] : memref<20480x384xi32, #tpu.memory_space<hbm>> -> memref<20480x384xi32, #tpu.memory_space<hbm>>
    tpu.enqueue_indirect_dma source(%dma_start3A_410 : memref<20480x384xi32, #tpu.memory_space<hbm>>) target(%arg14 : memref<32x384xi32, #tpu.memory_space<vmem>>) offsets(%arg10 : memref<32xi32, #tpu.memory_space<vmem>>) semaphore(%arg18 : memref<!tpu.dma_semaphore, #tpu.memory_space<semaphore_mem>>)
    %dma_wait3A_411 = arith.constant 0 : i32
    %dma_wait3A_412 = arith.constant 0 : i32
    %dma_wait3A_413 = tpu.memref_slice %arg2[%dma_wait3A_411, %dma_wait3A_412] : memref<20480x384xi32, #tpu.memory_space<hbm>> -> memref<20480x384xi32, #tpu.memory_space<hbm>>
    tpu.wait_indirect_dma semaphore(%arg19 : memref<!tpu.dma_semaphore, #tpu.memory_space<semaphore_mem>>) src(%dma_wait3A_413 : memref<20480x384xi32, #tpu.memory_space<hbm>>) dst(%arg15 : memref<32x384xi32, #tpu.memory_space<vmem>>)
    %add3A_414 = arith.constant 160 : i32
    %add3A_415 = arith.addi %mul3A_2, %add3A_414 : i32
    %dma_start3A_416 = arith.constant 0 : i32
    %dma_start3A_417 = tpu.memref_slice %arg5[%add3A_415, %dma_start3A_416] : memref<8192x384xi32, #tpu.memory_space<hbm>> -> memref<32x384xi32, #tpu.memory_space<hbm>>
    %dma_start3A_418 = arith.constant 0 : i32
    %dma_start3A_419 = tpu.memref_slice %arg5[%add3A_415, %dma_start3A_418] : memref<8192x384xi32, #tpu.memory_space<hbm>> -> memref<32x384xi32, #tpu.memory_space<hbm>>
    tpu.enqueue_dma source(%arg15 : memref<32x384xi32, #tpu.memory_space<vmem>>) target(%dma_start3A_419 : memref<32x384xi32, #tpu.memory_space<hbm>>) target_semaphore(%arg23 : memref<!tpu.dma_semaphore, #tpu.memory_space<semaphore_mem>>)
    %dma_wait3A_420 = arith.constant 0 : i32
    %dma_wait3A_421 = tpu.memref_slice %arg4[%add3A_385, %dma_wait3A_420] : memref<8192x384xi32, #tpu.memory_space<hbm>> -> memref<32x384xi32, #tpu.memory_space<hbm>>
    %dma_wait3A_422 = arith.constant 0 : i32
    %dma_wait3A_423 = tpu.memref_slice %arg4[%add3A_385, %dma_wait3A_422] : memref<8192x384xi32, #tpu.memory_space<hbm>> -> memref<32x384xi32, #tpu.memory_space<hbm>>
    tpu.wait_dma2 semaphore(%arg21 : memref<!tpu.dma_semaphore, #tpu.memory_space<semaphore_mem>>) src(%arg13 : memref<32x384xi32, #tpu.memory_space<vmem>>) dst(%dma_wait3A_423 : memref<32x384xi32, #tpu.memory_space<hbm>>)
    %get3A_424 = arith.constant 224 : index
    %get3A_425 = tpu.vector_load %arg6[%get3A_424] {strides = array<i32>} : memref<256xi32, #tpu.memory_space<vmem>>, vector<16xi32>,
    %get3A_426 = vector.shape_cast %get3A_425 : vector<16xi32> to vector<16xi32>
    %swap3A_427 = arith.constant 0 : index
    %swap3A_428 = tpu.vector_load %arg9[%swap3A_427] {strides = array<i32>} : memref<32xi32, #tpu.memory_space<vmem>>, vector<16xi32>,
    %swap3A_429 = vector.shape_cast %swap3A_428 : vector<16xi32> to vector<16xi32>
    %swap3A_430 = vector.shape_cast %get3A_426 : vector<16xi32> to vector<16xi32>
    tpu.vector_store %arg9[%swap3A_427], %swap3A_430 {strides = array<i32>} : memref<32xi32, #tpu.memory_space<vmem>>, vector<16xi32>,
    %get3A_431 = arith.constant 240 : index
    %get3A_432 = tpu.vector_load %arg6[%get3A_431] {strides = array<i32>} : memref<256xi32, #tpu.memory_space<vmem>>, vector<16xi32>,
    %get3A_433 = vector.shape_cast %get3A_432 : vector<16xi32> to vector<16xi32>
    %swap3A_434 = arith.constant 16 : index
    %swap3A_435 = tpu.vector_load %arg9[%swap3A_434] {strides = array<i32>} : memref<32xi32, #tpu.memory_space<vmem>>, vector<16xi32>,
    %swap3A_436 = vector.shape_cast %swap3A_435 : vector<16xi32> to vector<16xi32>
    %swap3A_437 = vector.shape_cast %get3A_433 : vector<16xi32> to vector<16xi32>
    tpu.vector_store %arg9[%swap3A_434], %swap3A_437 {strides = array<i32>} : memref<32xi32, #tpu.memory_space<vmem>>, vector<16xi32>,
    %dma_start3A_438 = arith.constant 0 : i32
    %dma_start3A_439 = arith.constant 0 : i32
    %dma_start3A_440 = tpu.memref_slice %arg2[%dma_start3A_438, %dma_start3A_439] : memref<20480x384xi32, #tpu.memory_space<hbm>> -> memref<20480x384xi32, #tpu.memory_space<hbm>>
    tpu.enqueue_indirect_dma source(%dma_start3A_440 : memref<20480x384xi32, #tpu.memory_space<hbm>>) target(%arg13 : memref<32x384xi32, #tpu.memory_space<vmem>>) offsets(%arg9 : memref<32xi32, #tpu.memory_space<vmem>>) semaphore(%arg17 : memref<!tpu.dma_semaphore, #tpu.memory_space<semaphore_mem>>)
    %dma_wait3A_441 = arith.constant 0 : i32
    %dma_wait3A_442 = arith.constant 0 : i32
    %dma_wait3A_443 = tpu.memref_slice %arg2[%dma_wait3A_441, %dma_wait3A_442] : memref<20480x384xi32, #tpu.memory_space<hbm>> -> memref<20480x384xi32, #tpu.memory_space<hbm>>
    tpu.wait_indirect_dma semaphore(%arg16 : memref<!tpu.dma_semaphore, #tpu.memory_space<semaphore_mem>>) src(%dma_wait3A_443 : memref<20480x384xi32, #tpu.memory_space<hbm>>) dst(%arg12 : memref<32x384xi32, #tpu.memory_space<vmem>>)
    %add3A_444 = arith.constant 192 : i32
    %add3A_445 = arith.addi %mul3A_2, %add3A_444 : i32
    %dma_start3A_446 = arith.constant 0 : i32
    %dma_start3A_447 = tpu.memref_slice %arg4[%add3A_445, %dma_start3A_446] : memref<8192x384xi32, #tpu.memory_space<hbm>> -> memref<32x384xi32, #tpu.memory_space<hbm>>
    %dma_start3A_448 = arith.constant 0 : i32
    %dma_start3A_449 = tpu.memref_slice %arg4[%add3A_445, %dma_start3A_448] : memref<8192x384xi32, #tpu.memory_space<hbm>> -> memref<32x384xi32, #tpu.memory_space<hbm>>
    tpu.enqueue_dma source(%arg12 : memref<32x384xi32, #tpu.memory_space<vmem>>) target(%dma_start3A_449 : memref<32x384xi32, #tpu.memory_space<hbm>>) target_semaphore(%arg20 : memref<!tpu.dma_semaphore, #tpu.memory_space<semaphore_mem>>)
    %dma_wait3A_450 = arith.constant 0 : i32
    %dma_wait3A_451 = tpu.memref_slice %arg5[%add3A_415, %dma_wait3A_450] : memref<8192x384xi32, #tpu.memory_space<hbm>> -> memref<32x384xi32, #tpu.memory_space<hbm>>
    %dma_wait3A_452 = arith.constant 0 : i32
    %dma_wait3A_453 = tpu.memref_slice %arg5[%add3A_415, %dma_wait3A_452] : memref<8192x384xi32, #tpu.memory_space<hbm>> -> memref<32x384xi32, #tpu.memory_space<hbm>>
    tpu.wait_dma2 semaphore(%arg23 : memref<!tpu.dma_semaphore, #tpu.memory_space<semaphore_mem>>) src(%arg15 : memref<32x384xi32, #tpu.memory_space<vmem>>) dst(%dma_wait3A_453 : memref<32x384xi32, #tpu.memory_space<hbm>>)
    %get3A_454 = arith.constant 224 : index
    %get3A_455 = tpu.vector_load %arg7[%get3A_454] {strides = array<i32>} : memref<256xi32, #tpu.memory_space<vmem>>, vector<16xi32>,
    %get3A_456 = vector.shape_cast %get3A_455 : vector<16xi32> to vector<16xi32>
    %swap3A_457 = arith.constant 0 : index
    %swap3A_458 = tpu.vector_load %arg11[%swap3A_457] {strides = array<i32>} : memref<32xi32, #tpu.memory_space<vmem>>, vector<16xi32>,
    %swap3A_459 = vector.shape_cast %swap3A_458 : vector<16xi32> to vector<16xi32>
    %swap3A_460 = vector.shape_cast %get3A_456 : vector<16xi32> to vector<16xi32>
    tpu.vector_store %arg11[%swap3A_457], %swap3A_460 {strides = array<i32>} : memref<32xi32, #tpu.memory_space<vmem>>, vector<16xi32>,
    %get3A_461 = arith.constant 240 : index
    %get3A_462 = tpu.vector_load %arg7[%get3A_461] {strides = array<i32>} : memref<256xi32, #tpu.memory_space<vmem>>, vector<16xi32>,
    %get3A_463 = vector.shape_cast %get3A_462 : vector<16xi32> to vector<16xi32>
    %swap3A_464 = arith.constant 16 : index
    %swap3A_465 = tpu.vector_load %arg11[%swap3A_464] {strides = array<i32>} : memref<32xi32, #tpu.memory_space<vmem>>, vector<16xi32>,
    %swap3A_466 = vector.shape_cast %swap3A_465 : vector<16xi32> to vector<16xi32>
    %swap3A_467 = vector.shape_cast %get3A_463 : vector<16xi32> to vector<16xi32>
    tpu.vector_store %arg11[%swap3A_464], %swap3A_467 {strides = array<i32>} : memref<32xi32, #tpu.memory_space<vmem>>, vector<16xi32>,
    %dma_start3A_468 = arith.constant 0 : i32
    %dma_start3A_469 = arith.constant 0 : i32
    %dma_start3A_470 = tpu.memref_slice %arg2[%dma_start3A_468, %dma_start3A_469] : memref<20480x384xi32, #tpu.memory_space<hbm>> -> memref<20480x384xi32, #tpu.memory_space<hbm>>
    tpu.enqueue_indirect_dma source(%dma_start3A_470 : memref<20480x384xi32, #tpu.memory_space<hbm>>) target(%arg15 : memref<32x384xi32, #tpu.memory_space<vmem>>) offsets(%arg11 : memref<32xi32, #tpu.memory_space<vmem>>) semaphore(%arg19 : memref<!tpu.dma_semaphore, #tpu.memory_space<semaphore_mem>>)
    %dma_wait3A_471 = arith.constant 0 : i32
    %dma_wait3A_472 = arith.constant 0 : i32
    %dma_wait3A_473 = tpu.memref_slice %arg2[%dma_wait3A_471, %dma_wait3A_472] : memref<20480x384xi32, #tpu.memory_space<hbm>> -> memref<20480x384xi32, #tpu.memory_space<hbm>>
    tpu.wait_indirect_dma semaphore(%arg18 : memref<!tpu.dma_semaphore, #tpu.memory_space<semaphore_mem>>) src(%dma_wait3A_473 : memref<20480x384xi32, #tpu.memory_space<hbm>>) dst(%arg14 : memref<32x384xi32, #tpu.memory_space<vmem>>)
    %add3A_474 = arith.constant 192 : i32
    %add3A_475 = arith.addi %mul3A_2, %add3A_474 : i32
    %dma_start3A_476 = arith.constant 0 : i32
    %dma_start3A_477 = tpu.memref_slice %arg5[%add3A_475, %dma_start3A_476] : memref<8192x384xi32, #tpu.memory_space<hbm>> -> memref<32x384xi32, #tpu.memory_space<hbm>>
    %dma_start3A_478 = arith.constant 0 : i32
    %dma_start3A_479 = tpu.memref_slice %arg5[%add3A_475, %dma_start3A_478] : memref<8192x384xi32, #tpu.memory_space<hbm>> -> memref<32x384xi32, #tpu.memory_space<hbm>>
    tpu.enqueue_dma source(%arg14 : memref<32x384xi32, #tpu.memory_space<vmem>>) target(%dma_start3A_479 : memref<32x384xi32, #tpu.memory_space<hbm>>) target_semaphore(%arg22 : memref<!tpu.dma_semaphore, #tpu.memory_space<semaphore_mem>>)
    %dma_wait3A_480 = arith.constant 0 : i32
    %dma_wait3A_481 = arith.constant 0 : i32
    %dma_wait3A_482 = tpu.memref_slice %arg2[%dma_wait3A_480, %dma_wait3A_481] : memref<20480x384xi32, #tpu.memory_space<hbm>> -> memref<20480x384xi32, #tpu.memory_space<hbm>>
    tpu.wait_indirect_dma semaphore(%arg17 : memref<!tpu.dma_semaphore, #tpu.memory_space<semaphore_mem>>) src(%dma_wait3A_482 : memref<20480x384xi32, #tpu.memory_space<hbm>>) dst(%arg13 : memref<32x384xi32, #tpu.memory_space<vmem>>)
    %add3A_483 = arith.constant 224 : i32
    %add3A_484 = arith.addi %mul3A_2, %add3A_483 : i32
    %dma_start3A_485 = arith.constant 0 : i32
    %dma_start3A_486 = tpu.memref_slice %arg4[%add3A_484, %dma_start3A_485] : memref<8192x384xi32, #tpu.memory_space<hbm>> -> memref<32x384xi32, #tpu.memory_space<hbm>>
    %dma_start3A_487 = arith.constant 0 : i32
    %dma_start3A_488 = tpu.memref_slice %arg4[%add3A_484, %dma_start3A_487] : memref<8192x384xi32, #tpu.memory_space<hbm>> -> memref<32x384xi32, #tpu.memory_space<hbm>>
    tpu.enqueue_dma source(%arg13 : memref<32x384xi32, #tpu.memory_space<vmem>>) target(%dma_start3A_488 : memref<32x384xi32, #tpu.memory_space<hbm>>) target_semaphore(%arg21 : memref<!tpu.dma_semaphore, #tpu.memory_space<semaphore_mem>>)
    %dma_wait3A_489 = arith.constant 0 : i32
    %dma_wait3A_490 = arith.constant 0 : i32
    %dma_wait3A_491 = tpu.memref_slice %arg2[%dma_wait3A_489, %dma_wait3A_490] : memref<20480x384xi32, #tpu.memory_space<hbm>> -> memref<20480x384xi32, #tpu.memory_space<hbm>>
    tpu.wait_indirect_dma semaphore(%arg19 : memref<!tpu.dma_semaphore, #tpu.memory_space<semaphore_mem>>) src(%dma_wait3A_491 : memref<20480x384xi32, #tpu.memory_space<hbm>>) dst(%arg15 : memref<32x384xi32, #tpu.memory_space<vmem>>)
    %add3A_492 = arith.constant 224 : i32
    %add3A_493 = arith.addi %mul3A_2, %add3A_492 : i32
    %dma_start3A_494 = arith.constant 0 : i32
    %dma_start3A_495 = tpu.memref_slice %arg5[%add3A_493, %dma_start3A_494] : memref<8192x384xi32, #tpu.memory_space<hbm>> -> memref<32x384xi32, #tpu.memory_space<hbm>>
    %dma_start3A_496 = arith.constant 0 : i32
    %dma_start3A_497 = tpu.memref_slice %arg5[%add3A_493, %dma_start3A_496] : memref<8192x384xi32, #tpu.memory_space<hbm>> -> memref<32x384xi32, #tpu.memory_space<hbm>>
    tpu.enqueue_dma source(%arg15 : memref<32x384xi32, #tpu.memory_space<vmem>>) target(%dma_start3A_497 : memref<32x384xi32, #tpu.memory_space<hbm>>) target_semaphore(%arg23 : memref<!tpu.dma_semaphore, #tpu.memory_space<semaphore_mem>>)
    %dma_wait3A_498 = arith.constant 0 : i32
    %dma_wait3A_499 = tpu.memref_slice %arg4[%add3A_445, %dma_wait3A_498] : memref<8192x384xi32, #tpu.memory_space<hbm>> -> memref<32x384xi32, #tpu.memory_space<hbm>>
    %dma_wait3A_500 = arith.constant 0 : i32
    %dma_wait3A_501 = tpu.memref_slice %arg4[%add3A_445, %dma_wait3A_500] : memref<8192x384xi32, #tpu.memory_space<hbm>> -> memref<32x384xi32, #tpu.memory_space<hbm>>
    tpu.wait_dma2 semaphore(%arg20 : memref<!tpu.dma_semaphore, #tpu.memory_space<semaphore_mem>>) src(%arg12 : memref<32x384xi32, #tpu.memory_space<vmem>>) dst(%dma_wait3A_501 : memref<32x384xi32, #tpu.memory_space<hbm>>)
    %dma_wait3A_502 = arith.constant 0 : i32
    %dma_wait3A_503 = tpu.memref_slice %arg4[%add3A_484, %dma_wait3A_502] : memref<8192x384xi32, #tpu.memory_space<hbm>> -> memref<32x384xi32, #tpu.memory_space<hbm>>
    %dma_wait3A_504 = arith.constant 0 : i32
    %dma_wait3A_505 = tpu.memref_slice %arg4[%add3A_484, %dma_wait3A_504] : memref<8192x384xi32, #tpu.memory_space<hbm>> -> memref<32x384xi32, #tpu.memory_space<hbm>>
    tpu.wait_dma2 semaphore(%arg21 : memref<!tpu.dma_semaphore, #tpu.memory_space<semaphore_mem>>) src(%arg13 : memref<32x384xi32, #tpu.memory_space<vmem>>) dst(%dma_wait3A_505 : memref<32x384xi32, #tpu.memory_space<hbm>>)
    %dma_wait3A_506 = arith.constant 0 : i32
    %dma_wait3A_507 = tpu.memref_slice %arg5[%add3A_475, %dma_wait3A_506] : memref<8192x384xi32, #tpu.memory_space<hbm>> -> memref<32x384xi32, #tpu.memory_space<hbm>>
    %dma_wait3A_508 = arith.constant 0 : i32
    %dma_wait3A_509 = tpu.memref_slice %arg5[%add3A_475, %dma_wait3A_508] : memref<8192x384xi32, #tpu.memory_space<hbm>> -> memref<32x384xi32, #tpu.memory_space<hbm>>
    tpu.wait_dma2 semaphore(%arg22 : memref<!tpu.dma_semaphore, #tpu.memory_space<semaphore_mem>>) src(%arg14 : memref<32x384xi32, #tpu.memory_space<vmem>>) dst(%dma_wait3A_509 : memref<32x384xi32, #tpu.memory_space<hbm>>)
    %dma_wait3A_510 = arith.constant 0 : i32
    %dma_wait3A_511 = tpu.memref_slice %arg5[%add3A_493, %dma_wait3A_510] : memref<8192x384xi32, #tpu.memory_space<hbm>> -> memref<32x384xi32, #tpu.memory_space<hbm>>
    %dma_wait3A_512 = arith.constant 0 : i32
    %dma_wait3A_513 = tpu.memref_slice %arg5[%add3A_493, %dma_wait3A_512] : memref<8192x384xi32, #tpu.memory_space<hbm>> -> memref<32x384xi32, #tpu.memory_space<hbm>>
    tpu.wait_dma2 semaphore(%arg23 : memref<!tpu.dma_semaphore, #tpu.memory_space<semaphore_mem>>) src(%arg15 : memref<32x384xi32, #tpu.memory_space<vmem>>) dst(%dma_wait3A_513 : memref<32x384xi32, #tpu.memory_space<hbm>>)
    return
  }
}

#map = affine_map<(d0, d1) -> (0, 0)>
#map1 = affine_map<(d0, d1) -> (0)>
module attributes {stable_mosaic.version = 14 : i64} {
  func.func @_dispatch(%arg0: i32, %arg1: i32, %arg2: memref<8192x384xi32, #tpu.memory_space<hbm>>, %arg3: memref<16384xi32, #tpu.memory_space<hbm>>, %arg4: memref<20480x384xi32, #tpu.memory_space<hbm>>, %arg5: memref<512xi32, #tpu.memory_space<vmem>>, %arg6: memref<64xi32, #tpu.memory_space<vmem>>, %arg7: memref<64xi32, #tpu.memory_space<vmem>>, %arg8: memref<64xi32, #tpu.memory_space<vmem>>, %arg9: memref<64xi32, #tpu.memory_space<vmem>>, %arg10: memref<64x384xi32, #tpu.memory_space<vmem>>, %arg11: memref<64x384xi32, #tpu.memory_space<vmem>>, %arg12: memref<!tpu.dma_semaphore, #tpu.memory_space<semaphore_mem>>, %arg13: memref<!tpu.dma_semaphore, #tpu.memory_space<semaphore_mem>>, %arg14: memref<!tpu.dma_semaphore, #tpu.memory_space<semaphore_mem>>, %arg15: memref<!tpu.dma_semaphore, #tpu.memory_space<semaphore_mem>>) attributes {dimension_semantics = [#tpu.dimension_semantics<core_parallel>, #tpu.dimension_semantics<subcore_parallel>], iteration_bounds = array<i64: 2, 16>, scalar_prefetch = 0 : i64, scratch_operands = 11 : i64, tpu.core_type = #tpu.core_type<sc_vector_subcore>, window_params = [{transform_indices = #map}, {transform_indices = #map1}, {transform_indices = #map}]} {
    %mul3A = arith.constant 2 : i32
    %mul3A_0 = arith.muli %arg1, %mul3A : i32
    %add3A = arith.addi %mul3A_0, %arg0 : i32
    %mul3A_1 = arith.constant 512 : i32
    %mul3A_2 = arith.muli %add3A, %mul3A_1 : i32
    "tpu.region"() ({
      %run_scoped3A = tpu.sem_alloc : memref<!tpu.dma_semaphore, #tpu.memory_space<semaphore_mem>>
      %dma_start3A_986 = tpu.memref_slice %arg3[%mul3A_2] : memref<16384xi32, #tpu.memory_space<hbm>> -> memref<512xi32, #tpu.memory_space<hbm>>
      %dma_start3A_987 = tpu.memref_slice %arg3[%mul3A_2] : memref<16384xi32, #tpu.memory_space<hbm>> -> memref<512xi32, #tpu.memory_space<hbm>>
      tpu.enqueue_dma source(%dma_start3A_987 : memref<512xi32, #tpu.memory_space<hbm>>) target(%arg5 : memref<512xi32, #tpu.memory_space<vmem>>) target_semaphore(%run_scoped3A : memref<!tpu.dma_semaphore, #tpu.memory_space<semaphore_mem>>)
      %dma_wait3A_988 = tpu.memref_slice %arg3[%mul3A_2] : memref<16384xi32, #tpu.memory_space<hbm>> -> memref<512xi32, #tpu.memory_space<hbm>>
      %dma_wait3A_989 = tpu.memref_slice %arg3[%mul3A_2] : memref<16384xi32, #tpu.memory_space<hbm>> -> memref<512xi32, #tpu.memory_space<hbm>>
      tpu.wait_dma2 semaphore(%run_scoped3A : memref<!tpu.dma_semaphore, #tpu.memory_space<semaphore_mem>>) src(%dma_wait3A_989 : memref<512xi32, #tpu.memory_space<hbm>>) dst(%arg5 : memref<512xi32, #tpu.memory_space<vmem>>)
      tpu.yield
    }) : () -> ()
    %get3A = arith.constant 0 : index
    %get3A_3 = tpu.vector_load %arg5[%get3A] {strides = array<i32>} : memref<512xi32, #tpu.memory_space<vmem>>, vector<16xi32>,
    %get3A_4 = vector.shape_cast %get3A_3 : vector<16xi32> to vector<16xi32>
    %swap3A = arith.constant 0 : index
    %swap3A_5 = tpu.vector_load %arg6[%swap3A] {strides = array<i32>} : memref<64xi32, #tpu.memory_space<vmem>>, vector<16xi32>,
    %swap3A_6 = vector.shape_cast %swap3A_5 : vector<16xi32> to vector<16xi32>
    %swap3A_7 = vector.shape_cast %get3A_4 : vector<16xi32> to vector<16xi32>
    tpu.vector_store %arg6[%swap3A], %swap3A_7 {strides = array<i32>} : memref<64xi32, #tpu.memory_space<vmem>>, vector<16xi32>,
    %add3A_8 = arith.constant 0 : i32
    %add3A_9 = arith.addi %mul3A_2, %add3A_8 : i32
    %add3A_10 = arith.constant 0 : i32
    %add3A_11 = arith.addi %add3A_9, %add3A_10 : i32
    %broadcast_in_dim3A = vector.broadcast %add3A_11 : i32 to vector<16xi32>
    %iota3A = tpu.iota {dimensions = array<i32: 0>} : vector<16xi32>
    %add3A_12 = arith.addi %broadcast_in_dim3A, %iota3A : vector<16xi32>
    %shift_right_arithmetic3A = arith.constant 11 : i32
    %shift_right_arithmetic3A_13 = vector.broadcast %shift_right_arithmetic3A : i32 to vector<16xi32>
    %shift_right_arithmetic3A_14 = arith.shrsi %add3A_12, %shift_right_arithmetic3A_13 : vector<16xi32>
    %shift_left3A = arith.constant 10 : i32
    %shift_left3A_15 = vector.broadcast %shift_left3A : i32 to vector<16xi32>
    %shift_left3A_16 = arith.shli %shift_right_arithmetic3A_14, %shift_left3A_15 : vector<16xi32>
    %and3A = arith.constant 1023 : i32
    %and3A_17 = vector.broadcast %and3A : i32 to vector<16xi32>
    %and3A_18 = arith.andi %add3A_12, %and3A_17 : vector<16xi32>
    %add3A_19 = arith.addi %shift_left3A_16, %and3A_18 : vector<16xi32>
    %swap3A_20 = arith.constant 0 : index
    %swap3A_21 = tpu.vector_load %arg8[%swap3A_20] {strides = array<i32>} : memref<64xi32, #tpu.memory_space<vmem>>, vector<16xi32>,
    %swap3A_22 = vector.shape_cast %swap3A_21 : vector<16xi32> to vector<16xi32>
    %swap3A_23 = vector.shape_cast %add3A_19 : vector<16xi32> to vector<16xi32>
    tpu.vector_store %arg8[%swap3A_20], %swap3A_23 {strides = array<i32>} : memref<64xi32, #tpu.memory_space<vmem>>, vector<16xi32>,
    %get3A_24 = arith.constant 16 : index
    %get3A_25 = tpu.vector_load %arg5[%get3A_24] {strides = array<i32>} : memref<512xi32, #tpu.memory_space<vmem>>, vector<16xi32>,
    %get3A_26 = vector.shape_cast %get3A_25 : vector<16xi32> to vector<16xi32>
    %swap3A_27 = arith.constant 16 : index
    %swap3A_28 = tpu.vector_load %arg6[%swap3A_27] {strides = array<i32>} : memref<64xi32, #tpu.memory_space<vmem>>, vector<16xi32>,
    %swap3A_29 = vector.shape_cast %swap3A_28 : vector<16xi32> to vector<16xi32>
    %swap3A_30 = vector.shape_cast %get3A_26 : vector<16xi32> to vector<16xi32>
    tpu.vector_store %arg6[%swap3A_27], %swap3A_30 {strides = array<i32>} : memref<64xi32, #tpu.memory_space<vmem>>, vector<16xi32>,
    %add3A_31 = arith.constant 0 : i32
    %add3A_32 = arith.addi %mul3A_2, %add3A_31 : i32
    %add3A_33 = arith.constant 16 : i32
    %add3A_34 = arith.addi %add3A_32, %add3A_33 : i32
    %broadcast_in_dim3A_35 = vector.broadcast %add3A_34 : i32 to vector<16xi32>
    %iota3A_36 = tpu.iota {dimensions = array<i32: 0>} : vector<16xi32>
    %add3A_37 = arith.addi %broadcast_in_dim3A_35, %iota3A_36 : vector<16xi32>
    %shift_right_arithmetic3A_38 = arith.constant 11 : i32
    %shift_right_arithmetic3A_39 = vector.broadcast %shift_right_arithmetic3A_38 : i32 to vector<16xi32>
    %shift_right_arithmetic3A_40 = arith.shrsi %add3A_37, %shift_right_arithmetic3A_39 : vector<16xi32>
    %shift_left3A_41 = arith.constant 10 : i32
    %shift_left3A_42 = vector.broadcast %shift_left3A_41 : i32 to vector<16xi32>
    %shift_left3A_43 = arith.shli %shift_right_arithmetic3A_40, %shift_left3A_42 : vector<16xi32>
    %and3A_44 = arith.constant 1023 : i32
    %and3A_45 = vector.broadcast %and3A_44 : i32 to vector<16xi32>
    %and3A_46 = arith.andi %add3A_37, %and3A_45 : vector<16xi32>
    %add3A_47 = arith.addi %shift_left3A_43, %and3A_46 : vector<16xi32>
    %swap3A_48 = arith.constant 16 : index
    %swap3A_49 = tpu.vector_load %arg8[%swap3A_48] {strides = array<i32>} : memref<64xi32, #tpu.memory_space<vmem>>, vector<16xi32>,
    %swap3A_50 = vector.shape_cast %swap3A_49 : vector<16xi32> to vector<16xi32>
    %swap3A_51 = vector.shape_cast %add3A_47 : vector<16xi32> to vector<16xi32>
    tpu.vector_store %arg8[%swap3A_48], %swap3A_51 {strides = array<i32>} : memref<64xi32, #tpu.memory_space<vmem>>, vector<16xi32>,
    %get3A_52 = arith.constant 32 : index
    %get3A_53 = tpu.vector_load %arg5[%get3A_52] {strides = array<i32>} : memref<512xi32, #tpu.memory_space<vmem>>, vector<16xi32>,
    %get3A_54 = vector.shape_cast %get3A_53 : vector<16xi32> to vector<16xi32>
    %swap3A_55 = arith.constant 32 : index
    %swap3A_56 = tpu.vector_load %arg6[%swap3A_55] {strides = array<i32>} : memref<64xi32, #tpu.memory_space<vmem>>, vector<16xi32>,
    %swap3A_57 = vector.shape_cast %swap3A_56 : vector<16xi32> to vector<16xi32>
    %swap3A_58 = vector.shape_cast %get3A_54 : vector<16xi32> to vector<16xi32>
    tpu.vector_store %arg6[%swap3A_55], %swap3A_58 {strides = array<i32>} : memref<64xi32, #tpu.memory_space<vmem>>, vector<16xi32>,
    %add3A_59 = arith.constant 0 : i32
    %add3A_60 = arith.addi %mul3A_2, %add3A_59 : i32
    %add3A_61 = arith.constant 32 : i32
    %add3A_62 = arith.addi %add3A_60, %add3A_61 : i32
    %broadcast_in_dim3A_63 = vector.broadcast %add3A_62 : i32 to vector<16xi32>
    %iota3A_64 = tpu.iota {dimensions = array<i32: 0>} : vector<16xi32>
    %add3A_65 = arith.addi %broadcast_in_dim3A_63, %iota3A_64 : vector<16xi32>
    %shift_right_arithmetic3A_66 = arith.constant 11 : i32
    %shift_right_arithmetic3A_67 = vector.broadcast %shift_right_arithmetic3A_66 : i32 to vector<16xi32>
    %shift_right_arithmetic3A_68 = arith.shrsi %add3A_65, %shift_right_arithmetic3A_67 : vector<16xi32>
    %shift_left3A_69 = arith.constant 10 : i32
    %shift_left3A_70 = vector.broadcast %shift_left3A_69 : i32 to vector<16xi32>
    %shift_left3A_71 = arith.shli %shift_right_arithmetic3A_68, %shift_left3A_70 : vector<16xi32>
    %and3A_72 = arith.constant 1023 : i32
    %and3A_73 = vector.broadcast %and3A_72 : i32 to vector<16xi32>
    %and3A_74 = arith.andi %add3A_65, %and3A_73 : vector<16xi32>
    %add3A_75 = arith.addi %shift_left3A_71, %and3A_74 : vector<16xi32>
    %swap3A_76 = arith.constant 32 : index
    %swap3A_77 = tpu.vector_load %arg8[%swap3A_76] {strides = array<i32>} : memref<64xi32, #tpu.memory_space<vmem>>, vector<16xi32>,
    %swap3A_78 = vector.shape_cast %swap3A_77 : vector<16xi32> to vector<16xi32>
    %swap3A_79 = vector.shape_cast %add3A_75 : vector<16xi32> to vector<16xi32>
    tpu.vector_store %arg8[%swap3A_76], %swap3A_79 {strides = array<i32>} : memref<64xi32, #tpu.memory_space<vmem>>, vector<16xi32>,
    %get3A_80 = arith.constant 48 : index
    %get3A_81 = tpu.vector_load %arg5[%get3A_80] {strides = array<i32>} : memref<512xi32, #tpu.memory_space<vmem>>, vector<16xi32>,
    %get3A_82 = vector.shape_cast %get3A_81 : vector<16xi32> to vector<16xi32>
    %swap3A_83 = arith.constant 48 : index
    %swap3A_84 = tpu.vector_load %arg6[%swap3A_83] {strides = array<i32>} : memref<64xi32, #tpu.memory_space<vmem>>, vector<16xi32>,
    %swap3A_85 = vector.shape_cast %swap3A_84 : vector<16xi32> to vector<16xi32>
    %swap3A_86 = vector.shape_cast %get3A_82 : vector<16xi32> to vector<16xi32>
    tpu.vector_store %arg6[%swap3A_83], %swap3A_86 {strides = array<i32>} : memref<64xi32, #tpu.memory_space<vmem>>, vector<16xi32>,
    %add3A_87 = arith.constant 0 : i32
    %add3A_88 = arith.addi %mul3A_2, %add3A_87 : i32
    %add3A_89 = arith.constant 48 : i32
    %add3A_90 = arith.addi %add3A_88, %add3A_89 : i32
    %broadcast_in_dim3A_91 = vector.broadcast %add3A_90 : i32 to vector<16xi32>
    %iota3A_92 = tpu.iota {dimensions = array<i32: 0>} : vector<16xi32>
    %add3A_93 = arith.addi %broadcast_in_dim3A_91, %iota3A_92 : vector<16xi32>
    %shift_right_arithmetic3A_94 = arith.constant 11 : i32
    %shift_right_arithmetic3A_95 = vector.broadcast %shift_right_arithmetic3A_94 : i32 to vector<16xi32>
    %shift_right_arithmetic3A_96 = arith.shrsi %add3A_93, %shift_right_arithmetic3A_95 : vector<16xi32>
    %shift_left3A_97 = arith.constant 10 : i32
    %shift_left3A_98 = vector.broadcast %shift_left3A_97 : i32 to vector<16xi32>
    %shift_left3A_99 = arith.shli %shift_right_arithmetic3A_96, %shift_left3A_98 : vector<16xi32>
    %and3A_100 = arith.constant 1023 : i32
    %and3A_101 = vector.broadcast %and3A_100 : i32 to vector<16xi32>
    %and3A_102 = arith.andi %add3A_93, %and3A_101 : vector<16xi32>
    %add3A_103 = arith.addi %shift_left3A_99, %and3A_102 : vector<16xi32>
    %swap3A_104 = arith.constant 48 : index
    %swap3A_105 = tpu.vector_load %arg8[%swap3A_104] {strides = array<i32>} : memref<64xi32, #tpu.memory_space<vmem>>, vector<16xi32>,
    %swap3A_106 = vector.shape_cast %swap3A_105 : vector<16xi32> to vector<16xi32>
    %swap3A_107 = vector.shape_cast %add3A_103 : vector<16xi32> to vector<16xi32>
    tpu.vector_store %arg8[%swap3A_104], %swap3A_107 {strides = array<i32>} : memref<64xi32, #tpu.memory_space<vmem>>, vector<16xi32>,
    %dma_start3A = arith.constant 0 : i32
    %dma_start3A_108 = arith.constant 0 : i32
    %dma_start3A_109 = tpu.memref_slice %arg2[%dma_start3A, %dma_start3A_108] : memref<8192x384xi32, #tpu.memory_space<hbm>> -> memref<8192x384xi32, #tpu.memory_space<hbm>>
    tpu.enqueue_indirect_dma source(%dma_start3A_109 : memref<8192x384xi32, #tpu.memory_space<hbm>>) target(%arg10 : memref<64x384xi32, #tpu.memory_space<vmem>>) offsets(%arg8 : memref<64xi32, #tpu.memory_space<vmem>>) semaphore(%arg12 : memref<!tpu.dma_semaphore, #tpu.memory_space<semaphore_mem>>)
    %get3A_110 = arith.constant 64 : index
    %get3A_111 = tpu.vector_load %arg5[%get3A_110] {strides = array<i32>} : memref<512xi32, #tpu.memory_space<vmem>>, vector<16xi32>,
    %get3A_112 = vector.shape_cast %get3A_111 : vector<16xi32> to vector<16xi32>
    %swap3A_113 = arith.constant 0 : index
    %swap3A_114 = tpu.vector_load %arg7[%swap3A_113] {strides = array<i32>} : memref<64xi32, #tpu.memory_space<vmem>>, vector<16xi32>,
    %swap3A_115 = vector.shape_cast %swap3A_114 : vector<16xi32> to vector<16xi32>
    %swap3A_116 = vector.shape_cast %get3A_112 : vector<16xi32> to vector<16xi32>
    tpu.vector_store %arg7[%swap3A_113], %swap3A_116 {strides = array<i32>} : memref<64xi32, #tpu.memory_space<vmem>>, vector<16xi32>,
    %add3A_117 = arith.constant 64 : i32
    %add3A_118 = arith.addi %mul3A_2, %add3A_117 : i32
    %add3A_119 = arith.constant 0 : i32
    %add3A_120 = arith.addi %add3A_118, %add3A_119 : i32
    %broadcast_in_dim3A_121 = vector.broadcast %add3A_120 : i32 to vector<16xi32>
    %iota3A_122 = tpu.iota {dimensions = array<i32: 0>} : vector<16xi32>
    %add3A_123 = arith.addi %broadcast_in_dim3A_121, %iota3A_122 : vector<16xi32>
    %shift_right_arithmetic3A_124 = arith.constant 11 : i32
    %shift_right_arithmetic3A_125 = vector.broadcast %shift_right_arithmetic3A_124 : i32 to vector<16xi32>
    %shift_right_arithmetic3A_126 = arith.shrsi %add3A_123, %shift_right_arithmetic3A_125 : vector<16xi32>
    %shift_left3A_127 = arith.constant 10 : i32
    %shift_left3A_128 = vector.broadcast %shift_left3A_127 : i32 to vector<16xi32>
    %shift_left3A_129 = arith.shli %shift_right_arithmetic3A_126, %shift_left3A_128 : vector<16xi32>
    %and3A_130 = arith.constant 1023 : i32
    %and3A_131 = vector.broadcast %and3A_130 : i32 to vector<16xi32>
    %and3A_132 = arith.andi %add3A_123, %and3A_131 : vector<16xi32>
    %add3A_133 = arith.addi %shift_left3A_129, %and3A_132 : vector<16xi32>
    %swap3A_134 = arith.constant 0 : index
    %swap3A_135 = tpu.vector_load %arg9[%swap3A_134] {strides = array<i32>} : memref<64xi32, #tpu.memory_space<vmem>>, vector<16xi32>,
    %swap3A_136 = vector.shape_cast %swap3A_135 : vector<16xi32> to vector<16xi32>
    %swap3A_137 = vector.shape_cast %add3A_133 : vector<16xi32> to vector<16xi32>
    tpu.vector_store %arg9[%swap3A_134], %swap3A_137 {strides = array<i32>} : memref<64xi32, #tpu.memory_space<vmem>>, vector<16xi32>,
    %get3A_138 = arith.constant 80 : index
    %get3A_139 = tpu.vector_load %arg5[%get3A_138] {strides = array<i32>} : memref<512xi32, #tpu.memory_space<vmem>>, vector<16xi32>,
    %get3A_140 = vector.shape_cast %get3A_139 : vector<16xi32> to vector<16xi32>
    %swap3A_141 = arith.constant 16 : index
    %swap3A_142 = tpu.vector_load %arg7[%swap3A_141] {strides = array<i32>} : memref<64xi32, #tpu.memory_space<vmem>>, vector<16xi32>,
    %swap3A_143 = vector.shape_cast %swap3A_142 : vector<16xi32> to vector<16xi32>
    %swap3A_144 = vector.shape_cast %get3A_140 : vector<16xi32> to vector<16xi32>
    tpu.vector_store %arg7[%swap3A_141], %swap3A_144 {strides = array<i32>} : memref<64xi32, #tpu.memory_space<vmem>>, vector<16xi32>,
    %add3A_145 = arith.constant 64 : i32
    %add3A_146 = arith.addi %mul3A_2, %add3A_145 : i32
    %add3A_147 = arith.constant 16 : i32
    %add3A_148 = arith.addi %add3A_146, %add3A_147 : i32
    %broadcast_in_dim3A_149 = vector.broadcast %add3A_148 : i32 to vector<16xi32>
    %iota3A_150 = tpu.iota {dimensions = array<i32: 0>} : vector<16xi32>
    %add3A_151 = arith.addi %broadcast_in_dim3A_149, %iota3A_150 : vector<16xi32>
    %shift_right_arithmetic3A_152 = arith.constant 11 : i32
    %shift_right_arithmetic3A_153 = vector.broadcast %shift_right_arithmetic3A_152 : i32 to vector<16xi32>
    %shift_right_arithmetic3A_154 = arith.shrsi %add3A_151, %shift_right_arithmetic3A_153 : vector<16xi32>
    %shift_left3A_155 = arith.constant 10 : i32
    %shift_left3A_156 = vector.broadcast %shift_left3A_155 : i32 to vector<16xi32>
    %shift_left3A_157 = arith.shli %shift_right_arithmetic3A_154, %shift_left3A_156 : vector<16xi32>
    %and3A_158 = arith.constant 1023 : i32
    %and3A_159 = vector.broadcast %and3A_158 : i32 to vector<16xi32>
    %and3A_160 = arith.andi %add3A_151, %and3A_159 : vector<16xi32>
    %add3A_161 = arith.addi %shift_left3A_157, %and3A_160 : vector<16xi32>
    %swap3A_162 = arith.constant 16 : index
    %swap3A_163 = tpu.vector_load %arg9[%swap3A_162] {strides = array<i32>} : memref<64xi32, #tpu.memory_space<vmem>>, vector<16xi32>,
    %swap3A_164 = vector.shape_cast %swap3A_163 : vector<16xi32> to vector<16xi32>
    %swap3A_165 = vector.shape_cast %add3A_161 : vector<16xi32> to vector<16xi32>
    tpu.vector_store %arg9[%swap3A_162], %swap3A_165 {strides = array<i32>} : memref<64xi32, #tpu.memory_space<vmem>>, vector<16xi32>,
    %get3A_166 = arith.constant 96 : index
    %get3A_167 = tpu.vector_load %arg5[%get3A_166] {strides = array<i32>} : memref<512xi32, #tpu.memory_space<vmem>>, vector<16xi32>,
    %get3A_168 = vector.shape_cast %get3A_167 : vector<16xi32> to vector<16xi32>
    %swap3A_169 = arith.constant 32 : index
    %swap3A_170 = tpu.vector_load %arg7[%swap3A_169] {strides = array<i32>} : memref<64xi32, #tpu.memory_space<vmem>>, vector<16xi32>,
    %swap3A_171 = vector.shape_cast %swap3A_170 : vector<16xi32> to vector<16xi32>
    %swap3A_172 = vector.shape_cast %get3A_168 : vector<16xi32> to vector<16xi32>
    tpu.vector_store %arg7[%swap3A_169], %swap3A_172 {strides = array<i32>} : memref<64xi32, #tpu.memory_space<vmem>>, vector<16xi32>,
    %add3A_173 = arith.constant 64 : i32
    %add3A_174 = arith.addi %mul3A_2, %add3A_173 : i32
    %add3A_175 = arith.constant 32 : i32
    %add3A_176 = arith.addi %add3A_174, %add3A_175 : i32
    %broadcast_in_dim3A_177 = vector.broadcast %add3A_176 : i32 to vector<16xi32>
    %iota3A_178 = tpu.iota {dimensions = array<i32: 0>} : vector<16xi32>
    %add3A_179 = arith.addi %broadcast_in_dim3A_177, %iota3A_178 : vector<16xi32>
    %shift_right_arithmetic3A_180 = arith.constant 11 : i32
    %shift_right_arithmetic3A_181 = vector.broadcast %shift_right_arithmetic3A_180 : i32 to vector<16xi32>
    %shift_right_arithmetic3A_182 = arith.shrsi %add3A_179, %shift_right_arithmetic3A_181 : vector<16xi32>
    %shift_left3A_183 = arith.constant 10 : i32
    %shift_left3A_184 = vector.broadcast %shift_left3A_183 : i32 to vector<16xi32>
    %shift_left3A_185 = arith.shli %shift_right_arithmetic3A_182, %shift_left3A_184 : vector<16xi32>
    %and3A_186 = arith.constant 1023 : i32
    %and3A_187 = vector.broadcast %and3A_186 : i32 to vector<16xi32>
    %and3A_188 = arith.andi %add3A_179, %and3A_187 : vector<16xi32>
    %add3A_189 = arith.addi %shift_left3A_185, %and3A_188 : vector<16xi32>
    %swap3A_190 = arith.constant 32 : index
    %swap3A_191 = tpu.vector_load %arg9[%swap3A_190] {strides = array<i32>} : memref<64xi32, #tpu.memory_space<vmem>>, vector<16xi32>,
    %swap3A_192 = vector.shape_cast %swap3A_191 : vector<16xi32> to vector<16xi32>
    %swap3A_193 = vector.shape_cast %add3A_189 : vector<16xi32> to vector<16xi32>
    tpu.vector_store %arg9[%swap3A_190], %swap3A_193 {strides = array<i32>} : memref<64xi32, #tpu.memory_space<vmem>>, vector<16xi32>,
    %get3A_194 = arith.constant 112 : index
    %get3A_195 = tpu.vector_load %arg5[%get3A_194] {strides = array<i32>} : memref<512xi32, #tpu.memory_space<vmem>>, vector<16xi32>,
    %get3A_196 = vector.shape_cast %get3A_195 : vector<16xi32> to vector<16xi32>
    %swap3A_197 = arith.constant 48 : index
    %swap3A_198 = tpu.vector_load %arg7[%swap3A_197] {strides = array<i32>} : memref<64xi32, #tpu.memory_space<vmem>>, vector<16xi32>,
    %swap3A_199 = vector.shape_cast %swap3A_198 : vector<16xi32> to vector<16xi32>
    %swap3A_200 = vector.shape_cast %get3A_196 : vector<16xi32> to vector<16xi32>
    tpu.vector_store %arg7[%swap3A_197], %swap3A_200 {strides = array<i32>} : memref<64xi32, #tpu.memory_space<vmem>>, vector<16xi32>,
    %add3A_201 = arith.constant 64 : i32
    %add3A_202 = arith.addi %mul3A_2, %add3A_201 : i32
    %add3A_203 = arith.constant 48 : i32
    %add3A_204 = arith.addi %add3A_202, %add3A_203 : i32
    %broadcast_in_dim3A_205 = vector.broadcast %add3A_204 : i32 to vector<16xi32>
    %iota3A_206 = tpu.iota {dimensions = array<i32: 0>} : vector<16xi32>
    %add3A_207 = arith.addi %broadcast_in_dim3A_205, %iota3A_206 : vector<16xi32>
    %shift_right_arithmetic3A_208 = arith.constant 11 : i32
    %shift_right_arithmetic3A_209 = vector.broadcast %shift_right_arithmetic3A_208 : i32 to vector<16xi32>
    %shift_right_arithmetic3A_210 = arith.shrsi %add3A_207, %shift_right_arithmetic3A_209 : vector<16xi32>
    %shift_left3A_211 = arith.constant 10 : i32
    %shift_left3A_212 = vector.broadcast %shift_left3A_211 : i32 to vector<16xi32>
    %shift_left3A_213 = arith.shli %shift_right_arithmetic3A_210, %shift_left3A_212 : vector<16xi32>
    %and3A_214 = arith.constant 1023 : i32
    %and3A_215 = vector.broadcast %and3A_214 : i32 to vector<16xi32>
    %and3A_216 = arith.andi %add3A_207, %and3A_215 : vector<16xi32>
    %add3A_217 = arith.addi %shift_left3A_213, %and3A_216 : vector<16xi32>
    %swap3A_218 = arith.constant 48 : index
    %swap3A_219 = tpu.vector_load %arg9[%swap3A_218] {strides = array<i32>} : memref<64xi32, #tpu.memory_space<vmem>>, vector<16xi32>,
    %swap3A_220 = vector.shape_cast %swap3A_219 : vector<16xi32> to vector<16xi32>
    %swap3A_221 = vector.shape_cast %add3A_217 : vector<16xi32> to vector<16xi32>
    tpu.vector_store %arg9[%swap3A_218], %swap3A_221 {strides = array<i32>} : memref<64xi32, #tpu.memory_space<vmem>>, vector<16xi32>,
    %dma_start3A_222 = arith.constant 0 : i32
    %dma_start3A_223 = arith.constant 0 : i32
    %dma_start3A_224 = tpu.memref_slice %arg2[%dma_start3A_222, %dma_start3A_223] : memref<8192x384xi32, #tpu.memory_space<hbm>> -> memref<8192x384xi32, #tpu.memory_space<hbm>>
    tpu.enqueue_indirect_dma source(%dma_start3A_224 : memref<8192x384xi32, #tpu.memory_space<hbm>>) target(%arg11 : memref<64x384xi32, #tpu.memory_space<vmem>>) offsets(%arg9 : memref<64xi32, #tpu.memory_space<vmem>>) semaphore(%arg13 : memref<!tpu.dma_semaphore, #tpu.memory_space<semaphore_mem>>)
    %dma_wait3A = arith.constant 0 : i32
    %dma_wait3A_225 = arith.constant 0 : i32
    %dma_wait3A_226 = tpu.memref_slice %arg2[%dma_wait3A, %dma_wait3A_225] : memref<8192x384xi32, #tpu.memory_space<hbm>> -> memref<8192x384xi32, #tpu.memory_space<hbm>>
    tpu.wait_indirect_dma semaphore(%arg12 : memref<!tpu.dma_semaphore, #tpu.memory_space<semaphore_mem>>) src(%dma_wait3A_226 : memref<8192x384xi32, #tpu.memory_space<hbm>>) dst(%arg10 : memref<64x384xi32, #tpu.memory_space<vmem>>)
    %dma_start3A_227 = arith.constant 0 : i32
    %dma_start3A_228 = arith.constant 0 : i32
    %dma_start3A_229 = tpu.memref_slice %arg4[%dma_start3A_227, %dma_start3A_228] : memref<20480x384xi32, #tpu.memory_space<hbm>> -> memref<20480x384xi32, #tpu.memory_space<hbm>>
    tpu.enqueue_indirect_dma source(%arg10 : memref<64x384xi32, #tpu.memory_space<vmem>>) target(%dma_start3A_229 : memref<20480x384xi32, #tpu.memory_space<hbm>>) offsets(%arg6 : memref<64xi32, #tpu.memory_space<vmem>>) semaphore(%arg14 : memref<!tpu.dma_semaphore, #tpu.memory_space<semaphore_mem>>)
    %dma_wait3A_230 = arith.constant 0 : i32
    %dma_wait3A_231 = arith.constant 0 : i32
    %dma_wait3A_232 = tpu.memref_slice %arg4[%dma_wait3A_230, %dma_wait3A_231] : memref<20480x384xi32, #tpu.memory_space<hbm>> -> memref<20480x384xi32, #tpu.memory_space<hbm>>
    tpu.wait_indirect_dma semaphore(%arg14 : memref<!tpu.dma_semaphore, #tpu.memory_space<semaphore_mem>>) src(%arg10 : memref<64x384xi32, #tpu.memory_space<vmem>>) dst(%dma_wait3A_232 : memref<20480x384xi32, #tpu.memory_space<hbm>>)
    %get3A_233 = arith.constant 128 : index
    %get3A_234 = tpu.vector_load %arg5[%get3A_233] {strides = array<i32>} : memref<512xi32, #tpu.memory_space<vmem>>, vector<16xi32>,
    %get3A_235 = vector.shape_cast %get3A_234 : vector<16xi32> to vector<16xi32>
    %swap3A_236 = arith.constant 0 : index
    %swap3A_237 = tpu.vector_load %arg6[%swap3A_236] {strides = array<i32>} : memref<64xi32, #tpu.memory_space<vmem>>, vector<16xi32>,
    %swap3A_238 = vector.shape_cast %swap3A_237 : vector<16xi32> to vector<16xi32>
    %swap3A_239 = vector.shape_cast %get3A_235 : vector<16xi32> to vector<16xi32>
    tpu.vector_store %arg6[%swap3A_236], %swap3A_239 {strides = array<i32>} : memref<64xi32, #tpu.memory_space<vmem>>, vector<16xi32>,
    %add3A_240 = arith.constant 128 : i32
    %add3A_241 = arith.addi %mul3A_2, %add3A_240 : i32
    %add3A_242 = arith.constant 0 : i32
    %add3A_243 = arith.addi %add3A_241, %add3A_242 : i32
    %broadcast_in_dim3A_244 = vector.broadcast %add3A_243 : i32 to vector<16xi32>
    %iota3A_245 = tpu.iota {dimensions = array<i32: 0>} : vector<16xi32>
    %add3A_246 = arith.addi %broadcast_in_dim3A_244, %iota3A_245 : vector<16xi32>
    %shift_right_arithmetic3A_247 = arith.constant 11 : i32
    %shift_right_arithmetic3A_248 = vector.broadcast %shift_right_arithmetic3A_247 : i32 to vector<16xi32>
    %shift_right_arithmetic3A_249 = arith.shrsi %add3A_246, %shift_right_arithmetic3A_248 : vector<16xi32>
    %shift_left3A_250 = arith.constant 10 : i32
    %shift_left3A_251 = vector.broadcast %shift_left3A_250 : i32 to vector<16xi32>
    %shift_left3A_252 = arith.shli %shift_right_arithmetic3A_249, %shift_left3A_251 : vector<16xi32>
    %and3A_253 = arith.constant 1023 : i32
    %and3A_254 = vector.broadcast %and3A_253 : i32 to vector<16xi32>
    %and3A_255 = arith.andi %add3A_246, %and3A_254 : vector<16xi32>
    %add3A_256 = arith.addi %shift_left3A_252, %and3A_255 : vector<16xi32>
    %swap3A_257 = arith.constant 0 : index
    %swap3A_258 = tpu.vector_load %arg8[%swap3A_257] {strides = array<i32>} : memref<64xi32, #tpu.memory_space<vmem>>, vector<16xi32>,
    %swap3A_259 = vector.shape_cast %swap3A_258 : vector<16xi32> to vector<16xi32>
    %swap3A_260 = vector.shape_cast %add3A_256 : vector<16xi32> to vector<16xi32>
    tpu.vector_store %arg8[%swap3A_257], %swap3A_260 {strides = array<i32>} : memref<64xi32, #tpu.memory_space<vmem>>, vector<16xi32>,
    %get3A_261 = arith.constant 144 : index
    %get3A_262 = tpu.vector_load %arg5[%get3A_261] {strides = array<i32>} : memref<512xi32, #tpu.memory_space<vmem>>, vector<16xi32>,
    %get3A_263 = vector.shape_cast %get3A_262 : vector<16xi32> to vector<16xi32>
    %swap3A_264 = arith.constant 16 : index
    %swap3A_265 = tpu.vector_load %arg6[%swap3A_264] {strides = array<i32>} : memref<64xi32, #tpu.memory_space<vmem>>, vector<16xi32>,
    %swap3A_266 = vector.shape_cast %swap3A_265 : vector<16xi32> to vector<16xi32>
    %swap3A_267 = vector.shape_cast %get3A_263 : vector<16xi32> to vector<16xi32>
    tpu.vector_store %arg6[%swap3A_264], %swap3A_267 {strides = array<i32>} : memref<64xi32, #tpu.memory_space<vmem>>, vector<16xi32>,
    %add3A_268 = arith.constant 128 : i32
    %add3A_269 = arith.addi %mul3A_2, %add3A_268 : i32
    %add3A_270 = arith.constant 16 : i32
    %add3A_271 = arith.addi %add3A_269, %add3A_270 : i32
    %broadcast_in_dim3A_272 = vector.broadcast %add3A_271 : i32 to vector<16xi32>
    %iota3A_273 = tpu.iota {dimensions = array<i32: 0>} : vector<16xi32>
    %add3A_274 = arith.addi %broadcast_in_dim3A_272, %iota3A_273 : vector<16xi32>
    %shift_right_arithmetic3A_275 = arith.constant 11 : i32
    %shift_right_arithmetic3A_276 = vector.broadcast %shift_right_arithmetic3A_275 : i32 to vector<16xi32>
    %shift_right_arithmetic3A_277 = arith.shrsi %add3A_274, %shift_right_arithmetic3A_276 : vector<16xi32>
    %shift_left3A_278 = arith.constant 10 : i32
    %shift_left3A_279 = vector.broadcast %shift_left3A_278 : i32 to vector<16xi32>
    %shift_left3A_280 = arith.shli %shift_right_arithmetic3A_277, %shift_left3A_279 : vector<16xi32>
    %and3A_281 = arith.constant 1023 : i32
    %and3A_282 = vector.broadcast %and3A_281 : i32 to vector<16xi32>
    %and3A_283 = arith.andi %add3A_274, %and3A_282 : vector<16xi32>
    %add3A_284 = arith.addi %shift_left3A_280, %and3A_283 : vector<16xi32>
    %swap3A_285 = arith.constant 16 : index
    %swap3A_286 = tpu.vector_load %arg8[%swap3A_285] {strides = array<i32>} : memref<64xi32, #tpu.memory_space<vmem>>, vector<16xi32>,
    %swap3A_287 = vector.shape_cast %swap3A_286 : vector<16xi32> to vector<16xi32>
    %swap3A_288 = vector.shape_cast %add3A_284 : vector<16xi32> to vector<16xi32>
    tpu.vector_store %arg8[%swap3A_285], %swap3A_288 {strides = array<i32>} : memref<64xi32, #tpu.memory_space<vmem>>, vector<16xi32>,
    %get3A_289 = arith.constant 160 : index
    %get3A_290 = tpu.vector_load %arg5[%get3A_289] {strides = array<i32>} : memref<512xi32, #tpu.memory_space<vmem>>, vector<16xi32>,
    %get3A_291 = vector.shape_cast %get3A_290 : vector<16xi32> to vector<16xi32>
    %swap3A_292 = arith.constant 32 : index
    %swap3A_293 = tpu.vector_load %arg6[%swap3A_292] {strides = array<i32>} : memref<64xi32, #tpu.memory_space<vmem>>, vector<16xi32>,
    %swap3A_294 = vector.shape_cast %swap3A_293 : vector<16xi32> to vector<16xi32>
    %swap3A_295 = vector.shape_cast %get3A_291 : vector<16xi32> to vector<16xi32>
    tpu.vector_store %arg6[%swap3A_292], %swap3A_295 {strides = array<i32>} : memref<64xi32, #tpu.memory_space<vmem>>, vector<16xi32>,
    %add3A_296 = arith.constant 128 : i32
    %add3A_297 = arith.addi %mul3A_2, %add3A_296 : i32
    %add3A_298 = arith.constant 32 : i32
    %add3A_299 = arith.addi %add3A_297, %add3A_298 : i32
    %broadcast_in_dim3A_300 = vector.broadcast %add3A_299 : i32 to vector<16xi32>
    %iota3A_301 = tpu.iota {dimensions = array<i32: 0>} : vector<16xi32>
    %add3A_302 = arith.addi %broadcast_in_dim3A_300, %iota3A_301 : vector<16xi32>
    %shift_right_arithmetic3A_303 = arith.constant 11 : i32
    %shift_right_arithmetic3A_304 = vector.broadcast %shift_right_arithmetic3A_303 : i32 to vector<16xi32>
    %shift_right_arithmetic3A_305 = arith.shrsi %add3A_302, %shift_right_arithmetic3A_304 : vector<16xi32>
    %shift_left3A_306 = arith.constant 10 : i32
    %shift_left3A_307 = vector.broadcast %shift_left3A_306 : i32 to vector<16xi32>
    %shift_left3A_308 = arith.shli %shift_right_arithmetic3A_305, %shift_left3A_307 : vector<16xi32>
    %and3A_309 = arith.constant 1023 : i32
    %and3A_310 = vector.broadcast %and3A_309 : i32 to vector<16xi32>
    %and3A_311 = arith.andi %add3A_302, %and3A_310 : vector<16xi32>
    %add3A_312 = arith.addi %shift_left3A_308, %and3A_311 : vector<16xi32>
    %swap3A_313 = arith.constant 32 : index
    %swap3A_314 = tpu.vector_load %arg8[%swap3A_313] {strides = array<i32>} : memref<64xi32, #tpu.memory_space<vmem>>, vector<16xi32>,
    %swap3A_315 = vector.shape_cast %swap3A_314 : vector<16xi32> to vector<16xi32>
    %swap3A_316 = vector.shape_cast %add3A_312 : vector<16xi32> to vector<16xi32>
    tpu.vector_store %arg8[%swap3A_313], %swap3A_316 {strides = array<i32>} : memref<64xi32, #tpu.memory_space<vmem>>, vector<16xi32>,
    %get3A_317 = arith.constant 176 : index
    %get3A_318 = tpu.vector_load %arg5[%get3A_317] {strides = array<i32>} : memref<512xi32, #tpu.memory_space<vmem>>, vector<16xi32>,
    %get3A_319 = vector.shape_cast %get3A_318 : vector<16xi32> to vector<16xi32>
    %swap3A_320 = arith.constant 48 : index
    %swap3A_321 = tpu.vector_load %arg6[%swap3A_320] {strides = array<i32>} : memref<64xi32, #tpu.memory_space<vmem>>, vector<16xi32>,
    %swap3A_322 = vector.shape_cast %swap3A_321 : vector<16xi32> to vector<16xi32>
    %swap3A_323 = vector.shape_cast %get3A_319 : vector<16xi32> to vector<16xi32>
    tpu.vector_store %arg6[%swap3A_320], %swap3A_323 {strides = array<i32>} : memref<64xi32, #tpu.memory_space<vmem>>, vector<16xi32>,
    %add3A_324 = arith.constant 128 : i32
    %add3A_325 = arith.addi %mul3A_2, %add3A_324 : i32
    %add3A_326 = arith.constant 48 : i32
    %add3A_327 = arith.addi %add3A_325, %add3A_326 : i32
    %broadcast_in_dim3A_328 = vector.broadcast %add3A_327 : i32 to vector<16xi32>
    %iota3A_329 = tpu.iota {dimensions = array<i32: 0>} : vector<16xi32>
    %add3A_330 = arith.addi %broadcast_in_dim3A_328, %iota3A_329 : vector<16xi32>
    %shift_right_arithmetic3A_331 = arith.constant 11 : i32
    %shift_right_arithmetic3A_332 = vector.broadcast %shift_right_arithmetic3A_331 : i32 to vector<16xi32>
    %shift_right_arithmetic3A_333 = arith.shrsi %add3A_330, %shift_right_arithmetic3A_332 : vector<16xi32>
    %shift_left3A_334 = arith.constant 10 : i32
    %shift_left3A_335 = vector.broadcast %shift_left3A_334 : i32 to vector<16xi32>
    %shift_left3A_336 = arith.shli %shift_right_arithmetic3A_333, %shift_left3A_335 : vector<16xi32>
    %and3A_337 = arith.constant 1023 : i32
    %and3A_338 = vector.broadcast %and3A_337 : i32 to vector<16xi32>
    %and3A_339 = arith.andi %add3A_330, %and3A_338 : vector<16xi32>
    %add3A_340 = arith.addi %shift_left3A_336, %and3A_339 : vector<16xi32>
    %swap3A_341 = arith.constant 48 : index
    %swap3A_342 = tpu.vector_load %arg8[%swap3A_341] {strides = array<i32>} : memref<64xi32, #tpu.memory_space<vmem>>, vector<16xi32>,
    %swap3A_343 = vector.shape_cast %swap3A_342 : vector<16xi32> to vector<16xi32>
    %swap3A_344 = vector.shape_cast %add3A_340 : vector<16xi32> to vector<16xi32>
    tpu.vector_store %arg8[%swap3A_341], %swap3A_344 {strides = array<i32>} : memref<64xi32, #tpu.memory_space<vmem>>, vector<16xi32>,
    %dma_start3A_345 = arith.constant 0 : i32
    %dma_start3A_346 = arith.constant 0 : i32
    %dma_start3A_347 = tpu.memref_slice %arg2[%dma_start3A_345, %dma_start3A_346] : memref<8192x384xi32, #tpu.memory_space<hbm>> -> memref<8192x384xi32, #tpu.memory_space<hbm>>
    tpu.enqueue_indirect_dma source(%dma_start3A_347 : memref<8192x384xi32, #tpu.memory_space<hbm>>) target(%arg10 : memref<64x384xi32, #tpu.memory_space<vmem>>) offsets(%arg8 : memref<64xi32, #tpu.memory_space<vmem>>) semaphore(%arg12 : memref<!tpu.dma_semaphore, #tpu.memory_space<semaphore_mem>>)
    %dma_wait3A_348 = arith.constant 0 : i32
    %dma_wait3A_349 = arith.constant 0 : i32
    %dma_wait3A_350 = tpu.memref_slice %arg2[%dma_wait3A_348, %dma_wait3A_349] : memref<8192x384xi32, #tpu.memory_space<hbm>> -> memref<8192x384xi32, #tpu.memory_space<hbm>>
    tpu.wait_indirect_dma semaphore(%arg13 : memref<!tpu.dma_semaphore, #tpu.memory_space<semaphore_mem>>) src(%dma_wait3A_350 : memref<8192x384xi32, #tpu.memory_space<hbm>>) dst(%arg11 : memref<64x384xi32, #tpu.memory_space<vmem>>)
    %dma_start3A_351 = arith.constant 0 : i32
    %dma_start3A_352 = arith.constant 0 : i32
    %dma_start3A_353 = tpu.memref_slice %arg4[%dma_start3A_351, %dma_start3A_352] : memref<20480x384xi32, #tpu.memory_space<hbm>> -> memref<20480x384xi32, #tpu.memory_space<hbm>>
    tpu.enqueue_indirect_dma source(%arg11 : memref<64x384xi32, #tpu.memory_space<vmem>>) target(%dma_start3A_353 : memref<20480x384xi32, #tpu.memory_space<hbm>>) offsets(%arg7 : memref<64xi32, #tpu.memory_space<vmem>>) semaphore(%arg15 : memref<!tpu.dma_semaphore, #tpu.memory_space<semaphore_mem>>)
    %dma_wait3A_354 = arith.constant 0 : i32
    %dma_wait3A_355 = arith.constant 0 : i32
    %dma_wait3A_356 = tpu.memref_slice %arg4[%dma_wait3A_354, %dma_wait3A_355] : memref<20480x384xi32, #tpu.memory_space<hbm>> -> memref<20480x384xi32, #tpu.memory_space<hbm>>
    tpu.wait_indirect_dma semaphore(%arg15 : memref<!tpu.dma_semaphore, #tpu.memory_space<semaphore_mem>>) src(%arg11 : memref<64x384xi32, #tpu.memory_space<vmem>>) dst(%dma_wait3A_356 : memref<20480x384xi32, #tpu.memory_space<hbm>>)
    %get3A_357 = arith.constant 192 : index
    %get3A_358 = tpu.vector_load %arg5[%get3A_357] {strides = array<i32>} : memref<512xi32, #tpu.memory_space<vmem>>, vector<16xi32>,
    %get3A_359 = vector.shape_cast %get3A_358 : vector<16xi32> to vector<16xi32>
    %swap3A_360 = arith.constant 0 : index
    %swap3A_361 = tpu.vector_load %arg7[%swap3A_360] {strides = array<i32>} : memref<64xi32, #tpu.memory_space<vmem>>, vector<16xi32>,
    %swap3A_362 = vector.shape_cast %swap3A_361 : vector<16xi32> to vector<16xi32>
    %swap3A_363 = vector.shape_cast %get3A_359 : vector<16xi32> to vector<16xi32>
    tpu.vector_store %arg7[%swap3A_360], %swap3A_363 {strides = array<i32>} : memref<64xi32, #tpu.memory_space<vmem>>, vector<16xi32>,
    %add3A_364 = arith.constant 192 : i32
    %add3A_365 = arith.addi %mul3A_2, %add3A_364 : i32
    %add3A_366 = arith.constant 0 : i32
    %add3A_367 = arith.addi %add3A_365, %add3A_366 : i32
    %broadcast_in_dim3A_368 = vector.broadcast %add3A_367 : i32 to vector<16xi32>
    %iota3A_369 = tpu.iota {dimensions = array<i32: 0>} : vector<16xi32>
    %add3A_370 = arith.addi %broadcast_in_dim3A_368, %iota3A_369 : vector<16xi32>
    %shift_right_arithmetic3A_371 = arith.constant 11 : i32
    %shift_right_arithmetic3A_372 = vector.broadcast %shift_right_arithmetic3A_371 : i32 to vector<16xi32>
    %shift_right_arithmetic3A_373 = arith.shrsi %add3A_370, %shift_right_arithmetic3A_372 : vector<16xi32>
    %shift_left3A_374 = arith.constant 10 : i32
    %shift_left3A_375 = vector.broadcast %shift_left3A_374 : i32 to vector<16xi32>
    %shift_left3A_376 = arith.shli %shift_right_arithmetic3A_373, %shift_left3A_375 : vector<16xi32>
    %and3A_377 = arith.constant 1023 : i32
    %and3A_378 = vector.broadcast %and3A_377 : i32 to vector<16xi32>
    %and3A_379 = arith.andi %add3A_370, %and3A_378 : vector<16xi32>
    %add3A_380 = arith.addi %shift_left3A_376, %and3A_379 : vector<16xi32>
    %swap3A_381 = arith.constant 0 : index
    %swap3A_382 = tpu.vector_load %arg9[%swap3A_381] {strides = array<i32>} : memref<64xi32, #tpu.memory_space<vmem>>, vector<16xi32>,
    %swap3A_383 = vector.shape_cast %swap3A_382 : vector<16xi32> to vector<16xi32>
    %swap3A_384 = vector.shape_cast %add3A_380 : vector<16xi32> to vector<16xi32>
    tpu.vector_store %arg9[%swap3A_381], %swap3A_384 {strides = array<i32>} : memref<64xi32, #tpu.memory_space<vmem>>, vector<16xi32>,
    %get3A_385 = arith.constant 208 : index
    %get3A_386 = tpu.vector_load %arg5[%get3A_385] {strides = array<i32>} : memref<512xi32, #tpu.memory_space<vmem>>, vector<16xi32>,
    %get3A_387 = vector.shape_cast %get3A_386 : vector<16xi32> to vector<16xi32>
    %swap3A_388 = arith.constant 16 : index
    %swap3A_389 = tpu.vector_load %arg7[%swap3A_388] {strides = array<i32>} : memref<64xi32, #tpu.memory_space<vmem>>, vector<16xi32>,
    %swap3A_390 = vector.shape_cast %swap3A_389 : vector<16xi32> to vector<16xi32>
    %swap3A_391 = vector.shape_cast %get3A_387 : vector<16xi32> to vector<16xi32>
    tpu.vector_store %arg7[%swap3A_388], %swap3A_391 {strides = array<i32>} : memref<64xi32, #tpu.memory_space<vmem>>, vector<16xi32>,
    %add3A_392 = arith.constant 192 : i32
    %add3A_393 = arith.addi %mul3A_2, %add3A_392 : i32
    %add3A_394 = arith.constant 16 : i32
    %add3A_395 = arith.addi %add3A_393, %add3A_394 : i32
    %broadcast_in_dim3A_396 = vector.broadcast %add3A_395 : i32 to vector<16xi32>
    %iota3A_397 = tpu.iota {dimensions = array<i32: 0>} : vector<16xi32>
    %add3A_398 = arith.addi %broadcast_in_dim3A_396, %iota3A_397 : vector<16xi32>
    %shift_right_arithmetic3A_399 = arith.constant 11 : i32
    %shift_right_arithmetic3A_400 = vector.broadcast %shift_right_arithmetic3A_399 : i32 to vector<16xi32>
    %shift_right_arithmetic3A_401 = arith.shrsi %add3A_398, %shift_right_arithmetic3A_400 : vector<16xi32>
    %shift_left3A_402 = arith.constant 10 : i32
    %shift_left3A_403 = vector.broadcast %shift_left3A_402 : i32 to vector<16xi32>
    %shift_left3A_404 = arith.shli %shift_right_arithmetic3A_401, %shift_left3A_403 : vector<16xi32>
    %and3A_405 = arith.constant 1023 : i32
    %and3A_406 = vector.broadcast %and3A_405 : i32 to vector<16xi32>
    %and3A_407 = arith.andi %add3A_398, %and3A_406 : vector<16xi32>
    %add3A_408 = arith.addi %shift_left3A_404, %and3A_407 : vector<16xi32>
    %swap3A_409 = arith.constant 16 : index
    %swap3A_410 = tpu.vector_load %arg9[%swap3A_409] {strides = array<i32>} : memref<64xi32, #tpu.memory_space<vmem>>, vector<16xi32>,
    %swap3A_411 = vector.shape_cast %swap3A_410 : vector<16xi32> to vector<16xi32>
    %swap3A_412 = vector.shape_cast %add3A_408 : vector<16xi32> to vector<16xi32>
    tpu.vector_store %arg9[%swap3A_409], %swap3A_412 {strides = array<i32>} : memref<64xi32, #tpu.memory_space<vmem>>, vector<16xi32>,
    %get3A_413 = arith.constant 224 : index
    %get3A_414 = tpu.vector_load %arg5[%get3A_413] {strides = array<i32>} : memref<512xi32, #tpu.memory_space<vmem>>, vector<16xi32>,
    %get3A_415 = vector.shape_cast %get3A_414 : vector<16xi32> to vector<16xi32>
    %swap3A_416 = arith.constant 32 : index
    %swap3A_417 = tpu.vector_load %arg7[%swap3A_416] {strides = array<i32>} : memref<64xi32, #tpu.memory_space<vmem>>, vector<16xi32>,
    %swap3A_418 = vector.shape_cast %swap3A_417 : vector<16xi32> to vector<16xi32>
    %swap3A_419 = vector.shape_cast %get3A_415 : vector<16xi32> to vector<16xi32>
    tpu.vector_store %arg7[%swap3A_416], %swap3A_419 {strides = array<i32>} : memref<64xi32, #tpu.memory_space<vmem>>, vector<16xi32>,
    %add3A_420 = arith.constant 192 : i32
    %add3A_421 = arith.addi %mul3A_2, %add3A_420 : i32
    %add3A_422 = arith.constant 32 : i32
    %add3A_423 = arith.addi %add3A_421, %add3A_422 : i32
    %broadcast_in_dim3A_424 = vector.broadcast %add3A_423 : i32 to vector<16xi32>
    %iota3A_425 = tpu.iota {dimensions = array<i32: 0>} : vector<16xi32>
    %add3A_426 = arith.addi %broadcast_in_dim3A_424, %iota3A_425 : vector<16xi32>
    %shift_right_arithmetic3A_427 = arith.constant 11 : i32
    %shift_right_arithmetic3A_428 = vector.broadcast %shift_right_arithmetic3A_427 : i32 to vector<16xi32>
    %shift_right_arithmetic3A_429 = arith.shrsi %add3A_426, %shift_right_arithmetic3A_428 : vector<16xi32>
    %shift_left3A_430 = arith.constant 10 : i32
    %shift_left3A_431 = vector.broadcast %shift_left3A_430 : i32 to vector<16xi32>
    %shift_left3A_432 = arith.shli %shift_right_arithmetic3A_429, %shift_left3A_431 : vector<16xi32>
    %and3A_433 = arith.constant 1023 : i32
    %and3A_434 = vector.broadcast %and3A_433 : i32 to vector<16xi32>
    %and3A_435 = arith.andi %add3A_426, %and3A_434 : vector<16xi32>
    %add3A_436 = arith.addi %shift_left3A_432, %and3A_435 : vector<16xi32>
    %swap3A_437 = arith.constant 32 : index
    %swap3A_438 = tpu.vector_load %arg9[%swap3A_437] {strides = array<i32>} : memref<64xi32, #tpu.memory_space<vmem>>, vector<16xi32>,
    %swap3A_439 = vector.shape_cast %swap3A_438 : vector<16xi32> to vector<16xi32>
    %swap3A_440 = vector.shape_cast %add3A_436 : vector<16xi32> to vector<16xi32>
    tpu.vector_store %arg9[%swap3A_437], %swap3A_440 {strides = array<i32>} : memref<64xi32, #tpu.memory_space<vmem>>, vector<16xi32>,
    %get3A_441 = arith.constant 240 : index
    %get3A_442 = tpu.vector_load %arg5[%get3A_441] {strides = array<i32>} : memref<512xi32, #tpu.memory_space<vmem>>, vector<16xi32>,
    %get3A_443 = vector.shape_cast %get3A_442 : vector<16xi32> to vector<16xi32>
    %swap3A_444 = arith.constant 48 : index
    %swap3A_445 = tpu.vector_load %arg7[%swap3A_444] {strides = array<i32>} : memref<64xi32, #tpu.memory_space<vmem>>, vector<16xi32>,
    %swap3A_446 = vector.shape_cast %swap3A_445 : vector<16xi32> to vector<16xi32>
    %swap3A_447 = vector.shape_cast %get3A_443 : vector<16xi32> to vector<16xi32>
    tpu.vector_store %arg7[%swap3A_444], %swap3A_447 {strides = array<i32>} : memref<64xi32, #tpu.memory_space<vmem>>, vector<16xi32>,
    %add3A_448 = arith.constant 192 : i32
    %add3A_449 = arith.addi %mul3A_2, %add3A_448 : i32
    %add3A_450 = arith.constant 48 : i32
    %add3A_451 = arith.addi %add3A_449, %add3A_450 : i32
    %broadcast_in_dim3A_452 = vector.broadcast %add3A_451 : i32 to vector<16xi32>
    %iota3A_453 = tpu.iota {dimensions = array<i32: 0>} : vector<16xi32>
    %add3A_454 = arith.addi %broadcast_in_dim3A_452, %iota3A_453 : vector<16xi32>
    %shift_right_arithmetic3A_455 = arith.constant 11 : i32
    %shift_right_arithmetic3A_456 = vector.broadcast %shift_right_arithmetic3A_455 : i32 to vector<16xi32>
    %shift_right_arithmetic3A_457 = arith.shrsi %add3A_454, %shift_right_arithmetic3A_456 : vector<16xi32>
    %shift_left3A_458 = arith.constant 10 : i32
    %shift_left3A_459 = vector.broadcast %shift_left3A_458 : i32 to vector<16xi32>
    %shift_left3A_460 = arith.shli %shift_right_arithmetic3A_457, %shift_left3A_459 : vector<16xi32>
    %and3A_461 = arith.constant 1023 : i32
    %and3A_462 = vector.broadcast %and3A_461 : i32 to vector<16xi32>
    %and3A_463 = arith.andi %add3A_454, %and3A_462 : vector<16xi32>
    %add3A_464 = arith.addi %shift_left3A_460, %and3A_463 : vector<16xi32>
    %swap3A_465 = arith.constant 48 : index
    %swap3A_466 = tpu.vector_load %arg9[%swap3A_465] {strides = array<i32>} : memref<64xi32, #tpu.memory_space<vmem>>, vector<16xi32>,
    %swap3A_467 = vector.shape_cast %swap3A_466 : vector<16xi32> to vector<16xi32>
    %swap3A_468 = vector.shape_cast %add3A_464 : vector<16xi32> to vector<16xi32>
    tpu.vector_store %arg9[%swap3A_465], %swap3A_468 {strides = array<i32>} : memref<64xi32, #tpu.memory_space<vmem>>, vector<16xi32>,
    %dma_start3A_469 = arith.constant 0 : i32
    %dma_start3A_470 = arith.constant 0 : i32
    %dma_start3A_471 = tpu.memref_slice %arg2[%dma_start3A_469, %dma_start3A_470] : memref<8192x384xi32, #tpu.memory_space<hbm>> -> memref<8192x384xi32, #tpu.memory_space<hbm>>
    tpu.enqueue_indirect_dma source(%dma_start3A_471 : memref<8192x384xi32, #tpu.memory_space<hbm>>) target(%arg11 : memref<64x384xi32, #tpu.memory_space<vmem>>) offsets(%arg9 : memref<64xi32, #tpu.memory_space<vmem>>) semaphore(%arg13 : memref<!tpu.dma_semaphore, #tpu.memory_space<semaphore_mem>>)
    %dma_wait3A_472 = arith.constant 0 : i32
    %dma_wait3A_473 = arith.constant 0 : i32
    %dma_wait3A_474 = tpu.memref_slice %arg2[%dma_wait3A_472, %dma_wait3A_473] : memref<8192x384xi32, #tpu.memory_space<hbm>> -> memref<8192x384xi32, #tpu.memory_space<hbm>>
    tpu.wait_indirect_dma semaphore(%arg12 : memref<!tpu.dma_semaphore, #tpu.memory_space<semaphore_mem>>) src(%dma_wait3A_474 : memref<8192x384xi32, #tpu.memory_space<hbm>>) dst(%arg10 : memref<64x384xi32, #tpu.memory_space<vmem>>)
    %dma_start3A_475 = arith.constant 0 : i32
    %dma_start3A_476 = arith.constant 0 : i32
    %dma_start3A_477 = tpu.memref_slice %arg4[%dma_start3A_475, %dma_start3A_476] : memref<20480x384xi32, #tpu.memory_space<hbm>> -> memref<20480x384xi32, #tpu.memory_space<hbm>>
    tpu.enqueue_indirect_dma source(%arg10 : memref<64x384xi32, #tpu.memory_space<vmem>>) target(%dma_start3A_477 : memref<20480x384xi32, #tpu.memory_space<hbm>>) offsets(%arg6 : memref<64xi32, #tpu.memory_space<vmem>>) semaphore(%arg14 : memref<!tpu.dma_semaphore, #tpu.memory_space<semaphore_mem>>)
    %dma_wait3A_478 = arith.constant 0 : i32
    %dma_wait3A_479 = arith.constant 0 : i32
    %dma_wait3A_480 = tpu.memref_slice %arg4[%dma_wait3A_478, %dma_wait3A_479] : memref<20480x384xi32, #tpu.memory_space<hbm>> -> memref<20480x384xi32, #tpu.memory_space<hbm>>
    tpu.wait_indirect_dma semaphore(%arg14 : memref<!tpu.dma_semaphore, #tpu.memory_space<semaphore_mem>>) src(%arg10 : memref<64x384xi32, #tpu.memory_space<vmem>>) dst(%dma_wait3A_480 : memref<20480x384xi32, #tpu.memory_space<hbm>>)
    %get3A_481 = arith.constant 256 : index
    %get3A_482 = tpu.vector_load %arg5[%get3A_481] {strides = array<i32>} : memref<512xi32, #tpu.memory_space<vmem>>, vector<16xi32>,
    %get3A_483 = vector.shape_cast %get3A_482 : vector<16xi32> to vector<16xi32>
    %swap3A_484 = arith.constant 0 : index
    %swap3A_485 = tpu.vector_load %arg6[%swap3A_484] {strides = array<i32>} : memref<64xi32, #tpu.memory_space<vmem>>, vector<16xi32>,
    %swap3A_486 = vector.shape_cast %swap3A_485 : vector<16xi32> to vector<16xi32>
    %swap3A_487 = vector.shape_cast %get3A_483 : vector<16xi32> to vector<16xi32>
    tpu.vector_store %arg6[%swap3A_484], %swap3A_487 {strides = array<i32>} : memref<64xi32, #tpu.memory_space<vmem>>, vector<16xi32>,
    %add3A_488 = arith.constant 256 : i32
    %add3A_489 = arith.addi %mul3A_2, %add3A_488 : i32
    %add3A_490 = arith.constant 0 : i32
    %add3A_491 = arith.addi %add3A_489, %add3A_490 : i32
    %broadcast_in_dim3A_492 = vector.broadcast %add3A_491 : i32 to vector<16xi32>
    %iota3A_493 = tpu.iota {dimensions = array<i32: 0>} : vector<16xi32>
    %add3A_494 = arith.addi %broadcast_in_dim3A_492, %iota3A_493 : vector<16xi32>
    %shift_right_arithmetic3A_495 = arith.constant 11 : i32
    %shift_right_arithmetic3A_496 = vector.broadcast %shift_right_arithmetic3A_495 : i32 to vector<16xi32>
    %shift_right_arithmetic3A_497 = arith.shrsi %add3A_494, %shift_right_arithmetic3A_496 : vector<16xi32>
    %shift_left3A_498 = arith.constant 10 : i32
    %shift_left3A_499 = vector.broadcast %shift_left3A_498 : i32 to vector<16xi32>
    %shift_left3A_500 = arith.shli %shift_right_arithmetic3A_497, %shift_left3A_499 : vector<16xi32>
    %and3A_501 = arith.constant 1023 : i32
    %and3A_502 = vector.broadcast %and3A_501 : i32 to vector<16xi32>
    %and3A_503 = arith.andi %add3A_494, %and3A_502 : vector<16xi32>
    %add3A_504 = arith.addi %shift_left3A_500, %and3A_503 : vector<16xi32>
    %swap3A_505 = arith.constant 0 : index
    %swap3A_506 = tpu.vector_load %arg8[%swap3A_505] {strides = array<i32>} : memref<64xi32, #tpu.memory_space<vmem>>, vector<16xi32>,
    %swap3A_507 = vector.shape_cast %swap3A_506 : vector<16xi32> to vector<16xi32>
    %swap3A_508 = vector.shape_cast %add3A_504 : vector<16xi32> to vector<16xi32>
    tpu.vector_store %arg8[%swap3A_505], %swap3A_508 {strides = array<i32>} : memref<64xi32, #tpu.memory_space<vmem>>, vector<16xi32>,
    %get3A_509 = arith.constant 272 : index
    %get3A_510 = tpu.vector_load %arg5[%get3A_509] {strides = array<i32>} : memref<512xi32, #tpu.memory_space<vmem>>, vector<16xi32>,
    %get3A_511 = vector.shape_cast %get3A_510 : vector<16xi32> to vector<16xi32>
    %swap3A_512 = arith.constant 16 : index
    %swap3A_513 = tpu.vector_load %arg6[%swap3A_512] {strides = array<i32>} : memref<64xi32, #tpu.memory_space<vmem>>, vector<16xi32>,
    %swap3A_514 = vector.shape_cast %swap3A_513 : vector<16xi32> to vector<16xi32>
    %swap3A_515 = vector.shape_cast %get3A_511 : vector<16xi32> to vector<16xi32>
    tpu.vector_store %arg6[%swap3A_512], %swap3A_515 {strides = array<i32>} : memref<64xi32, #tpu.memory_space<vmem>>, vector<16xi32>,
    %add3A_516 = arith.constant 256 : i32
    %add3A_517 = arith.addi %mul3A_2, %add3A_516 : i32
    %add3A_518 = arith.constant 16 : i32
    %add3A_519 = arith.addi %add3A_517, %add3A_518 : i32
    %broadcast_in_dim3A_520 = vector.broadcast %add3A_519 : i32 to vector<16xi32>
    %iota3A_521 = tpu.iota {dimensions = array<i32: 0>} : vector<16xi32>
    %add3A_522 = arith.addi %broadcast_in_dim3A_520, %iota3A_521 : vector<16xi32>
    %shift_right_arithmetic3A_523 = arith.constant 11 : i32
    %shift_right_arithmetic3A_524 = vector.broadcast %shift_right_arithmetic3A_523 : i32 to vector<16xi32>
    %shift_right_arithmetic3A_525 = arith.shrsi %add3A_522, %shift_right_arithmetic3A_524 : vector<16xi32>
    %shift_left3A_526 = arith.constant 10 : i32
    %shift_left3A_527 = vector.broadcast %shift_left3A_526 : i32 to vector<16xi32>
    %shift_left3A_528 = arith.shli %shift_right_arithmetic3A_525, %shift_left3A_527 : vector<16xi32>
    %and3A_529 = arith.constant 1023 : i32
    %and3A_530 = vector.broadcast %and3A_529 : i32 to vector<16xi32>
    %and3A_531 = arith.andi %add3A_522, %and3A_530 : vector<16xi32>
    %add3A_532 = arith.addi %shift_left3A_528, %and3A_531 : vector<16xi32>
    %swap3A_533 = arith.constant 16 : index
    %swap3A_534 = tpu.vector_load %arg8[%swap3A_533] {strides = array<i32>} : memref<64xi32, #tpu.memory_space<vmem>>, vector<16xi32>,
    %swap3A_535 = vector.shape_cast %swap3A_534 : vector<16xi32> to vector<16xi32>
    %swap3A_536 = vector.shape_cast %add3A_532 : vector<16xi32> to vector<16xi32>
    tpu.vector_store %arg8[%swap3A_533], %swap3A_536 {strides = array<i32>} : memref<64xi32, #tpu.memory_space<vmem>>, vector<16xi32>,
    %get3A_537 = arith.constant 288 : index
    %get3A_538 = tpu.vector_load %arg5[%get3A_537] {strides = array<i32>} : memref<512xi32, #tpu.memory_space<vmem>>, vector<16xi32>,
    %get3A_539 = vector.shape_cast %get3A_538 : vector<16xi32> to vector<16xi32>
    %swap3A_540 = arith.constant 32 : index
    %swap3A_541 = tpu.vector_load %arg6[%swap3A_540] {strides = array<i32>} : memref<64xi32, #tpu.memory_space<vmem>>, vector<16xi32>,
    %swap3A_542 = vector.shape_cast %swap3A_541 : vector<16xi32> to vector<16xi32>
    %swap3A_543 = vector.shape_cast %get3A_539 : vector<16xi32> to vector<16xi32>
    tpu.vector_store %arg6[%swap3A_540], %swap3A_543 {strides = array<i32>} : memref<64xi32, #tpu.memory_space<vmem>>, vector<16xi32>,
    %add3A_544 = arith.constant 256 : i32
    %add3A_545 = arith.addi %mul3A_2, %add3A_544 : i32
    %add3A_546 = arith.constant 32 : i32
    %add3A_547 = arith.addi %add3A_545, %add3A_546 : i32
    %broadcast_in_dim3A_548 = vector.broadcast %add3A_547 : i32 to vector<16xi32>
    %iota3A_549 = tpu.iota {dimensions = array<i32: 0>} : vector<16xi32>
    %add3A_550 = arith.addi %broadcast_in_dim3A_548, %iota3A_549 : vector<16xi32>
    %shift_right_arithmetic3A_551 = arith.constant 11 : i32
    %shift_right_arithmetic3A_552 = vector.broadcast %shift_right_arithmetic3A_551 : i32 to vector<16xi32>
    %shift_right_arithmetic3A_553 = arith.shrsi %add3A_550, %shift_right_arithmetic3A_552 : vector<16xi32>
    %shift_left3A_554 = arith.constant 10 : i32
    %shift_left3A_555 = vector.broadcast %shift_left3A_554 : i32 to vector<16xi32>
    %shift_left3A_556 = arith.shli %shift_right_arithmetic3A_553, %shift_left3A_555 : vector<16xi32>
    %and3A_557 = arith.constant 1023 : i32
    %and3A_558 = vector.broadcast %and3A_557 : i32 to vector<16xi32>
    %and3A_559 = arith.andi %add3A_550, %and3A_558 : vector<16xi32>
    %add3A_560 = arith.addi %shift_left3A_556, %and3A_559 : vector<16xi32>
    %swap3A_561 = arith.constant 32 : index
    %swap3A_562 = tpu.vector_load %arg8[%swap3A_561] {strides = array<i32>} : memref<64xi32, #tpu.memory_space<vmem>>, vector<16xi32>,
    %swap3A_563 = vector.shape_cast %swap3A_562 : vector<16xi32> to vector<16xi32>
    %swap3A_564 = vector.shape_cast %add3A_560 : vector<16xi32> to vector<16xi32>
    tpu.vector_store %arg8[%swap3A_561], %swap3A_564 {strides = array<i32>} : memref<64xi32, #tpu.memory_space<vmem>>, vector<16xi32>,
    %get3A_565 = arith.constant 304 : index
    %get3A_566 = tpu.vector_load %arg5[%get3A_565] {strides = array<i32>} : memref<512xi32, #tpu.memory_space<vmem>>, vector<16xi32>,
    %get3A_567 = vector.shape_cast %get3A_566 : vector<16xi32> to vector<16xi32>
    %swap3A_568 = arith.constant 48 : index
    %swap3A_569 = tpu.vector_load %arg6[%swap3A_568] {strides = array<i32>} : memref<64xi32, #tpu.memory_space<vmem>>, vector<16xi32>,
    %swap3A_570 = vector.shape_cast %swap3A_569 : vector<16xi32> to vector<16xi32>
    %swap3A_571 = vector.shape_cast %get3A_567 : vector<16xi32> to vector<16xi32>
    tpu.vector_store %arg6[%swap3A_568], %swap3A_571 {strides = array<i32>} : memref<64xi32, #tpu.memory_space<vmem>>, vector<16xi32>,
    %add3A_572 = arith.constant 256 : i32
    %add3A_573 = arith.addi %mul3A_2, %add3A_572 : i32
    %add3A_574 = arith.constant 48 : i32
    %add3A_575 = arith.addi %add3A_573, %add3A_574 : i32
    %broadcast_in_dim3A_576 = vector.broadcast %add3A_575 : i32 to vector<16xi32>
    %iota3A_577 = tpu.iota {dimensions = array<i32: 0>} : vector<16xi32>
    %add3A_578 = arith.addi %broadcast_in_dim3A_576, %iota3A_577 : vector<16xi32>
    %shift_right_arithmetic3A_579 = arith.constant 11 : i32
    %shift_right_arithmetic3A_580 = vector.broadcast %shift_right_arithmetic3A_579 : i32 to vector<16xi32>
    %shift_right_arithmetic3A_581 = arith.shrsi %add3A_578, %shift_right_arithmetic3A_580 : vector<16xi32>
    %shift_left3A_582 = arith.constant 10 : i32
    %shift_left3A_583 = vector.broadcast %shift_left3A_582 : i32 to vector<16xi32>
    %shift_left3A_584 = arith.shli %shift_right_arithmetic3A_581, %shift_left3A_583 : vector<16xi32>
    %and3A_585 = arith.constant 1023 : i32
    %and3A_586 = vector.broadcast %and3A_585 : i32 to vector<16xi32>
    %and3A_587 = arith.andi %add3A_578, %and3A_586 : vector<16xi32>
    %add3A_588 = arith.addi %shift_left3A_584, %and3A_587 : vector<16xi32>
    %swap3A_589 = arith.constant 48 : index
    %swap3A_590 = tpu.vector_load %arg8[%swap3A_589] {strides = array<i32>} : memref<64xi32, #tpu.memory_space<vmem>>, vector<16xi32>,
    %swap3A_591 = vector.shape_cast %swap3A_590 : vector<16xi32> to vector<16xi32>
    %swap3A_592 = vector.shape_cast %add3A_588 : vector<16xi32> to vector<16xi32>
    tpu.vector_store %arg8[%swap3A_589], %swap3A_592 {strides = array<i32>} : memref<64xi32, #tpu.memory_space<vmem>>, vector<16xi32>,
    %dma_start3A_593 = arith.constant 0 : i32
    %dma_start3A_594 = arith.constant 0 : i32
    %dma_start3A_595 = tpu.memref_slice %arg2[%dma_start3A_593, %dma_start3A_594] : memref<8192x384xi32, #tpu.memory_space<hbm>> -> memref<8192x384xi32, #tpu.memory_space<hbm>>
    tpu.enqueue_indirect_dma source(%dma_start3A_595 : memref<8192x384xi32, #tpu.memory_space<hbm>>) target(%arg10 : memref<64x384xi32, #tpu.memory_space<vmem>>) offsets(%arg8 : memref<64xi32, #tpu.memory_space<vmem>>) semaphore(%arg12 : memref<!tpu.dma_semaphore, #tpu.memory_space<semaphore_mem>>)
    %dma_wait3A_596 = arith.constant 0 : i32
    %dma_wait3A_597 = arith.constant 0 : i32
    %dma_wait3A_598 = tpu.memref_slice %arg2[%dma_wait3A_596, %dma_wait3A_597] : memref<8192x384xi32, #tpu.memory_space<hbm>> -> memref<8192x384xi32, #tpu.memory_space<hbm>>
    tpu.wait_indirect_dma semaphore(%arg13 : memref<!tpu.dma_semaphore, #tpu.memory_space<semaphore_mem>>) src(%dma_wait3A_598 : memref<8192x384xi32, #tpu.memory_space<hbm>>) dst(%arg11 : memref<64x384xi32, #tpu.memory_space<vmem>>)
    %dma_start3A_599 = arith.constant 0 : i32
    %dma_start3A_600 = arith.constant 0 : i32
    %dma_start3A_601 = tpu.memref_slice %arg4[%dma_start3A_599, %dma_start3A_600] : memref<20480x384xi32, #tpu.memory_space<hbm>> -> memref<20480x384xi32, #tpu.memory_space<hbm>>
    tpu.enqueue_indirect_dma source(%arg11 : memref<64x384xi32, #tpu.memory_space<vmem>>) target(%dma_start3A_601 : memref<20480x384xi32, #tpu.memory_space<hbm>>) offsets(%arg7 : memref<64xi32, #tpu.memory_space<vmem>>) semaphore(%arg15 : memref<!tpu.dma_semaphore, #tpu.memory_space<semaphore_mem>>)
    %dma_wait3A_602 = arith.constant 0 : i32
    %dma_wait3A_603 = arith.constant 0 : i32
    %dma_wait3A_604 = tpu.memref_slice %arg4[%dma_wait3A_602, %dma_wait3A_603] : memref<20480x384xi32, #tpu.memory_space<hbm>> -> memref<20480x384xi32, #tpu.memory_space<hbm>>
    tpu.wait_indirect_dma semaphore(%arg15 : memref<!tpu.dma_semaphore, #tpu.memory_space<semaphore_mem>>) src(%arg11 : memref<64x384xi32, #tpu.memory_space<vmem>>) dst(%dma_wait3A_604 : memref<20480x384xi32, #tpu.memory_space<hbm>>)
    %get3A_605 = arith.constant 320 : index
    %get3A_606 = tpu.vector_load %arg5[%get3A_605] {strides = array<i32>} : memref<512xi32, #tpu.memory_space<vmem>>, vector<16xi32>,
    %get3A_607 = vector.shape_cast %get3A_606 : vector<16xi32> to vector<16xi32>
    %swap3A_608 = arith.constant 0 : index
    %swap3A_609 = tpu.vector_load %arg7[%swap3A_608] {strides = array<i32>} : memref<64xi32, #tpu.memory_space<vmem>>, vector<16xi32>,
    %swap3A_610 = vector.shape_cast %swap3A_609 : vector<16xi32> to vector<16xi32>
    %swap3A_611 = vector.shape_cast %get3A_607 : vector<16xi32> to vector<16xi32>
    tpu.vector_store %arg7[%swap3A_608], %swap3A_611 {strides = array<i32>} : memref<64xi32, #tpu.memory_space<vmem>>, vector<16xi32>,
    %add3A_612 = arith.constant 320 : i32
    %add3A_613 = arith.addi %mul3A_2, %add3A_612 : i32
    %add3A_614 = arith.constant 0 : i32
    %add3A_615 = arith.addi %add3A_613, %add3A_614 : i32
    %broadcast_in_dim3A_616 = vector.broadcast %add3A_615 : i32 to vector<16xi32>
    %iota3A_617 = tpu.iota {dimensions = array<i32: 0>} : vector<16xi32>
    %add3A_618 = arith.addi %broadcast_in_dim3A_616, %iota3A_617 : vector<16xi32>
    %shift_right_arithmetic3A_619 = arith.constant 11 : i32
    %shift_right_arithmetic3A_620 = vector.broadcast %shift_right_arithmetic3A_619 : i32 to vector<16xi32>
    %shift_right_arithmetic3A_621 = arith.shrsi %add3A_618, %shift_right_arithmetic3A_620 : vector<16xi32>
    %shift_left3A_622 = arith.constant 10 : i32
    %shift_left3A_623 = vector.broadcast %shift_left3A_622 : i32 to vector<16xi32>
    %shift_left3A_624 = arith.shli %shift_right_arithmetic3A_621, %shift_left3A_623 : vector<16xi32>
    %and3A_625 = arith.constant 1023 : i32
    %and3A_626 = vector.broadcast %and3A_625 : i32 to vector<16xi32>
    %and3A_627 = arith.andi %add3A_618, %and3A_626 : vector<16xi32>
    %add3A_628 = arith.addi %shift_left3A_624, %and3A_627 : vector<16xi32>
    %swap3A_629 = arith.constant 0 : index
    %swap3A_630 = tpu.vector_load %arg9[%swap3A_629] {strides = array<i32>} : memref<64xi32, #tpu.memory_space<vmem>>, vector<16xi32>,
    %swap3A_631 = vector.shape_cast %swap3A_630 : vector<16xi32> to vector<16xi32>
    %swap3A_632 = vector.shape_cast %add3A_628 : vector<16xi32> to vector<16xi32>
    tpu.vector_store %arg9[%swap3A_629], %swap3A_632 {strides = array<i32>} : memref<64xi32, #tpu.memory_space<vmem>>, vector<16xi32>,
    %get3A_633 = arith.constant 336 : index
    %get3A_634 = tpu.vector_load %arg5[%get3A_633] {strides = array<i32>} : memref<512xi32, #tpu.memory_space<vmem>>, vector<16xi32>,
    %get3A_635 = vector.shape_cast %get3A_634 : vector<16xi32> to vector<16xi32>
    %swap3A_636 = arith.constant 16 : index
    %swap3A_637 = tpu.vector_load %arg7[%swap3A_636] {strides = array<i32>} : memref<64xi32, #tpu.memory_space<vmem>>, vector<16xi32>,
    %swap3A_638 = vector.shape_cast %swap3A_637 : vector<16xi32> to vector<16xi32>
    %swap3A_639 = vector.shape_cast %get3A_635 : vector<16xi32> to vector<16xi32>
    tpu.vector_store %arg7[%swap3A_636], %swap3A_639 {strides = array<i32>} : memref<64xi32, #tpu.memory_space<vmem>>, vector<16xi32>,
    %add3A_640 = arith.constant 320 : i32
    %add3A_641 = arith.addi %mul3A_2, %add3A_640 : i32
    %add3A_642 = arith.constant 16 : i32
    %add3A_643 = arith.addi %add3A_641, %add3A_642 : i32
    %broadcast_in_dim3A_644 = vector.broadcast %add3A_643 : i32 to vector<16xi32>
    %iota3A_645 = tpu.iota {dimensions = array<i32: 0>} : vector<16xi32>
    %add3A_646 = arith.addi %broadcast_in_dim3A_644, %iota3A_645 : vector<16xi32>
    %shift_right_arithmetic3A_647 = arith.constant 11 : i32
    %shift_right_arithmetic3A_648 = vector.broadcast %shift_right_arithmetic3A_647 : i32 to vector<16xi32>
    %shift_right_arithmetic3A_649 = arith.shrsi %add3A_646, %shift_right_arithmetic3A_648 : vector<16xi32>
    %shift_left3A_650 = arith.constant 10 : i32
    %shift_left3A_651 = vector.broadcast %shift_left3A_650 : i32 to vector<16xi32>
    %shift_left3A_652 = arith.shli %shift_right_arithmetic3A_649, %shift_left3A_651 : vector<16xi32>
    %and3A_653 = arith.constant 1023 : i32
    %and3A_654 = vector.broadcast %and3A_653 : i32 to vector<16xi32>
    %and3A_655 = arith.andi %add3A_646, %and3A_654 : vector<16xi32>
    %add3A_656 = arith.addi %shift_left3A_652, %and3A_655 : vector<16xi32>
    %swap3A_657 = arith.constant 16 : index
    %swap3A_658 = tpu.vector_load %arg9[%swap3A_657] {strides = array<i32>} : memref<64xi32, #tpu.memory_space<vmem>>, vector<16xi32>,
    %swap3A_659 = vector.shape_cast %swap3A_658 : vector<16xi32> to vector<16xi32>
    %swap3A_660 = vector.shape_cast %add3A_656 : vector<16xi32> to vector<16xi32>
    tpu.vector_store %arg9[%swap3A_657], %swap3A_660 {strides = array<i32>} : memref<64xi32, #tpu.memory_space<vmem>>, vector<16xi32>,
    %get3A_661 = arith.constant 352 : index
    %get3A_662 = tpu.vector_load %arg5[%get3A_661] {strides = array<i32>} : memref<512xi32, #tpu.memory_space<vmem>>, vector<16xi32>,
    %get3A_663 = vector.shape_cast %get3A_662 : vector<16xi32> to vector<16xi32>
    %swap3A_664 = arith.constant 32 : index
    %swap3A_665 = tpu.vector_load %arg7[%swap3A_664] {strides = array<i32>} : memref<64xi32, #tpu.memory_space<vmem>>, vector<16xi32>,
    %swap3A_666 = vector.shape_cast %swap3A_665 : vector<16xi32> to vector<16xi32>
    %swap3A_667 = vector.shape_cast %get3A_663 : vector<16xi32> to vector<16xi32>
    tpu.vector_store %arg7[%swap3A_664], %swap3A_667 {strides = array<i32>} : memref<64xi32, #tpu.memory_space<vmem>>, vector<16xi32>,
    %add3A_668 = arith.constant 320 : i32
    %add3A_669 = arith.addi %mul3A_2, %add3A_668 : i32
    %add3A_670 = arith.constant 32 : i32
    %add3A_671 = arith.addi %add3A_669, %add3A_670 : i32
    %broadcast_in_dim3A_672 = vector.broadcast %add3A_671 : i32 to vector<16xi32>
    %iota3A_673 = tpu.iota {dimensions = array<i32: 0>} : vector<16xi32>
    %add3A_674 = arith.addi %broadcast_in_dim3A_672, %iota3A_673 : vector<16xi32>
    %shift_right_arithmetic3A_675 = arith.constant 11 : i32
    %shift_right_arithmetic3A_676 = vector.broadcast %shift_right_arithmetic3A_675 : i32 to vector<16xi32>
    %shift_right_arithmetic3A_677 = arith.shrsi %add3A_674, %shift_right_arithmetic3A_676 : vector<16xi32>
    %shift_left3A_678 = arith.constant 10 : i32
    %shift_left3A_679 = vector.broadcast %shift_left3A_678 : i32 to vector<16xi32>
    %shift_left3A_680 = arith.shli %shift_right_arithmetic3A_677, %shift_left3A_679 : vector<16xi32>
    %and3A_681 = arith.constant 1023 : i32
    %and3A_682 = vector.broadcast %and3A_681 : i32 to vector<16xi32>
    %and3A_683 = arith.andi %add3A_674, %and3A_682 : vector<16xi32>
    %add3A_684 = arith.addi %shift_left3A_680, %and3A_683 : vector<16xi32>
    %swap3A_685 = arith.constant 32 : index
    %swap3A_686 = tpu.vector_load %arg9[%swap3A_685] {strides = array<i32>} : memref<64xi32, #tpu.memory_space<vmem>>, vector<16xi32>,
    %swap3A_687 = vector.shape_cast %swap3A_686 : vector<16xi32> to vector<16xi32>
    %swap3A_688 = vector.shape_cast %add3A_684 : vector<16xi32> to vector<16xi32>
    tpu.vector_store %arg9[%swap3A_685], %swap3A_688 {strides = array<i32>} : memref<64xi32, #tpu.memory_space<vmem>>, vector<16xi32>,
    %get3A_689 = arith.constant 368 : index
    %get3A_690 = tpu.vector_load %arg5[%get3A_689] {strides = array<i32>} : memref<512xi32, #tpu.memory_space<vmem>>, vector<16xi32>,
    %get3A_691 = vector.shape_cast %get3A_690 : vector<16xi32> to vector<16xi32>
    %swap3A_692 = arith.constant 48 : index
    %swap3A_693 = tpu.vector_load %arg7[%swap3A_692] {strides = array<i32>} : memref<64xi32, #tpu.memory_space<vmem>>, vector<16xi32>,
    %swap3A_694 = vector.shape_cast %swap3A_693 : vector<16xi32> to vector<16xi32>
    %swap3A_695 = vector.shape_cast %get3A_691 : vector<16xi32> to vector<16xi32>
    tpu.vector_store %arg7[%swap3A_692], %swap3A_695 {strides = array<i32>} : memref<64xi32, #tpu.memory_space<vmem>>, vector<16xi32>,
    %add3A_696 = arith.constant 320 : i32
    %add3A_697 = arith.addi %mul3A_2, %add3A_696 : i32
    %add3A_698 = arith.constant 48 : i32
    %add3A_699 = arith.addi %add3A_697, %add3A_698 : i32
    %broadcast_in_dim3A_700 = vector.broadcast %add3A_699 : i32 to vector<16xi32>
    %iota3A_701 = tpu.iota {dimensions = array<i32: 0>} : vector<16xi32>
    %add3A_702 = arith.addi %broadcast_in_dim3A_700, %iota3A_701 : vector<16xi32>
    %shift_right_arithmetic3A_703 = arith.constant 11 : i32
    %shift_right_arithmetic3A_704 = vector.broadcast %shift_right_arithmetic3A_703 : i32 to vector<16xi32>
    %shift_right_arithmetic3A_705 = arith.shrsi %add3A_702, %shift_right_arithmetic3A_704 : vector<16xi32>
    %shift_left3A_706 = arith.constant 10 : i32
    %shift_left3A_707 = vector.broadcast %shift_left3A_706 : i32 to vector<16xi32>
    %shift_left3A_708 = arith.shli %shift_right_arithmetic3A_705, %shift_left3A_707 : vector<16xi32>
    %and3A_709 = arith.constant 1023 : i32
    %and3A_710 = vector.broadcast %and3A_709 : i32 to vector<16xi32>
    %and3A_711 = arith.andi %add3A_702, %and3A_710 : vector<16xi32>
    %add3A_712 = arith.addi %shift_left3A_708, %and3A_711 : vector<16xi32>
    %swap3A_713 = arith.constant 48 : index
    %swap3A_714 = tpu.vector_load %arg9[%swap3A_713] {strides = array<i32>} : memref<64xi32, #tpu.memory_space<vmem>>, vector<16xi32>,
    %swap3A_715 = vector.shape_cast %swap3A_714 : vector<16xi32> to vector<16xi32>
    %swap3A_716 = vector.shape_cast %add3A_712 : vector<16xi32> to vector<16xi32>
    tpu.vector_store %arg9[%swap3A_713], %swap3A_716 {strides = array<i32>} : memref<64xi32, #tpu.memory_space<vmem>>, vector<16xi32>,
    %dma_start3A_717 = arith.constant 0 : i32
    %dma_start3A_718 = arith.constant 0 : i32
    %dma_start3A_719 = tpu.memref_slice %arg2[%dma_start3A_717, %dma_start3A_718] : memref<8192x384xi32, #tpu.memory_space<hbm>> -> memref<8192x384xi32, #tpu.memory_space<hbm>>
    tpu.enqueue_indirect_dma source(%dma_start3A_719 : memref<8192x384xi32, #tpu.memory_space<hbm>>) target(%arg11 : memref<64x384xi32, #tpu.memory_space<vmem>>) offsets(%arg9 : memref<64xi32, #tpu.memory_space<vmem>>) semaphore(%arg13 : memref<!tpu.dma_semaphore, #tpu.memory_space<semaphore_mem>>)
    %dma_wait3A_720 = arith.constant 0 : i32
    %dma_wait3A_721 = arith.constant 0 : i32
    %dma_wait3A_722 = tpu.memref_slice %arg2[%dma_wait3A_720, %dma_wait3A_721] : memref<8192x384xi32, #tpu.memory_space<hbm>> -> memref<8192x384xi32, #tpu.memory_space<hbm>>
    tpu.wait_indirect_dma semaphore(%arg12 : memref<!tpu.dma_semaphore, #tpu.memory_space<semaphore_mem>>) src(%dma_wait3A_722 : memref<8192x384xi32, #tpu.memory_space<hbm>>) dst(%arg10 : memref<64x384xi32, #tpu.memory_space<vmem>>)
    %dma_start3A_723 = arith.constant 0 : i32
    %dma_start3A_724 = arith.constant 0 : i32
    %dma_start3A_725 = tpu.memref_slice %arg4[%dma_start3A_723, %dma_start3A_724] : memref<20480x384xi32, #tpu.memory_space<hbm>> -> memref<20480x384xi32, #tpu.memory_space<hbm>>
    tpu.enqueue_indirect_dma source(%arg10 : memref<64x384xi32, #tpu.memory_space<vmem>>) target(%dma_start3A_725 : memref<20480x384xi32, #tpu.memory_space<hbm>>) offsets(%arg6 : memref<64xi32, #tpu.memory_space<vmem>>) semaphore(%arg14 : memref<!tpu.dma_semaphore, #tpu.memory_space<semaphore_mem>>)
    %dma_wait3A_726 = arith.constant 0 : i32
    %dma_wait3A_727 = arith.constant 0 : i32
    %dma_wait3A_728 = tpu.memref_slice %arg4[%dma_wait3A_726, %dma_wait3A_727] : memref<20480x384xi32, #tpu.memory_space<hbm>> -> memref<20480x384xi32, #tpu.memory_space<hbm>>
    tpu.wait_indirect_dma semaphore(%arg14 : memref<!tpu.dma_semaphore, #tpu.memory_space<semaphore_mem>>) src(%arg10 : memref<64x384xi32, #tpu.memory_space<vmem>>) dst(%dma_wait3A_728 : memref<20480x384xi32, #tpu.memory_space<hbm>>)
    %get3A_729 = arith.constant 384 : index
    %get3A_730 = tpu.vector_load %arg5[%get3A_729] {strides = array<i32>} : memref<512xi32, #tpu.memory_space<vmem>>, vector<16xi32>,
    %get3A_731 = vector.shape_cast %get3A_730 : vector<16xi32> to vector<16xi32>
    %swap3A_732 = arith.constant 0 : index
    %swap3A_733 = tpu.vector_load %arg6[%swap3A_732] {strides = array<i32>} : memref<64xi32, #tpu.memory_space<vmem>>, vector<16xi32>,
    %swap3A_734 = vector.shape_cast %swap3A_733 : vector<16xi32> to vector<16xi32>
    %swap3A_735 = vector.shape_cast %get3A_731 : vector<16xi32> to vector<16xi32>
    tpu.vector_store %arg6[%swap3A_732], %swap3A_735 {strides = array<i32>} : memref<64xi32, #tpu.memory_space<vmem>>, vector<16xi32>,
    %add3A_736 = arith.constant 384 : i32
    %add3A_737 = arith.addi %mul3A_2, %add3A_736 : i32
    %add3A_738 = arith.constant 0 : i32
    %add3A_739 = arith.addi %add3A_737, %add3A_738 : i32
    %broadcast_in_dim3A_740 = vector.broadcast %add3A_739 : i32 to vector<16xi32>
    %iota3A_741 = tpu.iota {dimensions = array<i32: 0>} : vector<16xi32>
    %add3A_742 = arith.addi %broadcast_in_dim3A_740, %iota3A_741 : vector<16xi32>
    %shift_right_arithmetic3A_743 = arith.constant 11 : i32
    %shift_right_arithmetic3A_744 = vector.broadcast %shift_right_arithmetic3A_743 : i32 to vector<16xi32>
    %shift_right_arithmetic3A_745 = arith.shrsi %add3A_742, %shift_right_arithmetic3A_744 : vector<16xi32>
    %shift_left3A_746 = arith.constant 10 : i32
    %shift_left3A_747 = vector.broadcast %shift_left3A_746 : i32 to vector<16xi32>
    %shift_left3A_748 = arith.shli %shift_right_arithmetic3A_745, %shift_left3A_747 : vector<16xi32>
    %and3A_749 = arith.constant 1023 : i32
    %and3A_750 = vector.broadcast %and3A_749 : i32 to vector<16xi32>
    %and3A_751 = arith.andi %add3A_742, %and3A_750 : vector<16xi32>
    %add3A_752 = arith.addi %shift_left3A_748, %and3A_751 : vector<16xi32>
    %swap3A_753 = arith.constant 0 : index
    %swap3A_754 = tpu.vector_load %arg8[%swap3A_753] {strides = array<i32>} : memref<64xi32, #tpu.memory_space<vmem>>, vector<16xi32>,
    %swap3A_755 = vector.shape_cast %swap3A_754 : vector<16xi32> to vector<16xi32>
    %swap3A_756 = vector.shape_cast %add3A_752 : vector<16xi32> to vector<16xi32>
    tpu.vector_store %arg8[%swap3A_753], %swap3A_756 {strides = array<i32>} : memref<64xi32, #tpu.memory_space<vmem>>, vector<16xi32>,
    %get3A_757 = arith.constant 400 : index
    %get3A_758 = tpu.vector_load %arg5[%get3A_757] {strides = array<i32>} : memref<512xi32, #tpu.memory_space<vmem>>, vector<16xi32>,
    %get3A_759 = vector.shape_cast %get3A_758 : vector<16xi32> to vector<16xi32>
    %swap3A_760 = arith.constant 16 : index
    %swap3A_761 = tpu.vector_load %arg6[%swap3A_760] {strides = array<i32>} : memref<64xi32, #tpu.memory_space<vmem>>, vector<16xi32>,
    %swap3A_762 = vector.shape_cast %swap3A_761 : vector<16xi32> to vector<16xi32>
    %swap3A_763 = vector.shape_cast %get3A_759 : vector<16xi32> to vector<16xi32>
    tpu.vector_store %arg6[%swap3A_760], %swap3A_763 {strides = array<i32>} : memref<64xi32, #tpu.memory_space<vmem>>, vector<16xi32>,
    %add3A_764 = arith.constant 384 : i32
    %add3A_765 = arith.addi %mul3A_2, %add3A_764 : i32
    %add3A_766 = arith.constant 16 : i32
    %add3A_767 = arith.addi %add3A_765, %add3A_766 : i32
    %broadcast_in_dim3A_768 = vector.broadcast %add3A_767 : i32 to vector<16xi32>
    %iota3A_769 = tpu.iota {dimensions = array<i32: 0>} : vector<16xi32>
    %add3A_770 = arith.addi %broadcast_in_dim3A_768, %iota3A_769 : vector<16xi32>
    %shift_right_arithmetic3A_771 = arith.constant 11 : i32
    %shift_right_arithmetic3A_772 = vector.broadcast %shift_right_arithmetic3A_771 : i32 to vector<16xi32>
    %shift_right_arithmetic3A_773 = arith.shrsi %add3A_770, %shift_right_arithmetic3A_772 : vector<16xi32>
    %shift_left3A_774 = arith.constant 10 : i32
    %shift_left3A_775 = vector.broadcast %shift_left3A_774 : i32 to vector<16xi32>
    %shift_left3A_776 = arith.shli %shift_right_arithmetic3A_773, %shift_left3A_775 : vector<16xi32>
    %and3A_777 = arith.constant 1023 : i32
    %and3A_778 = vector.broadcast %and3A_777 : i32 to vector<16xi32>
    %and3A_779 = arith.andi %add3A_770, %and3A_778 : vector<16xi32>
    %add3A_780 = arith.addi %shift_left3A_776, %and3A_779 : vector<16xi32>
    %swap3A_781 = arith.constant 16 : index
    %swap3A_782 = tpu.vector_load %arg8[%swap3A_781] {strides = array<i32>} : memref<64xi32, #tpu.memory_space<vmem>>, vector<16xi32>,
    %swap3A_783 = vector.shape_cast %swap3A_782 : vector<16xi32> to vector<16xi32>
    %swap3A_784 = vector.shape_cast %add3A_780 : vector<16xi32> to vector<16xi32>
    tpu.vector_store %arg8[%swap3A_781], %swap3A_784 {strides = array<i32>} : memref<64xi32, #tpu.memory_space<vmem>>, vector<16xi32>,
    %get3A_785 = arith.constant 416 : index
    %get3A_786 = tpu.vector_load %arg5[%get3A_785] {strides = array<i32>} : memref<512xi32, #tpu.memory_space<vmem>>, vector<16xi32>,
    %get3A_787 = vector.shape_cast %get3A_786 : vector<16xi32> to vector<16xi32>
    %swap3A_788 = arith.constant 32 : index
    %swap3A_789 = tpu.vector_load %arg6[%swap3A_788] {strides = array<i32>} : memref<64xi32, #tpu.memory_space<vmem>>, vector<16xi32>,
    %swap3A_790 = vector.shape_cast %swap3A_789 : vector<16xi32> to vector<16xi32>
    %swap3A_791 = vector.shape_cast %get3A_787 : vector<16xi32> to vector<16xi32>
    tpu.vector_store %arg6[%swap3A_788], %swap3A_791 {strides = array<i32>} : memref<64xi32, #tpu.memory_space<vmem>>, vector<16xi32>,
    %add3A_792 = arith.constant 384 : i32
    %add3A_793 = arith.addi %mul3A_2, %add3A_792 : i32
    %add3A_794 = arith.constant 32 : i32
    %add3A_795 = arith.addi %add3A_793, %add3A_794 : i32
    %broadcast_in_dim3A_796 = vector.broadcast %add3A_795 : i32 to vector<16xi32>
    %iota3A_797 = tpu.iota {dimensions = array<i32: 0>} : vector<16xi32>
    %add3A_798 = arith.addi %broadcast_in_dim3A_796, %iota3A_797 : vector<16xi32>
    %shift_right_arithmetic3A_799 = arith.constant 11 : i32
    %shift_right_arithmetic3A_800 = vector.broadcast %shift_right_arithmetic3A_799 : i32 to vector<16xi32>
    %shift_right_arithmetic3A_801 = arith.shrsi %add3A_798, %shift_right_arithmetic3A_800 : vector<16xi32>
    %shift_left3A_802 = arith.constant 10 : i32
    %shift_left3A_803 = vector.broadcast %shift_left3A_802 : i32 to vector<16xi32>
    %shift_left3A_804 = arith.shli %shift_right_arithmetic3A_801, %shift_left3A_803 : vector<16xi32>
    %and3A_805 = arith.constant 1023 : i32
    %and3A_806 = vector.broadcast %and3A_805 : i32 to vector<16xi32>
    %and3A_807 = arith.andi %add3A_798, %and3A_806 : vector<16xi32>
    %add3A_808 = arith.addi %shift_left3A_804, %and3A_807 : vector<16xi32>
    %swap3A_809 = arith.constant 32 : index
    %swap3A_810 = tpu.vector_load %arg8[%swap3A_809] {strides = array<i32>} : memref<64xi32, #tpu.memory_space<vmem>>, vector<16xi32>,
    %swap3A_811 = vector.shape_cast %swap3A_810 : vector<16xi32> to vector<16xi32>
    %swap3A_812 = vector.shape_cast %add3A_808 : vector<16xi32> to vector<16xi32>
    tpu.vector_store %arg8[%swap3A_809], %swap3A_812 {strides = array<i32>} : memref<64xi32, #tpu.memory_space<vmem>>, vector<16xi32>,
    %get3A_813 = arith.constant 432 : index
    %get3A_814 = tpu.vector_load %arg5[%get3A_813] {strides = array<i32>} : memref<512xi32, #tpu.memory_space<vmem>>, vector<16xi32>,
    %get3A_815 = vector.shape_cast %get3A_814 : vector<16xi32> to vector<16xi32>
    %swap3A_816 = arith.constant 48 : index
    %swap3A_817 = tpu.vector_load %arg6[%swap3A_816] {strides = array<i32>} : memref<64xi32, #tpu.memory_space<vmem>>, vector<16xi32>,
    %swap3A_818 = vector.shape_cast %swap3A_817 : vector<16xi32> to vector<16xi32>
    %swap3A_819 = vector.shape_cast %get3A_815 : vector<16xi32> to vector<16xi32>
    tpu.vector_store %arg6[%swap3A_816], %swap3A_819 {strides = array<i32>} : memref<64xi32, #tpu.memory_space<vmem>>, vector<16xi32>,
    %add3A_820 = arith.constant 384 : i32
    %add3A_821 = arith.addi %mul3A_2, %add3A_820 : i32
    %add3A_822 = arith.constant 48 : i32
    %add3A_823 = arith.addi %add3A_821, %add3A_822 : i32
    %broadcast_in_dim3A_824 = vector.broadcast %add3A_823 : i32 to vector<16xi32>
    %iota3A_825 = tpu.iota {dimensions = array<i32: 0>} : vector<16xi32>
    %add3A_826 = arith.addi %broadcast_in_dim3A_824, %iota3A_825 : vector<16xi32>
    %shift_right_arithmetic3A_827 = arith.constant 11 : i32
    %shift_right_arithmetic3A_828 = vector.broadcast %shift_right_arithmetic3A_827 : i32 to vector<16xi32>
    %shift_right_arithmetic3A_829 = arith.shrsi %add3A_826, %shift_right_arithmetic3A_828 : vector<16xi32>
    %shift_left3A_830 = arith.constant 10 : i32
    %shift_left3A_831 = vector.broadcast %shift_left3A_830 : i32 to vector<16xi32>
    %shift_left3A_832 = arith.shli %shift_right_arithmetic3A_829, %shift_left3A_831 : vector<16xi32>
    %and3A_833 = arith.constant 1023 : i32
    %and3A_834 = vector.broadcast %and3A_833 : i32 to vector<16xi32>
    %and3A_835 = arith.andi %add3A_826, %and3A_834 : vector<16xi32>
    %add3A_836 = arith.addi %shift_left3A_832, %and3A_835 : vector<16xi32>
    %swap3A_837 = arith.constant 48 : index
    %swap3A_838 = tpu.vector_load %arg8[%swap3A_837] {strides = array<i32>} : memref<64xi32, #tpu.memory_space<vmem>>, vector<16xi32>,
    %swap3A_839 = vector.shape_cast %swap3A_838 : vector<16xi32> to vector<16xi32>
    %swap3A_840 = vector.shape_cast %add3A_836 : vector<16xi32> to vector<16xi32>
    tpu.vector_store %arg8[%swap3A_837], %swap3A_840 {strides = array<i32>} : memref<64xi32, #tpu.memory_space<vmem>>, vector<16xi32>,
    %dma_start3A_841 = arith.constant 0 : i32
    %dma_start3A_842 = arith.constant 0 : i32
    %dma_start3A_843 = tpu.memref_slice %arg2[%dma_start3A_841, %dma_start3A_842] : memref<8192x384xi32, #tpu.memory_space<hbm>> -> memref<8192x384xi32, #tpu.memory_space<hbm>>
    tpu.enqueue_indirect_dma source(%dma_start3A_843 : memref<8192x384xi32, #tpu.memory_space<hbm>>) target(%arg10 : memref<64x384xi32, #tpu.memory_space<vmem>>) offsets(%arg8 : memref<64xi32, #tpu.memory_space<vmem>>) semaphore(%arg12 : memref<!tpu.dma_semaphore, #tpu.memory_space<semaphore_mem>>)
    %dma_wait3A_844 = arith.constant 0 : i32
    %dma_wait3A_845 = arith.constant 0 : i32
    %dma_wait3A_846 = tpu.memref_slice %arg2[%dma_wait3A_844, %dma_wait3A_845] : memref<8192x384xi32, #tpu.memory_space<hbm>> -> memref<8192x384xi32, #tpu.memory_space<hbm>>
    tpu.wait_indirect_dma semaphore(%arg13 : memref<!tpu.dma_semaphore, #tpu.memory_space<semaphore_mem>>) src(%dma_wait3A_846 : memref<8192x384xi32, #tpu.memory_space<hbm>>) dst(%arg11 : memref<64x384xi32, #tpu.memory_space<vmem>>)
    %dma_start3A_847 = arith.constant 0 : i32
    %dma_start3A_848 = arith.constant 0 : i32
    %dma_start3A_849 = tpu.memref_slice %arg4[%dma_start3A_847, %dma_start3A_848] : memref<20480x384xi32, #tpu.memory_space<hbm>> -> memref<20480x384xi32, #tpu.memory_space<hbm>>
    tpu.enqueue_indirect_dma source(%arg11 : memref<64x384xi32, #tpu.memory_space<vmem>>) target(%dma_start3A_849 : memref<20480x384xi32, #tpu.memory_space<hbm>>) offsets(%arg7 : memref<64xi32, #tpu.memory_space<vmem>>) semaphore(%arg15 : memref<!tpu.dma_semaphore, #tpu.memory_space<semaphore_mem>>)
    %dma_wait3A_850 = arith.constant 0 : i32
    %dma_wait3A_851 = arith.constant 0 : i32
    %dma_wait3A_852 = tpu.memref_slice %arg4[%dma_wait3A_850, %dma_wait3A_851] : memref<20480x384xi32, #tpu.memory_space<hbm>> -> memref<20480x384xi32, #tpu.memory_space<hbm>>
    tpu.wait_indirect_dma semaphore(%arg15 : memref<!tpu.dma_semaphore, #tpu.memory_space<semaphore_mem>>) src(%arg11 : memref<64x384xi32, #tpu.memory_space<vmem>>) dst(%dma_wait3A_852 : memref<20480x384xi32, #tpu.memory_space<hbm>>)
    %get3A_853 = arith.constant 448 : index
    %get3A_854 = tpu.vector_load %arg5[%get3A_853] {strides = array<i32>} : memref<512xi32, #tpu.memory_space<vmem>>, vector<16xi32>,
    %get3A_855 = vector.shape_cast %get3A_854 : vector<16xi32> to vector<16xi32>
    %swap3A_856 = arith.constant 0 : index
    %swap3A_857 = tpu.vector_load %arg7[%swap3A_856] {strides = array<i32>} : memref<64xi32, #tpu.memory_space<vmem>>, vector<16xi32>,
    %swap3A_858 = vector.shape_cast %swap3A_857 : vector<16xi32> to vector<16xi32>
    %swap3A_859 = vector.shape_cast %get3A_855 : vector<16xi32> to vector<16xi32>
    tpu.vector_store %arg7[%swap3A_856], %swap3A_859 {strides = array<i32>} : memref<64xi32, #tpu.memory_space<vmem>>, vector<16xi32>,
    %add3A_860 = arith.constant 448 : i32
    %add3A_861 = arith.addi %mul3A_2, %add3A_860 : i32
    %add3A_862 = arith.constant 0 : i32
    %add3A_863 = arith.addi %add3A_861, %add3A_862 : i32
    %broadcast_in_dim3A_864 = vector.broadcast %add3A_863 : i32 to vector<16xi32>
    %iota3A_865 = tpu.iota {dimensions = array<i32: 0>} : vector<16xi32>
    %add3A_866 = arith.addi %broadcast_in_dim3A_864, %iota3A_865 : vector<16xi32>
    %shift_right_arithmetic3A_867 = arith.constant 11 : i32
    %shift_right_arithmetic3A_868 = vector.broadcast %shift_right_arithmetic3A_867 : i32 to vector<16xi32>
    %shift_right_arithmetic3A_869 = arith.shrsi %add3A_866, %shift_right_arithmetic3A_868 : vector<16xi32>
    %shift_left3A_870 = arith.constant 10 : i32
    %shift_left3A_871 = vector.broadcast %shift_left3A_870 : i32 to vector<16xi32>
    %shift_left3A_872 = arith.shli %shift_right_arithmetic3A_869, %shift_left3A_871 : vector<16xi32>
    %and3A_873 = arith.constant 1023 : i32
    %and3A_874 = vector.broadcast %and3A_873 : i32 to vector<16xi32>
    %and3A_875 = arith.andi %add3A_866, %and3A_874 : vector<16xi32>
    %add3A_876 = arith.addi %shift_left3A_872, %and3A_875 : vector<16xi32>
    %swap3A_877 = arith.constant 0 : index
    %swap3A_878 = tpu.vector_load %arg9[%swap3A_877] {strides = array<i32>} : memref<64xi32, #tpu.memory_space<vmem>>, vector<16xi32>,
    %swap3A_879 = vector.shape_cast %swap3A_878 : vector<16xi32> to vector<16xi32>
    %swap3A_880 = vector.shape_cast %add3A_876 : vector<16xi32> to vector<16xi32>
    tpu.vector_store %arg9[%swap3A_877], %swap3A_880 {strides = array<i32>} : memref<64xi32, #tpu.memory_space<vmem>>, vector<16xi32>,
    %get3A_881 = arith.constant 464 : index
    %get3A_882 = tpu.vector_load %arg5[%get3A_881] {strides = array<i32>} : memref<512xi32, #tpu.memory_space<vmem>>, vector<16xi32>,
    %get3A_883 = vector.shape_cast %get3A_882 : vector<16xi32> to vector<16xi32>
    %swap3A_884 = arith.constant 16 : index
    %swap3A_885 = tpu.vector_load %arg7[%swap3A_884] {strides = array<i32>} : memref<64xi32, #tpu.memory_space<vmem>>, vector<16xi32>,
    %swap3A_886 = vector.shape_cast %swap3A_885 : vector<16xi32> to vector<16xi32>
    %swap3A_887 = vector.shape_cast %get3A_883 : vector<16xi32> to vector<16xi32>
    tpu.vector_store %arg7[%swap3A_884], %swap3A_887 {strides = array<i32>} : memref<64xi32, #tpu.memory_space<vmem>>, vector<16xi32>,
    %add3A_888 = arith.constant 448 : i32
    %add3A_889 = arith.addi %mul3A_2, %add3A_888 : i32
    %add3A_890 = arith.constant 16 : i32
    %add3A_891 = arith.addi %add3A_889, %add3A_890 : i32
    %broadcast_in_dim3A_892 = vector.broadcast %add3A_891 : i32 to vector<16xi32>
    %iota3A_893 = tpu.iota {dimensions = array<i32: 0>} : vector<16xi32>
    %add3A_894 = arith.addi %broadcast_in_dim3A_892, %iota3A_893 : vector<16xi32>
    %shift_right_arithmetic3A_895 = arith.constant 11 : i32
    %shift_right_arithmetic3A_896 = vector.broadcast %shift_right_arithmetic3A_895 : i32 to vector<16xi32>
    %shift_right_arithmetic3A_897 = arith.shrsi %add3A_894, %shift_right_arithmetic3A_896 : vector<16xi32>
    %shift_left3A_898 = arith.constant 10 : i32
    %shift_left3A_899 = vector.broadcast %shift_left3A_898 : i32 to vector<16xi32>
    %shift_left3A_900 = arith.shli %shift_right_arithmetic3A_897, %shift_left3A_899 : vector<16xi32>
    %and3A_901 = arith.constant 1023 : i32
    %and3A_902 = vector.broadcast %and3A_901 : i32 to vector<16xi32>
    %and3A_903 = arith.andi %add3A_894, %and3A_902 : vector<16xi32>
    %add3A_904 = arith.addi %shift_left3A_900, %and3A_903 : vector<16xi32>
    %swap3A_905 = arith.constant 16 : index
    %swap3A_906 = tpu.vector_load %arg9[%swap3A_905] {strides = array<i32>} : memref<64xi32, #tpu.memory_space<vmem>>, vector<16xi32>,
    %swap3A_907 = vector.shape_cast %swap3A_906 : vector<16xi32> to vector<16xi32>
    %swap3A_908 = vector.shape_cast %add3A_904 : vector<16xi32> to vector<16xi32>
    tpu.vector_store %arg9[%swap3A_905], %swap3A_908 {strides = array<i32>} : memref<64xi32, #tpu.memory_space<vmem>>, vector<16xi32>,
    %get3A_909 = arith.constant 480 : index
    %get3A_910 = tpu.vector_load %arg5[%get3A_909] {strides = array<i32>} : memref<512xi32, #tpu.memory_space<vmem>>, vector<16xi32>,
    %get3A_911 = vector.shape_cast %get3A_910 : vector<16xi32> to vector<16xi32>
    %swap3A_912 = arith.constant 32 : index
    %swap3A_913 = tpu.vector_load %arg7[%swap3A_912] {strides = array<i32>} : memref<64xi32, #tpu.memory_space<vmem>>, vector<16xi32>,
    %swap3A_914 = vector.shape_cast %swap3A_913 : vector<16xi32> to vector<16xi32>
    %swap3A_915 = vector.shape_cast %get3A_911 : vector<16xi32> to vector<16xi32>
    tpu.vector_store %arg7[%swap3A_912], %swap3A_915 {strides = array<i32>} : memref<64xi32, #tpu.memory_space<vmem>>, vector<16xi32>,
    %add3A_916 = arith.constant 448 : i32
    %add3A_917 = arith.addi %mul3A_2, %add3A_916 : i32
    %add3A_918 = arith.constant 32 : i32
    %add3A_919 = arith.addi %add3A_917, %add3A_918 : i32
    %broadcast_in_dim3A_920 = vector.broadcast %add3A_919 : i32 to vector<16xi32>
    %iota3A_921 = tpu.iota {dimensions = array<i32: 0>} : vector<16xi32>
    %add3A_922 = arith.addi %broadcast_in_dim3A_920, %iota3A_921 : vector<16xi32>
    %shift_right_arithmetic3A_923 = arith.constant 11 : i32
    %shift_right_arithmetic3A_924 = vector.broadcast %shift_right_arithmetic3A_923 : i32 to vector<16xi32>
    %shift_right_arithmetic3A_925 = arith.shrsi %add3A_922, %shift_right_arithmetic3A_924 : vector<16xi32>
    %shift_left3A_926 = arith.constant 10 : i32
    %shift_left3A_927 = vector.broadcast %shift_left3A_926 : i32 to vector<16xi32>
    %shift_left3A_928 = arith.shli %shift_right_arithmetic3A_925, %shift_left3A_927 : vector<16xi32>
    %and3A_929 = arith.constant 1023 : i32
    %and3A_930 = vector.broadcast %and3A_929 : i32 to vector<16xi32>
    %and3A_931 = arith.andi %add3A_922, %and3A_930 : vector<16xi32>
    %add3A_932 = arith.addi %shift_left3A_928, %and3A_931 : vector<16xi32>
    %swap3A_933 = arith.constant 32 : index
    %swap3A_934 = tpu.vector_load %arg9[%swap3A_933] {strides = array<i32>} : memref<64xi32, #tpu.memory_space<vmem>>, vector<16xi32>,
    %swap3A_935 = vector.shape_cast %swap3A_934 : vector<16xi32> to vector<16xi32>
    %swap3A_936 = vector.shape_cast %add3A_932 : vector<16xi32> to vector<16xi32>
    tpu.vector_store %arg9[%swap3A_933], %swap3A_936 {strides = array<i32>} : memref<64xi32, #tpu.memory_space<vmem>>, vector<16xi32>,
    %get3A_937 = arith.constant 496 : index
    %get3A_938 = tpu.vector_load %arg5[%get3A_937] {strides = array<i32>} : memref<512xi32, #tpu.memory_space<vmem>>, vector<16xi32>,
    %get3A_939 = vector.shape_cast %get3A_938 : vector<16xi32> to vector<16xi32>
    %swap3A_940 = arith.constant 48 : index
    %swap3A_941 = tpu.vector_load %arg7[%swap3A_940] {strides = array<i32>} : memref<64xi32, #tpu.memory_space<vmem>>, vector<16xi32>,
    %swap3A_942 = vector.shape_cast %swap3A_941 : vector<16xi32> to vector<16xi32>
    %swap3A_943 = vector.shape_cast %get3A_939 : vector<16xi32> to vector<16xi32>
    tpu.vector_store %arg7[%swap3A_940], %swap3A_943 {strides = array<i32>} : memref<64xi32, #tpu.memory_space<vmem>>, vector<16xi32>,
    %add3A_944 = arith.constant 448 : i32
    %add3A_945 = arith.addi %mul3A_2, %add3A_944 : i32
    %add3A_946 = arith.constant 48 : i32
    %add3A_947 = arith.addi %add3A_945, %add3A_946 : i32
    %broadcast_in_dim3A_948 = vector.broadcast %add3A_947 : i32 to vector<16xi32>
    %iota3A_949 = tpu.iota {dimensions = array<i32: 0>} : vector<16xi32>
    %add3A_950 = arith.addi %broadcast_in_dim3A_948, %iota3A_949 : vector<16xi32>
    %shift_right_arithmetic3A_951 = arith.constant 11 : i32
    %shift_right_arithmetic3A_952 = vector.broadcast %shift_right_arithmetic3A_951 : i32 to vector<16xi32>
    %shift_right_arithmetic3A_953 = arith.shrsi %add3A_950, %shift_right_arithmetic3A_952 : vector<16xi32>
    %shift_left3A_954 = arith.constant 10 : i32
    %shift_left3A_955 = vector.broadcast %shift_left3A_954 : i32 to vector<16xi32>
    %shift_left3A_956 = arith.shli %shift_right_arithmetic3A_953, %shift_left3A_955 : vector<16xi32>
    %and3A_957 = arith.constant 1023 : i32
    %and3A_958 = vector.broadcast %and3A_957 : i32 to vector<16xi32>
    %and3A_959 = arith.andi %add3A_950, %and3A_958 : vector<16xi32>
    %add3A_960 = arith.addi %shift_left3A_956, %and3A_959 : vector<16xi32>
    %swap3A_961 = arith.constant 48 : index
    %swap3A_962 = tpu.vector_load %arg9[%swap3A_961] {strides = array<i32>} : memref<64xi32, #tpu.memory_space<vmem>>, vector<16xi32>,
    %swap3A_963 = vector.shape_cast %swap3A_962 : vector<16xi32> to vector<16xi32>
    %swap3A_964 = vector.shape_cast %add3A_960 : vector<16xi32> to vector<16xi32>
    tpu.vector_store %arg9[%swap3A_961], %swap3A_964 {strides = array<i32>} : memref<64xi32, #tpu.memory_space<vmem>>, vector<16xi32>,
    %dma_start3A_965 = arith.constant 0 : i32
    %dma_start3A_966 = arith.constant 0 : i32
    %dma_start3A_967 = tpu.memref_slice %arg2[%dma_start3A_965, %dma_start3A_966] : memref<8192x384xi32, #tpu.memory_space<hbm>> -> memref<8192x384xi32, #tpu.memory_space<hbm>>
    tpu.enqueue_indirect_dma source(%dma_start3A_967 : memref<8192x384xi32, #tpu.memory_space<hbm>>) target(%arg11 : memref<64x384xi32, #tpu.memory_space<vmem>>) offsets(%arg9 : memref<64xi32, #tpu.memory_space<vmem>>) semaphore(%arg13 : memref<!tpu.dma_semaphore, #tpu.memory_space<semaphore_mem>>)
    %dma_wait3A_968 = arith.constant 0 : i32
    %dma_wait3A_969 = arith.constant 0 : i32
    %dma_wait3A_970 = tpu.memref_slice %arg2[%dma_wait3A_968, %dma_wait3A_969] : memref<8192x384xi32, #tpu.memory_space<hbm>> -> memref<8192x384xi32, #tpu.memory_space<hbm>>
    tpu.wait_indirect_dma semaphore(%arg12 : memref<!tpu.dma_semaphore, #tpu.memory_space<semaphore_mem>>) src(%dma_wait3A_970 : memref<8192x384xi32, #tpu.memory_space<hbm>>) dst(%arg10 : memref<64x384xi32, #tpu.memory_space<vmem>>)
    %dma_start3A_971 = arith.constant 0 : i32
    %dma_start3A_972 = arith.constant 0 : i32
    %dma_start3A_973 = tpu.memref_slice %arg4[%dma_start3A_971, %dma_start3A_972] : memref<20480x384xi32, #tpu.memory_space<hbm>> -> memref<20480x384xi32, #tpu.memory_space<hbm>>
    tpu.enqueue_indirect_dma source(%arg10 : memref<64x384xi32, #tpu.memory_space<vmem>>) target(%dma_start3A_973 : memref<20480x384xi32, #tpu.memory_space<hbm>>) offsets(%arg6 : memref<64xi32, #tpu.memory_space<vmem>>) semaphore(%arg14 : memref<!tpu.dma_semaphore, #tpu.memory_space<semaphore_mem>>)
    %dma_wait3A_974 = arith.constant 0 : i32
    %dma_wait3A_975 = arith.constant 0 : i32
    %dma_wait3A_976 = tpu.memref_slice %arg2[%dma_wait3A_974, %dma_wait3A_975] : memref<8192x384xi32, #tpu.memory_space<hbm>> -> memref<8192x384xi32, #tpu.memory_space<hbm>>
    tpu.wait_indirect_dma semaphore(%arg13 : memref<!tpu.dma_semaphore, #tpu.memory_space<semaphore_mem>>) src(%dma_wait3A_976 : memref<8192x384xi32, #tpu.memory_space<hbm>>) dst(%arg11 : memref<64x384xi32, #tpu.memory_space<vmem>>)
    %dma_start3A_977 = arith.constant 0 : i32
    %dma_start3A_978 = arith.constant 0 : i32
    %dma_start3A_979 = tpu.memref_slice %arg4[%dma_start3A_977, %dma_start3A_978] : memref<20480x384xi32, #tpu.memory_space<hbm>> -> memref<20480x384xi32, #tpu.memory_space<hbm>>
    tpu.enqueue_indirect_dma source(%arg11 : memref<64x384xi32, #tpu.memory_space<vmem>>) target(%dma_start3A_979 : memref<20480x384xi32, #tpu.memory_space<hbm>>) offsets(%arg7 : memref<64xi32, #tpu.memory_space<vmem>>) semaphore(%arg15 : memref<!tpu.dma_semaphore, #tpu.memory_space<semaphore_mem>>)
    %dma_wait3A_980 = arith.constant 0 : i32
    %dma_wait3A_981 = arith.constant 0 : i32
    %dma_wait3A_982 = tpu.memref_slice %arg4[%dma_wait3A_980, %dma_wait3A_981] : memref<20480x384xi32, #tpu.memory_space<hbm>> -> memref<20480x384xi32, #tpu.memory_space<hbm>>
    tpu.wait_indirect_dma semaphore(%arg14 : memref<!tpu.dma_semaphore, #tpu.memory_space<semaphore_mem>>) src(%arg10 : memref<64x384xi32, #tpu.memory_space<vmem>>) dst(%dma_wait3A_982 : memref<20480x384xi32, #tpu.memory_space<hbm>>)
    %dma_wait3A_983 = arith.constant 0 : i32
    %dma_wait3A_984 = arith.constant 0 : i32
    %dma_wait3A_985 = tpu.memref_slice %arg4[%dma_wait3A_983, %dma_wait3A_984] : memref<20480x384xi32, #tpu.memory_space<hbm>> -> memref<20480x384xi32, #tpu.memory_space<hbm>>
    tpu.wait_indirect_dma semaphore(%arg15 : memref<!tpu.dma_semaphore, #tpu.memory_space<semaphore_mem>>) src(%arg11 : memref<64x384xi32, #tpu.memory_space<vmem>>) dst(%dma_wait3A_985 : memref<20480x384xi32, #tpu.memory_space<hbm>>)
    return
  }
}

module attributes {stable_mosaic.version = 14 : i64} {
  func.func @_router_body(%arg0: i32, %arg1: memref<1024x768xf32, #tpu.memory_space<vmem>>, %arg2: memref<8x768xf32, #tpu.memory_space<vmem>>, %arg3: memref<1x8xf32, #tpu.memory_space<vmem>>, %arg4: memref<1x1x2048xi32, #tpu.memory_space<vmem>>, %arg5: memref<1x1x2048xi32, #tpu.memory_space<vmem>>, %arg6: memref<1024x1xf32, #tpu.memory_space<vmem>>, %arg7: memref<1024x1xf32, #tpu.memory_space<vmem>>, %arg8: memref<8x1xf32, #tpu.memory_space<vmem>>, %arg9: memref<1024x384xi32, #tpu.memory_space<vmem>>, %arg10: memref<8x1xf32, #tpu.memory_space<vmem>>, %arg11: memref<2048x2048xbf16, #tpu.memory_space<vmem>>, %arg12: memref<1024x1024xf32, #tpu.memory_space<vmem>>) attributes {dimension_semantics = [#tpu.dimension_semantics<arbitrary>], iteration_bounds = array<i64: 8>, scalar_prefetch = 0 : i64, scratch_operands = 3 : i64, tpu.core_type = #tpu.core_type<tc>, window_params = [{transform_indices = @transform_0, window_bounds = array<i64: 1024, 768>}, {pipeline_mode = #tpu.pipeline_mode<synchronous>, transform_indices = @transform_1, window_bounds = array<i64: 8, 768>}, {pipeline_mode = #tpu.pipeline_mode<synchronous>, transform_indices = @transform_2, window_bounds = array<i64: 1, 8>}, {transform_indices = @transform_3, window_bounds = array<i64: 1, 1, 2048>}, {transform_indices = @transform_4, window_bounds = array<i64: 1, 1, 2048>}, {transform_indices = @transform_5, window_bounds = array<i64: 1024, 1>}, {transform_indices = @transform_6, window_bounds = array<i64: 1024, 1>}, {pipeline_mode = #tpu.pipeline_mode<synchronous>, transform_indices = @transform_7, window_bounds = array<i64: 8, 1>}, {transform_indices = @transform_8, window_bounds = array<i64: 1024, 384>}]} {
    %eq3A = arith.constant 0 : i32
    %eq3A_0 = arith.cmpi eq, %arg0, %eq3A : i32
    %convert_element_type3A = arith.extui %eq3A_0 : i1 to i32
    %cond3A = arith.constant 0 : i32
    %cond3A_1 = arith.cmpi ne, %convert_element_type3A, %cond3A : i32
    scf.if %cond3A_1 {
      %broadcast_in_dim3A_138 = arith.constant 0.000000e+00 : f32
      %broadcast_in_dim3A_139 = vector.broadcast %broadcast_in_dim3A_138 : f32 to vector<8x1xf32>
      %swap3A_140 = arith.constant 0 : index
      %swap3A_141 = arith.constant 0 : index
      %swap3A_142 = vector.load %arg10[%swap3A_140, %swap3A_141] : memref<8x1xf32, #tpu.memory_space<vmem>>, vector<8x1xf32>
      tpu.vector_store %arg10[%swap3A_140, %swap3A_141], %broadcast_in_dim3A_139 {strides = array<i32>} : memref<8x1xf32, #tpu.memory_space<vmem>>, vector<8x1xf32>,
      %iota3A_143 = tpu.iota {dimensions = array<i32: 0>} : vector<2048x2048xi32>
      %iota3A_144 = tpu.iota {dimensions = array<i32: 1>} : vector<2048x2048xi32>
      %lt3A = arith.cmpi slt, %iota3A_143, %iota3A_144 : vector<2048x2048xi32>
      %convert_element_type3A_145 = arith.extui %lt3A : vector<2048x2048xi1> to vector<2048x2048xi32>
      %convert_element_type3A_146 = arith.sitofp %convert_element_type3A_145 : vector<2048x2048xi32> to vector<2048x2048xf32>
      %convert_element_type3A_147 = arith.truncf %convert_element_type3A_146 : vector<2048x2048xf32> to vector<2048x2048xbf16>
      %swap3A_148 = arith.constant 0 : index
      %swap3A_149 = arith.constant 0 : index
      %swap3A_150 = vector.load %arg11[%swap3A_148, %swap3A_149] : memref<2048x2048xbf16, #tpu.memory_space<vmem>>, vector<2048x2048xbf16>
      tpu.vector_store %arg11[%swap3A_148, %swap3A_149], %convert_element_type3A_147 {strides = array<i32>} : memref<2048x2048xbf16, #tpu.memory_space<vmem>>, vector<2048x2048xbf16>,
      %iota3A_151 = tpu.iota {dimensions = array<i32: 0>} : vector<1024x1024xi32>
      %iota3A_152 = tpu.iota {dimensions = array<i32: 1>} : vector<1024x1024xi32>
      %eq3A_153 = arith.cmpi eq, %iota3A_151, %iota3A_152 : vector<1024x1024xi32>
      %convert_element_type3A_154 = arith.extui %eq3A_153 : vector<1024x1024xi1> to vector<1024x1024xi32>
      %convert_element_type3A_155 = arith.sitofp %convert_element_type3A_154 : vector<1024x1024xi32> to vector<1024x1024xf32>
      %swap3A_156 = arith.constant 0 : index
      %swap3A_157 = arith.constant 0 : index
      %swap3A_158 = vector.load %arg12[%swap3A_156, %swap3A_157] : memref<1024x1024xf32, #tpu.memory_space<vmem>>, vector<1024x1024xf32>
      tpu.vector_store %arg12[%swap3A_156, %swap3A_157], %convert_element_type3A_155 {strides = array<i32>} : memref<1024x1024xf32, #tpu.memory_space<vmem>>, vector<1024x1024xf32>,
    } else {
    }
    %get3A = arith.constant 0 : index
    %get3A_2 = arith.constant 0 : index
    %get3A_3 = vector.load %arg1[%get3A, %get3A_2] : memref<1024x768xf32, #tpu.memory_space<vmem>>, vector<1024x768xf32>
    %slice3A = vector.extract_strided_slice %get3A_3 {offsets = [0, 0], sizes = [1024, 384], strides = [1, 1]} : vector<1024x768xf32> to vector<1024x384xf32>
    %bitcast_convert_type3A = tpu.bitcast %slice3A : vector<1024x384xf32> -> vector<1024x384xi32>
    %add3A = arith.constant 32767 : i32
    %add3A_4 = vector.broadcast %add3A : i32 to vector<1024x384xi32>
    %add3A_5 = arith.addi %bitcast_convert_type3A, %add3A_4 : vector<1024x384xi32>
    %shift_right_arithmetic3A = arith.constant 16 : i32
    %shift_right_arithmetic3A_6 = vector.broadcast %shift_right_arithmetic3A : i32 to vector<1024x384xi32>
    %shift_right_arithmetic3A_7 = arith.shrsi %bitcast_convert_type3A, %shift_right_arithmetic3A_6 : vector<1024x384xi32>
    %and3A = arith.constant 1 : i32
    %and3A_8 = vector.broadcast %and3A : i32 to vector<1024x384xi32>
    %and3A_9 = arith.andi %shift_right_arithmetic3A_7, %and3A_8 : vector<1024x384xi32>
    %add3A_10 = arith.addi %add3A_5, %and3A_9 : vector<1024x384xi32>
    %shift_right_arithmetic3A_11 = arith.constant 16 : i32
    %shift_right_arithmetic3A_12 = vector.broadcast %shift_right_arithmetic3A_11 : i32 to vector<1024x384xi32>
    %shift_right_arithmetic3A_13 = arith.shrsi %add3A_10, %shift_right_arithmetic3A_12 : vector<1024x384xi32>
    %and3A_14 = arith.constant 65535 : i32
    %and3A_15 = vector.broadcast %and3A_14 : i32 to vector<1024x384xi32>
    %and3A_16 = arith.andi %shift_right_arithmetic3A_13, %and3A_15 : vector<1024x384xi32>
    %slice3A_17 = vector.extract_strided_slice %get3A_3 {offsets = [0, 384], sizes = [1024, 384], strides = [1, 1]} : vector<1024x768xf32> to vector<1024x384xf32>
    %bitcast_convert_type3A_18 = tpu.bitcast %slice3A_17 : vector<1024x384xf32> -> vector<1024x384xi32>
    %add3A_19 = arith.constant 32767 : i32
    %add3A_20 = vector.broadcast %add3A_19 : i32 to vector<1024x384xi32>
    %add3A_21 = arith.addi %bitcast_convert_type3A_18, %add3A_20 : vector<1024x384xi32>
    %shift_right_arithmetic3A_22 = arith.constant 16 : i32
    %shift_right_arithmetic3A_23 = vector.broadcast %shift_right_arithmetic3A_22 : i32 to vector<1024x384xi32>
    %shift_right_arithmetic3A_24 = arith.shrsi %bitcast_convert_type3A_18, %shift_right_arithmetic3A_23 : vector<1024x384xi32>
    %and3A_25 = arith.constant 1 : i32
    %and3A_26 = vector.broadcast %and3A_25 : i32 to vector<1024x384xi32>
    %and3A_27 = arith.andi %shift_right_arithmetic3A_24, %and3A_26 : vector<1024x384xi32>
    %add3A_28 = arith.addi %add3A_21, %and3A_27 : vector<1024x384xi32>
    %shift_right_arithmetic3A_29 = arith.constant 16 : i32
    %shift_right_arithmetic3A_30 = vector.broadcast %shift_right_arithmetic3A_29 : i32 to vector<1024x384xi32>
    %shift_right_arithmetic3A_31 = arith.shrsi %add3A_28, %shift_right_arithmetic3A_30 : vector<1024x384xi32>
    %and3A_32 = arith.constant 65535 : i32
    %and3A_33 = vector.broadcast %and3A_32 : i32 to vector<1024x384xi32>
    %and3A_34 = arith.andi %shift_right_arithmetic3A_31, %and3A_33 : vector<1024x384xi32>
    %shift_left3A = arith.constant 16 : i32
    %shift_left3A_35 = vector.broadcast %shift_left3A : i32 to vector<1024x384xi32>
    %shift_left3A_36 = arith.shli %and3A_34, %shift_left3A_35 : vector<1024x384xi32>
    %or3A = arith.ori %and3A_16, %shift_left3A_36 : vector<1024x384xi32>
    %swap3A = arith.constant 0 : index
    %swap3A_37 = arith.constant 0 : index
    %swap3A_38 = vector.load %arg9[%swap3A, %swap3A_37] : memref<1024x384xi32, #tpu.memory_space<vmem>>, vector<1024x384xi32>
    tpu.vector_store %arg9[%swap3A, %swap3A_37], %or3A {strides = array<i32>} : memref<1024x384xi32, #tpu.memory_space<vmem>>, vector<1024x384xi32>,
    %get3A_39 = arith.constant 0 : index
    %get3A_40 = arith.constant 0 : index
    %get3A_41 = vector.load %arg2[%get3A_39, %get3A_40] : memref<8x768xf32, #tpu.memory_space<vmem>>, vector<8x768xf32>
    %dot_general3A = arith.constant dense<0.000000e+00> : vector<1024x8xf32>
    %dot_general3A_42 = tpu.matmul %get3A_3, %get3A_41, %dot_general3A {dimension_numbers = #tpu.dot_dimension_numbers<[1], [1], [0], [0], [0, 0, 1, 0], [], []>, transpose_lhs_hint = false} : vector<1024x768xf32>, vector<8x768xf32>, vector<1024x8xf32> -> vector<1024x8xf32>
    %get3A_43 = arith.constant 0 : index
    %get3A_44 = arith.constant 0 : index
    %get3A_45 = vector.load %arg3[%get3A_43, %get3A_44] : memref<1x8xf32, #tpu.memory_space<vmem>>, vector<1x8xf32>
    %add3A_46 = vector.broadcast %get3A_45 : vector<1x8xf32> to vector<1024x8xf32>
    %add3A_47 = arith.addf %dot_general3A_42, %add3A_46 : vector<1024x8xf32>
    %iota3A = tpu.iota {dimensions = array<i32: 1>} : vector<1024x8xi32>
    %reduce_max3A = arith.constant dense<0xFF800000> : vector<1024xf32>
    %reduce_max3A_48 = vector.multi_reduction <maximumf>, %add3A_47, %reduce_max3A [1] : vector<1024x8xf32> to vector<1024xf32>
    %broadcast_in_dim3A = vector.shape_cast %reduce_max3A_48 : vector<1024xf32> to vector<1024x1xf32>
    %eq3A_49 = vector.broadcast %broadcast_in_dim3A : vector<1024x1xf32> to vector<1024x8xf32>
    %eq3A_50 = arith.cmpf oeq, %add3A_47, %eq3A_49 : vector<1024x8xf32>
    %jit3A = arith.constant 8 : i32
    %broadcast_in_dim3A_51 = vector.broadcast %jit3A : i32 to vector<1024x8xi32>
    %select_n3A = arith.select %eq3A_50, %iota3A, %broadcast_in_dim3A_51 : vector<1024x8xi1>, vector<1024x8xi32>
    %reduce_min3A = arith.constant dense<2147483647> : vector<1024xi32>
    %reduce_min3A_52 = vector.multi_reduction <minsi>, %select_n3A, %reduce_min3A [1] : vector<1024x8xi32> to vector<1024xi32>
    %broadcast_in_dim3A_53 = vector.shape_cast %reduce_min3A_52 : vector<1024xi32> to vector<1024x1xi32>
    %eq3A_54 = vector.broadcast %broadcast_in_dim3A_53 : vector<1024x1xi32> to vector<1024x8xi32>
    %eq3A_55 = arith.cmpi eq, %iota3A, %eq3A_54 : vector<1024x8xi32>
    %jit3A_56 = arith.constant 0xFF800000 : f32
    %broadcast_in_dim3A_57 = vector.broadcast %jit3A_56 : f32 to vector<1024x8xf32>
    %select_n3A_58 = arith.select %eq3A_55, %broadcast_in_dim3A_57, %add3A_47 : vector<1024x8xi1>, vector<1024x8xf32>
    %reduce_max3A_59 = arith.constant dense<0xFF800000> : vector<1024xf32>
    %reduce_max3A_60 = vector.multi_reduction <maximumf>, %select_n3A_58, %reduce_max3A_59 [1] : vector<1024x8xf32> to vector<1024xf32>
    %broadcast_in_dim3A_61 = vector.shape_cast %reduce_max3A_60 : vector<1024xf32> to vector<1024x1xf32>
    %eq3A_62 = vector.broadcast %broadcast_in_dim3A_61 : vector<1024x1xf32> to vector<1024x8xf32>
    %eq3A_63 = arith.cmpf oeq, %select_n3A_58, %eq3A_62 : vector<1024x8xf32>
    %jit3A_64 = arith.constant 8 : i32
    %broadcast_in_dim3A_65 = vector.broadcast %jit3A_64 : i32 to vector<1024x8xi32>
    %select_n3A_66 = arith.select %eq3A_63, %iota3A, %broadcast_in_dim3A_65 : vector<1024x8xi1>, vector<1024x8xi32>
    %reduce_min3A_67 = arith.constant dense<2147483647> : vector<1024xi32>
    %reduce_min3A_68 = vector.multi_reduction <minsi>, %select_n3A_66, %reduce_min3A_67 [1] : vector<1024x8xi32> to vector<1024xi32>
    %broadcast_in_dim3A_69 = vector.shape_cast %reduce_min3A_68 : vector<1024xi32> to vector<1024x1xi32>
    %sub3A = arith.subf %broadcast_in_dim3A_61, %broadcast_in_dim3A : vector<1024x1xf32>
    %exp3A = math.exp %sub3A : vector<1024x1xf32>
    %add3A_70 = arith.constant 1.000000e+00 : f32
    %add3A_71 = vector.broadcast %add3A_70 : f32 to vector<1024x1xf32>
    %add3A_72 = arith.addf %add3A_71, %exp3A : vector<1024x1xf32>
    %div3A = arith.constant 1.000000e+00 : f32
    %div3A_73 = vector.broadcast %div3A : f32 to vector<1024x1xf32>
    %div3A_74 = arith.divf %div3A_73, %add3A_72 : vector<1024x1xf32>
    %sub3A_75 = arith.constant 1.000000e+00 : f32
    %sub3A_76 = vector.broadcast %sub3A_75 : f32 to vector<1024x1xf32>
    %sub3A_77 = arith.subf %sub3A_76, %div3A_74 : vector<1024x1xf32>
    %swap3A_78 = arith.constant 0 : index
    %swap3A_79 = arith.constant 0 : index
    %swap3A_80 = vector.load %arg6[%swap3A_78, %swap3A_79] : memref<1024x1xf32, #tpu.memory_space<vmem>>, vector<1024x1xf32>
    tpu.vector_store %arg6[%swap3A_78, %swap3A_79], %div3A_74 {strides = array<i32>} : memref<1024x1xf32, #tpu.memory_space<vmem>>, vector<1024x1xf32>,
    %swap3A_81 = arith.constant 0 : index
    %swap3A_82 = arith.constant 0 : index
    %swap3A_83 = vector.load %arg7[%swap3A_81, %swap3A_82] : memref<1024x1xf32, #tpu.memory_space<vmem>>, vector<1024x1xf32>
    tpu.vector_store %arg7[%swap3A_81, %swap3A_82], %sub3A_77 {strides = array<i32>} : memref<1024x1xf32, #tpu.memory_space<vmem>>, vector<1024x1xf32>,
    %get3A_84 = arith.constant 0 : index
    %get3A_85 = arith.constant 0 : index
    %get3A_86 = vector.load %arg12[%get3A_84, %get3A_85] : memref<1024x1024xf32, #tpu.memory_space<vmem>>, vector<1024x1024xf32>
    %convert_element_type3A_87 = arith.sitofp %broadcast_in_dim3A_53 : vector<1024x1xi32> to vector<1024x1xf32>
    %dot_general3A_88 = arith.constant dense<0.000000e+00> : vector<1x1024xf32>
    %dot_general3A_89 = tpu.matmul %convert_element_type3A_87, %get3A_86, %dot_general3A_88 {dimension_numbers = #tpu.dot_dimension_numbers<[0], [0], [1], [1], [0, 1, 1, 1], [], []>, transpose_lhs_hint = false} : vector<1024x1xf32>, vector<1024x1024xf32>, vector<1x1024xf32> -> vector<1x1024xf32>
    %convert_element_type3A_90 = arith.sitofp %broadcast_in_dim3A_69 : vector<1024x1xi32> to vector<1024x1xf32>
    %dot_general3A_91 = arith.constant dense<0.000000e+00> : vector<1x1024xf32>
    %dot_general3A_92 = tpu.matmul %convert_element_type3A_90, %get3A_86, %dot_general3A_91 {dimension_numbers = #tpu.dot_dimension_numbers<[0], [0], [1], [1], [0, 1, 1, 1], [], []>, transpose_lhs_hint = false} : vector<1024x1xf32>, vector<1024x1024xf32>, vector<1x1024xf32> -> vector<1x1024xf32>
    %concatenate3A = tpu.concatenate %dot_general3A_89, %dot_general3A_92 in 1 : vector<1x1024xf32>, vector<1x1024xf32> -> vector<1x2048xf32>
    %convert_element_type3A_93 = arith.fptosi %concatenate3A : vector<1x2048xf32> to vector<1x2048xi32>
    %iota3A_94 = tpu.iota {dimensions = array<i32: 0>} : vector<8x2048xi32>
    %eq3A_95 = vector.broadcast %convert_element_type3A_93 : vector<1x2048xi32> to vector<8x2048xi32>
    %eq3A_96 = arith.cmpi eq, %iota3A_94, %eq3A_95 : vector<8x2048xi32>
    %convert_element_type3A_97 = arith.extui %eq3A_96 : vector<8x2048xi1> to vector<8x2048xi32>
    %convert_element_type3A_98 = arith.sitofp %convert_element_type3A_97 : vector<8x2048xi32> to vector<8x2048xf32>
    %convert_element_type3A_99 = arith.truncf %convert_element_type3A_98 : vector<8x2048xf32> to vector<8x2048xbf16>
    %get3A_100 = arith.constant 0 : index
    %get3A_101 = arith.constant 0 : index
    %get3A_102 = vector.load %arg11[%get3A_100, %get3A_101] : memref<2048x2048xbf16, #tpu.memory_space<vmem>>, vector<2048x2048xbf16>
    %dot_general3A_103 = arith.constant dense<0.000000e+00> : vector<8x2048xf32>
    %dot_general3A_104 = tpu.matmul %convert_element_type3A_99, %get3A_102, %dot_general3A_103 {dimension_numbers = #tpu.dot_dimension_numbers<[1], [0], [0], [1], [0, 0, 1, 1], [], []>, transpose_lhs_hint = false} : vector<8x2048xbf16>, vector<2048x2048xbf16>, vector<8x2048xf32> -> vector<8x2048xf32>
    %get3A_105 = arith.constant 0 : index
    %get3A_106 = arith.constant 0 : index
    %get3A_107 = vector.load %arg10[%get3A_105, %get3A_106] : memref<8x1xf32, #tpu.memory_space<vmem>>, vector<8x1xf32>
    %add3A_108 = vector.broadcast %get3A_107 : vector<8x1xf32> to vector<8x2048xf32>
    %add3A_109 = arith.addf %dot_general3A_104, %add3A_108 : vector<8x2048xf32>
    %mul3A = arith.mulf %convert_element_type3A_98, %add3A_109 : vector<8x2048xf32>
    %reduce_sum3A = arith.constant dense<0.000000e+00> : vector<2048xf32>
    %reduce_sum3A_110 = vector.multi_reduction <add>, %mul3A, %reduce_sum3A [0] : vector<8x2048xf32> to vector<2048xf32>
    %broadcast_in_dim3A_111 = vector.shape_cast %reduce_sum3A_110 : vector<2048xf32> to vector<1x2048xf32>
    %get3A_112 = arith.constant 0 : index
    %get3A_113 = arith.constant 0 : index
    %get3A_114 = vector.load %arg10[%get3A_112, %get3A_113] : memref<8x1xf32, #tpu.memory_space<vmem>>, vector<8x1xf32>
    %reduce_sum3A_115 = arith.constant dense<0.000000e+00> : vector<8xf32>
    %reduce_sum3A_116 = vector.multi_reduction <add>, %convert_element_type3A_98, %reduce_sum3A_115 [1] : vector<8x2048xf32> to vector<8xf32>
    %broadcast_in_dim3A_117 = vector.shape_cast %reduce_sum3A_116 : vector<8xf32> to vector<8x1xf32>
    %add3A_118 = arith.addf %get3A_114, %broadcast_in_dim3A_117 : vector<8x1xf32>
    %swap3A_119 = arith.constant 0 : index
    %swap3A_120 = arith.constant 0 : index
    %swap3A_121 = vector.load %arg10[%swap3A_119, %swap3A_120] : memref<8x1xf32, #tpu.memory_space<vmem>>, vector<8x1xf32>
    tpu.vector_store %arg10[%swap3A_119, %swap3A_120], %add3A_118 {strides = array<i32>} : memref<8x1xf32, #tpu.memory_space<vmem>>, vector<8x1xf32>,
    %get3A_122 = arith.constant 0 : index
    %get3A_123 = arith.constant 0 : index
    %get3A_124 = vector.load %arg10[%get3A_122, %get3A_123] : memref<8x1xf32, #tpu.memory_space<vmem>>, vector<8x1xf32>
    %swap3A_125 = arith.constant 0 : index
    %swap3A_126 = arith.constant 0 : index
    %swap3A_127 = vector.load %arg8[%swap3A_125, %swap3A_126] : memref<8x1xf32, #tpu.memory_space<vmem>>, vector<8x1xf32>
    tpu.vector_store %arg8[%swap3A_125, %swap3A_126], %get3A_124 {strides = array<i32>} : memref<8x1xf32, #tpu.memory_space<vmem>>, vector<8x1xf32>,
    %reshape3A = vector.shape_cast %convert_element_type3A_93 : vector<1x2048xi32> to vector<1x1x2048xi32>
    %swap3A_128 = arith.constant 0 : index
    %swap3A_129 = arith.constant 0 : index
    %swap3A_130 = arith.constant 0 : index
    %swap3A_131 = vector.load %arg4[%swap3A_128, %swap3A_129, %swap3A_130] : memref<1x1x2048xi32, #tpu.memory_space<vmem>>, vector<1x1x2048xi32>
    tpu.vector_store %arg4[%swap3A_128, %swap3A_129, %swap3A_130], %reshape3A {strides = array<i32>} : memref<1x1x2048xi32, #tpu.memory_space<vmem>>, vector<1x1x2048xi32>,
    %convert_element_type3A_132 = arith.fptosi %broadcast_in_dim3A_111 : vector<1x2048xf32> to vector<1x2048xi32>
    %reshape3A_133 = vector.shape_cast %convert_element_type3A_132 : vector<1x2048xi32> to vector<1x1x2048xi32>
    %swap3A_134 = arith.constant 0 : index
    %swap3A_135 = arith.constant 0 : index
    %swap3A_136 = arith.constant 0 : index
    %swap3A_137 = vector.load %arg5[%swap3A_134, %swap3A_135, %swap3A_136] : memref<1x1x2048xi32, #tpu.memory_space<vmem>>, vector<1x1x2048xi32>
    tpu.vector_store %arg5[%swap3A_134, %swap3A_135, %swap3A_136], %reshape3A_133 {strides = array<i32>} : memref<1x1x2048xi32, #tpu.memory_space<vmem>>, vector<1x1x2048xi32>,
    return
  }
  func.func @transform_0(%arg0: i32) -> (i32, i32) {
    %c0_i32 = arith.constant 0 : i32
    %c0_i32_0 = arith.constant 0 : i32
    return %arg0, %c0_i32 : i32, i32
  }
  func.func @transform_1(%arg0: i32) -> (i32, i32) {
    %c0_i32 = arith.constant 0 : i32
    %c0_i32_0 = arith.constant 0 : i32
    %c0_i32_1 = arith.constant 0 : i32
    return %c0_i32, %c0_i32_0 : i32, i32
  }
  func.func @transform_2(%arg0: i32) -> (i32, i32) {
    %c0_i32 = arith.constant 0 : i32
    %c0_i32_0 = arith.constant 0 : i32
    %c0_i32_1 = arith.constant 0 : i32
    return %c0_i32, %c0_i32_0 : i32, i32
  }
  func.func @transform_3(%arg0: i32) -> (i32, i32, i32) {
    %c0_i32 = arith.constant 0 : i32
    %c0_i32_0 = arith.constant 0 : i32
    %c0_i32_1 = arith.constant 0 : i32
    return %arg0, %c0_i32, %c0_i32_0 : i32, i32, i32
  }
  func.func @transform_4(%arg0: i32) -> (i32, i32, i32) {
    %c0_i32 = arith.constant 0 : i32
    %c0_i32_0 = arith.constant 0 : i32
    %c0_i32_1 = arith.constant 0 : i32
    return %arg0, %c0_i32, %c0_i32_0 : i32, i32, i32
  }
  func.func @transform_5(%arg0: i32) -> (i32, i32) {
    %c0_i32 = arith.constant 0 : i32
    %c0_i32_0 = arith.constant 0 : i32
    return %arg0, %c0_i32 : i32, i32
  }
  func.func @transform_6(%arg0: i32) -> (i32, i32) {
    %c0_i32 = arith.constant 0 : i32
    %c0_i32_0 = arith.constant 0 : i32
    return %arg0, %c0_i32 : i32, i32
  }
  func.func @transform_7(%arg0: i32) -> (i32, i32) {
    %c0_i32 = arith.constant 0 : i32
    %c0_i32_0 = arith.constant 0 : i32
    %c0_i32_1 = arith.constant 0 : i32
    return %c0_i32, %c0_i32_0 : i32, i32
  }
  func.func @transform_8(%arg0: i32) -> (i32, i32) {
    %c0_i32 = arith.constant 0 : i32
    %c0_i32_0 = arith.constant 0 : i32
    return %arg0, %c0_i32 : i32, i32
  }
}

module attributes {stable_mosaic.version = 14 : i64} {
  func.func @_posmap_body(%arg0: i32, %arg1: memref<8xi32, #tpu.memory_space<smem>>, %arg2: memref<1x1x2048xi32, #tpu.memory_space<vmem>>, %arg3: memref<1x1x2048xi32, #tpu.memory_space<vmem>>, %arg4: memref<1x1x2048xi32, #tpu.memory_space<vmem>>) attributes {dimension_semantics = [#tpu.dimension_semantics<arbitrary>], iteration_bounds = array<i64: 8>, scalar_prefetch = 1 : i64, scratch_operands = 0 : i64, tpu.core_type = #tpu.core_type<tc>, window_params = [{transform_indices = @transform_0, window_bounds = array<i64: 1, 1, 2048>}, {transform_indices = @transform_1, window_bounds = array<i64: 1, 1, 2048>}, {transform_indices = @transform_2, window_bounds = array<i64: 1, 1, 2048>}]} {
    %get3A = arith.constant 0 : index
    %get3A_0 = arith.constant 0 : index
    %get3A_1 = arith.constant 0 : index
    %get3A_2 = vector.load %arg2[%get3A, %get3A_0, %get3A_1] : memref<1x1x2048xi32, #tpu.memory_space<vmem>>, vector<1x1x2048xi32>
    %get3A_3 = arith.constant 0 : index
    %get3A_4 = arith.constant 0 : index
    %get3A_5 = arith.constant 0 : index
    %get3A_6 = vector.load %arg3[%get3A_3, %get3A_4, %get3A_5] : memref<1x1x2048xi32, #tpu.memory_space<vmem>>, vector<1x1x2048xi32>
    %eq3A = arith.constant 0 : i32
    %eq3A_7 = vector.broadcast %eq3A : i32 to vector<1x1x2048xi32>
    %eq3A_8 = arith.cmpi eq, %get3A_2, %eq3A_7 : vector<1x1x2048xi32>
    %get3A_9 = arith.constant 0 : index
    %get3A_10 = memref.load %arg1[%get3A_9] : memref<8xi32, #tpu.memory_space<smem>>
    %jit3A = arith.constant 0 : i32
    %broadcast_in_dim3A = vector.broadcast %get3A_10 : i32 to vector<1x1x2048xi32>
    %broadcast_in_dim3A_11 = vector.broadcast %jit3A : i32 to vector<1x1x2048xi32>
    %select_n3A = arith.select %eq3A_8, %broadcast_in_dim3A, %broadcast_in_dim3A_11 : vector<1x1x2048xi1>, vector<1x1x2048xi32>
    %add3A = arith.addi %get3A_6, %select_n3A : vector<1x1x2048xi32>
    %eq3A_12 = arith.constant 1 : i32
    %eq3A_13 = vector.broadcast %eq3A_12 : i32 to vector<1x1x2048xi32>
    %eq3A_14 = arith.cmpi eq, %get3A_2, %eq3A_13 : vector<1x1x2048xi32>
    %get3A_15 = arith.constant 1 : index
    %get3A_16 = memref.load %arg1[%get3A_15] : memref<8xi32, #tpu.memory_space<smem>>
    %jit3A_17 = arith.constant 0 : i32
    %broadcast_in_dim3A_18 = vector.broadcast %get3A_16 : i32 to vector<1x1x2048xi32>
    %broadcast_in_dim3A_19 = vector.broadcast %jit3A_17 : i32 to vector<1x1x2048xi32>
    %select_n3A_20 = arith.select %eq3A_14, %broadcast_in_dim3A_18, %broadcast_in_dim3A_19 : vector<1x1x2048xi1>, vector<1x1x2048xi32>
    %add3A_21 = arith.addi %add3A, %select_n3A_20 : vector<1x1x2048xi32>
    %eq3A_22 = arith.constant 2 : i32
    %eq3A_23 = vector.broadcast %eq3A_22 : i32 to vector<1x1x2048xi32>
    %eq3A_24 = arith.cmpi eq, %get3A_2, %eq3A_23 : vector<1x1x2048xi32>
    %get3A_25 = arith.constant 2 : index
    %get3A_26 = memref.load %arg1[%get3A_25] : memref<8xi32, #tpu.memory_space<smem>>
    %jit3A_27 = arith.constant 0 : i32
    %broadcast_in_dim3A_28 = vector.broadcast %get3A_26 : i32 to vector<1x1x2048xi32>
    %broadcast_in_dim3A_29 = vector.broadcast %jit3A_27 : i32 to vector<1x1x2048xi32>
    %select_n3A_30 = arith.select %eq3A_24, %broadcast_in_dim3A_28, %broadcast_in_dim3A_29 : vector<1x1x2048xi1>, vector<1x1x2048xi32>
    %add3A_31 = arith.addi %add3A_21, %select_n3A_30 : vector<1x1x2048xi32>
    %eq3A_32 = arith.constant 3 : i32
    %eq3A_33 = vector.broadcast %eq3A_32 : i32 to vector<1x1x2048xi32>
    %eq3A_34 = arith.cmpi eq, %get3A_2, %eq3A_33 : vector<1x1x2048xi32>
    %get3A_35 = arith.constant 3 : index
    %get3A_36 = memref.load %arg1[%get3A_35] : memref<8xi32, #tpu.memory_space<smem>>
    %jit3A_37 = arith.constant 0 : i32
    %broadcast_in_dim3A_38 = vector.broadcast %get3A_36 : i32 to vector<1x1x2048xi32>
    %broadcast_in_dim3A_39 = vector.broadcast %jit3A_37 : i32 to vector<1x1x2048xi32>
    %select_n3A_40 = arith.select %eq3A_34, %broadcast_in_dim3A_38, %broadcast_in_dim3A_39 : vector<1x1x2048xi1>, vector<1x1x2048xi32>
    %add3A_41 = arith.addi %add3A_31, %select_n3A_40 : vector<1x1x2048xi32>
    %eq3A_42 = arith.constant 4 : i32
    %eq3A_43 = vector.broadcast %eq3A_42 : i32 to vector<1x1x2048xi32>
    %eq3A_44 = arith.cmpi eq, %get3A_2, %eq3A_43 : vector<1x1x2048xi32>
    %get3A_45 = arith.constant 4 : index
    %get3A_46 = memref.load %arg1[%get3A_45] : memref<8xi32, #tpu.memory_space<smem>>
    %jit3A_47 = arith.constant 0 : i32
    %broadcast_in_dim3A_48 = vector.broadcast %get3A_46 : i32 to vector<1x1x2048xi32>
    %broadcast_in_dim3A_49 = vector.broadcast %jit3A_47 : i32 to vector<1x1x2048xi32>
    %select_n3A_50 = arith.select %eq3A_44, %broadcast_in_dim3A_48, %broadcast_in_dim3A_49 : vector<1x1x2048xi1>, vector<1x1x2048xi32>
    %add3A_51 = arith.addi %add3A_41, %select_n3A_50 : vector<1x1x2048xi32>
    %eq3A_52 = arith.constant 5 : i32
    %eq3A_53 = vector.broadcast %eq3A_52 : i32 to vector<1x1x2048xi32>
    %eq3A_54 = arith.cmpi eq, %get3A_2, %eq3A_53 : vector<1x1x2048xi32>
    %get3A_55 = arith.constant 5 : index
    %get3A_56 = memref.load %arg1[%get3A_55] : memref<8xi32, #tpu.memory_space<smem>>
    %jit3A_57 = arith.constant 0 : i32
    %broadcast_in_dim3A_58 = vector.broadcast %get3A_56 : i32 to vector<1x1x2048xi32>
    %broadcast_in_dim3A_59 = vector.broadcast %jit3A_57 : i32 to vector<1x1x2048xi32>
    %select_n3A_60 = arith.select %eq3A_54, %broadcast_in_dim3A_58, %broadcast_in_dim3A_59 : vector<1x1x2048xi1>, vector<1x1x2048xi32>
    %add3A_61 = arith.addi %add3A_51, %select_n3A_60 : vector<1x1x2048xi32>
    %eq3A_62 = arith.constant 6 : i32
    %eq3A_63 = vector.broadcast %eq3A_62 : i32 to vector<1x1x2048xi32>
    %eq3A_64 = arith.cmpi eq, %get3A_2, %eq3A_63 : vector<1x1x2048xi32>
    %get3A_65 = arith.constant 6 : index
    %get3A_66 = memref.load %arg1[%get3A_65] : memref<8xi32, #tpu.memory_space<smem>>
    %jit3A_67 = arith.constant 0 : i32
    %broadcast_in_dim3A_68 = vector.broadcast %get3A_66 : i32 to vector<1x1x2048xi32>
    %broadcast_in_dim3A_69 = vector.broadcast %jit3A_67 : i32 to vector<1x1x2048xi32>
    %select_n3A_70 = arith.select %eq3A_64, %broadcast_in_dim3A_68, %broadcast_in_dim3A_69 : vector<1x1x2048xi1>, vector<1x1x2048xi32>
    %add3A_71 = arith.addi %add3A_61, %select_n3A_70 : vector<1x1x2048xi32>
    %eq3A_72 = arith.constant 7 : i32
    %eq3A_73 = vector.broadcast %eq3A_72 : i32 to vector<1x1x2048xi32>
    %eq3A_74 = arith.cmpi eq, %get3A_2, %eq3A_73 : vector<1x1x2048xi32>
    %get3A_75 = arith.constant 7 : index
    %get3A_76 = memref.load %arg1[%get3A_75] : memref<8xi32, #tpu.memory_space<smem>>
    %jit3A_77 = arith.constant 0 : i32
    %broadcast_in_dim3A_78 = vector.broadcast %get3A_76 : i32 to vector<1x1x2048xi32>
    %broadcast_in_dim3A_79 = vector.broadcast %jit3A_77 : i32 to vector<1x1x2048xi32>
    %select_n3A_80 = arith.select %eq3A_74, %broadcast_in_dim3A_78, %broadcast_in_dim3A_79 : vector<1x1x2048xi1>, vector<1x1x2048xi32>
    %add3A_81 = arith.addi %add3A_71, %select_n3A_80 : vector<1x1x2048xi32>
    %swap3A = arith.constant 0 : index
    %swap3A_82 = arith.constant 0 : index
    %swap3A_83 = arith.constant 0 : index
    %swap3A_84 = vector.load %arg4[%swap3A, %swap3A_82, %swap3A_83] : memref<1x1x2048xi32, #tpu.memory_space<vmem>>, vector<1x1x2048xi32>
    tpu.vector_store %arg4[%swap3A, %swap3A_82, %swap3A_83], %add3A_81 {strides = array<i32>} : memref<1x1x2048xi32, #tpu.memory_space<vmem>>, vector<1x1x2048xi32>,
    return
  }
  func.func @transform_0(%arg0: i32, %arg1: memref<8xi32, #tpu.memory_space<smem>>) -> (i32, i32, i32) {
    %c0_i32 = arith.constant 0 : i32
    %c0_i32_0 = arith.constant 0 : i32
    %c0_i32_1 = arith.constant 0 : i32
    return %arg0, %c0_i32, %c0_i32_0 : i32, i32, i32
  }
  func.func @transform_1(%arg0: i32, %arg1: memref<8xi32, #tpu.memory_space<smem>>) -> (i32, i32, i32) {
    %c0_i32 = arith.constant 0 : i32
    %c0_i32_0 = arith.constant 0 : i32
    %c0_i32_1 = arith.constant 0 : i32
    return %arg0, %c0_i32, %c0_i32_0 : i32, i32, i32
  }
  func.func @transform_2(%arg0: i32, %arg1: memref<8xi32, #tpu.memory_space<smem>>) -> (i32, i32, i32) {
    %c0_i32 = arith.constant 0 : i32
    %c0_i32_0 = arith.constant 0 : i32
    %c0_i32_1 = arith.constant 0 : i32
    return %arg0, %c0_i32, %c0_i32_0 : i32, i32, i32
  }
}

module attributes {stable_mosaic.version = 14 : i64} {
  func.func @_finish_body(%arg0: i32, %arg1: memref<1024x768xf32, #tpu.memory_space<vmem>>, %arg2: memref<1024x384xi32, #tpu.memory_space<vmem>>, %arg3: memref<1024x384xi32, #tpu.memory_space<vmem>>, %arg4: memref<1024x1xf32, #tpu.memory_space<vmem>>, %arg5: memref<1024x1xf32, #tpu.memory_space<vmem>>, %arg6: memref<1x1xf32, #tpu.memory_space<vmem>>, %arg7: memref<1024x768xf32, #tpu.memory_space<vmem>>) attributes {dimension_semantics = [#tpu.dimension_semantics<arbitrary>], iteration_bounds = array<i64: 8>, scalar_prefetch = 0 : i64, scratch_operands = 0 : i64, tpu.core_type = #tpu.core_type<tc>, window_params = [{transform_indices = @transform_0, window_bounds = array<i64: 1024, 768>}, {transform_indices = @transform_1, window_bounds = array<i64: 1024, 384>}, {transform_indices = @transform_2, window_bounds = array<i64: 1024, 384>}, {transform_indices = @transform_3, window_bounds = array<i64: 1024, 1>}, {transform_indices = @transform_4, window_bounds = array<i64: 1024, 1>}, {pipeline_mode = #tpu.pipeline_mode<synchronous>, transform_indices = @transform_5, window_bounds = array<i64: 1, 1>}, {transform_indices = @transform_6, window_bounds = array<i64: 1024, 768>}]} {
    %get3A = arith.constant 0 : index
    %get3A_0 = arith.constant 0 : index
    %get3A_1 = vector.load %arg6[%get3A, %get3A_0] : memref<1x1xf32, #tpu.memory_space<vmem>>, vector<1x1xf32>
    %get3A_2 = vector.extract %get3A_1[0, 0] : f32 from vector<1x1xf32>
    %get3A_3 = arith.constant 0 : index
    %get3A_4 = arith.constant 0 : index
    %get3A_5 = vector.load %arg2[%get3A_3, %get3A_4] : memref<1024x384xi32, #tpu.memory_space<vmem>>, vector<1024x384xi32>
    %shift_left3A = arith.constant 16 : i32
    %shift_left3A_6 = vector.broadcast %shift_left3A : i32 to vector<1024x384xi32>
    %shift_left3A_7 = arith.shli %get3A_5, %shift_left3A_6 : vector<1024x384xi32>
    %bitcast_convert_type3A = tpu.bitcast %shift_left3A_7 : vector<1024x384xi32> -> vector<1024x384xf32>
    %and3A = arith.constant -65536 : i32
    %and3A_8 = vector.broadcast %and3A : i32 to vector<1024x384xi32>
    %and3A_9 = arith.andi %get3A_5, %and3A_8 : vector<1024x384xi32>
    %bitcast_convert_type3A_10 = tpu.bitcast %and3A_9 : vector<1024x384xi32> -> vector<1024x384xf32>
    %concatenate3A = tpu.concatenate %bitcast_convert_type3A, %bitcast_convert_type3A_10 in 1 : vector<1024x384xf32>, vector<1024x384xf32> -> vector<1024x768xf32>
    %get3A_11 = arith.constant 0 : index
    %get3A_12 = arith.constant 0 : index
    %get3A_13 = vector.load %arg3[%get3A_11, %get3A_12] : memref<1024x384xi32, #tpu.memory_space<vmem>>, vector<1024x384xi32>
    %shift_left3A_14 = arith.constant 16 : i32
    %shift_left3A_15 = vector.broadcast %shift_left3A_14 : i32 to vector<1024x384xi32>
    %shift_left3A_16 = arith.shli %get3A_13, %shift_left3A_15 : vector<1024x384xi32>
    %bitcast_convert_type3A_17 = tpu.bitcast %shift_left3A_16 : vector<1024x384xi32> -> vector<1024x384xf32>
    %and3A_18 = arith.constant -65536 : i32
    %and3A_19 = vector.broadcast %and3A_18 : i32 to vector<1024x384xi32>
    %and3A_20 = arith.andi %get3A_13, %and3A_19 : vector<1024x384xi32>
    %bitcast_convert_type3A_21 = tpu.bitcast %and3A_20 : vector<1024x384xi32> -> vector<1024x384xf32>
    %concatenate3A_22 = tpu.concatenate %bitcast_convert_type3A_17, %bitcast_convert_type3A_21 in 1 : vector<1024x384xf32>, vector<1024x384xf32> -> vector<1024x768xf32>
    %get3A_23 = arith.constant 0 : index
    %get3A_24 = arith.constant 0 : index
    %get3A_25 = vector.load %arg1[%get3A_23, %get3A_24] : memref<1024x768xf32, #tpu.memory_space<vmem>>, vector<1024x768xf32>
    %get3A_26 = arith.constant 0 : index
    %get3A_27 = arith.constant 0 : index
    %get3A_28 = vector.load %arg4[%get3A_26, %get3A_27] : memref<1024x1xf32, #tpu.memory_space<vmem>>, vector<1024x1xf32>
    %mul3A = vector.broadcast %get3A_28 : vector<1024x1xf32> to vector<1024x768xf32>
    %mul3A_29 = arith.mulf %mul3A, %concatenate3A : vector<1024x768xf32>
    %get3A_30 = arith.constant 0 : index
    %get3A_31 = arith.constant 0 : index
    %get3A_32 = vector.load %arg5[%get3A_30, %get3A_31] : memref<1024x1xf32, #tpu.memory_space<vmem>>, vector<1024x1xf32>
    %mul3A_33 = vector.broadcast %get3A_32 : vector<1024x1xf32> to vector<1024x768xf32>
    %mul3A_34 = arith.mulf %mul3A_33, %concatenate3A_22 : vector<1024x768xf32>
    %add3A = arith.addf %mul3A_29, %mul3A_34 : vector<1024x768xf32>
    %mul3A_35 = vector.broadcast %get3A_2 : f32 to vector<1024x768xf32>
    %mul3A_36 = arith.mulf %mul3A_35, %add3A : vector<1024x768xf32>
    %add3A_37 = arith.addf %get3A_25, %mul3A_36 : vector<1024x768xf32>
    %swap3A = arith.constant 0 : index
    %swap3A_38 = arith.constant 0 : index
    %swap3A_39 = vector.load %arg7[%swap3A, %swap3A_38] : memref<1024x768xf32, #tpu.memory_space<vmem>>, vector<1024x768xf32>
    tpu.vector_store %arg7[%swap3A, %swap3A_38], %add3A_37 {strides = array<i32>} : memref<1024x768xf32, #tpu.memory_space<vmem>>, vector<1024x768xf32>,
    return
  }
  func.func @transform_0(%arg0: i32) -> (i32, i32) {
    %c0_i32 = arith.constant 0 : i32
    %c0_i32_0 = arith.constant 0 : i32
    return %arg0, %c0_i32 : i32, i32
  }
  func.func @transform_1(%arg0: i32) -> (i32, i32) {
    %c0_i32 = arith.constant 0 : i32
    %c0_i32_0 = arith.constant 0 : i32
    return %arg0, %c0_i32 : i32, i32
  }
  func.func @transform_2(%arg0: i32) -> (i32, i32) {
    %c0_i32 = arith.constant 0 : i32
    %c0_i32_0 = arith.constant 0 : i32
    return %arg0, %c0_i32 : i32, i32
  }
  func.func @transform_3(%arg0: i32) -> (i32, i32) {
    %c0_i32 = arith.constant 0 : i32
    %c0_i32_0 = arith.constant 0 : i32
    return %arg0, %c0_i32 : i32, i32
  }
  func.func @transform_4(%arg0: i32) -> (i32, i32) {
    %c0_i32 = arith.constant 0 : i32
    %c0_i32_0 = arith.constant 0 : i32
    return %arg0, %c0_i32 : i32, i32
  }
  func.func @transform_5(%arg0: i32) -> (i32, i32) {
    %c0_i32 = arith.constant 0 : i32
    %c0_i32_0 = arith.constant 0 : i32
    %c0_i32_1 = arith.constant 0 : i32
    return %c0_i32, %c0_i32_0 : i32, i32
  }
  func.func @transform_6(%arg0: i32) -> (i32, i32) {
    %c0_i32 = arith.constant 0 : i32
    %c0_i32_0 = arith.constant 0 : i32
    return %arg0, %c0_i32 : i32, i32
  }
}

module attributes {stable_mosaic.version = 14 : i64} {
  func.func @_gmm_body(%arg0: i32, %arg1: memref<41xi32, #tpu.memory_space<smem>>, %arg2: memref<512x384xi32, #tpu.memory_space<vmem>>, %arg3: memref<1x1536x768xf32, #tpu.memory_space<vmem>>, %arg4: memref<1x1x1536xf32, #tpu.memory_space<vmem>>, %arg5: memref<1x768x1536xf32, #tpu.memory_space<vmem>>, %arg6: memref<1x1x768xf32, #tpu.memory_space<vmem>>, %arg7: memref<512x384xi32, #tpu.memory_space<vmem>>, %arg8: memref<1536x768xbf16, #tpu.memory_space<vmem>>, %arg9: memref<768x1536xbf16, #tpu.memory_space<vmem>>, %arg10: memref<1xi32, #tpu.memory_space<smem>>) attributes {dimension_semantics = [#tpu.dimension_semantics<arbitrary>], iteration_bounds = array<i64: 40>, scalar_prefetch = 1 : i64, scratch_operands = 3 : i64, tpu.core_type = #tpu.core_type<tc>, window_params = [{transform_indices = @transform_0, window_bounds = array<i64: 512, 384>}, {transform_indices = @transform_1, window_bounds = array<i64: 1, 1536, 768>}, {transform_indices = @transform_2, window_bounds = array<i64: 1, 1, 1536>}, {transform_indices = @transform_3, window_bounds = array<i64: 1, 768, 1536>}, {transform_indices = @transform_4, window_bounds = array<i64: 1, 1, 768>}, {transform_indices = @transform_5, window_bounds = array<i64: 512, 384>}]} {
    %get3A = arith.index_cast %arg0 : i32 to index
    %get3A_0 = memref.load %arg1[%get3A] : memref<41xi32, #tpu.memory_space<smem>>
    %eq3A = arith.constant 0 : i32
    %eq3A_1 = arith.cmpi eq, %arg0, %eq3A : i32
    %get3A_2 = arith.constant 0 : index
    %get3A_3 = memref.load %arg10[%get3A_2] : memref<1xi32, #tpu.memory_space<smem>>
    %ne3A = arith.cmpi ne, %get3A_0, %get3A_3 : i32
    %or3A = arith.ori %eq3A_1, %ne3A : i1
    %convert_element_type3A = arith.extui %or3A : i1 to i32
    %cond3A = arith.constant 0 : i32
    %cond3A_4 = arith.cmpi ne, %convert_element_type3A, %cond3A : i32
    scf.if %cond3A_4 {
      %get3A_11 = arith.constant 0 : index
      %get3A_12 = arith.constant 0 : index
      %get3A_13 = arith.constant 0 : index
      %get3A_14 = vector.load %arg3[%get3A_11, %get3A_12, %get3A_13] : memref<1x1536x768xf32, #tpu.memory_space<vmem>>, vector<1x1536x768xf32>
      %get3A_15 = vector.shape_cast %get3A_14 : vector<1x1536x768xf32> to vector<1536x768xf32>
      %convert_element_type3A_16 = arith.truncf %get3A_15 : vector<1536x768xf32> to vector<1536x768xbf16>
      %swap3A_17 = arith.constant 0 : index
      %swap3A_18 = arith.constant 0 : index
      %swap3A_19 = vector.load %arg8[%swap3A_17, %swap3A_18] : memref<1536x768xbf16, #tpu.memory_space<vmem>>, vector<1536x768xbf16>
      tpu.vector_store %arg8[%swap3A_17, %swap3A_18], %convert_element_type3A_16 {strides = array<i32>} : memref<1536x768xbf16, #tpu.memory_space<vmem>>, vector<1536x768xbf16>,
      %get3A_20 = arith.constant 0 : index
      %get3A_21 = arith.constant 0 : index
      %get3A_22 = arith.constant 0 : index
      %get3A_23 = vector.load %arg5[%get3A_20, %get3A_21, %get3A_22] : memref<1x768x1536xf32, #tpu.memory_space<vmem>>, vector<1x768x1536xf32>
      %get3A_24 = vector.shape_cast %get3A_23 : vector<1x768x1536xf32> to vector<768x1536xf32>
      %convert_element_type3A_25 = arith.truncf %get3A_24 : vector<768x1536xf32> to vector<768x1536xbf16>
      %swap3A_26 = arith.constant 0 : index
      %swap3A_27 = arith.constant 0 : index
      %swap3A_28 = vector.load %arg9[%swap3A_26, %swap3A_27] : memref<768x1536xbf16, #tpu.memory_space<vmem>>, vector<768x1536xbf16>
      tpu.vector_store %arg9[%swap3A_26, %swap3A_27], %convert_element_type3A_25 {strides = array<i32>} : memref<768x1536xbf16, #tpu.memory_space<vmem>>, vector<768x1536xbf16>,
    } else {
    }
    %swap3A = arith.constant 0 : index
    %swap3A_5 = memref.load %arg10[%swap3A] : memref<1xi32, #tpu.memory_space<smem>>
    memref.store %get3A_0, %arg10[%swap3A] : memref<1xi32, #tpu.memory_space<smem>>
    %get3A_6 = arith.constant 40 : index
    %get3A_7 = memref.load %arg1[%get3A_6] : memref<41xi32, #tpu.memory_space<smem>>
    %lt3A = arith.cmpi slt, %arg0, %get3A_7 : i32
    %convert_element_type3A_8 = arith.extui %lt3A : i1 to i32
    %cond3A_9 = arith.constant 0 : i32
    %cond3A_10 = arith.cmpi ne, %convert_element_type3A_8, %cond3A_9 : i32
    scf.if %cond3A_10 {
      %get3A_11 = arith.constant 0 : index
      %get3A_12 = arith.constant 0 : index
      %get3A_13 = vector.load %arg2[%get3A_11, %get3A_12] : memref<512x384xi32, #tpu.memory_space<vmem>>, vector<512x384xi32>
      %shift_left3A = arith.constant 16 : i32
      %shift_left3A_14 = vector.broadcast %shift_left3A : i32 to vector<512x384xi32>
      %shift_left3A_15 = arith.shli %get3A_13, %shift_left3A_14 : vector<512x384xi32>
      %bitcast_convert_type3A = tpu.bitcast %shift_left3A_15 : vector<512x384xi32> -> vector<512x384xf32>
      %and3A = arith.constant -65536 : i32
      %and3A_16 = vector.broadcast %and3A : i32 to vector<512x384xi32>
      %and3A_17 = arith.andi %get3A_13, %and3A_16 : vector<512x384xi32>
      %bitcast_convert_type3A_18 = tpu.bitcast %and3A_17 : vector<512x384xi32> -> vector<512x384xf32>
      %concatenate3A = tpu.concatenate %bitcast_convert_type3A, %bitcast_convert_type3A_18 in 1 : vector<512x384xf32>, vector<512x384xf32> -> vector<512x768xf32>
      %convert_element_type3A_19 = arith.truncf %concatenate3A : vector<512x768xf32> to vector<512x768xbf16>
      %get3A_20 = arith.constant 0 : index
      %get3A_21 = arith.constant 0 : index
      %get3A_22 = vector.load %arg8[%get3A_20, %get3A_21] : memref<1536x768xbf16, #tpu.memory_space<vmem>>, vector<1536x768xbf16>
      %dot_general3A = arith.constant dense<0.000000e+00> : vector<512x1536xf32>
      %dot_general3A_23 = tpu.matmul %convert_element_type3A_19, %get3A_22, %dot_general3A {dimension_numbers = #tpu.dot_dimension_numbers<[1], [1], [0], [0], [0, 0, 1, 0], [], []>, transpose_lhs_hint = false} : vector<512x768xbf16>, vector<1536x768xbf16>, vector<512x1536xf32> -> vector<512x1536xf32>
      %get3A_24 = arith.constant 0 : index
      %get3A_25 = arith.constant 0 : index
      %get3A_26 = arith.constant 0 : index
      %get3A_27 = vector.load %arg4[%get3A_24, %get3A_25, %get3A_26] : memref<1x1x1536xf32, #tpu.memory_space<vmem>>, vector<1x1x1536xf32>
      %get3A_28 = vector.shape_cast %get3A_27 : vector<1x1x1536xf32> to vector<1x1536xf32>
      %add3A = vector.broadcast %get3A_28 : vector<1x1536xf32> to vector<512x1536xf32>
      %add3A_29 = arith.addf %dot_general3A_23, %add3A : vector<512x1536xf32>
      %mul3A = arith.constant 5.000000e-01 : f32
      %mul3A_30 = vector.broadcast %mul3A : f32 to vector<512x1536xf32>
      %mul3A_31 = arith.mulf %mul3A_30, %add3A_29 : vector<512x1536xf32>
      %mul3A_32 = arith.constant 0.707106769 : f32
      %mul3A_33 = vector.broadcast %mul3A_32 : f32 to vector<512x1536xf32>
      %mul3A_34 = arith.mulf %add3A_29, %mul3A_33 : vector<512x1536xf32>
      %erf3A = math.erf %mul3A_34 : vector<512x1536xf32>
      %add3A_35 = arith.constant 1.000000e+00 : f32
      %add3A_36 = vector.broadcast %add3A_35 : f32 to vector<512x1536xf32>
      %add3A_37 = arith.addf %add3A_36, %erf3A : vector<512x1536xf32>
      %mul3A_38 = arith.mulf %mul3A_31, %add3A_37 : vector<512x1536xf32>
      %convert_element_type3A_39 = arith.truncf %mul3A_38 : vector<512x1536xf32> to vector<512x1536xbf16>
      %get3A_40 = arith.constant 0 : index
      %get3A_41 = arith.constant 0 : index
      %get3A_42 = vector.load %arg9[%get3A_40, %get3A_41] : memref<768x1536xbf16, #tpu.memory_space<vmem>>, vector<768x1536xbf16>
      %dot_general3A_43 = arith.constant dense<0.000000e+00> : vector<512x768xf32>
      %dot_general3A_44 = tpu.matmul %convert_element_type3A_39, %get3A_42, %dot_general3A_43 {dimension_numbers = #tpu.dot_dimension_numbers<[1], [1], [0], [0], [0, 0, 1, 0], [], []>, transpose_lhs_hint = false} : vector<512x1536xbf16>, vector<768x1536xbf16>, vector<512x768xf32> -> vector<512x768xf32>
      %get3A_45 = arith.constant 0 : index
      %get3A_46 = arith.constant 0 : index
      %get3A_47 = arith.constant 0 : index
      %get3A_48 = vector.load %arg6[%get3A_45, %get3A_46, %get3A_47] : memref<1x1x768xf32, #tpu.memory_space<vmem>>, vector<1x1x768xf32>
      %get3A_49 = vector.shape_cast %get3A_48 : vector<1x1x768xf32> to vector<1x768xf32>
      %add3A_50 = vector.broadcast %get3A_49 : vector<1x768xf32> to vector<512x768xf32>
      %add3A_51 = arith.addf %dot_general3A_44, %add3A_50 : vector<512x768xf32>
      %slice3A = vector.extract_strided_slice %add3A_51 {offsets = [0, 0], sizes = [512, 384], strides = [1, 1]} : vector<512x768xf32> to vector<512x384xf32>
      %bitcast_convert_type3A_52 = tpu.bitcast %slice3A : vector<512x384xf32> -> vector<512x384xi32>
      %add3A_53 = arith.constant 32767 : i32
      %add3A_54 = vector.broadcast %add3A_53 : i32 to vector<512x384xi32>
      %add3A_55 = arith.addi %bitcast_convert_type3A_52, %add3A_54 : vector<512x384xi32>
      %shift_right_arithmetic3A = arith.constant 16 : i32
      %shift_right_arithmetic3A_56 = vector.broadcast %shift_right_arithmetic3A : i32 to vector<512x384xi32>
      %shift_right_arithmetic3A_57 = arith.shrsi %bitcast_convert_type3A_52, %shift_right_arithmetic3A_56 : vector<512x384xi32>
      %and3A_58 = arith.constant 1 : i32
      %and3A_59 = vector.broadcast %and3A_58 : i32 to vector<512x384xi32>
      %and3A_60 = arith.andi %shift_right_arithmetic3A_57, %and3A_59 : vector<512x384xi32>
      %add3A_61 = arith.addi %add3A_55, %and3A_60 : vector<512x384xi32>
      %shift_right_arithmetic3A_62 = arith.constant 16 : i32
      %shift_right_arithmetic3A_63 = vector.broadcast %shift_right_arithmetic3A_62 : i32 to vector<512x384xi32>
      %shift_right_arithmetic3A_64 = arith.shrsi %add3A_61, %shift_right_arithmetic3A_63 : vector<512x384xi32>
      %and3A_65 = arith.constant 65535 : i32
      %and3A_66 = vector.broadcast %and3A_65 : i32 to vector<512x384xi32>
      %and3A_67 = arith.andi %shift_right_arithmetic3A_64, %and3A_66 : vector<512x384xi32>
      %slice3A_68 = vector.extract_strided_slice %add3A_51 {offsets = [0, 384], sizes = [512, 384], strides = [1, 1]} : vector<512x768xf32> to vector<512x384xf32>
      %bitcast_convert_type3A_69 = tpu.bitcast %slice3A_68 : vector<512x384xf32> -> vector<512x384xi32>
      %add3A_70 = arith.constant 32767 : i32
      %add3A_71 = vector.broadcast %add3A_70 : i32 to vector<512x384xi32>
      %add3A_72 = arith.addi %bitcast_convert_type3A_69, %add3A_71 : vector<512x384xi32>
      %shift_right_arithmetic3A_73 = arith.constant 16 : i32
      %shift_right_arithmetic3A_74 = vector.broadcast %shift_right_arithmetic3A_73 : i32 to vector<512x384xi32>
      %shift_right_arithmetic3A_75 = arith.shrsi %bitcast_convert_type3A_69, %shift_right_arithmetic3A_74 : vector<512x384xi32>
      %and3A_76 = arith.constant 1 : i32
      %and3A_77 = vector.broadcast %and3A_76 : i32 to vector<512x384xi32>
      %and3A_78 = arith.andi %shift_right_arithmetic3A_75, %and3A_77 : vector<512x384xi32>
      %add3A_79 = arith.addi %add3A_72, %and3A_78 : vector<512x384xi32>
      %shift_right_arithmetic3A_80 = arith.constant 16 : i32
      %shift_right_arithmetic3A_81 = vector.broadcast %shift_right_arithmetic3A_80 : i32 to vector<512x384xi32>
      %shift_right_arithmetic3A_82 = arith.shrsi %add3A_79, %shift_right_arithmetic3A_81 : vector<512x384xi32>
      %and3A_83 = arith.constant 65535 : i32
      %and3A_84 = vector.broadcast %and3A_83 : i32 to vector<512x384xi32>
      %and3A_85 = arith.andi %shift_right_arithmetic3A_82, %and3A_84 : vector<512x384xi32>
      %shift_left3A_86 = arith.constant 16 : i32
      %shift_left3A_87 = vector.broadcast %shift_left3A_86 : i32 to vector<512x384xi32>
      %shift_left3A_88 = arith.shli %and3A_85, %shift_left3A_87 : vector<512x384xi32>
      %or3A_89 = arith.ori %and3A_67, %shift_left3A_88 : vector<512x384xi32>
      %swap3A_90 = arith.constant 0 : index
      %swap3A_91 = arith.constant 0 : index
      %swap3A_92 = vector.load %arg7[%swap3A_90, %swap3A_91] : memref<512x384xi32, #tpu.memory_space<vmem>>, vector<512x384xi32>
      tpu.vector_store %arg7[%swap3A_90, %swap3A_91], %or3A_89 {strides = array<i32>} : memref<512x384xi32, #tpu.memory_space<vmem>>, vector<512x384xi32>,
    } else {
    }
    return
  }
  func.func @transform_0(%arg0: i32, %arg1: memref<41xi32, #tpu.memory_space<smem>>) -> (i32, i32) {
    %c0_i32 = arith.constant 0 : i32
    %c0_i32_0 = arith.constant 0 : i32
    return %arg0, %c0_i32 : i32, i32
  }
  func.func @transform_1(%arg0: i32, %arg1: memref<41xi32, #tpu.memory_space<smem>>) -> (i32, i32, i32) {
    %get3A = arith.index_cast %arg0 : i32 to index
    %get3A_0 = memref.load %arg1[%get3A] : memref<41xi32, #tpu.memory_space<smem>>
    %c0_i32 = arith.constant 0 : i32
    %c0_i32_1 = arith.constant 0 : i32
    %c0_i32_2 = arith.constant 0 : i32
    return %get3A_0, %c0_i32, %c0_i32_1 : i32, i32, i32
  }
  func.func @transform_2(%arg0: i32, %arg1: memref<41xi32, #tpu.memory_space<smem>>) -> (i32, i32, i32) {
    %get3A = arith.index_cast %arg0 : i32 to index
    %get3A_0 = memref.load %arg1[%get3A] : memref<41xi32, #tpu.memory_space<smem>>
    %c0_i32 = arith.constant 0 : i32
    %c0_i32_1 = arith.constant 0 : i32
    %c0_i32_2 = arith.constant 0 : i32
    return %get3A_0, %c0_i32, %c0_i32_1 : i32, i32, i32
  }
  func.func @transform_3(%arg0: i32, %arg1: memref<41xi32, #tpu.memory_space<smem>>) -> (i32, i32, i32) {
    %get3A = arith.index_cast %arg0 : i32 to index
    %get3A_0 = memref.load %arg1[%get3A] : memref<41xi32, #tpu.memory_space<smem>>
    %c0_i32 = arith.constant 0 : i32
    %c0_i32_1 = arith.constant 0 : i32
    %c0_i32_2 = arith.constant 0 : i32
    return %get3A_0, %c0_i32, %c0_i32_1 : i32, i32, i32
  }
  func.func @transform_4(%arg0: i32, %arg1: memref<41xi32, #tpu.memory_space<smem>>) -> (i32, i32, i32) {
    %get3A = arith.index_cast %arg0 : i32 to index
    %get3A_0 = memref.load %arg1[%get3A] : memref<41xi32, #tpu.memory_space<smem>>
    %c0_i32 = arith.constant 0 : i32
    %c0_i32_1 = arith.constant 0 : i32
    %c0_i32_2 = arith.constant 0 : i32
    return %get3A_0, %c0_i32, %c0_i32_1 : i32, i32, i32
  }
  func.func @transform_5(%arg0: i32, %arg1: memref<41xi32, #tpu.memory_space<smem>>) -> (i32, i32) {
    %c0_i32 = arith.constant 0 : i32
    %c0_i32_0 = arith.constant 0 : i32
    return %arg0, %c0_i32 : i32, i32
  }
}

</mosaic_0001>

<sc_bundles>
// kernel: _moe.11.cloned.1.call-start
scs
__scs_entry_jumppad:
0x0: {  	(pc) =	sbr.rel $0x88, $3  }
0x1: {  	(tag) =	ssettag $0x0;
	lr =	simm.s32 $0x1  }
0x2: {  	[smem:$0x3F99] =	sst lr;
	_ =	strace $0xD0000000  }
0x3: {  	_ = 	snop  }
0x4: {  	_ = 	snop  }
0x5: {  	_ = 	snop  }
0x6: {  	_ = 	snop  }
0x7: {  	_ = 	snop  }
__scs_overlays_trampoline_lowered:
0x8: {  	[smem:$0x3FA8] =	sst s0  }
0x9: {  	[smem:$0x3FA9] =	sst s1  }
0xa: {  	[smem:$0x3FAA] =	sst s2  }
0xb: {  	[smem:$0x3FAB] =	sst s3  }
0xc: {  	[smem:$0x3FAC] =	sst s4  }
0xd: {  	[smem:$0x3FAD] =	sst s5  }
0xe: {  	[smem:$0x3FAE] =	sst s6  }
0xf: {  	[smem:$0x3FAF] =	sst s7  }
0x10: {  	[smem:$0x3FB0] =	sst s8  }
0x11: {  	[smem:$0x3FB1] =	sst s9;
	s0 =	simm.s32 @!p0 $0x0  }
0x12: {  	s1 =	sld [smem:$0x3F97];
	s0 =	simm.s32 @p0 $0x1  }
0x13: {  	[smem:$0x3FB2] =	sst s0;
	s0 =	simm.s32 @!p1 $0x0  }
0x14: {  	s2 =	sld [smem:$0x3F96];
	s0 =	simm.s32 @p1 $0x1  }
0x15: {  	[smem:$0x3FB3] =	sst s0;
	s0 =	simm.s32 @!p2 $0x0  }
0x16: {  	s3 =	sld [smem:$0x3FDB];
	s0 =	simm.s32 @p2 $0x1  }
0x17: {  	s4 =	simm.s32 $0x1BF5;
	[smem:$0x3FB5] =	sst s0  }
0x18: {  	s0 =	sld [smem:$0x3F98];
	_ =	swait.ge [sflag:s4], $0x0  }
0x19: {  	s7 =	sld [smem:$0x3F99]  }
0x1a: {  	s8 =	sadd.s32 $0xFFFFE003, lr  }
0x1b: {  	s9 =	sadd.s32 $0xFFFFFEF7, lr;
	s5 =	simm.s32 $0xFFFFFFFF;
	p2 =	slt.u32 s8, $0xFFFFF086  }
0x1c: {  	p1 =	slt.u32 s9, $0xF7A;
	s5 =	simm.s32 @!p2 $0x0  }
0x1d: {  	s5 =	simm.s32 @p1 $0x1;
	p0 =	seq.s32 s7, s2  }
0x1e: {  	s7 =	smul.u32 @!p0 $0xF7A, s2;
	p2 =	seq.s32 @!p0 s5, $0x0  }
0x1f: {  	s9 =	smul.u32 $0xF7A, s1;
	s8 =	simm.s32 @!p0 $0x1BF5;
	p2 =	por !p2, p0  }
0x20: {  	[sflag:s8] =	ssyncset.s32 @!p0 $0xFFFFF086;
	s6 =	sadd.s32 @!p0 s3, s7;
	s7 =	simm.s32 @!p0 $0x108  }
0x21: {  	s3 =	sadd.s32 s3, s9;
	s6 =	sadd.s32 @!p0 $0x88, s6;
	s7 =	simm.s32 @p2 $0x1082  }
0x22: {  	[simem:s7], [sflag:s8] =	dma.local @!p0 [hbm:s6], $0xF7A  }
0x23: {  	s9 =	sor.u32 $0xD0000000, s2;
	s6 =	simm.s32 $0x108;
	_ =	swait.ge @!p0 [sflag:s8], $0x0  }
0x24: {  	s3 =	sadd.s32 $0x88, s3;
	s6 =	simm.s32 @!p1 $0x1082;
	[sflag:s4] =	ssyncset.s32 $0xFFFFF086  }
0x25: {  	[simem:s6], [sflag:s4] =	dma.local [hbm:s3], $0xF7A  }
0x26: {  	[smem:$0x3F99] =	sst s1;
	(tag) =	ssettag s2;
	_ =	strace s9  }
0x27: {  	s1 =	sld [smem:$0x3FA9]  }
0x28: {  	s2 =	sld [smem:$0x3FAA]  }
0x29: {  	s4 =	sld [smem:$0x3FAC]  }
0x2a: {  	p0 =	seq.s32 s5, $0x0;
	s5 =	sld [smem:$0x3FAD]  }
0x2b: {  	s6 =	sld [smem:$0x3FAE]  }
0x2c: {  	s7 =	sld [smem:$0x3FAF]  }
0x2d: {  	s3 =	simm.s32 $0x108;
	s8 =	sld [smem:$0x3FB0]  }
0x2e: {  	s3 =	simm.s32 @!p0 $0x1082;
	s9 =	sld [smem:$0x3FB1]  }
0x2f: {  	lr =	sadd.s32 s0, s3;
	s0 =	sld [smem:$0x3FA8]  }
0x30: {  	s3 =	sld [smem:$0x3FAB]  }
0x31: {  	[smem:$0x3FB4] =	sst s10  }
0x32: {  	s10 =	sld [smem:$0x3FB2];
	_ =	sdelay $0x3  }
0x33: {  	p0 =	seq.s32 s10, $0x1;
	s10 =	sld [smem:$0x3FB4];
	_ =	sdelay $0x3  }
0x34: {  	[smem:$0x3FB4] =	sst s10  }
0x35: {  	s10 =	sld [smem:$0x3FB3];
	_ =	sdelay $0x3  }
0x36: {  	p1 =	seq.s32 s10, $0x1;
	s10 =	sld [smem:$0x3FB4];
	_ =	sdelay $0x3  }
0x37: {  	[smem:$0x3FB4] =	sst s10  }
0x38: {  	s10 =	sld [smem:$0x3FB5]  }
0x39: {  	_ = 	snop;
	(pc) =	sbr.ind lr, $3  }
0x3a: {  	_ = 	snop  }
0x3b: {  	_ = 	snop  }
0x3c: {  	p2 =	seq.s32 s10, $0x1;
	s10 =	sld [smem:$0x3FB4]  }
0x3d: {  	_ =	shalt  }
0x3e: {  	_ =	shalt  }
0x3f: {  	_ =	shalt  }
0x40: {  	_ =	shalt  }
0x41: {  	_ =	shalt  }
0x42: {  	_ =	shalt  }
0x43: {  	_ =	shalt  }
0x44: {  	_ =	shalt  }
0x45: {  	_ =	shalt  }
0x46: {  	_ =	shalt  }
0x47: {  	_ =	shalt  }
0x48: {  	_ =	shalt  }
0x49: {  	_ =	shalt  }
0x4a: {  	_ =	shalt  }
0x4b: {  	_ =	shalt  }
0x4c: {  	_ =	shalt  }
0x4d: {  	_ =	shalt  }
0x4e: {  	_ =	shalt  }
0x4f: {  	_ =	shalt  }
0x50: {  	_ =	shalt  }
0x51: {  	_ =	shalt  }
0x52: {  	_ =	shalt  }
0x53: {  	_ =	shalt  }
0x54: {  	_ =	shalt  }
0x55: {  	_ =	shalt  }
0x56: {  	_ =	shalt  }
0x57: {  	_ =	shalt  }
0x58: {  	_ =	shalt  }
0x59: {  	_ =	shalt  }
0x5a: {  	_ =	shalt  }
0x5b: {  	_ =	shalt  }
0x5c: {  	_ =	shalt  }
0x5d: {  	_ =	shalt  }
0x5e: {  	_ =	shalt  }
0x5f: {  	_ =	shalt  }
0x60: {  	_ =	shalt  }
0x61: {  	_ =	shalt  }
0x62: {  	_ =	shalt  }
0x63: {  	_ =	shalt  }
0x64: {  	_ =	shalt  }
0x65: {  	_ =	shalt  }
0x66: {  	_ =	shalt  }
0x67: {  	_ =	shalt  }
0x68: {  	_ =	shalt  }
0x69: {  	_ =	shalt  }
0x6a: {  	_ =	shalt  }
0x6b: {  	_ =	shalt  }
0x6c: {  	_ =	shalt  }
0x6d: {  	_ =	shalt  }
0x6e: {  	_ =	shalt  }
0x6f: {  	_ =	shalt  }
0x70: {  	_ =	shalt  }
0x71: {  	_ =	shalt  }
0x72: {  	_ =	shalt  }
0x73: {  	_ =	shalt  }
0x74: {  	_ =	shalt  }
0x75: {  	_ =	shalt  }
0x76: {  	_ =	shalt  }
0x77: {  	_ =	shalt  }
0x78: {  	_ =	shalt  }
0x79: {  	_ =	shalt  }
0x7a: {  	_ =	shalt  }
0x7b: {  	_ =	shalt  }
0x7c: {  	_ =	shalt  }
0x7d: {  	_ =	shalt  }
0x7e: {  	_ =	shalt  }
0x7f: {  	_ =	shalt  }
0x80: {  	_ =	shalt  }
0x81: {  	_ =	shalt  }
0x82: {  	_ =	shalt  }
0x83: {  	_ =	shalt  }
0x84: {  	_ =	shalt  }
0x85: {  	_ =	shalt  }
0x86: {  	_ =	shalt  }
0x87: {  	_ =	shalt  }
.Lfunc_end0:
.L_simem_size_0:
called_computation.1_lowered:
.L_overlay_start_0:
0x88: {  	s2 =	sld [smem:$0x3FD9]  }
0x89: {  	s3 =	sld [smem:$0x3FFE];
	_ =	sdelay $0x1  }
0x8a: {  	s1 =	srdreg.scid  }
0x8b: {  	s0 =	sand.u32 $0x1, s1  }
0x8c: {  	s17 =	sshll.u32 s0, $0xA;
	s2 =	sadd.s32 s3, s2  }
0x8d: {  	s2 =	sadd.s32 s2, s17  }
0x8e: {  	[smem:$0x3FC0] =	sst s2  }
0x8f: {  	_ = 	snop  }
0x90: {  	s2 =	sld [smem:$0x3FD0];
	(tm) =	ssettm $0x1  }
0x91: {  	s18 =	sld [smem:$0x3FFB];
	_ =	sdelay $0x3  }
0x92: {  	_ =	strace s18  }
0x93: {  	s3 =	sld [smem:$0x3FFC];
	_ =	sdelay $0x3  }
0x94: {  	_ =	strace s3  }
0x95: {  	s3 =	sld [smem:$0x3FFD];
	_ =	sdelay $0x3  }
0x96: {  	_ =	strace s3  }
0x97: {  	_ =	strace $0x8FFFFFFF  }
0x98: {  	s19 =	sld [smem:$0x3FDB];
	_ =	sdelay $0x1  }
0x99: {  	s4 =	simm.s32 $_scs_section_size  }
0x9a: {  	s5 =	simm.s32 $_size__tile_overlayer_lowered;
	s6 =	simm.s32 $_tile_overlayer_lowered  }
0x9b: {  	s22 =	simm.s32 $0x1BFF;
	s21 =	sshll.u32 s6, $0x1;
	s3 =	sadd.s32 s4, s19  }
0x9c: {  	s7 =	simm.s32 $0x0;
	s20 =	sshll.u32 s5, $0x1;
	s5 =	sadd.s32 s21, s3  }
0x9d: {  	[timem:s7], [sflag:s22] =	dma.local [hbm:s5], s20  }
0x9e: {  	_ =	swait.ge [sflag:s22], s20  }
0x9f: {  	s4 =	ssub.s32 $0x0, s20;
	[sflag:s22] =	ssyncset.done $0x0  }
0xa0: {  	[sflag:s22] =	ssyncadd.s32 s4;
	_ =	sdelay $0x1  }
0xa1: {  	s23 =	simm.s32 $0x1B8B  }
0xa2: {  	_ =	swait.ge [sflag:s23], $0x1  }
0xa3: {  	[sflag:s23] =	ssyncset.done $0x0  }
0xa4: {  	s25 =	simm.s32 $0x1B8E;
	s24 =	sld [smem:$0x3FFE];
	[sflag:s23] =	ssyncadd.s32 $0xFFFFFFFF  }
0xa5: {  	s26 =	simm.s32 $execute0_lowered;
	[smem:$0x3FD2] =	sst s25  }
0xa6: {  	s5 =	sshll.u32 s26, $0x1;
	_ =	strace $0x80000049;
	[dreg:$0x1] =	wrdreg $0xFFFFFFFF  }
0xa7: {  	s28 =	simm.s32 $_size_execute0_lowered;
	s3 =	sadd.s32 s3, s5;
	[dreg:$0x0] =	wrdreg $0x0  }
0xa8: {  	s5 =	sshll.u32 s28, $0x1;
	[dreg:$0x2] =	wrdreg s3  }
0xa9: {  	[dreg:$0x3] =	wrdreg s5  }
0xaa: {  	[dreg:$0x4] =	wrdreg $0xC0  }
0xab: {  	_ =	task [dreg:s7], $0x5FFFF  }
0xac: {  	[dreg:$0x1] =	wrdreg $0xFFFFFFFF  }
0xad: {  	[dreg:$0x0] =	wrdreg $0x60  }
0xae: {  	[dreg:$0x2] =	wrdreg s24  }
0xaf: {  	[dreg:$0x3] =	wrdreg s2  }
0xb0: {  	[dreg:$0x4] =	wrdreg $0x9  }
0xb1: {  	_ =	task.clear_ibuf [dreg:s7], $0x5FFFF;
	_ =	strace $0x90000049  }
0xb2: {  	s29 =	simm.s32 $0x9;
	_ =	strace $0x8000004B  }
0xb3: {  	_ =	swait.ge [sflag:s29], $0x1  }
0xb4: {  	[sflag:s29] =	ssyncadd.s32 $0xFFFFFFFF  }
0xb5: {  	_ =	strace $0x9000004B  }
0xb6: {  	_ =	sfence  }
0xb7: {  	s30 =	sld [smem:$0x0];
	_ =	sdelay $0x2  }
0xb8: {  	s31 =	sshll.u32 s1, $0xD;
	s1 =	sshrl.u32 s1, $0x2  }
0xb9: {  	s3 =	sand.u32 $0x4000, s31;
	s1 =	sadd.s32 s1, s30  }
0xba: {  	s0 =	sor.u32 s3, s0;
	s1 =	sshll.u32 s1, $0x11  }
0xbb: {  	s0 =	sor.u32 s1, s0  }
0xbc: {  	s0 =	sadd.s32 $0x8F2B, s0  }
0xbd: {  	[sflag:s0] =	ssyncadd.remote.s32 $0x1  }
0xbe: {  	_ =	sfence.sel $0xFFFF  }
0xbf: {  	[dreg:$0x0] =	wrdreg $0xFFFFFFFF;
	(pc) =	sbr.abs _section_cstart, $3  }
0xc0: {  	[dreg:$0x1] =	wrdreg $0xFFFFFFFF  }
0xc1: {  	_ =	task.clear_ibuf [dreg:s7], $0x2FFFF;
	_ =	strace $0x9FFFFFFF  }
0xc2: {  	(tm) =	ssettm $0x7FFFFFFF  }
0xc3: {  	_ =	shalt  }
tec
execute0_lowered:
.L_overlay_start_1:
0x0: {  	(tag) =	ssettag $0x1  }
0x1: {  	s0 =	srdreg.scid;
	s4 =	rddreg [dreg:$0x0]  }
0x2: {  	s3 =	stileid.u32;
	s5 =	rddreg [dreg:$0x1]  }
0x3: {  	s31 =	simm.s32 $0x100;
	s0 =	sand.u32 $0x1, s0;
	s1 =	sshll.u32 s3, $0x9  }
0x4: {  	s10 =	sshll.u32 s3, $0xA;
	s12 =	sadd.s32 $0x1000, s4;
	s2 =	sshll.u32 s0, $0x8  }
0x5: {  	s0 =	ssub.s32 $0x2, s0;
	s1 =	sor.u32 s2, s1;
	s2 =	sand.u32 $0x3800, s10  }
0x6: {  	s9 =	sshrl.u32 s0, $0x1;
	s11 =	sand.u32 $0x300, s1;
	s1 =	sshrl.u32 s1, $0x3  }
0x7: {  	s3 =	sor.u32 s2, s11;
	s2 =	simm.s32 $0x0;
	s7 =	smul.u32 $0x180, s1  }
0x8: {  	s0 =	ssub.s32 s0, s9;
	s3 =	sshrl.u32 s3, $0x3;
	[smem:$0x7FF] =	sst s2  }
0x9: {  	_ =	strace $0x8000004A;
	s13 =	sadd.s32 s5, s7;
	[dreg:$0x15] =	wrdreg s31  }
0xa: {  	s3 =	sadd.s32 s3, s4;
	s14 =	sadd.s32 s12, s7;
	[dreg:$0x5] =	wrdreg s13  }
0xb: {  	s1 =	smul.u32 $0xC00, s1;
	s6 =	sadd.s32 $0x800, s3;
	[dreg:$0x6] =	wrdreg s14  }
0xc: {  	s8 =	sor.u32 $0x600, s7;
	s3 =	sadd.s32 $0x880, s3;
	[dreg:$0x3] =	wrdreg s6  }
0xd: {  	s7 =	sor.u32 $0xC00, s7;
	s15 =	sadd.s32 s5, s8;
	[dreg:$0x4] =	wrdreg s3  }
0xe: {  	s1 =	sshrl.u32 s1, $0x3;
	s16 =	sadd.s32 s12, s8;
	[dreg:$0x7] =	wrdreg s15  }
0xf: {  	s17 =	sadd.s32 s5, s7;
	s18 =	sadd.s32 s12, s7;
	[dreg:$0x8] =	wrdreg s16  }
0x10: {  	s19 =	sadd.s32 $0x1200, s1;
	s21 =	sadd.s32 $0x1800, s1;
	[dreg:$0x9] =	wrdreg s17  }
0x11: {  	s24 =	sadd.s32 $0x1E00, s1;
	[dreg:$0xa] =	wrdreg s18;
	s20 =	sadd.s32 s5, s19  }
0x12: {  	s28 =	sadd.s32 $0x2400, s1;
	s7 =	sadd.s32 s12, s19;
	[dreg:$0xb] =	wrdreg s20  }
0x13: {  	s1 =	sadd.s32 $0x2A00, s1;
	s22 =	sadd.s32 s5, s21;
	[dreg:$0xc] =	wrdreg s7  }
0x14: {  	s13 =	simm.s32 $0x400;
	s23 =	sadd.s32 s12, s21;
	[dreg:$0xd] =	wrdreg s22  }
0x15: {  	s3 =	sadd.s32 $0xF1000, s4;
	s25 =	sadd.s32 s5, s24;
	[dreg:$0xe] =	wrdreg s23  }
0x16: {  	s26 =	sadd.s32 s12, s24;
	s29 =	sadd.s32 s5, s28;
	[dreg:$0xf] =	wrdreg s25  }
0x17: {  	s30 =	sadd.s32 s12, s28;
	s5 =	sadd.s32 s5, s1;
	[dreg:$0x10] =	wrdreg s26  }
0x18: {  	s4 =	sadd.s32 $0xF1100, s4;
	s1 =	sadd.s32 s12, s1;
	[dreg:$0x11] =	wrdreg s29  }
0x19: {  	s15 =	simm.s32 $0x6400;
	s16 =	simm.s32 $0x3;
	[dreg:$0x12] =	wrdreg s30  }
0x1a: {  	s17 =	simm.s32 $0x5;
	s18 =	simm.s32 $0x2;
	[dreg:$0x13] =	wrdreg s5  }
0x1b: {  	v2 =	vlaneseq.u32;
	s19 =	simm.s32 $0x7;
	s21 =	simm.s32 $0x6;
	[dreg:$0x14] =	wrdreg s1  }
0x1c: {  	vm0 =	vmmov $0xffff;
	vm1 =	vmmov $0xff;
	v1 =	vshrl.u32 v2, $0x3;
	s5 =	smax.u32 s0, $0x1;
	s23 =	simm.s32 $0x3400;
	s1 =	simm.s32 $0x1  }
0x1d: {  	v0 =	vand.u32 $0x7, v2;
	v2 =	vor.u32 $0x8, v2;
	v1 =	vmul.u32 $0x8, v1;
	s0 =	simm.s32 $0x9400;
	s20 =	simm.s32 $0x4;
	s22 =	simm.s32 $0x8  }
.LBB2_1:
0x1e: {  	s24 =	rddreg [dreg:$0x3];
	s6 =	simm.s32 $0x9  }
0x1f: {  	[tilespmem:s2], [sflag:$0x9] =	stream.linear.gather [hbm4b:s24+s2], $0x100, $0x38;
	[tilespmem:$0xC400] =	vst v63  }
0x20: {  	_ =	swait.ge [sflag:s6], $0x100  }
0x21: {  	s12 =	rddreg [dreg:$0x4];
	[sflag:s6] =	ssyncset.done $0x0  }
0x22: {  	s25 =	rddreg [dreg:$0x15];
	[sflag:s6] =	ssyncadd.s32 $0xFFFFFF00  }
0x23: {  	[tilespmem:s25], [sflag:$0x9] =	stream.linear.gather [hbm4b:s12+s2], $0x100, $0x38;
	[tilespmem:$0xC400] =	vst v63  }
0x24: {  	_ =	swait.ge [sflag:s6], $0x100  }
0x25: {  	[sflag:s6] =	ssyncset.done $0x0  }
0x26: {  	[sflag:s6] =	ssyncadd.s32 $0xFFFFFF00  }
0x27: {  	v3 =	vld [tilespmem:$0x0];
	_ =	sdelay $0x4  }
0x28: {  	v4 =	vshrl.u32 v3, $0x3  }
0x29: {  	v4 =	vmul.u32 $0x18, v4  }
0x2a: {  	v5 =	vand.u32 $0x7, v3  }
0x2b: {  	v4 =	vor.u32 v5, v4  }
0x2c: {  	v5 =	vperm.xlane v4, v0  }
0x2d: {  	v6 =	vld [tilespmem:$0x10]  }
0x2e: {  	v5 =	vadd.s32 v1, v5;
	_ =	sdelay $0x1  }
0x2f: {  	v4 =	vperm.xlane v4, v2  }
0x30: {  	[tilespmem:$0x200] =	vst v3  }
0x31: {  	[tilespmem:$0x210] =	vst v6;
	v3 =	vadd.s32 v1, v4  }
0x32: {  	[tilespmem:s13], [sflag:$0x1] =	stream.indirect_vreg.gather [hbm4b:s3+s2], $0x80, v5, vm0, $0xb8;
	[tilespmem:$0xC400] =	vst v63  }
0x33: {  	s14 =	simm.s32 $0xC00  }
0x34: {  	[tilespmem:s14], [sflag:$0x1] =	stream.indirect_vreg.gather [hbm4b:s4+s2], $0x80, v5, vm1, $0xb8;
	[tilespmem:$0xC400] =	vst v63  }
0x35: {  	s24 =	simm.s32 $0x1000  }
0x36: {  	[tilespmem:s24], [sflag:$0x1] =	stream.indirect_vreg.gather [hbm4b:s3+s2], $0x80, v3, vm0, $0xb8;
	[tilespmem:$0xC400] =	vst v63  }
0x37: {  	s25 =	simm.s32 $0x1800  }
0x38: {  	[tilespmem:s25], [sflag:$0x1] =	stream.indirect_vreg.gather [hbm4b:s4+s2], $0x80, v3, vm1, $0xb8;
	[tilespmem:$0xC400] =	vst v63  }
0x39: {  	v3 =	vld [tilespmem:$0x210];
	_ =	sdelay $0x4  }
0x3a: {  	v59 =	vshrl.u32 v3, $0x3  }
0x3b: {  	v4 =	vmul.u32 $0x18, v59  }
0x3c: {  	v3 =	vand.u32 $0x7, v3  }
0x3d: {  	v3 =	vor.u32 v3, v4  }
0x3e: {  	v4 =	vperm.xlane v3, v0;
	_ =	sdelay $0x1  }
0x3f: {  	v4 =	vadd.s32 v1, v4;
	_ =	sdelay $0x1  }
0x40: {  	v3 =	vperm.xlane v3, v2;
	_ =	sdelay $0x1  }
0x41: {  	s26 =	simm.s32 $0x1C00;
	v3 =	vadd.s32 v1, v3  }
0x42: {  	[tilespmem:s26], [sflag:$0x1] =	stream.indirect_vreg.gather [hbm4b:s3+s2], $0x80, v4, vm0, $0xb8;
	[tilespmem:$0xC400] =	vst v63  }
0x43: {  	s28 =	simm.s32 $0x2400  }
0x44: {  	[tilespmem:s28], [sflag:$0x1] =	stream.indirect_vreg.gather [hbm4b:s4+s2], $0x80, v4, vm1, $0xb8;
	[tilespmem:$0xC400] =	vst v63  }
0x45: {  	s29 =	simm.s32 $0x2800  }
0x46: {  	[tilespmem:s29], [sflag:$0x1] =	stream.indirect_vreg.gather [hbm4b:s3+s2], $0x80, v3, vm0, $0xb8;
	[tilespmem:$0xC400] =	vst v63  }
0x47: {  	s30 =	simm.s32 $0x3000  }
0x48: {  	[tilespmem:s30], [sflag:$0x1] =	stream.indirect_vreg.gather [hbm4b:s4+s2], $0x80, v3, vm1, $0xb8;
	[tilespmem:$0xC400] =	vst v63  }
0x49: {  	v3 =	vld [tilespmem:$0x100];
	_ =	sdelay $0x4  }
0x4a: {  	v60 =	vshrl.u32 v3, $0x3  }
0x4b: {  	v4 =	vmul.u32 $0x18, v60  }
0x4c: {  	v61 =	vand.u32 $0x7, v3  }
0x4d: {  	v4 =	vor.u32 v61, v4  }
0x4e: {  	v5 =	vperm.xlane v4, v0  }
0x4f: {  	v62 =	vld [tilespmem:$0x110]  }
0x50: {  	v5 =	vadd.s32 v1, v5;
	_ =	sdelay $0x1  }
0x51: {  	v4 =	vperm.xlane v4, v2  }
0x52: {  	[tilespmem:$0x300] =	vst v3  }
0x53: {  	[tilespmem:$0x310] =	vst v62;
	v3 =	vadd.s32 v1, v4  }
0x54: {  	[tilespmem:s15], [sflag:$0x3] =	stream.indirect_vreg.gather [hbm4b:s3+s2], $0x80, v5, vm0, $0xb8;
	[tilespmem:$0xC400] =	vst v63  }
0x55: {  	s7 =	simm.s32 $0x6C00  }
0x56: {  	[tilespmem:s7], [sflag:$0x3] =	stream.indirect_vreg.gather [hbm4b:s4+s2], $0x80, v5, vm1, $0xb8;
	[tilespmem:$0xC400] =	vst v63  }
0x57: {  	s9 =	simm.s32 $0x7000  }
0x58: {  	[tilespmem:s9], [sflag:$0x3] =	stream.indirect_vreg.gather [hbm4b:s3+s2], $0x80, v3, vm0, $0xb8;
	[tilespmem:$0xC400] =	vst v63  }
0x59: {  	s10 =	simm.s32 $0x7800  }
0x5a: {  	[tilespmem:s10], [sflag:$0x3] =	stream.indirect_vreg.gather [hbm4b:s4+s2], $0x80, v3, vm1, $0xb8;
	[tilespmem:$0xC400] =	vst v63  }
0x5b: {  	v3 =	vld [tilespmem:$0x310];
	_ =	sdelay $0x4  }
0x5c: {  	v63 =	vshrl.u32 v3, $0x3  }
0x5d: {  	v4 =	vmul.u32 $0x18, v63  }
0x5e: {  	v3 =	vand.u32 $0x7, v3  }
0x5f: {  	v3 =	vor.u32 v3, v4  }
0x60: {  	v4 =	vperm.xlane v3, v0;
	_ =	sdelay $0x1  }
0x61: {  	v4 =	vadd.s32 v1, v4;
	_ =	sdelay $0x1  }
0x62: {  	v3 =	vperm.xlane v3, v2;
	_ =	sdelay $0x1  }
0x63: {  	s11 =	simm.s32 $0x7C00;
	v3 =	vadd.s32 v1, v3  }
0x64: {  	[tilespmem:s11], [sflag:$0x3] =	stream.indirect_vreg.gather [hbm4b:s3+s2], $0x80, v4, vm0, $0xb8;
	[tilespmem:$0xC400] =	vst v63  }
0x65: {  	s12 =	simm.s32 $0x8400  }
0x66: {  	[tilespmem:s12], [sflag:$0x3] =	stream.indirect_vreg.gather [hbm4b:s4+s2], $0x80, v4, vm1, $0xb8;
	[tilespmem:$0xC400] =	vst v63  }
0x67: {  	s24 =	simm.s32 $0x8800  }
0x68: {  	[tilespmem:s24], [sflag:$0x3] =	stream.indirect_vreg.gather [hbm4b:s3+s2], $0x80, v3, vm0, $0xb8;
	[tilespmem:$0xC400] =	vst v63  }
0x69: {  	s25 =	simm.s32 $0x9000  }
0x6a: {  	[tilespmem:s25], [sflag:$0x3] =	stream.indirect_vreg.gather [hbm4b:s4+s2], $0x80, v3, vm1, $0xb8;
	[tilespmem:$0xC400] =	vst v63  }
0x6b: {  	v3 =	vld [tilespmem:$0x20];
	_ =	sdelay $0x4  }
0x6c: {  	v8 =	vshrl.u32 v3, $0x3  }
0x6d: {  	v4 =	vmul.u32 $0x18, v8  }
0x6e: {  	v9 =	vand.u32 $0x7, v3  }
0x6f: {  	v4 =	vor.u32 v9, v4  }
0x70: {  	v5 =	vperm.xlane v4, v0  }
0x71: {  	v10 =	vld [tilespmem:$0x30]  }
0x72: {  	v5 =	vadd.s32 v1, v5;
	_ =	sdelay $0x1  }
0x73: {  	v4 =	vperm.xlane v4, v2  }
0x74: {  	[tilespmem:$0x280] =	vst v3  }
0x75: {  	[tilespmem:$0x290] =	vst v10;
	v3 =	vadd.s32 v1, v4  }
0x76: {  	[tilespmem:s23], [sflag:$0x2] =	stream.indirect_vreg.gather [hbm4b:s3+s2], $0x80, v5, vm0, $0xb8;
	[tilespmem:$0xC400] =	vst v63  }
0x77: {  	s26 =	simm.s32 $0x3C00  }
0x78: {  	[tilespmem:s26], [sflag:$0x2] =	stream.indirect_vreg.gather [hbm4b:s4+s2], $0x80, v5, vm1, $0xb8;
	[tilespmem:$0xC400] =	vst v63  }
0x79: {  	s9 =	simm.s32 $0x4000  }
0x7a: {  	[tilespmem:s9], [sflag:$0x2] =	stream.indirect_vreg.gather [hbm4b:s3+s2], $0x80, v3, vm0, $0xb8;
	[tilespmem:$0xC400] =	vst v63  }
0x7b: {  	s10 =	simm.s32 $0x4800  }
0x7c: {  	[tilespmem:s10], [sflag:$0x2] =	stream.indirect_vreg.gather [hbm4b:s4+s2], $0x80, v3, vm1, $0xb8;
	[tilespmem:$0xC400] =	vst v63  }
0x7d: {  	v3 =	vld [tilespmem:$0x290];
	_ =	sdelay $0x4  }
0x7e: {  	v11 =	vshrl.u32 v3, $0x3  }
0x7f: {  	v4 =	vmul.u32 $0x18, v11  }
0x80: {  	v3 =	vand.u32 $0x7, v3  }
0x81: {  	v3 =	vor.u32 v3, v4  }
0x82: {  	v4 =	vperm.xlane v3, v0;
	_ =	sdelay $0x1  }
0x83: {  	v4 =	vadd.s32 v1, v4;
	_ =	sdelay $0x1  }
0x84: {  	v3 =	vperm.xlane v3, v2;
	_ =	sdelay $0x1  }
0x85: {  	s11 =	simm.s32 $0x4C00;
	v3 =	vadd.s32 v1, v3  }
0x86: {  	[tilespmem:s11], [sflag:$0x2] =	stream.indirect_vreg.gather [hbm4b:s3+s2], $0x80, v4, vm0, $0xb8;
	[tilespmem:$0xC400] =	vst v63  }
0x87: {  	s12 =	simm.s32 $0x5400  }
0x88: {  	[tilespmem:s12], [sflag:$0x2] =	stream.indirect_vreg.gather [hbm4b:s4+s2], $0x80, v4, vm1, $0xb8;
	[tilespmem:$0xC400] =	vst v63  }
0x89: {  	s24 =	simm.s32 $0x5800  }
0x8a: {  	[tilespmem:s24], [sflag:$0x2] =	stream.indirect_vreg.gather [hbm4b:s3+s2], $0x80, v3, vm0, $0xb8;
	[tilespmem:$0xC400] =	vst v63  }
0x8b: {  	s25 =	simm.s32 $0x6000  }
0x8c: {  	[tilespmem:s25], [sflag:$0x2] =	stream.indirect_vreg.gather [hbm4b:s4+s2], $0x80, v3, vm1, $0xb8;
	[tilespmem:$0xC400] =	vst v63  }
0x8d: {  	_ =	swait.ge [sflag:s1], $0x3000  }
0x8e: {  	[sflag:s1] =	ssyncset.done $0x0  }
0x8f: {  	s9 =	rddreg [dreg:$0x5];
	[sflag:s1] =	ssyncadd.s32 $0xFFFFD000  }
0x90: {  	[hbm4b:s9+s2] =	stream.linear.scatter [tilespmem:s13], [sflag:$0x5], $0x3000, $0x38;
	[tilespmem:$0xC400] =	vst v63  }
0x91: {  	v3 =	vld [tilespmem:$0x120];
	_ =	sdelay $0x4  }
0x92: {  	v12 =	vshrl.u32 v3, $0x3  }
0x93: {  	v4 =	vmul.u32 $0x18, v12  }
0x94: {  	v13 =	vand.u32 $0x7, v3  }
0x95: {  	v4 =	vor.u32 v13, v4  }
0x96: {  	v5 =	vperm.xlane v4, v0  }
0x97: {  	v14 =	vld [tilespmem:$0x130]  }
0x98: {  	v5 =	vadd.s32 v1, v5;
	_ =	sdelay $0x1  }
0x99: {  	v4 =	vperm.xlane v4, v2  }
0x9a: {  	[tilespmem:$0x380] =	vst v3  }
0x9b: {  	[tilespmem:$0x390] =	vst v14;
	v3 =	vadd.s32 v1, v4  }
0x9c: {  	[tilespmem:s0], [sflag:$0x4] =	stream.indirect_vreg.gather [hbm4b:s3+s2], $0x80, v5, vm0, $0xb8;
	[tilespmem:$0xC400] =	vst v63  }
0x9d: {  	s10 =	simm.s32 $0x9C00  }
0x9e: {  	[tilespmem:s10], [sflag:$0x4] =	stream.indirect_vreg.gather [hbm4b:s4+s2], $0x80, v5, vm1, $0xb8;
	[tilespmem:$0xC400] =	vst v63  }
0x9f: {  	s11 =	simm.s32 $0xA000  }
0xa0: {  	[tilespmem:s11], [sflag:$0x4] =	stream.indirect_vreg.gather [hbm4b:s3+s2], $0x80, v3, vm0, $0xb8;
	[tilespmem:$0xC400] =	vst v63  }
0xa1: {  	s12 =	simm.s32 $0xA800  }
0xa2: {  	[tilespmem:s12], [sflag:$0x4] =	stream.indirect_vreg.gather [hbm4b:s4+s2], $0x80, v3, vm1, $0xb8;
	[tilespmem:$0xC400] =	vst v63  }
0xa3: {  	v3 =	vld [tilespmem:$0x390];
	_ =	sdelay $0x4  }
0xa4: {  	v15 =	vshrl.u32 v3, $0x3  }
0xa5: {  	v4 =	vmul.u32 $0x18, v15  }
0xa6: {  	v3 =	vand.u32 $0x7, v3  }
0xa7: {  	v3 =	vor.u32 v3, v4  }
0xa8: {  	v4 =	vperm.xlane v3, v0;
	_ =	sdelay $0x1  }
0xa9: {  	v4 =	vadd.s32 v1, v4;
	_ =	sdelay $0x1  }
0xaa: {  	v3 =	vperm.xlane v3, v2;
	_ =	sdelay $0x1  }
0xab: {  	s25 =	simm.s32 $0xAC00;
	v3 =	vadd.s32 v1, v3  }
0xac: {  	[tilespmem:s25], [sflag:$0x4] =	stream.indirect_vreg.gather [hbm4b:s3+s2], $0x80, v4, vm0, $0xb8;
	[tilespmem:$0xC400] =	vst v63  }
0xad: {  	s9 =	simm.s32 $0xB400  }
0xae: {  	[tilespmem:s9], [sflag:$0x4] =	stream.indirect_vreg.gather [hbm4b:s4+s2], $0x80, v4, vm1, $0xb8;
	[tilespmem:$0xC400] =	vst v63  }
0xaf: {  	s10 =	simm.s32 $0xB800  }
0xb0: {  	[tilespmem:s10], [sflag:$0x4] =	stream.indirect_vreg.gather [hbm4b:s3+s2], $0x80, v3, vm0, $0xb8;
	[tilespmem:$0xC400] =	vst v63  }
0xb1: {  	s11 =	simm.s32 $0xC000  }
0xb2: {  	[tilespmem:s11], [sflag:$0x4] =	stream.indirect_vreg.gather [hbm4b:s4+s2], $0x80, v3, vm1, $0xb8;
	[tilespmem:$0xC400] =	vst v63  }
0xb3: {  	_ =	swait.ge [sflag:s16], $0x3000  }
0xb4: {  	[sflag:s16] =	ssyncset.done $0x0  }
0xb5: {  	s12 =	rddreg [dreg:$0x6];
	[sflag:s16] =	ssyncadd.s32 $0xFFFFD000  }
0xb6: {  	[hbm4b:s12+s2] =	stream.linear.scatter [tilespmem:s15], [sflag:$0x7], $0x3000, $0x38;
	[tilespmem:$0xC400] =	vst v63  }
0xb7: {  	_ =	swait.ge [sflag:s17], $0x3000  }
0xb8: {  	[sflag:s17] =	ssyncset.done $0x0  }
0xb9: {  	[sflag:s17] =	ssyncadd.s32 $0xFFFFD000  }
0xba: {  	v3 =	vld [tilespmem:$0x40];
	_ =	sdelay $0x4  }
0xbb: {  	v16 =	vshrl.u32 v3, $0x3  }
0xbc: {  	v4 =	vmul.u32 $0x18, v16  }
0xbd: {  	v17 =	vand.u32 $0x7, v3  }
0xbe: {  	v4 =	vor.u32 v17, v4  }
0xbf: {  	v5 =	vperm.xlane v4, v0  }
0xc0: {  	v18 =	vld [tilespmem:$0x50]  }
0xc1: {  	v5 =	vadd.s32 v1, v5;
	_ =	sdelay $0x1  }
0xc2: {  	v4 =	vperm.xlane v4, v2  }
0xc3: {  	[tilespmem:$0x200] =	vst v3  }
0xc4: {  	[tilespmem:$0x210] =	vst v18;
	v3 =	vadd.s32 v1, v4  }
0xc5: {  	[tilespmem:s13], [sflag:$0x1] =	stream.indirect_vreg.gather [hbm4b:s3+s2], $0x80, v5, vm0, $0xb8;
	[tilespmem:$0xC400] =	vst v63  }
0xc6: {  	s31 =	simm.s32 $0xC00  }
0xc7: {  	[tilespmem:s31], [sflag:$0x1] =	stream.indirect_vreg.gather [hbm4b:s4+s2], $0x80, v5, vm1, $0xb8;
	[tilespmem:$0xC400] =	vst v63  }
0xc8: {  	s10 =	simm.s32 $0x1000  }
0xc9: {  	[tilespmem:s10], [sflag:$0x1] =	stream.indirect_vreg.gather [hbm4b:s3+s2], $0x80, v3, vm0, $0xb8;
	[tilespmem:$0xC400] =	vst v63  }
0xca: {  	s8 =	simm.s32 $0x1800  }
0xcb: {  	[tilespmem:s8], [sflag:$0x1] =	stream.indirect_vreg.gather [hbm4b:s4+s2], $0x80, v3, vm1, $0xb8;
	[tilespmem:$0xC400] =	vst v63  }
0xcc: {  	v3 =	vld [tilespmem:$0x210];
	_ =	sdelay $0x4  }
0xcd: {  	v19 =	vshrl.u32 v3, $0x3  }
0xce: {  	v4 =	vmul.u32 $0x18, v19  }
0xcf: {  	v3 =	vand.u32 $0x7, v3  }
0xd0: {  	v3 =	vor.u32 v3, v4  }
0xd1: {  	v4 =	vperm.xlane v3, v0;
	_ =	sdelay $0x1  }
0xd2: {  	v4 =	vadd.s32 v1, v4;
	_ =	sdelay $0x1  }
0xd3: {  	v3 =	vperm.xlane v3, v2;
	_ =	sdelay $0x1  }
0xd4: {  	s12 =	simm.s32 $0x1C00;
	v3 =	vadd.s32 v1, v3  }
0xd5: {  	[tilespmem:s12], [sflag:$0x1] =	stream.indirect_vreg.gather [hbm4b:s3+s2], $0x80, v4, vm0, $0xb8;
	[tilespmem:$0xC400] =	vst v63  }
0xd6: {  	s8 =	simm.s32 $0x2400  }
0xd7: {  	[tilespmem:s8], [sflag:$0x1] =	stream.indirect_vreg.gather [hbm4b:s4+s2], $0x80, v4, vm1, $0xb8;
	[tilespmem:$0xC400] =	vst v63  }
0xd8: {  	s9 =	simm.s32 $0x2800  }
0xd9: {  	[tilespmem:s9], [sflag:$0x1] =	stream.indirect_vreg.gather [hbm4b:s3+s2], $0x80, v3, vm0, $0xb8;
	[tilespmem:$0xC400] =	vst v63  }
0xda: {  	s11 =	simm.s32 $0x3000  }
0xdb: {  	[tilespmem:s11], [sflag:$0x1] =	stream.indirect_vreg.gather [hbm4b:s4+s2], $0x80, v3, vm1, $0xb8;
	[tilespmem:$0xC400] =	vst v63  }
0xdc: {  	_ =	swait.ge [sflag:s18], $0x3000  }
0xdd: {  	[sflag:s18] =	ssyncset.done $0x0  }
0xde: {  	s31 =	rddreg [dreg:$0x7];
	[sflag:s18] =	ssyncadd.s32 $0xFFFFD000  }
0xdf: {  	[hbm4b:s31+s2] =	stream.linear.scatter [tilespmem:s23], [sflag:$0x6], $0x3000, $0x38;
	[tilespmem:$0xC400] =	vst v63  }
0xe0: {  	_ =	swait.ge [sflag:s19], $0x3000  }
0xe1: {  	[sflag:s19] =	ssyncset.done $0x0  }
0xe2: {  	[sflag:s19] =	ssyncadd.s32 $0xFFFFD000  }
0xe3: {  	v3 =	vld [tilespmem:$0x140];
	_ =	sdelay $0x4  }
0xe4: {  	v20 =	vshrl.u32 v3, $0x3  }
0xe5: {  	v4 =	vmul.u32 $0x18, v20  }
0xe6: {  	v21 =	vand.u32 $0x7, v3  }
0xe7: {  	v4 =	vor.u32 v21, v4  }
0xe8: {  	v5 =	vperm.xlane v4, v0  }
0xe9: {  	v22 =	vld [tilespmem:$0x150]  }
0xea: {  	v5 =	vadd.s32 v1, v5;
	_ =	sdelay $0x1  }
0xeb: {  	v4 =	vperm.xlane v4, v2  }
0xec: {  	[tilespmem:$0x300] =	vst v3  }
0xed: {  	[tilespmem:$0x310] =	vst v22;
	v3 =	vadd.s32 v1, v4  }
0xee: {  	[tilespmem:s15], [sflag:$0x3] =	stream.indirect_vreg.gather [hbm4b:s3+s2], $0x80, v5, vm0, $0xb8;
	[tilespmem:$0xC400] =	vst v63  }
0xef: {  	s7 =	simm.s32 $0x6C00  }
0xf0: {  	[tilespmem:s7], [sflag:$0x3] =	stream.indirect_vreg.gather [hbm4b:s4+s2], $0x80, v5, vm1, $0xb8;
	[tilespmem:$0xC400] =	vst v63  }
0xf1: {  	s14 =	simm.s32 $0x7000  }
0xf2: {  	[tilespmem:s14], [sflag:$0x3] =	stream.indirect_vreg.gather [hbm4b:s3+s2], $0x80, v3, vm0, $0xb8;
	[tilespmem:$0xC400] =	vst v63  }
0xf3: {  	s30 =	simm.s32 $0x7800  }
0xf4: {  	[tilespmem:s30], [sflag:$0x3] =	stream.indirect_vreg.gather [hbm4b:s4+s2], $0x80, v3, vm1, $0xb8;
	[tilespmem:$0xC400] =	vst v63  }
0xf5: {  	v3 =	vld [tilespmem:$0x310];
	_ =	sdelay $0x4  }
0xf6: {  	v23 =	vshrl.u32 v3, $0x3  }
0xf7: {  	v4 =	vmul.u32 $0x18, v23  }
0xf8: {  	v3 =	vand.u32 $0x7, v3  }
0xf9: {  	v3 =	vor.u32 v3, v4  }
0xfa: {  	v4 =	vperm.xlane v3, v0;
	_ =	sdelay $0x1  }
0xfb: {  	v4 =	vadd.s32 v1, v4;
	_ =	sdelay $0x1  }
0xfc: {  	v3 =	vperm.xlane v3, v2;
	_ =	sdelay $0x1  }
0xfd: {  	s28 =	simm.s32 $0x7C00;
	v3 =	vadd.s32 v1, v3  }
0xfe: {  	[tilespmem:s28], [sflag:$0x3] =	stream.indirect_vreg.gather [hbm4b:s3+s2], $0x80, v4, vm0, $0xb8;
	[tilespmem:$0xC400] =	vst v63  }
0xff: {  	s29 =	simm.s32 $0x8400  }
0x100: {  	[tilespmem:s29], [sflag:$0x3] =	stream.indirect_vreg.gather [hbm4b:s4+s2], $0x80, v4, vm1, $0xb8;
	[tilespmem:$0xC400] =	vst v63  }
0x101: {  	s30 =	simm.s32 $0x8800  }
0x102: {  	[tilespmem:s30], [sflag:$0x3] =	stream.indirect_vreg.gather [hbm4b:s3+s2], $0x80, v3, vm0, $0xb8;
	[tilespmem:$0xC400] =	vst v63  }
0x103: {  	s31 =	simm.s32 $0x9000  }
0x104: {  	[tilespmem:s31], [sflag:$0x3] =	stream.indirect_vreg.gather [hbm4b:s4+s2], $0x80, v3, vm1, $0xb8;
	[tilespmem:$0xC400] =	vst v63  }
0x105: {  	_ =	swait.ge [sflag:s20], $0x3000  }
0x106: {  	[sflag:s20] =	ssyncset.done $0x0  }
0x107: {  	s29 =	rddreg [dreg:$0x8];
	[sflag:s20] =	ssyncadd.s32 $0xFFFFD000  }
0x108: {  	[hbm4b:s29+s2] =	stream.linear.scatter [tilespmem:s0], [sflag:$0x8], $0x3000, $0x38;
	[tilespmem:$0xC400] =	vst v63  }
0x109: {  	_ =	swait.ge [sflag:s21], $0x3000  }
0x10a: {  	[sflag:s21] =	ssyncset.done $0x0  }
0x10b: {  	[sflag:s21] =	ssyncadd.s32 $0xFFFFD000  }
0x10c: {  	v3 =	vld [tilespmem:$0x60];
	_ =	sdelay $0x4  }
0x10d: {  	v24 =	vshrl.u32 v3, $0x3  }
0x10e: {  	v4 =	vmul.u32 $0x18, v24  }
0x10f: {  	v25 =	vand.u32 $0x7, v3  }
0x110: {  	v4 =	vor.u32 v25, v4  }
0x111: {  	v5 =	vperm.xlane v4, v0  }
0x112: {  	v26 =	vld [tilespmem:$0x70]  }
0x113: {  	v5 =	vadd.s32 v1, v5;
	_ =	sdelay $0x1  }
0x114: {  	v4 =	vperm.xlane v4, v2  }
0x115: {  	[tilespmem:$0x280] =	vst v3  }
0x116: {  	[tilespmem:$0x290] =	vst v26;
	v3 =	vadd.s32 v1, v4  }
0x117: {  	[tilespmem:s23], [sflag:$0x2] =	stream.indirect_vreg.gather [hbm4b:s3+s2], $0x80, v5, vm0, $0xb8;
	[tilespmem:$0xC400] =	vst v63  }
0x118: {  	s7 =	simm.s32 $0x3C00  }
0x119: {  	[tilespmem:s7], [sflag:$0x2] =	stream.indirect_vreg.gather [hbm4b:s4+s2], $0x80, v5, vm1, $0xb8;
	[tilespmem:$0xC400] =	vst v63  }
0x11a: {  	s14 =	simm.s32 $0x4000  }
0x11b: {  	[tilespmem:s14], [sflag:$0x2] =	stream.indirect_vreg.gather [hbm4b:s3+s2], $0x80, v3, vm0, $0xb8;
	[tilespmem:$0xC400] =	vst v63  }
0x11c: {  	s26 =	simm.s32 $0x4800  }
0x11d: {  	[tilespmem:s26], [sflag:$0x2] =	stream.indirect_vreg.gather [hbm4b:s4+s2], $0x80, v3, vm1, $0xb8;
	[tilespmem:$0xC400] =	vst v63  }
0x11e: {  	v3 =	vld [tilespmem:$0x290];
	_ =	sdelay $0x4  }
0x11f: {  	v27 =	vshrl.u32 v3, $0x3  }
0x120: {  	v4 =	vmul.u32 $0x18, v27  }
0x121: {  	v3 =	vand.u32 $0x7, v3  }
0x122: {  	v3 =	vor.u32 v3, v4  }
0x123: {  	v4 =	vperm.xlane v3, v0;
	_ =	sdelay $0x1  }
0x124: {  	v4 =	vadd.s32 v1, v4;
	_ =	sdelay $0x1  }
0x125: {  	v3 =	vperm.xlane v3, v2;
	_ =	sdelay $0x1  }
0x126: {  	s26 =	simm.s32 $0x4C00;
	v3 =	vadd.s32 v1, v3  }
0x127: {  	[tilespmem:s26], [sflag:$0x2] =	stream.indirect_vreg.gather [hbm4b:s3+s2], $0x80, v4, vm0, $0xb8;
	[tilespmem:$0xC400] =	vst v63  }
0x128: {  	s28 =	simm.s32 $0x5400  }
0x129: {  	[tilespmem:s28], [sflag:$0x2] =	stream.indirect_vreg.gather [hbm4b:s4+s2], $0x80, v4, vm1, $0xb8;
	[tilespmem:$0xC400] =	vst v63  }
0x12a: {  	s29 =	simm.s32 $0x5800  }
0x12b: {  	[tilespmem:s29], [sflag:$0x2] =	stream.indirect_vreg.gather [hbm4b:s3+s2], $0x80, v3, vm0, $0xb8;
	[tilespmem:$0xC400] =	vst v63  }
0x12c: {  	s6 =	simm.s32 $0x6000  }
0x12d: {  	[tilespmem:s6], [sflag:$0x2] =	stream.indirect_vreg.gather [hbm4b:s4+s2], $0x80, v3, vm1, $0xb8;
	[tilespmem:$0xC400] =	vst v63  }
0x12e: {  	_ =	swait.ge [sflag:s1], $0x3000  }
0x12f: {  	[sflag:s1] =	ssyncset.done $0x0  }
0x130: {  	s6 =	rddreg [dreg:$0x9];
	[sflag:s1] =	ssyncadd.s32 $0xFFFFD000  }
0x131: {  	[hbm4b:s6+s2] =	stream.linear.scatter [tilespmem:s13], [sflag:$0x5], $0x3000, $0x38;
	[tilespmem:$0xC400] =	vst v63  }
0x132: {  	_ =	swait.ge [sflag:s22], $0x3000  }
0x133: {  	[sflag:s22] =	ssyncset.done $0x0  }
0x134: {  	[sflag:s22] =	ssyncadd.s32 $0xFFFFD000  }
0x135: {  	v3 =	vld [tilespmem:$0x160];
	_ =	sdelay $0x4  }
0x136: {  	v28 =	vshrl.u32 v3, $0x3  }
0x137: {  	v4 =	vmul.u32 $0x18, v28  }
0x138: {  	v29 =	vand.u32 $0x7, v3  }
0x139: {  	v4 =	vor.u32 v29, v4  }
0x13a: {  	v5 =	vperm.xlane v4, v0  }
0x13b: {  	v30 =	vld [tilespmem:$0x170]  }
0x13c: {  	v5 =	vadd.s32 v1, v5;
	_ =	sdelay $0x1  }
0x13d: {  	v4 =	vperm.xlane v4, v2  }
0x13e: {  	[tilespmem:$0x380] =	vst v3  }
0x13f: {  	[tilespmem:$0x390] =	vst v30;
	v3 =	vadd.s32 v1, v4  }
0x140: {  	[tilespmem:s0], [sflag:$0x4] =	stream.indirect_vreg.gather [hbm4b:s3+s2], $0x80, v5, vm0, $0xb8;
	[tilespmem:$0xC400] =	vst v63  }
0x141: {  	s24 =	simm.s32 $0x9C00  }
0x142: {  	[tilespmem:s24], [sflag:$0x4] =	stream.indirect_vreg.gather [hbm4b:s4+s2], $0x80, v5, vm1, $0xb8;
	[tilespmem:$0xC400] =	vst v63  }
0x143: {  	s24 =	simm.s32 $0xA000  }
0x144: {  	[tilespmem:s24], [sflag:$0x4] =	stream.indirect_vreg.gather [hbm4b:s3+s2], $0x80, v3, vm0, $0xb8;
	[tilespmem:$0xC400] =	vst v63  }
0x145: {  	s24 =	simm.s32 $0xA800  }
0x146: {  	[tilespmem:s24], [sflag:$0x4] =	stream.indirect_vreg.gather [hbm4b:s4+s2], $0x80, v3, vm1, $0xb8;
	[tilespmem:$0xC400] =	vst v63  }
0x147: {  	v3 =	vld [tilespmem:$0x390];
	_ =	sdelay $0x4  }
0x148: {  	v31 =	vshrl.u32 v3, $0x3  }
0x149: {  	v4 =	vmul.u32 $0x18, v31  }
0x14a: {  	v3 =	vand.u32 $0x7, v3  }
0x14b: {  	v3 =	vor.u32 v3, v4  }
0x14c: {  	v4 =	vperm.xlane v3, v0;
	_ =	sdelay $0x1  }
0x14d: {  	v4 =	vadd.s32 v1, v4;
	_ =	sdelay $0x1  }
0x14e: {  	v3 =	vperm.xlane v3, v2;
	_ =	sdelay $0x1  }
0x14f: {  	s24 =	simm.s32 $0xAC00;
	v3 =	vadd.s32 v1, v3  }
0x150: {  	[tilespmem:s24], [sflag:$0x4] =	stream.indirect_vreg.gather [hbm4b:s3+s2], $0x80, v4, vm0, $0xb8;
	[tilespmem:$0xC400] =	vst v63  }
0x151: {  	s24 =	simm.s32 $0xB400  }
0x152: {  	[tilespmem:s24], [sflag:$0x4] =	stream.indirect_vreg.gather [hbm4b:s4+s2], $0x80, v4, vm1, $0xb8;
	[tilespmem:$0xC400] =	vst v63  }
0x153: {  	s24 =	simm.s32 $0xB800  }
0x154: {  	[tilespmem:s24], [sflag:$0x4] =	stream.indirect_vreg.gather [hbm4b:s3+s2], $0x80, v3, vm0, $0xb8;
	[tilespmem:$0xC400] =	vst v63  }
0x155: {  	s25 =	simm.s32 $0xC000  }
0x156: {  	[tilespmem:s25], [sflag:$0x4] =	stream.indirect_vreg.gather [hbm4b:s4+s2], $0x80, v3, vm1, $0xb8;
	[tilespmem:$0xC400] =	vst v63  }
0x157: {  	_ =	swait.ge [sflag:s16], $0x3000  }
0x158: {  	[sflag:s16] =	ssyncset.done $0x0  }
0x159: {  	s6 =	rddreg [dreg:$0xa];
	[sflag:s16] =	ssyncadd.s32 $0xFFFFD000  }
0x15a: {  	[hbm4b:s6+s2] =	stream.linear.scatter [tilespmem:s15], [sflag:$0x7], $0x3000, $0x38;
	[tilespmem:$0xC400] =	vst v63  }
0x15b: {  	_ =	swait.ge [sflag:s17], $0x3000  }
0x15c: {  	[sflag:s17] =	ssyncset.done $0x0  }
0x15d: {  	[sflag:s17] =	ssyncadd.s32 $0xFFFFD000  }
0x15e: {  	v3 =	vld [tilespmem:$0x80];
	_ =	sdelay $0x4  }
0x15f: {  	v32 =	vshrl.u32 v3, $0x3  }
0x160: {  	v4 =	vmul.u32 $0x18, v32  }
0x161: {  	v33 =	vand.u32 $0x7, v3  }
0x162: {  	v4 =	vor.u32 v33, v4  }
0x163: {  	v5 =	vperm.xlane v4, v0  }
0x164: {  	v34 =	vld [tilespmem:$0x90]  }
0x165: {  	v5 =	vadd.s32 v1, v5;
	_ =	sdelay $0x1  }
0x166: {  	v4 =	vperm.xlane v4, v2  }
0x167: {  	[tilespmem:$0x200] =	vst v3  }
0x168: {  	[tilespmem:$0x210] =	vst v34;
	v3 =	vadd.s32 v1, v4  }
0x169: {  	[tilespmem:s13], [sflag:$0x1] =	stream.indirect_vreg.gather [hbm4b:s3+s2], $0x80, v5, vm0, $0xb8;
	[tilespmem:$0xC400] =	vst v63  }
0x16a: {  	s24 =	simm.s32 $0xC00  }
0x16b: {  	[tilespmem:s24], [sflag:$0x1] =	stream.indirect_vreg.gather [hbm4b:s4+s2], $0x80, v5, vm1, $0xb8;
	[tilespmem:$0xC400] =	vst v63  }
0x16c: {  	_ = 	snop  }
0x16d: {  	[tilespmem:s10], [sflag:$0x1] =	stream.indirect_vreg.gather [hbm4b:s3+s2], $0x80, v3, vm0, $0xb8;
	[tilespmem:$0xC400] =	vst v63  }
0x16e: {  	s25 =	simm.s32 $0x1800  }
0x16f: {  	[tilespmem:s25], [sflag:$0x1] =	stream.indirect_vreg.gather [hbm4b:s4+s2], $0x80, v3, vm1, $0xb8;
	[tilespmem:$0xC400] =	vst v63  }
0x170: {  	v3 =	vld [tilespmem:$0x210];
	_ =	sdelay $0x4  }
0x171: {  	v35 =	vshrl.u32 v3, $0x3  }
0x172: {  	v4 =	vmul.u32 $0x18, v35  }
0x173: {  	v3 =	vand.u32 $0x7, v3  }
0x174: {  	v3 =	vor.u32 v3, v4  }
0x175: {  	v4 =	vperm.xlane v3, v0;
	_ =	sdelay $0x1  }
0x176: {  	v4 =	vadd.s32 v1, v4;
	_ =	sdelay $0x1  }
0x177: {  	v3 =	vperm.xlane v3, v2;
	_ =	sdelay $0x1  }
0x178: {  	v3 =	vadd.s32 v1, v3  }
0x179: {  	[tilespmem:s12], [sflag:$0x1] =	stream.indirect_vreg.gather [hbm4b:s3+s2], $0x80, v4, vm0, $0xb8;
	[tilespmem:$0xC400] =	vst v63  }
0x17a: {  	_ = 	snop  }
0x17b: {  	[tilespmem:s8], [sflag:$0x1] =	stream.indirect_vreg.gather [hbm4b:s4+s2], $0x80, v4, vm1, $0xb8;
	[tilespmem:$0xC400] =	vst v63  }
0x17c: {  	_ = 	snop  }
0x17d: {  	[tilespmem:s9], [sflag:$0x1] =	stream.indirect_vreg.gather [hbm4b:s3+s2], $0x80, v3, vm0, $0xb8;
	[tilespmem:$0xC400] =	vst v63  }
0x17e: {  	_ = 	snop  }
0x17f: {  	[tilespmem:s11], [sflag:$0x1] =	stream.indirect_vreg.gather [hbm4b:s4+s2], $0x80, v3, vm1, $0xb8;
	[tilespmem:$0xC400] =	vst v63  }
0x180: {  	_ =	swait.ge [sflag:s18], $0x3000  }
0x181: {  	[sflag:s18] =	ssyncset.done $0x0  }
0x182: {  	s9 =	rddreg [dreg:$0xb];
	[sflag:s18] =	ssyncadd.s32 $0xFFFFD000  }
0x183: {  	[hbm4b:s9+s2] =	stream.linear.scatter [tilespmem:s23], [sflag:$0x6], $0x3000, $0x38;
	[tilespmem:$0xC400] =	vst v63  }
0x184: {  	_ =	swait.ge [sflag:s19], $0x3000  }
0x185: {  	[sflag:s19] =	ssyncset.done $0x0  }
0x186: {  	[sflag:s19] =	ssyncadd.s32 $0xFFFFD000  }
0x187: {  	v3 =	vld [tilespmem:$0x180];
	_ =	sdelay $0x4  }
0x188: {  	v36 =	vshrl.u32 v3, $0x3  }
0x189: {  	v4 =	vmul.u32 $0x18, v36  }
0x18a: {  	v37 =	vand.u32 $0x7, v3  }
0x18b: {  	v4 =	vor.u32 v37, v4  }
0x18c: {  	v5 =	vperm.xlane v4, v0  }
0x18d: {  	v38 =	vld [tilespmem:$0x190]  }
0x18e: {  	v5 =	vadd.s32 v1, v5;
	_ =	sdelay $0x1  }
0x18f: {  	v4 =	vperm.xlane v4, v2  }
0x190: {  	[tilespmem:$0x300] =	vst v3  }
0x191: {  	[tilespmem:$0x310] =	vst v38;
	v3 =	vadd.s32 v1, v4  }
0x192: {  	[tilespmem:s15], [sflag:$0x3] =	stream.indirect_vreg.gather [hbm4b:s3+s2], $0x80, v5, vm0, $0xb8;
	[tilespmem:$0xC400] =	vst v63  }
0x193: {  	s11 =	simm.s32 $0x6C00  }
0x194: {  	[tilespmem:s11], [sflag:$0x3] =	stream.indirect_vreg.gather [hbm4b:s4+s2], $0x80, v5, vm1, $0xb8;
	[tilespmem:$0xC400] =	vst v63  }
0x195: {  	s12 =	simm.s32 $0x7000  }
0x196: {  	[tilespmem:s12], [sflag:$0x3] =	stream.indirect_vreg.gather [hbm4b:s3+s2], $0x80, v3, vm0, $0xb8;
	[tilespmem:$0xC400] =	vst v63  }
0x197: {  	s24 =	simm.s32 $0x7800  }
0x198: {  	[tilespmem:s24], [sflag:$0x3] =	stream.indirect_vreg.gather [hbm4b:s4+s2], $0x80, v3, vm1, $0xb8;
	[tilespmem:$0xC400] =	vst v63  }
0x199: {  	v3 =	vld [tilespmem:$0x310];
	_ =	sdelay $0x4  }
0x19a: {  	v39 =	vshrl.u32 v3, $0x3  }
0x19b: {  	v4 =	vmul.u32 $0x18, v39  }
0x19c: {  	v3 =	vand.u32 $0x7, v3  }
0x19d: {  	v3 =	vor.u32 v3, v4  }
0x19e: {  	v4 =	vperm.xlane v3, v0;
	_ =	sdelay $0x1  }
0x19f: {  	v4 =	vadd.s32 v1, v4;
	_ =	sdelay $0x1  }
0x1a0: {  	v3 =	vperm.xlane v3, v2;
	_ =	sdelay $0x1  }
0x1a1: {  	s25 =	simm.s32 $0x7C00;
	v3 =	vadd.s32 v1, v3  }
0x1a2: {  	[tilespmem:s25], [sflag:$0x3] =	stream.indirect_vreg.gather [hbm4b:s3+s2], $0x80, v4, vm0, $0xb8;
	[tilespmem:$0xC400] =	vst v63  }
0x1a3: {  	s11 =	simm.s32 $0x8400  }
0x1a4: {  	[tilespmem:s11], [sflag:$0x3] =	stream.indirect_vreg.gather [hbm4b:s4+s2], $0x80, v4, vm1, $0xb8;
	[tilespmem:$0xC400] =	vst v63  }
0x1a5: {  	_ = 	snop  }
0x1a6: {  	[tilespmem:s30], [sflag:$0x3] =	stream.indirect_vreg.gather [hbm4b:s3+s2], $0x80, v3, vm0, $0xb8;
	[tilespmem:$0xC400] =	vst v63  }
0x1a7: {  	_ = 	snop  }
0x1a8: {  	[tilespmem:s31], [sflag:$0x3] =	stream.indirect_vreg.gather [hbm4b:s4+s2], $0x80, v3, vm1, $0xb8;
	[tilespmem:$0xC400] =	vst v63  }
0x1a9: {  	_ =	swait.ge [sflag:s20], $0x3000  }
0x1aa: {  	[sflag:s20] =	ssyncset.done $0x0  }
0x1ab: {  	s12 =	rddreg [dreg:$0xc];
	[sflag:s20] =	ssyncadd.s32 $0xFFFFD000  }
0x1ac: {  	[hbm4b:s12+s2] =	stream.linear.scatter [tilespmem:s0], [sflag:$0x8], $0x3000, $0x38;
	[tilespmem:$0xC400] =	vst v63  }
0x1ad: {  	_ =	swait.ge [sflag:s21], $0x3000  }
0x1ae: {  	[sflag:s21] =	ssyncset.done $0x0  }
0x1af: {  	[sflag:s21] =	ssyncadd.s32 $0xFFFFD000  }
0x1b0: {  	v3 =	vld [tilespmem:$0xA0];
	_ =	sdelay $0x4  }
0x1b1: {  	v40 =	vshrl.u32 v3, $0x3  }
0x1b2: {  	v4 =	vmul.u32 $0x18, v40  }
0x1b3: {  	v41 =	vand.u32 $0x7, v3  }
0x1b4: {  	v4 =	vor.u32 v41, v4  }
0x1b5: {  	v5 =	vperm.xlane v4, v0  }
0x1b6: {  	v42 =	vld [tilespmem:$0xB0]  }
0x1b7: {  	v5 =	vadd.s32 v1, v5;
	_ =	sdelay $0x1  }
0x1b8: {  	v4 =	vperm.xlane v4, v2  }
0x1b9: {  	[tilespmem:$0x280] =	vst v3  }
0x1ba: {  	[tilespmem:$0x290] =	vst v42;
	v3 =	vadd.s32 v1, v4  }
0x1bb: {  	[tilespmem:s23], [sflag:$0x2] =	stream.indirect_vreg.gather [hbm4b:s3+s2], $0x80, v5, vm0, $0xb8;
	[tilespmem:$0xC400] =	vst v63  }
0x1bc: {  	_ = 	snop  }
0x1bd: {  	[tilespmem:s7], [sflag:$0x2] =	stream.indirect_vreg.gather [hbm4b:s4+s2], $0x80, v5, vm1, $0xb8;
	[tilespmem:$0xC400] =	vst v63  }
0x1be: {  	_ = 	snop  }
0x1bf: {  	[tilespmem:s14], [sflag:$0x2] =	stream.indirect_vreg.gather [hbm4b:s3+s2], $0x80, v3, vm0, $0xb8;
	[tilespmem:$0xC400] =	vst v63  }
0x1c0: {  	s24 =	simm.s32 $0x4800  }
0x1c1: {  	[tilespmem:s24], [sflag:$0x2] =	stream.indirect_vreg.gather [hbm4b:s4+s2], $0x80, v3, vm1, $0xb8;
	[tilespmem:$0xC400] =	vst v63  }
0x1c2: {  	v3 =	vld [tilespmem:$0x290];
	_ =	sdelay $0x4  }
0x1c3: {  	v43 =	vshrl.u32 v3, $0x3  }
0x1c4: {  	v4 =	vmul.u32 $0x18, v43  }
0x1c5: {  	v3 =	vand.u32 $0x7, v3  }
0x1c6: {  	v3 =	vor.u32 v3, v4  }
0x1c7: {  	v4 =	vperm.xlane v3, v0;
	_ =	sdelay $0x1  }
0x1c8: {  	v4 =	vadd.s32 v1, v4;
	_ =	sdelay $0x1  }
0x1c9: {  	v3 =	vperm.xlane v3, v2;
	_ =	sdelay $0x1  }
0x1ca: {  	v3 =	vadd.s32 v1, v3  }
0x1cb: {  	[tilespmem:s26], [sflag:$0x2] =	stream.indirect_vreg.gather [hbm4b:s3+s2], $0x80, v4, vm0, $0xb8;
	[tilespmem:$0xC400] =	vst v63  }
0x1cc: {  	_ = 	snop  }
0x1cd: {  	[tilespmem:s28], [sflag:$0x2] =	stream.indirect_vreg.gather [hbm4b:s4+s2], $0x80, v4, vm1, $0xb8;
	[tilespmem:$0xC400] =	vst v63  }
0x1ce: {  	_ = 	snop  }
0x1cf: {  	[tilespmem:s29], [sflag:$0x2] =	stream.indirect_vreg.gather [hbm4b:s3+s2], $0x80, v3, vm0, $0xb8;
	[tilespmem:$0xC400] =	vst v63  }
0x1d0: {  	s31 =	simm.s32 $0x6000  }
0x1d1: {  	[tilespmem:s31], [sflag:$0x2] =	stream.indirect_vreg.gather [hbm4b:s4+s2], $0x80, v3, vm1, $0xb8;
	[tilespmem:$0xC400] =	vst v63  }
0x1d2: {  	_ =	swait.ge [sflag:s1], $0x3000  }
0x1d3: {  	[sflag:s1] =	ssyncset.done $0x0  }
0x1d4: {  	s26 =	rddreg [dreg:$0xd];
	[sflag:s1] =	ssyncadd.s32 $0xFFFFD000  }
0x1d5: {  	[hbm4b:s26+s2] =	stream.linear.scatter [tilespmem:s13], [sflag:$0x5], $0x3000, $0x38;
	[tilespmem:$0xC400] =	vst v63  }
0x1d6: {  	_ =	swait.ge [sflag:s22], $0x3000  }
0x1d7: {  	[sflag:s22] =	ssyncset.done $0x0  }
0x1d8: {  	[sflag:s22] =	ssyncadd.s32 $0xFFFFD000  }
0x1d9: {  	v3 =	vld [tilespmem:$0x1A0];
	_ =	sdelay $0x4  }
0x1da: {  	v44 =	vshrl.u32 v3, $0x3  }
0x1db: {  	v4 =	vmul.u32 $0x18, v44  }
0x1dc: {  	v45 =	vand.u32 $0x7, v3  }
0x1dd: {  	v4 =	vor.u32 v45, v4  }
0x1de: {  	v5 =	vperm.xlane v4, v0  }
0x1df: {  	v46 =	vld [tilespmem:$0x1B0]  }
0x1e0: {  	v5 =	vadd.s32 v1, v5;
	_ =	sdelay $0x1  }
0x1e1: {  	v4 =	vperm.xlane v4, v2  }
0x1e2: {  	[tilespmem:$0x380] =	vst v3  }
0x1e3: {  	[tilespmem:$0x390] =	vst v46;
	v3 =	vadd.s32 v1, v4  }
0x1e4: {  	[tilespmem:s0], [sflag:$0x4] =	stream.indirect_vreg.gather [hbm4b:s3+s2], $0x80, v5, vm0, $0xb8;
	[tilespmem:$0xC400] =	vst v63  }
0x1e5: {  	s28 =	simm.s32 $0x9C00  }
0x1e6: {  	[tilespmem:s28], [sflag:$0x4] =	stream.indirect_vreg.gather [hbm4b:s4+s2], $0x80, v5, vm1, $0xb8;
	[tilespmem:$0xC400] =	vst v63  }
0x1e7: {  	s29 =	simm.s32 $0xA000  }
0x1e8: {  	[tilespmem:s29], [sflag:$0x4] =	stream.indirect_vreg.gather [hbm4b:s3+s2], $0x80, v3, vm0, $0xb8;
	[tilespmem:$0xC400] =	vst v63  }
0x1e9: {  	s31 =	simm.s32 $0xA800  }
0x1ea: {  	[tilespmem:s31], [sflag:$0x4] =	stream.indirect_vreg.gather [hbm4b:s4+s2], $0x80, v3, vm1, $0xb8;
	[tilespmem:$0xC400] =	vst v63  }
0x1eb: {  	v3 =	vld [tilespmem:$0x390];
	_ =	sdelay $0x4  }
0x1ec: {  	v47 =	vshrl.u32 v3, $0x3  }
0x1ed: {  	v4 =	vmul.u32 $0x18, v47  }
0x1ee: {  	v3 =	vand.u32 $0x7, v3  }
0x1ef: {  	v3 =	vor.u32 v3, v4  }
0x1f0: {  	v4 =	vperm.xlane v3, v0;
	_ =	sdelay $0x1  }
0x1f1: {  	v4 =	vadd.s32 v1, v4;
	_ =	sdelay $0x1  }
0x1f2: {  	v3 =	vperm.xlane v3, v2;
	_ =	sdelay $0x1  }
0x1f3: {  	s29 =	simm.s32 $0xAC00;
	v3 =	vadd.s32 v1, v3  }
0x1f4: {  	[tilespmem:s29], [sflag:$0x4] =	stream.indirect_vreg.gather [hbm4b:s3+s2], $0x80, v4, vm0, $0xb8;
	[tilespmem:$0xC400] =	vst v63  }
0x1f5: {  	s31 =	simm.s32 $0xB400  }
0x1f6: {  	[tilespmem:s31], [sflag:$0x4] =	stream.indirect_vreg.gather [hbm4b:s4+s2], $0x80, v4, vm1, $0xb8;
	[tilespmem:$0xC400] =	vst v63  }
0x1f7: {  	s24 =	simm.s32 $0xB800  }
0x1f8: {  	[tilespmem:s24], [sflag:$0x4] =	stream.indirect_vreg.gather [hbm4b:s3+s2], $0x80, v3, vm0, $0xb8;
	[tilespmem:$0xC400] =	vst v63  }
0x1f9: {  	s24 =	simm.s32 $0xC000  }
0x1fa: {  	[tilespmem:s24], [sflag:$0x4] =	stream.indirect_vreg.gather [hbm4b:s4+s2], $0x80, v3, vm1, $0xb8;
	[tilespmem:$0xC400] =	vst v63  }
0x1fb: {  	_ =	swait.ge [sflag:s16], $0x3000  }
0x1fc: {  	[sflag:s16] =	ssyncset.done $0x0  }
0x1fd: {  	s24 =	rddreg [dreg:$0xe];
	[sflag:s16] =	ssyncadd.s32 $0xFFFFD000  }
0x1fe: {  	[hbm4b:s24+s2] =	stream.linear.scatter [tilespmem:s15], [sflag:$0x7], $0x3000, $0x38;
	[tilespmem:$0xC400] =	vst v63  }
0x1ff: {  	_ =	swait.ge [sflag:s17], $0x3000  }
0x200: {  	[sflag:s17] =	ssyncset.done $0x0  }
0x201: {  	[sflag:s17] =	ssyncadd.s32 $0xFFFFD000  }
0x202: {  	v3 =	vld [tilespmem:$0xC0];
	_ =	sdelay $0x4  }
0x203: {  	v48 =	vshrl.u32 v3, $0x3  }
0x204: {  	v4 =	vmul.u32 $0x18, v48  }
0x205: {  	v49 =	vand.u32 $0x7, v3  }
0x206: {  	v4 =	vor.u32 v49, v4  }
0x207: {  	v5 =	vperm.xlane v4, v0  }
0x208: {  	v50 =	vld [tilespmem:$0xD0]  }
0x209: {  	v5 =	vadd.s32 v1, v5;
	_ =	sdelay $0x1  }
0x20a: {  	v4 =	vperm.xlane v4, v2  }
0x20b: {  	[tilespmem:$0x200] =	vst v3  }
0x20c: {  	[tilespmem:$0x210] =	vst v50;
	v3 =	vadd.s32 v1, v4  }
0x20d: {  	[tilespmem:s13], [sflag:$0x1] =	stream.indirect_vreg.gather [hbm4b:s3+s2], $0x80, v5, vm0, $0xb8;
	[tilespmem:$0xC400] =	vst v63  }
0x20e: {  	s24 =	simm.s32 $0xC00  }
0x20f: {  	[tilespmem:s24], [sflag:$0x1] =	stream.indirect_vreg.gather [hbm4b:s4+s2], $0x80, v5, vm1, $0xb8;
	[tilespmem:$0xC400] =	vst v63  }
0x210: {  	s10 =	simm.s32 $0x1000  }
0x211: {  	[tilespmem:s10], [sflag:$0x1] =	stream.indirect_vreg.gather [hbm4b:s3+s2], $0x80, v3, vm0, $0xb8;
	[tilespmem:$0xC400] =	vst v63  }
0x212: {  	s24 =	simm.s32 $0x1800  }
0x213: {  	[tilespmem:s24], [sflag:$0x1] =	stream.indirect_vreg.gather [hbm4b:s4+s2], $0x80, v3, vm1, $0xb8;
	[tilespmem:$0xC400] =	vst v63  }
0x214: {  	v3 =	vld [tilespmem:$0x210];
	_ =	sdelay $0x4  }
0x215: {  	v51 =	vshrl.u32 v3, $0x3  }
0x216: {  	v4 =	vmul.u32 $0x18, v51  }
0x217: {  	v3 =	vand.u32 $0x7, v3  }
0x218: {  	v3 =	vor.u32 v3, v4  }
0x219: {  	v4 =	vperm.xlane v3, v0;
	_ =	sdelay $0x1  }
0x21a: {  	v4 =	vadd.s32 v1, v4;
	_ =	sdelay $0x1  }
0x21b: {  	v3 =	vperm.xlane v3, v2;
	_ =	sdelay $0x1  }
0x21c: {  	s6 =	simm.s32 $0x1C00;
	v3 =	vadd.s32 v1, v3  }
0x21d: {  	[tilespmem:s6], [sflag:$0x1] =	stream.indirect_vreg.gather [hbm4b:s3+s2], $0x80, v4, vm0, $0xb8;
	[tilespmem:$0xC400] =	vst v63  }
0x21e: {  	s8 =	simm.s32 $0x2400  }
0x21f: {  	[tilespmem:s8], [sflag:$0x1] =	stream.indirect_vreg.gather [hbm4b:s4+s2], $0x80, v4, vm1, $0xb8;
	[tilespmem:$0xC400] =	vst v63  }
0x220: {  	s10 =	simm.s32 $0x2800  }
0x221: {  	[tilespmem:s10], [sflag:$0x1] =	stream.indirect_vreg.gather [hbm4b:s3+s2], $0x80, v3, vm0, $0xb8;
	[tilespmem:$0xC400] =	vst v63  }
0x222: {  	s24 =	simm.s32 $0x3000  }
0x223: {  	[tilespmem:s24], [sflag:$0x1] =	stream.indirect_vreg.gather [hbm4b:s4+s2], $0x80, v3, vm1, $0xb8;
	[tilespmem:$0xC400] =	vst v63  }
0x224: {  	_ =	swait.ge [sflag:s18], $0x3000  }
0x225: {  	[sflag:s18] =	ssyncset.done $0x0  }
0x226: {  	s8 =	rddreg [dreg:$0xf];
	[sflag:s18] =	ssyncadd.s32 $0xFFFFD000  }
0x227: {  	[hbm4b:s8+s2] =	stream.linear.scatter [tilespmem:s23], [sflag:$0x6], $0x3000, $0x38;
	[tilespmem:$0xC400] =	vst v63  }
0x228: {  	_ =	swait.ge [sflag:s19], $0x3000  }
0x229: {  	[sflag:s19] =	ssyncset.done $0x0  }
0x22a: {  	[sflag:s19] =	ssyncadd.s32 $0xFFFFD000  }
0x22b: {  	v3 =	vld [tilespmem:$0x1C0];
	_ =	sdelay $0x4  }
0x22c: {  	v52 =	vshrl.u32 v3, $0x3  }
0x22d: {  	v4 =	vmul.u32 $0x18, v52  }
0x22e: {  	v53 =	vand.u32 $0x7, v3  }
0x22f: {  	v4 =	vor.u32 v53, v4  }
0x230: {  	v5 =	vperm.xlane v4, v0  }
0x231: {  	v54 =	vld [tilespmem:$0x1D0]  }
0x232: {  	v5 =	vadd.s32 v1, v5;
	_ =	sdelay $0x1  }
0x233: {  	v4 =	vperm.xlane v4, v2  }
0x234: {  	[tilespmem:$0x300] =	vst v3  }
0x235: {  	[tilespmem:$0x310] =	vst v54;
	v3 =	vadd.s32 v1, v4  }
0x236: {  	[tilespmem:s15], [sflag:$0x3] =	stream.indirect_vreg.gather [hbm4b:s3+s2], $0x80, v5, vm0, $0xb8;
	[tilespmem:$0xC400] =	vst v63  }
0x237: {  	s10 =	simm.s32 $0x6C00  }
0x238: {  	[tilespmem:s10], [sflag:$0x3] =	stream.indirect_vreg.gather [hbm4b:s4+s2], $0x80, v5, vm1, $0xb8;
	[tilespmem:$0xC400] =	vst v63  }
0x239: {  	s24 =	simm.s32 $0x7000  }
0x23a: {  	[tilespmem:s24], [sflag:$0x3] =	stream.indirect_vreg.gather [hbm4b:s3+s2], $0x80, v3, vm0, $0xb8;
	[tilespmem:$0xC400] =	vst v63  }
0x23b: {  	s8 =	simm.s32 $0x7800  }
0x23c: {  	[tilespmem:s8], [sflag:$0x3] =	stream.indirect_vreg.gather [hbm4b:s4+s2], $0x80, v3, vm1, $0xb8;
	[tilespmem:$0xC400] =	vst v63  }
0x23d: {  	v3 =	vld [tilespmem:$0x310];
	_ =	sdelay $0x4  }
0x23e: {  	v55 =	vshrl.u32 v3, $0x3  }
0x23f: {  	v4 =	vmul.u32 $0x18, v55  }
0x240: {  	v3 =	vand.u32 $0x7, v3  }
0x241: {  	v3 =	vor.u32 v3, v4  }
0x242: {  	v4 =	vperm.xlane v3, v0;
	_ =	sdelay $0x1  }
0x243: {  	v4 =	vadd.s32 v1, v4;
	_ =	sdelay $0x1  }
0x244: {  	v3 =	vperm.xlane v3, v2;
	_ =	sdelay $0x1  }
0x245: {  	s10 =	simm.s32 $0x7C00;
	v3 =	vadd.s32 v1, v3  }
0x246: {  	[tilespmem:s10], [sflag:$0x3] =	stream.indirect_vreg.gather [hbm4b:s3+s2], $0x80, v4, vm0, $0xb8;
	[tilespmem:$0xC400] =	vst v63  }
0x247: {  	s24 =	simm.s32 $0x8400  }
0x248: {  	[tilespmem:s24], [sflag:$0x3] =	stream.indirect_vreg.gather [hbm4b:s4+s2], $0x80, v4, vm1, $0xb8;
	[tilespmem:$0xC400] =	vst v63  }
0x249: {  	s25 =	simm.s32 $0x8800  }
0x24a: {  	[tilespmem:s25], [sflag:$0x3] =	stream.indirect_vreg.gather [hbm4b:s3+s2], $0x80, v3, vm0, $0xb8;
	[tilespmem:$0xC400] =	vst v63  }
0x24b: {  	s30 =	simm.s32 $0x9000  }
0x24c: {  	[tilespmem:s30], [sflag:$0x3] =	stream.indirect_vreg.gather [hbm4b:s4+s2], $0x80, v3, vm1, $0xb8;
	[tilespmem:$0xC400] =	vst v63  }
0x24d: {  	_ =	swait.ge [sflag:s20], $0x3000  }
0x24e: {  	[sflag:s20] =	ssyncset.done $0x0  }
0x24f: {  	s8 =	rddreg [dreg:$0x10];
	[sflag:s20] =	ssyncadd.s32 $0xFFFFD000  }
0x250: {  	[hbm4b:s8+s2] =	stream.linear.scatter [tilespmem:s0], [sflag:$0x8], $0x3000, $0x38;
	[tilespmem:$0xC400] =	vst v63  }
0x251: {  	_ =	swait.ge [sflag:s21], $0x3000  }
0x252: {  	[sflag:s21] =	ssyncset.done $0x0  }
0x253: {  	[sflag:s21] =	ssyncadd.s32 $0xFFFFD000  }
0x254: {  	v3 =	vld [tilespmem:$0xE0];
	_ =	sdelay $0x4  }
0x255: {  	v56 =	vshrl.u32 v3, $0x3  }
0x256: {  	v4 =	vmul.u32 $0x18, v56  }
0x257: {  	v57 =	vand.u32 $0x7, v3  }
0x258: {  	v4 =	vor.u32 v57, v4  }
0x259: {  	v5 =	vperm.xlane v4, v0  }
0x25a: {  	v58 =	vld [tilespmem:$0xF0]  }
0x25b: {  	v5 =	vadd.s32 v1, v5;
	_ =	sdelay $0x1  }
0x25c: {  	v4 =	vperm.xlane v4, v2  }
0x25d: {  	[tilespmem:$0x280] =	vst v3  }
0x25e: {  	[tilespmem:$0x290] =	vst v58;
	v3 =	vadd.s32 v1, v4  }
0x25f: {  	[tilespmem:s23], [sflag:$0x2] =	stream.indirect_vreg.gather [hbm4b:s3+s2], $0x80, v5, vm0, $0xb8;
	[tilespmem:$0xC400] =	vst v63  }
0x260: {  	s7 =	simm.s32 $0x3C00  }
0x261: {  	[tilespmem:s7], [sflag:$0x2] =	stream.indirect_vreg.gather [hbm4b:s4+s2], $0x80, v5, vm1, $0xb8;
	[tilespmem:$0xC400] =	vst v63  }
0x262: {  	s12 =	simm.s32 $0x4000  }
0x263: {  	[tilespmem:s12], [sflag:$0x2] =	stream.indirect_vreg.gather [hbm4b:s3+s2], $0x80, v3, vm0, $0xb8;
	[tilespmem:$0xC400] =	vst v63  }
0x264: {  	s10 =	simm.s32 $0x4800  }
0x265: {  	[tilespmem:s10], [sflag:$0x2] =	stream.indirect_vreg.gather [hbm4b:s4+s2], $0x80, v3, vm1, $0xb8;
	[tilespmem:$0xC400] =	vst v63  }
0x266: {  	v3 =	vld [tilespmem:$0x290];
	_ =	sdelay $0x4  }
0x267: {  	v59 =	vshrl.u32 v3, $0x3  }
0x268: {  	v4 =	vmul.u32 $0x18, v59  }
0x269: {  	v3 =	vand.u32 $0x7, v3  }
0x26a: {  	v3 =	vor.u32 v3, v4  }
0x26b: {  	v4 =	vperm.xlane v3, v0;
	_ =	sdelay $0x1  }
0x26c: {  	v4 =	vadd.s32 v1, v4;
	_ =	sdelay $0x1  }
0x26d: {  	v3 =	vperm.xlane v3, v2;
	_ =	sdelay $0x1  }
0x26e: {  	s9 =	simm.s32 $0x4C00;
	v3 =	vadd.s32 v1, v3  }
0x26f: {  	[tilespmem:s9], [sflag:$0x2] =	stream.indirect_vreg.gather [hbm4b:s3+s2], $0x80, v4, vm0, $0xb8;
	[tilespmem:$0xC400] =	vst v63  }
0x270: {  	s11 =	simm.s32 $0x5400  }
0x271: {  	[tilespmem:s11], [sflag:$0x2] =	stream.indirect_vreg.gather [hbm4b:s4+s2], $0x80, v4, vm1, $0xb8;
	[tilespmem:$0xC400] =	vst v63  }
0x272: {  	s14 =	simm.s32 $0x5800  }
0x273: {  	[tilespmem:s14], [sflag:$0x2] =	stream.indirect_vreg.gather [hbm4b:s3+s2], $0x80, v3, vm0, $0xb8;
	[tilespmem:$0xC400] =	vst v63  }
0x274: {  	s12 =	simm.s32 $0x6000  }
0x275: {  	[tilespmem:s12], [sflag:$0x2] =	stream.indirect_vreg.gather [hbm4b:s4+s2], $0x80, v3, vm1, $0xb8;
	[tilespmem:$0xC400] =	vst v63  }
0x276: {  	_ =	swait.ge [sflag:s1], $0x3000  }
0x277: {  	[sflag:s1] =	ssyncset.done $0x0  }
0x278: {  	s14 =	rddreg [dreg:$0x11];
	[sflag:s1] =	ssyncadd.s32 $0xFFFFD000  }
0x279: {  	[hbm4b:s14+s2] =	stream.linear.scatter [tilespmem:s13], [sflag:$0x5], $0x3000, $0x38;
	[tilespmem:$0xC400] =	vst v63  }
0x27a: {  	_ =	swait.ge [sflag:s22], $0x3000  }
0x27b: {  	[sflag:s22] =	ssyncset.done $0x0  }
0x27c: {  	[sflag:s22] =	ssyncadd.s32 $0xFFFFD000  }
0x27d: {  	v3 =	vld [tilespmem:$0x1E0];
	_ =	sdelay $0x4  }
0x27e: {  	v60 =	vshrl.u32 v3, $0x3  }
0x27f: {  	v4 =	vmul.u32 $0x18, v60  }
0x280: {  	v61 =	vand.u32 $0x7, v3  }
0x281: {  	v4 =	vor.u32 v61, v4  }
0x282: {  	v5 =	vperm.xlane v4, v0  }
0x283: {  	v62 =	vld [tilespmem:$0x1F0]  }
0x284: {  	v5 =	vadd.s32 v1, v5;
	_ =	sdelay $0x1  }
0x285: {  	v4 =	vperm.xlane v4, v2  }
0x286: {  	[tilespmem:$0x380] =	vst v3  }
0x287: {  	[tilespmem:$0x390] =	vst v62;
	v3 =	vadd.s32 v1, v4  }
0x288: {  	[tilespmem:s0], [sflag:$0x4] =	stream.indirect_vreg.gather [hbm4b:s3+s2], $0x80, v5, vm0, $0xb8;
	[tilespmem:$0xC400] =	vst v63  }
0x289: {  	s26 =	simm.s32 $0x9C00  }
0x28a: {  	[tilespmem:s26], [sflag:$0x4] =	stream.indirect_vreg.gather [hbm4b:s4+s2], $0x80, v5, vm1, $0xb8;
	[tilespmem:$0xC400] =	vst v63  }
0x28b: {  	s28 =	simm.s32 $0xA000  }
0x28c: {  	[tilespmem:s28], [sflag:$0x4] =	stream.indirect_vreg.gather [hbm4b:s3+s2], $0x80, v3, vm0, $0xb8;
	[tilespmem:$0xC400] =	vst v63  }
0x28d: {  	s25 =	simm.s32 $0xA800  }
0x28e: {  	[tilespmem:s25], [sflag:$0x4] =	stream.indirect_vreg.gather [hbm4b:s4+s2], $0x80, v3, vm1, $0xb8;
	[tilespmem:$0xC400] =	vst v63  }
0x28f: {  	v3 =	vld [tilespmem:$0x390];
	_ =	sdelay $0x4  }
0x290: {  	v63 =	vshrl.u32 v3, $0x3  }
0x291: {  	v4 =	vmul.u32 $0x18, v63  }
0x292: {  	v3 =	vand.u32 $0x7, v3  }
0x293: {  	v3 =	vor.u32 v3, v4  }
0x294: {  	v4 =	vperm.xlane v3, v0;
	_ =	sdelay $0x1  }
0x295: {  	v4 =	vadd.s32 v1, v4;
	_ =	sdelay $0x1  }
0x296: {  	v3 =	vperm.xlane v3, v2;
	_ =	sdelay $0x1  }
0x297: {  	s29 =	simm.s32 $0xAC00;
	v3 =	vadd.s32 v1, v3  }
0x298: {  	[tilespmem:s29], [sflag:$0x4] =	stream.indirect_vreg.gather [hbm4b:s3+s2], $0x80, v4, vm0, $0xb8;
	[tilespmem:$0xC400] =	vst v63  }
0x299: {  	s31 =	simm.s32 $0xB400  }
0x29a: {  	[tilespmem:s31], [sflag:$0x4] =	stream.indirect_vreg.gather [hbm4b:s4+s2], $0x80, v4, vm1, $0xb8;
	[tilespmem:$0xC400] =	vst v63  }
0x29b: {  	s26 =	simm.s32 $0xB800  }
0x29c: {  	[tilespmem:s26], [sflag:$0x4] =	stream.indirect_vreg.gather [hbm4b:s3+s2], $0x80, v3, vm0, $0xb8;
	[tilespmem:$0xC400] =	vst v63  }
0x29d: {  	s28 =	simm.s32 $0xC000  }
0x29e: {  	[tilespmem:s28], [sflag:$0x4] =	stream.indirect_vreg.gather [hbm4b:s4+s2], $0x80, v3, vm1, $0xb8;
	[tilespmem:$0xC400] =	vst v63  }
0x29f: {  	_ =	swait.ge [sflag:s16], $0x3000  }
0x2a0: {  	[sflag:s16] =	ssyncset.done $0x0  }
0x2a1: {  	s29 =	rddreg [dreg:$0x12];
	[sflag:s16] =	ssyncadd.s32 $0xFFFFD000  }
0x2a2: {  	[hbm4b:s29+s2] =	stream.linear.scatter [tilespmem:s15], [sflag:$0x7], $0x3000, $0x38;
	[tilespmem:$0xC400] =	vst v63  }
0x2a3: {  	_ =	swait.ge [sflag:s18], $0x3000  }
0x2a4: {  	[sflag:s18] =	ssyncset.done $0x0  }
0x2a5: {  	s30 =	rddreg [dreg:$0x13];
	[sflag:s18] =	ssyncadd.s32 $0xFFFFD000  }
0x2a6: {  	[hbm4b:s30+s2] =	stream.linear.scatter [tilespmem:s23], [sflag:$0x6], $0x3000, $0x38;
	[tilespmem:$0xC400] =	vst v63  }
0x2a7: {  	_ =	swait.ge [sflag:s20], $0x3000  }
0x2a8: {  	[sflag:s20] =	ssyncset.done $0x0  }
0x2a9: {  	s31 =	rddreg [dreg:$0x14];
	[sflag:s20] =	ssyncadd.s32 $0xFFFFD000  }
0x2aa: {  	[hbm4b:s31+s2] =	stream.linear.scatter [tilespmem:s0], [sflag:$0x8], $0x3000, $0x38;
	[tilespmem:$0xC400] =	vst v63  }
0x2ab: {  	_ =	swait.ge [sflag:s17], $0x3000  }
0x2ac: {  	[sflag:s17] =	ssyncset.done $0x0  }
0x2ad: {  	[sflag:s17] =	ssyncadd.s32 $0xFFFFD000  }
0x2ae: {  	_ =	swait.ge [sflag:s21], $0x3000  }
0x2af: {  	[sflag:s21] =	ssyncset.done $0x0  }
0x2b0: {  	[sflag:s21] =	ssyncadd.s32 $0xFFFFD000  }
0x2b1: {  	p0 =	sne.s32 s5, $0x1;
	_ =	swait.ge [sflag:s19], $0x3000  }
.Ltmp0:
0x2b2: {  	[sflag:s19] =	ssyncset.done $0x0;
	(pc) =	sbr.rel @p0 .LBB2_1-.Ltmp0, $4  }
0x2b3: {  	[sflag:s19] =	ssyncadd.s32 $0xFFFFD000  }
0x2b4: {  	_ =	swait.ge [sflag:s22], $0x3000  }
0x2b5: {  	[sflag:s22] =	ssyncset.done $0x0  }
0x2b6: {  	s5 =	sadd.s32 $0xFFFFFFFF, s5;
	[sflag:s22] =	ssyncadd.s32 $0xFFFFD000  }
0x2b7: {  	_ =	sfence.sel $0x180000  }
0x2b8: {  	[bflag:$0x0] =	sbarrier.arrive $0xFFFF  }
0x2b9: {  	_ =	strace $0x9000004A  }
0x2ba: {  	s0 =	stileid.u32;
	[bflag:$0x2] =	sbarrier.arrive $0xFFFF  }
0x2bb: {  	p0 =	sne.s32 s0, $0x0;
	s0 =	rddreg [dreg:$0x2]  }
0x2bc: {  	s0 =	sadd.s32 @!p0 $0x100000, s0  }
0x2bd: {  	[sflag:s0] =	ssyncadd.tile.s32 @!p0 $0x1;
	_ =	shalt  }
.Lfunc_end2:
_tile_overlayer_lowered:
.L_overlay_start_2:
0x2be: {  	(tag) =	ssettag $0x2  }
0x2bf: {  	s0 =	rddreg [dreg:$0x0];
	s2 =	stileid.u32  }
0x2c0: {  	s1 =	rddreg [dreg:$0x1];
	p0 =	sne.s32 s2, $0x0  }
0x2c1: {  	s3 =	rddreg [dreg:$0x2];
	[bflag:$0x3] =	sbarrier.arrive $0xFFFF;
	s2 =	simm.s32 @!p0 $0x1C09  }
0x2c2: {  	[timem:s3], [sflag:s2] =	dma.local @!p0 [hbm:s0], s1  }
0x2c3: {  	s0 =	simm.s32 @!p0 $0x9  }
0x2c4: {  	_ =	swait.ge @!p0 [sflag:s0], s1  }
0x2c5: {  	s1 =	ssub.s32 @!p0 $0x0, s1;
	[sflag:s0] =	ssyncset.done @!p0 $0x0  }
0x2c6: {  	[sflag:s0] =	ssyncadd.s32 @!p0 s1  }
0x2c7: {  	[bflag:$0x3] =	sbarrier.arrive $0xFFFF  }
0x2c8: {  	_ =	shalt  }

// kernel: _moe.8.cloned.1.call-start
scs
__scs_entry_jumppad:
0x0: {  	(pc) =	sbr.rel $0x88, $3  }
0x1: {  	(tag) =	ssettag $0x0;
	lr =	simm.s32 $0x1  }
0x2: {  	[smem:$0x3F99] =	sst lr;
	_ =	strace $0xD0000000  }
0x3: {  	_ = 	snop  }
0x4: {  	_ = 	snop  }
0x5: {  	_ = 	snop  }
0x6: {  	_ = 	snop  }
0x7: {  	_ = 	snop  }
__scs_overlays_trampoline_lowered:
0x8: {  	[smem:$0x3FA8] =	sst s0  }
0x9: {  	[smem:$0x3FA9] =	sst s1  }
0xa: {  	[smem:$0x3FAA] =	sst s2  }
0xb: {  	[smem:$0x3FAB] =	sst s3  }
0xc: {  	[smem:$0x3FAC] =	sst s4  }
0xd: {  	[smem:$0x3FAD] =	sst s5  }
0xe: {  	[smem:$0x3FAE] =	sst s6  }
0xf: {  	[smem:$0x3FAF] =	sst s7  }
0x10: {  	[smem:$0x3FB0] =	sst s8  }
0x11: {  	[smem:$0x3FB1] =	sst s9;
	s0 =	simm.s32 @!p0 $0x0  }
0x12: {  	s1 =	sld [smem:$0x3F97];
	s0 =	simm.s32 @p0 $0x1  }
0x13: {  	[smem:$0x3FB2] =	sst s0;
	s0 =	simm.s32 @!p1 $0x0  }
0x14: {  	s2 =	sld [smem:$0x3F96];
	s0 =	simm.s32 @p1 $0x1  }
0x15: {  	[smem:$0x3FB3] =	sst s0;
	s0 =	simm.s32 @!p2 $0x0  }
0x16: {  	s3 =	sld [smem:$0x3FDB];
	s0 =	simm.s32 @p2 $0x1  }
0x17: {  	s4 =	simm.s32 $0x1BF5;
	[smem:$0x3FB5] =	sst s0  }
0x18: {  	s0 =	sld [smem:$0x3F98];
	_ =	swait.ge [sflag:s4], $0x0  }
0x19: {  	s7 =	sld [smem:$0x3F99]  }
0x1a: {  	s8 =	sadd.s32 $0xFFFFE003, lr  }
0x1b: {  	s9 =	sadd.s32 $0xFFFFFEF7, lr;
	s5 =	simm.s32 $0xFFFFFFFF;
	p2 =	slt.u32 s8, $0xFFFFF086  }
0x1c: {  	p1 =	slt.u32 s9, $0xF7A;
	s5 =	simm.s32 @!p2 $0x0  }
0x1d: {  	s5 =	simm.s32 @p1 $0x1;
	p0 =	seq.s32 s7, s2  }
0x1e: {  	s7 =	smul.u32 @!p0 $0xF7A, s2;
	p2 =	seq.s32 @!p0 s5, $0x0  }
0x1f: {  	s9 =	smul.u32 $0xF7A, s1;
	s8 =	simm.s32 @!p0 $0x1BF5;
	p2 =	por !p2, p0  }
0x20: {  	[sflag:s8] =	ssyncset.s32 @!p0 $0xFFFFF086;
	s6 =	sadd.s32 @!p0 s3, s7;
	s7 =	simm.s32 @!p0 $0x108  }
0x21: {  	s3 =	sadd.s32 s3, s9;
	s6 =	sadd.s32 @!p0 $0x88, s6;
	s7 =	simm.s32 @p2 $0x1082  }
0x22: {  	[simem:s7], [sflag:s8] =	dma.local @!p0 [hbm:s6], $0xF7A  }
0x23: {  	s9 =	sor.u32 $0xD0000000, s2;
	s6 =	simm.s32 $0x108;
	_ =	swait.ge @!p0 [sflag:s8], $0x0  }
0x24: {  	s3 =	sadd.s32 $0x88, s3;
	s6 =	simm.s32 @!p1 $0x1082;
	[sflag:s4] =	ssyncset.s32 $0xFFFFF086  }
0x25: {  	[simem:s6], [sflag:s4] =	dma.local [hbm:s3], $0xF7A  }
0x26: {  	[smem:$0x3F99] =	sst s1;
	(tag) =	ssettag s2;
	_ =	strace s9  }
0x27: {  	s1 =	sld [smem:$0x3FA9]  }
0x28: {  	s2 =	sld [smem:$0x3FAA]  }
0x29: {  	s4 =	sld [smem:$0x3FAC]  }
0x2a: {  	p0 =	seq.s32 s5, $0x0;
	s5 =	sld [smem:$0x3FAD]  }
0x2b: {  	s6 =	sld [smem:$0x3FAE]  }
0x2c: {  	s7 =	sld [smem:$0x3FAF]  }
0x2d: {  	s3 =	simm.s32 $0x108;
	s8 =	sld [smem:$0x3FB0]  }
0x2e: {  	s3 =	simm.s32 @!p0 $0x1082;
	s9 =	sld [smem:$0x3FB1]  }
0x2f: {  	lr =	sadd.s32 s0, s3;
	s0 =	sld [smem:$0x3FA8]  }
0x30: {  	s3 =	sld [smem:$0x3FAB]  }
0x31: {  	[smem:$0x3FB4] =	sst s10  }
0x32: {  	s10 =	sld [smem:$0x3FB2];
	_ =	sdelay $0x3  }
0x33: {  	p0 =	seq.s32 s10, $0x1;
	s10 =	sld [smem:$0x3FB4];
	_ =	sdelay $0x3  }
0x34: {  	[smem:$0x3FB4] =	sst s10  }
0x35: {  	s10 =	sld [smem:$0x3FB3];
	_ =	sdelay $0x3  }
0x36: {  	p1 =	seq.s32 s10, $0x1;
	s10 =	sld [smem:$0x3FB4];
	_ =	sdelay $0x3  }
0x37: {  	[smem:$0x3FB4] =	sst s10  }
0x38: {  	s10 =	sld [smem:$0x3FB5]  }
0x39: {  	_ = 	snop;
	(pc) =	sbr.ind lr, $3  }
0x3a: {  	_ = 	snop  }
0x3b: {  	_ = 	snop  }
0x3c: {  	p2 =	seq.s32 s10, $0x1;
	s10 =	sld [smem:$0x3FB4]  }
0x3d: {  	_ =	shalt  }
0x3e: {  	_ =	shalt  }
0x3f: {  	_ =	shalt  }
0x40: {  	_ =	shalt  }
0x41: {  	_ =	shalt  }
0x42: {  	_ =	shalt  }
0x43: {  	_ =	shalt  }
0x44: {  	_ =	shalt  }
0x45: {  	_ =	shalt  }
0x46: {  	_ =	shalt  }
0x47: {  	_ =	shalt  }
0x48: {  	_ =	shalt  }
0x49: {  	_ =	shalt  }
0x4a: {  	_ =	shalt  }
0x4b: {  	_ =	shalt  }
0x4c: {  	_ =	shalt  }
0x4d: {  	_ =	shalt  }
0x4e: {  	_ =	shalt  }
0x4f: {  	_ =	shalt  }
0x50: {  	_ =	shalt  }
0x51: {  	_ =	shalt  }
0x52: {  	_ =	shalt  }
0x53: {  	_ =	shalt  }
0x54: {  	_ =	shalt  }
0x55: {  	_ =	shalt  }
0x56: {  	_ =	shalt  }
0x57: {  	_ =	shalt  }
0x58: {  	_ =	shalt  }
0x59: {  	_ =	shalt  }
0x5a: {  	_ =	shalt  }
0x5b: {  	_ =	shalt  }
0x5c: {  	_ =	shalt  }
0x5d: {  	_ =	shalt  }
0x5e: {  	_ =	shalt  }
0x5f: {  	_ =	shalt  }
0x60: {  	_ =	shalt  }
0x61: {  	_ =	shalt  }
0x62: {  	_ =	shalt  }
0x63: {  	_ =	shalt  }
0x64: {  	_ =	shalt  }
0x65: {  	_ =	shalt  }
0x66: {  	_ =	shalt  }
0x67: {  	_ =	shalt  }
0x68: {  	_ =	shalt  }
0x69: {  	_ =	shalt  }
0x6a: {  	_ =	shalt  }
0x6b: {  	_ =	shalt  }
0x6c: {  	_ =	shalt  }
0x6d: {  	_ =	shalt  }
0x6e: {  	_ =	shalt  }
0x6f: {  	_ =	shalt  }
0x70: {  	_ =	shalt  }
0x71: {  	_ =	shalt  }
0x72: {  	_ =	shalt  }
0x73: {  	_ =	shalt  }
0x74: {  	_ =	shalt  }
0x75: {  	_ =	shalt  }
0x76: {  	_ =	shalt  }
0x77: {  	_ =	shalt  }
0x78: {  	_ =	shalt  }
0x79: {  	_ =	shalt  }
0x7a: {  	_ =	shalt  }
0x7b: {  	_ =	shalt  }
0x7c: {  	_ =	shalt  }
0x7d: {  	_ =	shalt  }
0x7e: {  	_ =	shalt  }
0x7f: {  	_ =	shalt  }
0x80: {  	_ =	shalt  }
0x81: {  	_ =	shalt  }
0x82: {  	_ =	shalt  }
0x83: {  	_ =	shalt  }
0x84: {  	_ =	shalt  }
0x85: {  	_ =	shalt  }
0x86: {  	_ =	shalt  }
0x87: {  	_ =	shalt  }
.Lfunc_end0:
.L_simem_size_0:
called_computation_lowered:
.L_overlay_start_0:
0x88: {  	s2 =	sld [smem:$0x3FD9]  }
0x89: {  	s3 =	sld [smem:$0x3FFE];
	_ =	sdelay $0x1  }
0x8a: {  	s1 =	srdreg.scid  }
0x8b: {  	s0 =	sand.u32 $0x1, s1  }
0x8c: {  	s17 =	sshll.u32 s0, $0xA;
	s2 =	sadd.s32 s3, s2  }
0x8d: {  	s2 =	sadd.s32 s2, s17  }
0x8e: {  	[smem:$0x3FC0] =	sst s2  }
0x8f: {  	_ = 	snop  }
0x90: {  	s2 =	sld [smem:$0x3FD0];
	(tm) =	ssettm $0x1  }
0x91: {  	s18 =	sld [smem:$0x3FFB];
	_ =	sdelay $0x3  }
0x92: {  	_ =	strace s18  }
0x93: {  	s3 =	sld [smem:$0x3FFC];
	_ =	sdelay $0x3  }
0x94: {  	_ =	strace s3  }
0x95: {  	s3 =	sld [smem:$0x3FFD];
	_ =	sdelay $0x3  }
0x96: {  	_ =	strace s3  }
0x97: {  	_ =	strace $0x8FFFFFFF  }
0x98: {  	s19 =	sld [smem:$0x3FDB];
	_ =	sdelay $0x1  }
0x99: {  	s4 =	simm.s32 $_scs_section_size  }
0x9a: {  	s5 =	simm.s32 $_size__tile_overlayer_lowered;
	s6 =	simm.s32 $_tile_overlayer_lowered  }
0x9b: {  	s22 =	simm.s32 $0x1BFF;
	s21 =	sshll.u32 s6, $0x1;
	s3 =	sadd.s32 s4, s19  }
0x9c: {  	s7 =	simm.s32 $0x0;
	s20 =	sshll.u32 s5, $0x1;
	s5 =	sadd.s32 s21, s3  }
0x9d: {  	[timem:s7], [sflag:s22] =	dma.local [hbm:s5], s20  }
0x9e: {  	_ =	swait.ge [sflag:s22], s20  }
0x9f: {  	s4 =	ssub.s32 $0x0, s20;
	[sflag:s22] =	ssyncset.done $0x0  }
0xa0: {  	[sflag:s22] =	ssyncadd.s32 s4;
	_ =	sdelay $0x1  }
0xa1: {  	s23 =	simm.s32 $0x1B8B  }
0xa2: {  	_ =	swait.ge [sflag:s23], $0x1  }
0xa3: {  	[sflag:s23] =	ssyncset.done $0x0  }
0xa4: {  	s25 =	simm.s32 $0x1B8E;
	s24 =	sld [smem:$0x3FFE];
	[sflag:s23] =	ssyncadd.s32 $0xFFFFFFFF  }
0xa5: {  	s26 =	simm.s32 $execute0_lowered;
	[smem:$0x3FD2] =	sst s25  }
0xa6: {  	s5 =	sshll.u32 s26, $0x1;
	_ =	strace $0x80000046;
	[dreg:$0x1] =	wrdreg $0xFFFFFFFF  }
0xa7: {  	s28 =	simm.s32 $_size_execute0_lowered;
	s3 =	sadd.s32 s3, s5;
	[dreg:$0x0] =	wrdreg $0x0  }
0xa8: {  	s5 =	sshll.u32 s28, $0x1;
	[dreg:$0x2] =	wrdreg s3  }
0xa9: {  	[dreg:$0x3] =	wrdreg s5  }
0xaa: {  	[dreg:$0x4] =	wrdreg $0xC0  }
0xab: {  	_ =	task [dreg:s7], $0x5FFFF  }
0xac: {  	[dreg:$0x1] =	wrdreg $0xFFFFFFFF  }
0xad: {  	[dreg:$0x0] =	wrdreg $0x60  }
0xae: {  	[dreg:$0x2] =	wrdreg s2  }
0xaf: {  	[dreg:$0x3] =	wrdreg s24  }
0xb0: {  	[dreg:$0x4] =	wrdreg $0x9  }
0xb1: {  	_ =	task.clear_ibuf [dreg:s7], $0x5FFFF;
	_ =	strace $0x90000046  }
0xb2: {  	s29 =	simm.s32 $0x9;
	_ =	strace $0x80000048  }
0xb3: {  	_ =	swait.ge [sflag:s29], $0x1  }
0xb4: {  	[sflag:s29] =	ssyncadd.s32 $0xFFFFFFFF  }
0xb5: {  	_ =	strace $0x90000048  }
0xb6: {  	_ =	sfence  }
0xb7: {  	s30 =	sld [smem:$0x0];
	_ =	sdelay $0x2  }
0xb8: {  	s31 =	sshll.u32 s1, $0xD;
	s1 =	sshrl.u32 s1, $0x2  }
0xb9: {  	s3 =	sand.u32 $0x4000, s31;
	s1 =	sadd.s32 s1, s30  }
0xba: {  	s0 =	sor.u32 s3, s0;
	s1 =	sshll.u32 s1, $0x11  }
0xbb: {  	s0 =	sor.u32 s1, s0  }
0xbc: {  	s0 =	sadd.s32 $0x8F2B, s0  }
0xbd: {  	[sflag:s0] =	ssyncadd.remote.s32 $0x1  }
0xbe: {  	_ =	sfence.sel $0xFFFF  }
0xbf: {  	[dreg:$0x0] =	wrdreg $0xFFFFFFFF;
	(pc) =	sbr.abs _section_cstart, $3  }
0xc0: {  	[dreg:$0x1] =	wrdreg $0xFFFFFFFF  }
0xc1: {  	_ =	task.clear_ibuf [dreg:s7], $0x2FFFF;
	_ =	strace $0x9FFFFFFF  }
0xc2: {  	(tm) =	ssettm $0x7FFFFFFF  }
0xc3: {  	_ =	shalt  }
tec
execute0_lowered:
.L_overlay_start_1:
0x0: {  	(tag) =	ssettag $0x1  }
0x1: {  	s0 =	srdreg.scid  }
0x2: {  	s1 =	stileid.u32;
	s2 =	sand.u32 $0x1, s0  }
0x3: {  	s6 =	sshll.u32 s1, $0xA;
	s7 =	sshll.u32 s2, $0x9  }
0x4: {  	v34 =	vlaneseq.u32;
	s0 =	sor.u32 s7, s6  }
0x5: {  	vm0 =	vmmov $0xffff;
	vm1 =	vmmov $0xff;
	v0 =	vmov s0  }
0x6: {  	v63 =	vshrl.u32 v34, $0x3;
	v1 =	vor.u32 s0, v34;
	s1 =	sor.u32 $0x10, s0;
	s8 =	sor.u32 $0x20, s0;
	v0 =	vshrl.u32 v0, $0x1  }
0x7: {  	s9 =	sor.u32 $0x30, s0;
	s10 =	sor.u32 $0x40, s0;
	s11 =	sor.u32 $0x50, s0;
	v1 =	vand.u32 $0x20F, v1;
	v2 =	vmov s1;
	v3 =	vmov s8  }
0x8: {  	s12 =	sor.u32 $0x60, s0;
	s13 =	sor.u32 $0x70, s0;
	s14 =	sor.u32 $0x80, s0;
	v4 =	vmov s9;
	v5 =	vmov s10;
	v6 =	vmov s11  }
0x9: {  	s15 =	sor.u32 $0x90, s0;
	s16 =	sor.u32 $0xA0, s0;
	s17 =	sor.u32 $0xB0, s0;
	v7 =	vmov s12;
	v8 =	vmov s13;
	v9 =	vmov s14  }
0xa: {  	s18 =	sor.u32 $0xC0, s0;
	s19 =	sor.u32 $0xD0, s0;
	v10 =	vmov s15;
	v11 =	vmov s16;
	v12 =	vmov s17  }
0xb: {  	v13 =	vmov s18;
	v14 =	vmov s19;
	v0 =	vand.u32 $0x1C00, v0  }
0xc: {  	s20 =	sor.u32 $0xE0, s0;
	v2 =	vshrl.u32 v2, $0x1;
	v0 =	vor.u32 v1, v0;
	v1 =	vor.u32 s1, v34  }
0xd: {  	v15 =	vmov s20;
	v2 =	vand.u32 $0x3FFFFC00, v2;
	v1 =	vand.u32 $0x21F, v1  }
0xe: {  	s21 =	sor.u32 $0xF0, s0;
	v3 =	vshrl.u32 v3, $0x1;
	v1 =	vor.u32 v1, v2;
	v2 =	vor.u32 s8, v34  }
0xf: {  	v16 =	vmov s21;
	v3 =	vand.u32 $0x3FFFFC00, v3;
	v2 =	vand.u32 $0x22F, v2  }
0x10: {  	s22 =	sor.u32 $0x100, s0;
	v4 =	vshrl.u32 v4, $0x1;
	v2 =	vor.u32 v2, v3;
	v3 =	vor.u32 s9, v34  }
0x11: {  	v17 =	vmov s22;
	v4 =	vand.u32 $0x3FFFFC00, v4;
	v3 =	vand.u32 $0x23F, v3  }
0x12: {  	s23 =	sor.u32 $0x110, s0;
	v5 =	vshrl.u32 v5, $0x1;
	v3 =	vor.u32 v3, v4;
	v4 =	vor.u32 s10, v34  }
0x13: {  	v18 =	vmov s23;
	v5 =	vand.u32 $0x3FFFFC00, v5;
	v4 =	vand.u32 $0x24F, v4  }
0x14: {  	s24 =	sor.u32 $0x120, s0;
	v6 =	vshrl.u32 v6, $0x1;
	v4 =	vor.u32 v4, v5;
	v5 =	vor.u32 s11, v34  }
0x15: {  	v19 =	vmov s24;
	v6 =	vand.u32 $0x3FFFFC00, v6;
	v5 =	vand.u32 $0x25F, v5  }
0x16: {  	s25 =	sor.u32 $0x130, s0;
	v7 =	vshrl.u32 v7, $0x1;
	v5 =	vor.u32 v5, v6;
	v6 =	vor.u32 s12, v34  }
0x17: {  	v20 =	vmov s25;
	v7 =	vand.u32 $0x3FFFFC00, v7;
	v6 =	vand.u32 $0x26F, v6  }
0x18: {  	s26 =	sor.u32 $0x140, s0;
	v8 =	vshrl.u32 v8, $0x1;
	v6 =	vor.u32 v6, v7;
	v7 =	vor.u32 s13, v34  }
0x19: {  	v21 =	vmov s26;
	v8 =	vand.u32 $0x3FFFFC00, v8;
	v7 =	vand.u32 $0x27F, v7  }
0x1a: {  	s28 =	sor.u32 $0x150, s0;
	v9 =	vshrl.u32 v9, $0x1;
	v7 =	vor.u32 v7, v8;
	v8 =	vor.u32 s14, v34  }
0x1b: {  	v22 =	vmov s28;
	v9 =	vand.u32 $0x3FFFFC00, v9;
	v8 =	vand.u32 $0x28F, v8  }
0x1c: {  	s3 =	sor.u32 $0x160, s0;
	v10 =	vshrl.u32 v10, $0x1;
	v8 =	vor.u32 v8, v9;
	v9 =	vor.u32 s15, v34  }
0x1d: {  	v23 =	vmov s3;
	v10 =	vand.u32 $0x3FFFFC00, v10;
	v9 =	vand.u32 $0x29F, v9  }
0x1e: {  	s4 =	sor.u32 $0x170, s0;
	v11 =	vshrl.u32 v11, $0x1;
	v9 =	vor.u32 v9, v10;
	v10 =	vor.u32 s16, v34  }
0x1f: {  	v24 =	vmov s4;
	v11 =	vand.u32 $0x3FFFFC00, v11;
	v10 =	vand.u32 $0x2AF, v10  }
0x20: {  	s29 =	sor.u32 $0x180, s0;
	v12 =	vshrl.u32 v12, $0x1;
	v10 =	vor.u32 v10, v11;
	v11 =	vor.u32 s17, v34  }
0x21: {  	v25 =	vmov s29;
	v12 =	vand.u32 $0x3FFFFC00, v12;
	v11 =	vand.u32 $0x2BF, v11  }
0x22: {  	s7 =	sor.u32 $0x190, s0;
	v13 =	vshrl.u32 v13, $0x1;
	v11 =	vor.u32 v11, v12;
	v12 =	vor.u32 s18, v34  }
0x23: {  	v26 =	vmov s7;
	v13 =	vand.u32 $0x3FFFFC00, v13;
	v12 =	vand.u32 $0x2CF, v12  }
0x24: {  	s30 =	sor.u32 $0x1A0, s0;
	v14 =	vshrl.u32 v14, $0x1;
	v12 =	vor.u32 v12, v13;
	v13 =	vor.u32 s19, v34  }
0x25: {  	v27 =	vmov s30;
	v14 =	vand.u32 $0x3FFFFC00, v14;
	v13 =	vand.u32 $0x2DF, v13  }
0x26: {  	s31 =	sor.u32 $0x1B0, s0;
	v15 =	vshrl.u32 v15, $0x1;
	v13 =	vor.u32 v13, v14;
	v14 =	vor.u32 s20, v34  }
0x27: {  	v28 =	vmov s31;
	v15 =	vand.u32 $0x3FFFFC00, v15;
	v14 =	vand.u32 $0x2EF, v14  }
0x28: {  	v16 =	vshrl.u32 v16, $0x1;
	v14 =	vor.u32 v14, v15;
	v15 =	vor.u32 s21, v34  }
0x29: {  	v29 =	vor.u32 s31, v34;
	v16 =	vand.u32 $0x3FFFFC00, v16;
	v15 =	vand.u32 $0x2FF, v15  }
0x2a: {  	v17 =	vshrl.u32 v17, $0x1;
	v15 =	vor.u32 v15, v16;
	v16 =	vor.u32 s22, v34  }
0x2b: {  	v18 =	vshrl.u32 v18, $0x1;
	v17 =	vand.u32 $0x3FFFFC00, v17;
	v16 =	vand.u32 $0x30F, v16  }
0x2c: {  	v19 =	vshrl.u32 v19, $0x1;
	v16 =	vor.u32 v16, v17;
	v17 =	vor.u32 s23, v34  }
0x2d: {  	v20 =	vshrl.u32 v20, $0x1;
	v18 =	vand.u32 $0x3FFFFC00, v18;
	v17 =	vand.u32 $0x31F, v17  }
0x2e: {  	v21 =	vshrl.u32 v21, $0x1;
	v17 =	vor.u32 v17, v18;
	v18 =	vor.u32 s24, v34  }
0x2f: {  	v22 =	vshrl.u32 v22, $0x1;
	v19 =	vand.u32 $0x3FFFFC00, v19;
	v18 =	vand.u32 $0x32F, v18  }
0x30: {  	v23 =	vshrl.u32 v23, $0x1;
	v18 =	vor.u32 v18, v19;
	v19 =	vor.u32 s25, v34  }
0x31: {  	v24 =	vshrl.u32 v24, $0x1;
	v20 =	vand.u32 $0x3FFFFC00, v20;
	v19 =	vand.u32 $0x33F, v19  }
0x32: {  	v25 =	vshrl.u32 v25, $0x1;
	v19 =	vor.u32 v19, v20;
	v20 =	vor.u32 s26, v34  }
0x33: {  	v26 =	vshrl.u32 v26, $0x1;
	v21 =	vand.u32 $0x3FFFFC00, v21;
	v20 =	vand.u32 $0x34F, v20  }
0x34: {  	v27 =	vshrl.u32 v27, $0x1;
	v20 =	vor.u32 v20, v21;
	v21 =	vor.u32 s28, v34  }
0x35: {  	v29 =	vand.u32 $0x3BF, v29;
	v22 =	vand.u32 $0x3FFFFC00, v22;
	v21 =	vand.u32 $0x35F, v21  }
0x36: {  	v23 =	vand.u32 $0x3FFFFC00, v23;
	v21 =	vor.u32 v21, v22;
	v22 =	vor.u32 s3, v34  }
0x37: {  	v24 =	vand.u32 $0x3FFFFC00, v24;
	v25 =	vand.u32 $0x3FFFFC00, v25;
	v22 =	vand.u32 $0x36F, v22  }
0x38: {  	v26 =	vand.u32 $0x3FFFFC00, v26;
	s9 =	sor.u32 $0x1C0, s0;
	v22 =	vor.u32 v22, v23;
	v23 =	vor.u32 s4, v34  }
0x39: {  	v27 =	vand.u32 $0x3FFFFC00, v27;
	v30 =	vor.u32 s9, v34;
	v23 =	vand.u32 $0x37F, v23  }
0x3a: {  	s10 =	sor.u32 $0x1D0, s0;
	v30 =	vand.u32 $0x3CF, v30;
	v23 =	vor.u32 v23, v24;
	v24 =	vor.u32 s29, v34  }
0x3b: {  	v31 =	vmov s10;
	v32 =	vor.u32 s10, v34;
	v24 =	vand.u32 $0x38F, v24  }
0x3c: {  	s11 =	sor.u32 $0x1E0, s0;
	v31 =	vshrl.u32 v31, $0x1;
	v24 =	vor.u32 v24, v25;
	v25 =	vor.u32 s7, v34  }
0x3d: {  	v31 =	vand.u32 $0x3FFFFC00, v31;
	v33 =	vmov s11;
	v25 =	vand.u32 $0x39F, v25  }
0x3e: {  	s5 =	sshrl.u32 s0, $0x3;
	s0 =	sor.u32 $0x1F0, s0;
	v35 =	vor.u32 s11, v34;
	v25 =	vor.u32 v25, v26;
	v26 =	vor.u32 s30, v34  }
0x3f: {  	v36 =	vmov s0;
	v37 =	vor.u32 s0, v34;
	v26 =	vand.u32 $0x3AF, v26  }
0x40: {  	s6 =	rddreg [dreg:$0x1];
	v26 =	vor.u32 v26, v27;
	v27 =	vshrl.u32 v28, $0x1;
	v28 =	vmov s9  }
0x41: {  	s2 =	ssub.s32 $0x2, s2;
	s5 =	sadd.s32 s5, s6;
	v61 =	vand.u32 $0x3EF, v35;
	v27 =	vand.u32 $0x3FFFFC00, v27;
	v28 =	vshrl.u32 v28, $0x1  }
0x42: {  	s5 =	sadd.s32 $0x800, s5;
	s8 =	sshrl.u32 s2, $0x1;
	v62 =	vand.u32 $0x3FF, v37;
	v28 =	vand.u32 $0x3FFFFC00, v28;
	v27 =	vor.u32 v29, v27  }
0x43: {  	s1 =	rddreg [dreg:$0x0];
	s2 =	ssub.s32 s2, s8;
	s3 =	simm.s32 $0x0;
	v29 =	vand.u32 $0x3DF, v32;
	v32 =	vand.u32 $0x7, v34;
	v28 =	vor.u32 v30, v28  }
0x44: {  	s2 =	smax.u32 s2, $0x1;
	s17 =	simm.s32 $0x4;
	[smem:$0x7FF] =	sst s3;
	v29 =	vor.u32 v29, v31;
	v30 =	vshrl.u32 v33, $0x1;
	v31 =	vshrl.u32 v36, $0x1  }
0x45: {  	s19 =	simm.s32 $0x2;
	_ =	strace $0x80000047;
	s4 =	sadd.s32 $0x1000, s6;
	v34 =	vor.u32 $0x8, v34;
	v30 =	vand.u32 $0x3FFFFC00, v30;
	v31 =	vand.u32 $0x3FFFFC00, v31  }
0x46: {  	[dreg:$0x3] =	wrdreg s5;
	s5 =	sadd.s32 $0x100, s1;
	s6 =	sadd.s32 $0x1100, s6;
	v33 =	vmul.u32 $0x8, v63;
	v30 =	vor.u32 v61, v30;
	v31 =	vor.u32 v62, v31  }
.LBB2_1:
0x47: {  	[dreg:$0x4] =	wrdreg s2  }
0x48: {  	s20 =	rddreg [dreg:$0x3];
	s14 =	simm.s32 $0x5  }
0x49: {  	[tilespmem:s3], [sflag:$0x5] =	stream.linear.gather [hbm4b:s20+s3], $0x200, $0x38;
	[tilespmem:$0xC400] =	vst v63  }
0x4a: {  	_ =	swait.ge [sflag:s14], $0x200  }
0x4b: {  	[sflag:s14] =	ssyncset.done $0x0  }
0x4c: {  	[sflag:s14] =	ssyncadd.s32 $0xFFFFFE00  }
0x4d: {  	[tilespmem:$0x300] =	vst v0  }
0x4e: {  	v35 =	vld [tilespmem:$0x300];
	_ =	sdelay $0x4  }
0x4f: {  	v38 =	vshrl.u32 v35, $0x3  }
0x50: {  	v38 =	vmul.u32 $0x18, v38  }
0x51: {  	v36 =	vld [tilespmem:$0x0];
	v35 =	vand.u32 $0x7, v35  }
0x52: {  	v37 =	vld [tilespmem:$0x10];
	v35 =	vor.u32 v35, v38  }
0x53: {  	v39 =	vld [tilespmem:$0x20];
	[tilespmem:$0x310] =	vst v1;
	v38 =	vperm.xlane v35, v32  }
0x54: {  	v45 =	vld [tilespmem:$0x30];
	[tilespmem:$0x320] =	vst v2  }
0x55: {  	[tilespmem:$0x330] =	vst v3;
	v46 =	vadd.s32 v33, v38  }
0x56: {  	[tilespmem:$0x200] =	vst v36  }
0x57: {  	[tilespmem:$0x210] =	vst v37;
	v35 =	vperm.xlane v35, v34  }
0x58: {  	[tilespmem:$0x220] =	vst v39  }
0x59: {  	s0 =	simm.s32 $0x400;
	[tilespmem:$0x230] =	vst v45;
	v35 =	vadd.s32 v33, v35  }
0x5a: {  	[tilespmem:s0], [sflag:$0x1] =	stream.indirect_vreg.gather [hbm4b:s1+s3], $0x80, v46, vm0, $0xb8;
	[tilespmem:$0xC400] =	vst v63  }
0x5b: {  	s15 =	simm.s32 $0xC00  }
0x5c: {  	[tilespmem:s15], [sflag:$0x1] =	stream.indirect_vreg.gather [hbm4b:s5+s3], $0x80, v46, vm1, $0xb8;
	[tilespmem:$0xC400] =	vst v63  }
0x5d: {  	s16 =	simm.s32 $0x1000  }
0x5e: {  	[tilespmem:s16], [sflag:$0x1] =	stream.indirect_vreg.gather [hbm4b:s1+s3], $0x80, v35, vm0, $0xb8;
	[tilespmem:$0xC400] =	vst v63  }
0x5f: {  	s18 =	simm.s32 $0x1800  }
0x60: {  	[tilespmem:s18], [sflag:$0x1] =	stream.indirect_vreg.gather [hbm4b:s5+s3], $0x80, v35, vm1, $0xb8;
	[tilespmem:$0xC400] =	vst v63  }
0x61: {  	v35 =	vld [tilespmem:$0x310];
	_ =	sdelay $0x4  }
0x62: {  	v47 =	vshrl.u32 v35, $0x3  }
0x63: {  	v36 =	vmul.u32 $0x18, v47  }
0x64: {  	v35 =	vand.u32 $0x7, v35  }
0x65: {  	v35 =	vor.u32 v35, v36  }
0x66: {  	v36 =	vperm.xlane v35, v32;
	_ =	sdelay $0x1  }
0x67: {  	v36 =	vadd.s32 v33, v36;
	_ =	sdelay $0x1  }
0x68: {  	v35 =	vperm.xlane v35, v34;
	_ =	sdelay $0x1  }
0x69: {  	s20 =	simm.s32 $0x1C00;
	v35 =	vadd.s32 v33, v35  }
0x6a: {  	[tilespmem:s20], [sflag:$0x1] =	stream.indirect_vreg.gather [hbm4b:s1+s3], $0x80, v36, vm0, $0xb8;
	[tilespmem:$0xC400] =	vst v63  }
0x6b: {  	s21 =	simm.s32 $0x2400  }
0x6c: {  	[tilespmem:s21], [sflag:$0x1] =	stream.indirect_vreg.gather [hbm4b:s5+s3], $0x80, v36, vm1, $0xb8;
	[tilespmem:$0xC400] =	vst v63  }
0x6d: {  	s22 =	simm.s32 $0x2800  }
0x6e: {  	[tilespmem:s22], [sflag:$0x1] =	stream.indirect_vreg.gather [hbm4b:s1+s3], $0x80, v35, vm0, $0xb8;
	[tilespmem:$0xC400] =	vst v63  }
0x6f: {  	s23 =	simm.s32 $0x3000  }
0x70: {  	[tilespmem:s23], [sflag:$0x1] =	stream.indirect_vreg.gather [hbm4b:s5+s3], $0x80, v35, vm1, $0xb8;
	[tilespmem:$0xC400] =	vst v63  }
0x71: {  	v35 =	vld [tilespmem:$0x320];
	_ =	sdelay $0x4  }
0x72: {  	v48 =	vshrl.u32 v35, $0x3  }
0x73: {  	v36 =	vmul.u32 $0x18, v48  }
0x74: {  	v35 =	vand.u32 $0x7, v35  }
0x75: {  	v35 =	vor.u32 v35, v36  }
0x76: {  	v36 =	vperm.xlane v35, v32;
	_ =	sdelay $0x1  }
0x77: {  	v36 =	vadd.s32 v33, v36;
	_ =	sdelay $0x1  }
0x78: {  	v35 =	vperm.xlane v35, v34;
	_ =	sdelay $0x1  }
0x79: {  	s24 =	simm.s32 $0x3400;
	v35 =	vadd.s32 v33, v35  }
0x7a: {  	[tilespmem:s24], [sflag:$0x1] =	stream.indirect_vreg.gather [hbm4b:s1+s3], $0x80, v36, vm0, $0xb8;
	[tilespmem:$0xC400] =	vst v63  }
0x7b: {  	s25 =	simm.s32 $0x3C00  }
0x7c: {  	[tilespmem:s25], [sflag:$0x1] =	stream.indirect_vreg.gather [hbm4b:s5+s3], $0x80, v36, vm1, $0xb8;
	[tilespmem:$0xC400] =	vst v63  }
0x7d: {  	s26 =	simm.s32 $0x4000  }
0x7e: {  	[tilespmem:s26], [sflag:$0x1] =	stream.indirect_vreg.gather [hbm4b:s1+s3], $0x80, v35, vm0, $0xb8;
	[tilespmem:$0xC400] =	vst v63  }
0x7f: {  	s28 =	simm.s32 $0x4800  }
0x80: {  	[tilespmem:s28], [sflag:$0x1] =	stream.indirect_vreg.gather [hbm4b:s5+s3], $0x80, v35, vm1, $0xb8;
	[tilespmem:$0xC400] =	vst v63  }
0x81: {  	v35 =	vld [tilespmem:$0x330];
	_ =	sdelay $0x4  }
0x82: {  	v49 =	vshrl.u32 v35, $0x3  }
0x83: {  	v36 =	vmul.u32 $0x18, v49  }
0x84: {  	v35 =	vand.u32 $0x7, v35  }
0x85: {  	v35 =	vor.u32 v35, v36  }
0x86: {  	v36 =	vperm.xlane v35, v32;
	_ =	sdelay $0x1  }
0x87: {  	v36 =	vadd.s32 v33, v36;
	_ =	sdelay $0x1  }
0x88: {  	v35 =	vperm.xlane v35, v34;
	_ =	sdelay $0x1  }
0x89: {  	s29 =	simm.s32 $0x4C00;
	v35 =	vadd.s32 v33, v35  }
0x8a: {  	[tilespmem:s29], [sflag:$0x1] =	stream.indirect_vreg.gather [hbm4b:s1+s3], $0x80, v36, vm0, $0xb8;
	[tilespmem:$0xC400] =	vst v63  }
0x8b: {  	s30 =	simm.s32 $0x5400  }
0x8c: {  	[tilespmem:s30], [sflag:$0x1] =	stream.indirect_vreg.gather [hbm4b:s5+s3], $0x80, v36, vm1, $0xb8;
	[tilespmem:$0xC400] =	vst v63  }
0x8d: {  	s31 =	simm.s32 $0x5800  }
0x8e: {  	[tilespmem:s31], [sflag:$0x1] =	stream.indirect_vreg.gather [hbm4b:s1+s3], $0x80, v35, vm0, $0xb8;
	[tilespmem:$0xC400] =	vst v63  }
0x8f: {  	s2 =	simm.s32 $0x6000  }
0x90: {  	[tilespmem:s2], [sflag:$0x1] =	stream.indirect_vreg.gather [hbm4b:s5+s3], $0x80, v35, vm1, $0xb8;
	[tilespmem:$0xC400] =	vst v63  }
0x91: {  	[tilespmem:$0x380] =	vst v4  }
0x92: {  	v35 =	vld [tilespmem:$0x380];
	_ =	sdelay $0x4  }
0x93: {  	v50 =	vshrl.u32 v35, $0x3  }
0x94: {  	v38 =	vmul.u32 $0x18, v50  }
0x95: {  	v36 =	vld [tilespmem:$0x40];
	v35 =	vand.u32 $0x7, v35  }
0x96: {  	v37 =	vld [tilespmem:$0x50];
	v35 =	vor.u32 v35, v38  }
0x97: {  	v51 =	vld [tilespmem:$0x60];
	[tilespmem:$0x390] =	vst v5;
	v38 =	vperm.xlane v35, v32  }
0x98: {  	v52 =	vld [tilespmem:$0x70];
	[tilespmem:$0x3A0] =	vst v6  }
0x99: {  	[tilespmem:$0x3B0] =	vst v7;
	v53 =	vadd.s32 v33, v38  }
0x9a: {  	[tilespmem:$0x280] =	vst v36  }
0x9b: {  	[tilespmem:$0x290] =	vst v37;
	v35 =	vperm.xlane v35, v34  }
0x9c: {  	[tilespmem:$0x2A0] =	vst v51  }
0x9d: {  	s7 =	simm.s32 $0x6400;
	[tilespmem:$0x2B0] =	vst v52;
	v35 =	vadd.s32 v33, v35  }
0x9e: {  	[tilespmem:s7], [sflag:$0x2] =	stream.indirect_vreg.gather [hbm4b:s1+s3], $0x80, v53, vm0, $0xb8;
	[tilespmem:$0xC400] =	vst v63  }
0x9f: {  	s8 =	simm.s32 $0x6C00  }
0xa0: {  	[tilespmem:s8], [sflag:$0x2] =	stream.indirect_vreg.gather [hbm4b:s5+s3], $0x80, v53, vm1, $0xb8;
	[tilespmem:$0xC400] =	vst v63  }
0xa1: {  	s9 =	simm.s32 $0x7000  }
0xa2: {  	[tilespmem:s9], [sflag:$0x2] =	stream.indirect_vreg.gather [hbm4b:s1+s3], $0x80, v35, vm0, $0xb8;
	[tilespmem:$0xC400] =	vst v63  }
0xa3: {  	s10 =	simm.s32 $0x7800  }
0xa4: {  	[tilespmem:s10], [sflag:$0x2] =	stream.indirect_vreg.gather [hbm4b:s5+s3], $0x80, v35, vm1, $0xb8;
	[tilespmem:$0xC400] =	vst v63  }
0xa5: {  	v35 =	vld [tilespmem:$0x390];
	_ =	sdelay $0x4  }
0xa6: {  	v54 =	vshrl.u32 v35, $0x3  }
0xa7: {  	v36 =	vmul.u32 $0x18, v54  }
0xa8: {  	v35 =	vand.u32 $0x7, v35  }
0xa9: {  	v35 =	vor.u32 v35, v36  }
0xaa: {  	v36 =	vperm.xlane v35, v32;
	_ =	sdelay $0x1  }
0xab: {  	v36 =	vadd.s32 v33, v36;
	_ =	sdelay $0x1  }
0xac: {  	v35 =	vperm.xlane v35, v34;
	_ =	sdelay $0x1  }
0xad: {  	s11 =	simm.s32 $0x7C00;
	v35 =	vadd.s32 v33, v35  }
0xae: {  	[tilespmem:s11], [sflag:$0x2] =	stream.indirect_vreg.gather [hbm4b:s1+s3], $0x80, v36, vm0, $0xb8;
	[tilespmem:$0xC400] =	vst v63  }
0xaf: {  	s12 =	simm.s32 $0x8400  }
0xb0: {  	[tilespmem:s12], [sflag:$0x2] =	stream.indirect_vreg.gather [hbm4b:s5+s3], $0x80, v36, vm1, $0xb8;
	[tilespmem:$0xC400] =	vst v63  }
0xb1: {  	s13 =	simm.s32 $0x8800  }
0xb2: {  	[tilespmem:s13], [sflag:$0x2] =	stream.indirect_vreg.gather [hbm4b:s1+s3], $0x80, v35, vm0, $0xb8;
	[tilespmem:$0xC400] =	vst v63  }
0xb3: {  	s14 =	simm.s32 $0x9000  }
0xb4: {  	[tilespmem:s14], [sflag:$0x2] =	stream.indirect_vreg.gather [hbm4b:s5+s3], $0x80, v35, vm1, $0xb8;
	[tilespmem:$0xC400] =	vst v63  }
0xb5: {  	v35 =	vld [tilespmem:$0x3A0];
	_ =	sdelay $0x4  }
0xb6: {  	v55 =	vshrl.u32 v35, $0x3  }
0xb7: {  	v36 =	vmul.u32 $0x18, v55  }
0xb8: {  	v35 =	vand.u32 $0x7, v35  }
0xb9: {  	v35 =	vor.u32 v35, v36  }
0xba: {  	v36 =	vperm.xlane v35, v32;
	_ =	sdelay $0x1  }
0xbb: {  	v36 =	vadd.s32 v33, v36;
	_ =	sdelay $0x1  }
0xbc: {  	v35 =	vperm.xlane v35, v34;
	_ =	sdelay $0x1  }
0xbd: {  	s15 =	simm.s32 $0x9400;
	v35 =	vadd.s32 v33, v35  }
0xbe: {  	[tilespmem:s15], [sflag:$0x2] =	stream.indirect_vreg.gather [hbm4b:s1+s3], $0x80, v36, vm0, $0xb8;
	[tilespmem:$0xC400] =	vst v63  }
0xbf: {  	s16 =	simm.s32 $0x9C00  }
0xc0: {  	[tilespmem:s16], [sflag:$0x2] =	stream.indirect_vreg.gather [hbm4b:s5+s3], $0x80, v36, vm1, $0xb8;
	[tilespmem:$0xC400] =	vst v63  }
0xc1: {  	s18 =	simm.s32 $0xA000  }
0xc2: {  	[tilespmem:s18], [sflag:$0x2] =	stream.indirect_vreg.gather [hbm4b:s1+s3], $0x80, v35, vm0, $0xb8;
	[tilespmem:$0xC400] =	vst v63  }
0xc3: {  	s20 =	simm.s32 $0xA800  }
0xc4: {  	[tilespmem:s20], [sflag:$0x2] =	stream.indirect_vreg.gather [hbm4b:s5+s3], $0x80, v35, vm1, $0xb8;
	[tilespmem:$0xC400] =	vst v63  }
0xc5: {  	v35 =	vld [tilespmem:$0x3B0];
	_ =	sdelay $0x4  }
0xc6: {  	v56 =	vshrl.u32 v35, $0x3  }
0xc7: {  	v36 =	vmul.u32 $0x18, v56  }
0xc8: {  	v35 =	vand.u32 $0x7, v35  }
0xc9: {  	v35 =	vor.u32 v35, v36  }
0xca: {  	v36 =	vperm.xlane v35, v32;
	_ =	sdelay $0x1  }
0xcb: {  	v36 =	vadd.s32 v33, v36;
	_ =	sdelay $0x1  }
0xcc: {  	v35 =	vperm.xlane v35, v34;
	_ =	sdelay $0x1  }
0xcd: {  	s22 =	simm.s32 $0xAC00;
	v35 =	vadd.s32 v33, v35  }
0xce: {  	[tilespmem:s22], [sflag:$0x2] =	stream.indirect_vreg.gather [hbm4b:s1+s3], $0x80, v36, vm0, $0xb8;
	[tilespmem:$0xC400] =	vst v63  }
0xcf: {  	s23 =	simm.s32 $0xB400  }
0xd0: {  	[tilespmem:s23], [sflag:$0x2] =	stream.indirect_vreg.gather [hbm4b:s5+s3], $0x80, v36, vm1, $0xb8;
	[tilespmem:$0xC400] =	vst v63  }
0xd1: {  	s24 =	simm.s32 $0xB800  }
0xd2: {  	[tilespmem:s24], [sflag:$0x2] =	stream.indirect_vreg.gather [hbm4b:s1+s3], $0x80, v35, vm0, $0xb8;
	[tilespmem:$0xC400] =	vst v63  }
0xd3: {  	s25 =	simm.s32 $0xC000;
	s18 =	simm.s32 $0x1  }
0xd4: {  	[tilespmem:s25], [sflag:$0x2] =	stream.indirect_vreg.gather [hbm4b:s5+s3], $0x80, v35, vm1, $0xb8;
	[tilespmem:$0xC400] =	vst v63  }
0xd5: {  	_ =	swait.ge [sflag:s18], $0x6000  }
0xd6: {  	[sflag:s18] =	ssyncset.done $0x0  }
0xd7: {  	[sflag:s18] =	ssyncadd.s32 $0xFFFFA000  }
0xd8: {  	v57 =	vld [tilespmem:$0x200];
	_ =	sdelay $0x4  }
0xd9: {  	v58 =	vshrl.u32 v57, $0x3  }
0xda: {  	v36 =	vmul.u32 $0x18, v58  }
0xdb: {  	v35 =	vand.u32 $0x7, v57  }
0xdc: {  	v35 =	vor.u32 v35, v36  }
0xdd: {  	v36 =	vperm.xlane v35, v32;
	_ =	sdelay $0x1  }
0xde: {  	v36 =	vadd.s32 v33, v36;
	_ =	sdelay $0x1  }
0xdf: {  	v35 =	vperm.xlane v35, v34;
	_ =	sdelay $0x1  }
0xe0: {  	s26 =	simm.s32 $0x400;
	v35 =	vadd.s32 v33, v35  }
0xe1: {  	[hbm4b:s4+s3] =	stream.indirect_vreg.scatter [tilespmem:s26], [sflag:$0x3], $0x80, v36, vm0, $0xb8;
	[tilespmem:$0xC400] =	vst v63  }
0xe2: {  	s28 =	simm.s32 $0xC00  }
0xe3: {  	[hbm4b:s6+s3] =	stream.indirect_vreg.scatter [tilespmem:s28], [sflag:$0x3], $0x80, v36, vm1, $0xb8;
	[tilespmem:$0xC400] =	vst v63  }
0xe4: {  	s16 =	simm.s32 $0x1000  }
0xe5: {  	[hbm4b:s4+s3] =	stream.indirect_vreg.scatter [tilespmem:s16], [sflag:$0x3], $0x80, v35, vm0, $0xb8;
	[tilespmem:$0xC400] =	vst v63  }
0xe6: {  	s14 =	simm.s32 $0x1800  }
0xe7: {  	[hbm4b:s6+s3] =	stream.indirect_vreg.scatter [tilespmem:s14], [sflag:$0x3], $0x80, v35, vm1, $0xb8;
	[tilespmem:$0xC400] =	vst v63  }
0xe8: {  	v35 =	vld [tilespmem:$0x210];
	_ =	sdelay $0x4  }
0xe9: {  	v59 =	vshrl.u32 v35, $0x3  }
0xea: {  	v36 =	vmul.u32 $0x18, v59  }
0xeb: {  	v35 =	vand.u32 $0x7, v35  }
0xec: {  	v35 =	vor.u32 v35, v36  }
0xed: {  	v36 =	vperm.xlane v35, v32;
	_ =	sdelay $0x1  }
0xee: {  	v36 =	vadd.s32 v33, v36;
	_ =	sdelay $0x1  }
0xef: {  	v35 =	vperm.xlane v35, v34;
	_ =	sdelay $0x1  }
0xf0: {  	s29 =	simm.s32 $0x1C00;
	v35 =	vadd.s32 v33, v35  }
0xf1: {  	[hbm4b:s4+s3] =	stream.indirect_vreg.scatter [tilespmem:s29], [sflag:$0x3], $0x80, v36, vm0, $0xb8;
	[tilespmem:$0xC400] =	vst v63  }
0xf2: {  	s30 =	simm.s32 $0x2400  }
0xf3: {  	[hbm4b:s6+s3] =	stream.indirect_vreg.scatter [tilespmem:s30], [sflag:$0x3], $0x80, v36, vm1, $0xb8;
	[tilespmem:$0xC400] =	vst v63  }
0xf4: {  	s10 =	simm.s32 $0x2800  }
0xf5: {  	[hbm4b:s4+s3] =	stream.indirect_vreg.scatter [tilespmem:s10], [sflag:$0x3], $0x80, v35, vm0, $0xb8;
	[tilespmem:$0xC400] =	vst v63  }
0xf6: {  	s22 =	simm.s32 $0x3000  }
0xf7: {  	[hbm4b:s6+s3] =	stream.indirect_vreg.scatter [tilespmem:s22], [sflag:$0x3], $0x80, v35, vm1, $0xb8;
	[tilespmem:$0xC400] =	vst v63  }
0xf8: {  	v35 =	vld [tilespmem:$0x220];
	_ =	sdelay $0x4  }
0xf9: {  	v60 =	vshrl.u32 v35, $0x3  }
0xfa: {  	v36 =	vmul.u32 $0x18, v60  }
0xfb: {  	v35 =	vand.u32 $0x7, v35  }
0xfc: {  	v35 =	vor.u32 v35, v36  }
0xfd: {  	v36 =	vperm.xlane v35, v32;
	_ =	sdelay $0x1  }
0xfe: {  	v36 =	vadd.s32 v33, v36;
	_ =	sdelay $0x1  }
0xff: {  	v35 =	vperm.xlane v35, v34;
	_ =	sdelay $0x1  }
0x100: {  	s11 =	simm.s32 $0x3400;
	v35 =	vadd.s32 v33, v35  }
0x101: {  	[hbm4b:s4+s3] =	stream.indirect_vreg.scatter [tilespmem:s11], [sflag:$0x3], $0x80, v36, vm0, $0xb8;
	[tilespmem:$0xC400] =	vst v63  }
0x102: {  	s12 =	simm.s32 $0x3C00  }
0x103: {  	[hbm4b:s6+s3] =	stream.indirect_vreg.scatter [tilespmem:s12], [sflag:$0x3], $0x80, v36, vm1, $0xb8;
	[tilespmem:$0xC400] =	vst v63  }
0x104: {  	s13 =	simm.s32 $0x4000  }
0x105: {  	[hbm4b:s4+s3] =	stream.indirect_vreg.scatter [tilespmem:s13], [sflag:$0x3], $0x80, v35, vm0, $0xb8;
	[tilespmem:$0xC400] =	vst v63  }
0x106: {  	s15 =	simm.s32 $0x4800  }
0x107: {  	[hbm4b:s6+s3] =	stream.indirect_vreg.scatter [tilespmem:s15], [sflag:$0x3], $0x80, v35, vm1, $0xb8;
	[tilespmem:$0xC400] =	vst v63  }
0x108: {  	v35 =	vld [tilespmem:$0x230];
	_ =	sdelay $0x4  }
0x109: {  	v61 =	vshrl.u32 v35, $0x3  }
0x10a: {  	v36 =	vmul.u32 $0x18, v61  }
0x10b: {  	v35 =	vand.u32 $0x7, v35  }
0x10c: {  	v35 =	vor.u32 v35, v36  }
0x10d: {  	v36 =	vperm.xlane v35, v32;
	_ =	sdelay $0x1  }
0x10e: {  	v36 =	vadd.s32 v33, v36;
	_ =	sdelay $0x1  }
0x10f: {  	v35 =	vperm.xlane v35, v34;
	_ =	sdelay $0x1  }
0x110: {  	s31 =	simm.s32 $0x4C00;
	v35 =	vadd.s32 v33, v35  }
0x111: {  	[hbm4b:s4+s3] =	stream.indirect_vreg.scatter [tilespmem:s31], [sflag:$0x3], $0x80, v36, vm0, $0xb8;
	[tilespmem:$0xC400] =	vst v63  }
0x112: {  	s8 =	simm.s32 $0x5400  }
0x113: {  	[hbm4b:s6+s3] =	stream.indirect_vreg.scatter [tilespmem:s8], [sflag:$0x3], $0x80, v36, vm1, $0xb8;
	[tilespmem:$0xC400] =	vst v63  }
0x114: {  	s9 =	simm.s32 $0x5800  }
0x115: {  	[hbm4b:s4+s3] =	stream.indirect_vreg.scatter [tilespmem:s9], [sflag:$0x3], $0x80, v35, vm0, $0xb8;
	[tilespmem:$0xC400] =	vst v63  }
0x116: {  	s21 =	simm.s32 $0x6000;
	s20 =	simm.s32 $0x3  }
0x117: {  	[hbm4b:s6+s3] =	stream.indirect_vreg.scatter [tilespmem:s21], [sflag:$0x3], $0x80, v35, vm1, $0xb8;
	[tilespmem:$0xC400] =	vst v63  }
0x118: {  	_ =	swait.ge [sflag:s20], $0x6000  }
0x119: {  	[sflag:s20] =	ssyncset.done $0x0  }
0x11a: {  	[sflag:s20] =	ssyncadd.s32 $0xFFFFA000  }
0x11b: {  	[tilespmem:$0x300] =	vst v8  }
0x11c: {  	v62 =	vld [tilespmem:$0x300];
	_ =	sdelay $0x4  }
0x11d: {  	v43 =	vshrl.u32 v62, $0x3  }
0x11e: {  	v38 =	vmul.u32 $0x18, v43  }
0x11f: {  	v63 =	vld [tilespmem:$0x80];
	v35 =	vand.u32 $0x7, v62  }
0x120: {  	v42 =	vld [tilespmem:$0x90];
	v35 =	vor.u32 v35, v38  }
0x121: {  	v44 =	vld [tilespmem:$0xA0];
	[tilespmem:$0x310] =	vst v9;
	v38 =	vperm.xlane v35, v32  }
0x122: {  	v45 =	vld [tilespmem:$0xB0];
	[tilespmem:$0x320] =	vst v10  }
0x123: {  	[tilespmem:$0x330] =	vst v11;
	v46 =	vadd.s32 v33, v38  }
0x124: {  	[tilespmem:$0x200] =	vst v63  }
0x125: {  	[tilespmem:$0x210] =	vst v42;
	v35 =	vperm.xlane v35, v34  }
0x126: {  	[tilespmem:$0x220] =	vst v44  }
0x127: {  	[tilespmem:$0x230] =	vst v45;
	v35 =	vadd.s32 v33, v35  }
0x128: {  	[tilespmem:s26], [sflag:$0x1] =	stream.indirect_vreg.gather [hbm4b:s1+s3], $0x80, v46, vm0, $0xb8;
	[tilespmem:$0xC400] =	vst v63  }
0x129: {  	_ = 	snop  }
0x12a: {  	[tilespmem:s28], [sflag:$0x1] =	stream.indirect_vreg.gather [hbm4b:s5+s3], $0x80, v46, vm1, $0xb8;
	[tilespmem:$0xC400] =	vst v63  }
0x12b: {  	_ = 	snop  }
0x12c: {  	[tilespmem:s16], [sflag:$0x1] =	stream.indirect_vreg.gather [hbm4b:s1+s3], $0x80, v35, vm0, $0xb8;
	[tilespmem:$0xC400] =	vst v63  }
0x12d: {  	_ = 	snop  }
0x12e: {  	[tilespmem:s14], [sflag:$0x1] =	stream.indirect_vreg.gather [hbm4b:s5+s3], $0x80, v35, vm1, $0xb8;
	[tilespmem:$0xC400] =	vst v63  }
0x12f: {  	v35 =	vld [tilespmem:$0x310];
	_ =	sdelay $0x4  }
0x130: {  	v47 =	vshrl.u32 v35, $0x3  }
0x131: {  	v36 =	vmul.u32 $0x18, v47  }
0x132: {  	v35 =	vand.u32 $0x7, v35  }
0x133: {  	v35 =	vor.u32 v35, v36  }
0x134: {  	v36 =	vperm.xlane v35, v32;
	_ =	sdelay $0x1  }
0x135: {  	v36 =	vadd.s32 v33, v36;
	_ =	sdelay $0x1  }
0x136: {  	v35 =	vperm.xlane v35, v34;
	_ =	sdelay $0x1  }
0x137: {  	v35 =	vadd.s32 v33, v35  }
0x138: {  	[tilespmem:s29], [sflag:$0x1] =	stream.indirect_vreg.gather [hbm4b:s1+s3], $0x80, v36, vm0, $0xb8;
	[tilespmem:$0xC400] =	vst v63  }
0x139: {  	_ = 	snop  }
0x13a: {  	[tilespmem:s30], [sflag:$0x1] =	stream.indirect_vreg.gather [hbm4b:s5+s3], $0x80, v36, vm1, $0xb8;
	[tilespmem:$0xC400] =	vst v63  }
0x13b: {  	_ = 	snop  }
0x13c: {  	[tilespmem:s10], [sflag:$0x1] =	stream.indirect_vreg.gather [hbm4b:s1+s3], $0x80, v35, vm0, $0xb8;
	[tilespmem:$0xC400] =	vst v63  }
0x13d: {  	_ = 	snop  }
0x13e: {  	[tilespmem:s22], [sflag:$0x1] =	stream.indirect_vreg.gather [hbm4b:s5+s3], $0x80, v35, vm1, $0xb8;
	[tilespmem:$0xC400] =	vst v63  }
0x13f: {  	v35 =	vld [tilespmem:$0x320];
	_ =	sdelay $0x4  }
0x140: {  	v48 =	vshrl.u32 v35, $0x3  }
0x141: {  	v36 =	vmul.u32 $0x18, v48  }
0x142: {  	v35 =	vand.u32 $0x7, v35  }
0x143: {  	v35 =	vor.u32 v35, v36  }
0x144: {  	v36 =	vperm.xlane v35, v32;
	_ =	sdelay $0x1  }
0x145: {  	v36 =	vadd.s32 v33, v36;
	_ =	sdelay $0x1  }
0x146: {  	v35 =	vperm.xlane v35, v34;
	_ =	sdelay $0x1  }
0x147: {  	v35 =	vadd.s32 v33, v35  }
0x148: {  	[tilespmem:s11], [sflag:$0x1] =	stream.indirect_vreg.gather [hbm4b:s1+s3], $0x80, v36, vm0, $0xb8;
	[tilespmem:$0xC400] =	vst v63  }
0x149: {  	_ = 	snop  }
0x14a: {  	[tilespmem:s12], [sflag:$0x1] =	stream.indirect_vreg.gather [hbm4b:s5+s3], $0x80, v36, vm1, $0xb8;
	[tilespmem:$0xC400] =	vst v63  }
0x14b: {  	_ = 	snop  }
0x14c: {  	[tilespmem:s13], [sflag:$0x1] =	stream.indirect_vreg.gather [hbm4b:s1+s3], $0x80, v35, vm0, $0xb8;
	[tilespmem:$0xC400] =	vst v63  }
0x14d: {  	_ = 	snop  }
0x14e: {  	[tilespmem:s15], [sflag:$0x1] =	stream.indirect_vreg.gather [hbm4b:s5+s3], $0x80, v35, vm1, $0xb8;
	[tilespmem:$0xC400] =	vst v63  }
0x14f: {  	v35 =	vld [tilespmem:$0x330];
	_ =	sdelay $0x4  }
0x150: {  	v49 =	vshrl.u32 v35, $0x3  }
0x151: {  	v36 =	vmul.u32 $0x18, v49  }
0x152: {  	v35 =	vand.u32 $0x7, v35  }
0x153: {  	v35 =	vor.u32 v35, v36  }
0x154: {  	v36 =	vperm.xlane v35, v32;
	_ =	sdelay $0x1  }
0x155: {  	v36 =	vadd.s32 v33, v36;
	_ =	sdelay $0x1  }
0x156: {  	v35 =	vperm.xlane v35, v34;
	_ =	sdelay $0x1  }
0x157: {  	v35 =	vadd.s32 v33, v35  }
0x158: {  	[tilespmem:s31], [sflag:$0x1] =	stream.indirect_vreg.gather [hbm4b:s1+s3], $0x80, v36, vm0, $0xb8;
	[tilespmem:$0xC400] =	vst v63  }
0x159: {  	_ = 	snop  }
0x15a: {  	[tilespmem:s8], [sflag:$0x1] =	stream.indirect_vreg.gather [hbm4b:s5+s3], $0x80, v36, vm1, $0xb8;
	[tilespmem:$0xC400] =	vst v63  }
0x15b: {  	_ = 	snop  }
0x15c: {  	[tilespmem:s9], [sflag:$0x1] =	stream.indirect_vreg.gather [hbm4b:s1+s3], $0x80, v35, vm0, $0xb8;
	[tilespmem:$0xC400] =	vst v63  }
0x15d: {  	s7 =	simm.s32 $0x6000  }
0x15e: {  	[tilespmem:s7], [sflag:$0x1] =	stream.indirect_vreg.gather [hbm4b:s5+s3], $0x80, v35, vm1, $0xb8;
	[tilespmem:$0xC400] =	vst v63  }
0x15f: {  	_ =	swait.ge [sflag:s19], $0x6000  }
0x160: {  	[sflag:s19] =	ssyncset.done $0x0  }
0x161: {  	[sflag:s19] =	ssyncadd.s32 $0xFFFFA000  }
0x162: {  	v50 =	vld [tilespmem:$0x280];
	_ =	sdelay $0x4  }
0x163: {  	v51 =	vshrl.u32 v50, $0x3  }
0x164: {  	v36 =	vmul.u32 $0x18, v51  }
0x165: {  	v35 =	vand.u32 $0x7, v50  }
0x166: {  	v35 =	vor.u32 v35, v36  }
0x167: {  	v36 =	vperm.xlane v35, v32;
	_ =	sdelay $0x1  }
0x168: {  	v36 =	vadd.s32 v33, v36;
	_ =	sdelay $0x1  }
0x169: {  	v35 =	vperm.xlane v35, v34;
	_ =	sdelay $0x1  }
0x16a: {  	s8 =	simm.s32 $0x6400;
	v35 =	vadd.s32 v33, v35  }
0x16b: {  	[hbm4b:s4+s3] =	stream.indirect_vreg.scatter [tilespmem:s8], [sflag:$0x4], $0x80, v36, vm0, $0xb8;
	[tilespmem:$0xC400] =	vst v63  }
0x16c: {  	s10 =	simm.s32 $0x6C00  }
0x16d: {  	[hbm4b:s6+s3] =	stream.indirect_vreg.scatter [tilespmem:s10], [sflag:$0x4], $0x80, v36, vm1, $0xb8;
	[tilespmem:$0xC400] =	vst v63  }
0x16e: {  	s11 =	simm.s32 $0x7000  }
0x16f: {  	[hbm4b:s4+s3] =	stream.indirect_vreg.scatter [tilespmem:s11], [sflag:$0x4], $0x80, v35, vm0, $0xb8;
	[tilespmem:$0xC400] =	vst v63  }
0x170: {  	s12 =	simm.s32 $0x7800  }
0x171: {  	[hbm4b:s6+s3] =	stream.indirect_vreg.scatter [tilespmem:s12], [sflag:$0x4], $0x80, v35, vm1, $0xb8;
	[tilespmem:$0xC400] =	vst v63  }
0x172: {  	v35 =	vld [tilespmem:$0x290];
	_ =	sdelay $0x4  }
0x173: {  	v52 =	vshrl.u32 v35, $0x3  }
0x174: {  	v36 =	vmul.u32 $0x18, v52  }
0x175: {  	v35 =	vand.u32 $0x7, v35  }
0x176: {  	v35 =	vor.u32 v35, v36  }
0x177: {  	v36 =	vperm.xlane v35, v32;
	_ =	sdelay $0x1  }
0x178: {  	v36 =	vadd.s32 v33, v36;
	_ =	sdelay $0x1  }
0x179: {  	v35 =	vperm.xlane v35, v34;
	_ =	sdelay $0x1  }
0x17a: {  	s13 =	simm.s32 $0x7C00;
	v35 =	vadd.s32 v33, v35  }
0x17b: {  	[hbm4b:s4+s3] =	stream.indirect_vreg.scatter [tilespmem:s13], [sflag:$0x4], $0x80, v36, vm0, $0xb8;
	[tilespmem:$0xC400] =	vst v63  }
0x17c: {  	s23 =	simm.s32 $0x8400  }
0x17d: {  	[hbm4b:s6+s3] =	stream.indirect_vreg.scatter [tilespmem:s23], [sflag:$0x4], $0x80, v36, vm1, $0xb8;
	[tilespmem:$0xC400] =	vst v63  }
0x17e: {  	s24 =	simm.s32 $0x8800  }
0x17f: {  	[hbm4b:s4+s3] =	stream.indirect_vreg.scatter [tilespmem:s24], [sflag:$0x4], $0x80, v35, vm0, $0xb8;
	[tilespmem:$0xC400] =	vst v63  }
0x180: {  	s14 =	simm.s32 $0x9000  }
0x181: {  	[hbm4b:s6+s3] =	stream.indirect_vreg.scatter [tilespmem:s14], [sflag:$0x4], $0x80, v35, vm1, $0xb8;
	[tilespmem:$0xC400] =	vst v63  }
0x182: {  	v35 =	vld [tilespmem:$0x2A0];
	_ =	sdelay $0x4  }
0x183: {  	v53 =	vshrl.u32 v35, $0x3  }
0x184: {  	v36 =	vmul.u32 $0x18, v53  }
0x185: {  	v35 =	vand.u32 $0x7, v35  }
0x186: {  	v35 =	vor.u32 v35, v36  }
0x187: {  	v36 =	vperm.xlane v35, v32;
	_ =	sdelay $0x1  }
0x188: {  	v36 =	vadd.s32 v33, v36;
	_ =	sdelay $0x1  }
0x189: {  	v35 =	vperm.xlane v35, v34;
	_ =	sdelay $0x1  }
0x18a: {  	s16 =	simm.s32 $0x9400;
	v35 =	vadd.s32 v33, v35  }
0x18b: {  	[hbm4b:s4+s3] =	stream.indirect_vreg.scatter [tilespmem:s16], [sflag:$0x4], $0x80, v36, vm0, $0xb8;
	[tilespmem:$0xC400] =	vst v63  }
0x18c: {  	s25 =	simm.s32 $0x9C00  }
0x18d: {  	[hbm4b:s6+s3] =	stream.indirect_vreg.scatter [tilespmem:s25], [sflag:$0x4], $0x80, v36, vm1, $0xb8;
	[tilespmem:$0xC400] =	vst v63  }
0x18e: {  	s7 =	simm.s32 $0xA000  }
0x18f: {  	[hbm4b:s4+s3] =	stream.indirect_vreg.scatter [tilespmem:s7], [sflag:$0x4], $0x80, v35, vm0, $0xb8;
	[tilespmem:$0xC400] =	vst v63  }
0x190: {  	s26 =	simm.s32 $0xA800  }
0x191: {  	[hbm4b:s6+s3] =	stream.indirect_vreg.scatter [tilespmem:s26], [sflag:$0x4], $0x80, v35, vm1, $0xb8;
	[tilespmem:$0xC400] =	vst v63  }
0x192: {  	v35 =	vld [tilespmem:$0x2B0];
	_ =	sdelay $0x4  }
0x193: {  	v54 =	vshrl.u32 v35, $0x3  }
0x194: {  	v36 =	vmul.u32 $0x18, v54  }
0x195: {  	v35 =	vand.u32 $0x7, v35  }
0x196: {  	v35 =	vor.u32 v35, v36  }
0x197: {  	v36 =	vperm.xlane v35, v32;
	_ =	sdelay $0x1  }
0x198: {  	v36 =	vadd.s32 v33, v36;
	_ =	sdelay $0x1  }
0x199: {  	v35 =	vperm.xlane v35, v34;
	_ =	sdelay $0x1  }
0x19a: {  	s28 =	simm.s32 $0xAC00;
	v35 =	vadd.s32 v33, v35  }
0x19b: {  	[hbm4b:s4+s3] =	stream.indirect_vreg.scatter [tilespmem:s28], [sflag:$0x4], $0x80, v36, vm0, $0xb8;
	[tilespmem:$0xC400] =	vst v63  }
0x19c: {  	s29 =	simm.s32 $0xB400  }
0x19d: {  	[hbm4b:s6+s3] =	stream.indirect_vreg.scatter [tilespmem:s29], [sflag:$0x4], $0x80, v36, vm1, $0xb8;
	[tilespmem:$0xC400] =	vst v63  }
0x19e: {  	s30 =	simm.s32 $0xB800  }
0x19f: {  	[hbm4b:s4+s3] =	stream.indirect_vreg.scatter [tilespmem:s30], [sflag:$0x4], $0x80, v35, vm0, $0xb8;
	[tilespmem:$0xC400] =	vst v63  }
0x1a0: {  	s31 =	simm.s32 $0xC000  }
0x1a1: {  	[hbm4b:s6+s3] =	stream.indirect_vreg.scatter [tilespmem:s31], [sflag:$0x4], $0x80, v35, vm1, $0xb8;
	[tilespmem:$0xC400] =	vst v63  }
0x1a2: {  	_ =	swait.ge [sflag:s17], $0x6000  }
0x1a3: {  	[sflag:s17] =	ssyncset.done $0x0  }
0x1a4: {  	[sflag:s17] =	ssyncadd.s32 $0xFFFFA000  }
0x1a5: {  	[tilespmem:$0x380] =	vst v12  }
0x1a6: {  	v55 =	vld [tilespmem:$0x380];
	_ =	sdelay $0x4  }
0x1a7: {  	v58 =	vshrl.u32 v55, $0x3  }
0x1a8: {  	v38 =	vmul.u32 $0x18, v58  }
0x1a9: {  	v56 =	vld [tilespmem:$0xC0];
	v35 =	vand.u32 $0x7, v55  }
0x1aa: {  	v57 =	vld [tilespmem:$0xD0];
	v35 =	vor.u32 v35, v38  }
0x1ab: {  	v59 =	vld [tilespmem:$0xE0];
	[tilespmem:$0x390] =	vst v13;
	v38 =	vperm.xlane v35, v32  }
0x1ac: {  	v60 =	vld [tilespmem:$0xF0];
	[tilespmem:$0x3A0] =	vst v14  }
0x1ad: {  	[tilespmem:$0x3B0] =	vst v15;
	v61 =	vadd.s32 v33, v38  }
0x1ae: {  	[tilespmem:$0x280] =	vst v56  }
0x1af: {  	[tilespmem:$0x290] =	vst v57;
	v35 =	vperm.xlane v35, v34  }
0x1b0: {  	[tilespmem:$0x2A0] =	vst v59  }
0x1b1: {  	[tilespmem:$0x2B0] =	vst v60;
	v35 =	vadd.s32 v33, v35  }
0x1b2: {  	[tilespmem:s8], [sflag:$0x2] =	stream.indirect_vreg.gather [hbm4b:s1+s3], $0x80, v61, vm0, $0xb8;
	[tilespmem:$0xC400] =	vst v63  }
0x1b3: {  	_ = 	snop  }
0x1b4: {  	[tilespmem:s10], [sflag:$0x2] =	stream.indirect_vreg.gather [hbm4b:s5+s3], $0x80, v61, vm1, $0xb8;
	[tilespmem:$0xC400] =	vst v63  }
0x1b5: {  	_ = 	snop  }
0x1b6: {  	[tilespmem:s11], [sflag:$0x2] =	stream.indirect_vreg.gather [hbm4b:s1+s3], $0x80, v35, vm0, $0xb8;
	[tilespmem:$0xC400] =	vst v63  }
0x1b7: {  	_ = 	snop  }
0x1b8: {  	[tilespmem:s12], [sflag:$0x2] =	stream.indirect_vreg.gather [hbm4b:s5+s3], $0x80, v35, vm1, $0xb8;
	[tilespmem:$0xC400] =	vst v63  }
0x1b9: {  	v35 =	vld [tilespmem:$0x390];
	_ =	sdelay $0x4  }
0x1ba: {  	v62 =	vshrl.u32 v35, $0x3  }
0x1bb: {  	v36 =	vmul.u32 $0x18, v62  }
0x1bc: {  	v35 =	vand.u32 $0x7, v35  }
0x1bd: {  	v35 =	vor.u32 v35, v36  }
0x1be: {  	v36 =	vperm.xlane v35, v32;
	_ =	sdelay $0x1  }
0x1bf: {  	v36 =	vadd.s32 v33, v36;
	_ =	sdelay $0x1  }
0x1c0: {  	v35 =	vperm.xlane v35, v34;
	_ =	sdelay $0x1  }
0x1c1: {  	v35 =	vadd.s32 v33, v35  }
0x1c2: {  	[tilespmem:s13], [sflag:$0x2] =	stream.indirect_vreg.gather [hbm4b:s1+s3], $0x80, v36, vm0, $0xb8;
	[tilespmem:$0xC400] =	vst v63  }
0x1c3: {  	_ = 	snop  }
0x1c4: {  	[tilespmem:s23], [sflag:$0x2] =	stream.indirect_vreg.gather [hbm4b:s5+s3], $0x80, v36, vm1, $0xb8;
	[tilespmem:$0xC400] =	vst v63  }
0x1c5: {  	_ = 	snop  }
0x1c6: {  	[tilespmem:s24], [sflag:$0x2] =	stream.indirect_vreg.gather [hbm4b:s1+s3], $0x80, v35, vm0, $0xb8;
	[tilespmem:$0xC400] =	vst v63  }
0x1c7: {  	_ = 	snop  }
0x1c8: {  	[tilespmem:s14], [sflag:$0x2] =	stream.indirect_vreg.gather [hbm4b:s5+s3], $0x80, v35, vm1, $0xb8;
	[tilespmem:$0xC400] =	vst v63  }
0x1c9: {  	v35 =	vld [tilespmem:$0x3A0];
	_ =	sdelay $0x4  }
0x1ca: {  	v63 =	vshrl.u32 v35, $0x3  }
0x1cb: {  	v36 =	vmul.u32 $0x18, v63  }
0x1cc: {  	v35 =	vand.u32 $0x7, v35  }
0x1cd: {  	v35 =	vor.u32 v35, v36  }
0x1ce: {  	v36 =	vperm.xlane v35, v32;
	_ =	sdelay $0x1  }
0x1cf: {  	v36 =	vadd.s32 v33, v36;
	_ =	sdelay $0x1  }
0x1d0: {  	v35 =	vperm.xlane v35, v34;
	_ =	sdelay $0x1  }
0x1d1: {  	v35 =	vadd.s32 v33, v35  }
0x1d2: {  	[tilespmem:s16], [sflag:$0x2] =	stream.indirect_vreg.gather [hbm4b:s1+s3], $0x80, v36, vm0, $0xb8;
	[tilespmem:$0xC400] =	vst v63  }
0x1d3: {  	_ = 	snop  }
0x1d4: {  	[tilespmem:s25], [sflag:$0x2] =	stream.indirect_vreg.gather [hbm4b:s5+s3], $0x80, v36, vm1, $0xb8;
	[tilespmem:$0xC400] =	vst v63  }
0x1d5: {  	_ = 	snop  }
0x1d6: {  	[tilespmem:s7], [sflag:$0x2] =	stream.indirect_vreg.gather [hbm4b:s1+s3], $0x80, v35, vm0, $0xb8;
	[tilespmem:$0xC400] =	vst v63  }
0x1d7: {  	_ = 	snop  }
0x1d8: {  	[tilespmem:s26], [sflag:$0x2] =	stream.indirect_vreg.gather [hbm4b:s5+s3], $0x80, v35, vm1, $0xb8;
	[tilespmem:$0xC400] =	vst v63  }
0x1d9: {  	v35 =	vld [tilespmem:$0x3B0];
	_ =	sdelay $0x4  }
0x1da: {  	v40 =	vshrl.u32 v35, $0x3  }
0x1db: {  	v36 =	vmul.u32 $0x18, v40  }
0x1dc: {  	v35 =	vand.u32 $0x7, v35  }
0x1dd: {  	v35 =	vor.u32 v35, v36  }
0x1de: {  	v36 =	vperm.xlane v35, v32;
	_ =	sdelay $0x1  }
0x1df: {  	v36 =	vadd.s32 v33, v36;
	_ =	sdelay $0x1  }
0x1e0: {  	v35 =	vperm.xlane v35, v34;
	_ =	sdelay $0x1  }
0x1e1: {  	v35 =	vadd.s32 v33, v35  }
0x1e2: {  	[tilespmem:s28], [sflag:$0x2] =	stream.indirect_vreg.gather [hbm4b:s1+s3], $0x80, v36, vm0, $0xb8;
	[tilespmem:$0xC400] =	vst v63  }
0x1e3: {  	_ = 	snop  }
0x1e4: {  	[tilespmem:s29], [sflag:$0x2] =	stream.indirect_vreg.gather [hbm4b:s5+s3], $0x80, v36, vm1, $0xb8;
	[tilespmem:$0xC400] =	vst v63  }
0x1e5: {  	_ = 	snop  }
0x1e6: {  	[tilespmem:s30], [sflag:$0x2] =	stream.indirect_vreg.gather [hbm4b:s1+s3], $0x80, v35, vm0, $0xb8;
	[tilespmem:$0xC400] =	vst v63  }
0x1e7: {  	_ = 	snop  }
0x1e8: {  	[tilespmem:s31], [sflag:$0x2] =	stream.indirect_vreg.gather [hbm4b:s5+s3], $0x80, v35, vm1, $0xb8;
	[tilespmem:$0xC400] =	vst v63  }
0x1e9: {  	_ =	swait.ge [sflag:s18], $0x6000  }
0x1ea: {  	[sflag:s18] =	ssyncset.done $0x0  }
0x1eb: {  	[sflag:s18] =	ssyncadd.s32 $0xFFFFA000  }
0x1ec: {  	v41 =	vld [tilespmem:$0x200];
	_ =	sdelay $0x4  }
0x1ed: {  	v42 =	vshrl.u32 v41, $0x3  }
0x1ee: {  	v36 =	vmul.u32 $0x18, v42  }
0x1ef: {  	v35 =	vand.u32 $0x7, v41  }
0x1f0: {  	v35 =	vor.u32 v35, v36  }
0x1f1: {  	v36 =	vperm.xlane v35, v32;
	_ =	sdelay $0x1  }
0x1f2: {  	v36 =	vadd.s32 v33, v36;
	_ =	sdelay $0x1  }
0x1f3: {  	v35 =	vperm.xlane v35, v34;
	_ =	sdelay $0x1  }
0x1f4: {  	s23 =	simm.s32 $0x400;
	v35 =	vadd.s32 v33, v35  }
0x1f5: {  	[hbm4b:s4+s3] =	stream.indirect_vreg.scatter [tilespmem:s23], [sflag:$0x3], $0x80, v36, vm0, $0xb8;
	[tilespmem:$0xC400] =	vst v63  }
0x1f6: {  	s24 =	simm.s32 $0xC00  }
0x1f7: {  	[hbm4b:s6+s3] =	stream.indirect_vreg.scatter [tilespmem:s24], [sflag:$0x3], $0x80, v36, vm1, $0xb8;
	[tilespmem:$0xC400] =	vst v63  }
0x1f8: {  	s0 =	simm.s32 $0x1000  }
0x1f9: {  	[hbm4b:s4+s3] =	stream.indirect_vreg.scatter [tilespmem:s0], [sflag:$0x3], $0x80, v35, vm0, $0xb8;
	[tilespmem:$0xC400] =	vst v63  }
0x1fa: {  	s2 =	simm.s32 $0x1800  }
0x1fb: {  	[hbm4b:s6+s3] =	stream.indirect_vreg.scatter [tilespmem:s2], [sflag:$0x3], $0x80, v35, vm1, $0xb8;
	[tilespmem:$0xC400] =	vst v63  }
0x1fc: {  	v35 =	vld [tilespmem:$0x210];
	_ =	sdelay $0x4  }
0x1fd: {  	v43 =	vshrl.u32 v35, $0x3  }
0x1fe: {  	v36 =	vmul.u32 $0x18, v43  }
0x1ff: {  	v35 =	vand.u32 $0x7, v35  }
0x200: {  	v35 =	vor.u32 v35, v36  }
0x201: {  	v36 =	vperm.xlane v35, v32;
	_ =	sdelay $0x1  }
0x202: {  	v36 =	vadd.s32 v33, v36;
	_ =	sdelay $0x1  }
0x203: {  	v35 =	vperm.xlane v35, v34;
	_ =	sdelay $0x1  }
0x204: {  	s8 =	simm.s32 $0x1C00;
	v35 =	vadd.s32 v33, v35  }
0x205: {  	[hbm4b:s4+s3] =	stream.indirect_vreg.scatter [tilespmem:s8], [sflag:$0x3], $0x80, v36, vm0, $0xb8;
	[tilespmem:$0xC400] =	vst v63  }
0x206: {  	s9 =	simm.s32 $0x2400  }
0x207: {  	[hbm4b:s6+s3] =	stream.indirect_vreg.scatter [tilespmem:s9], [sflag:$0x3], $0x80, v36, vm1, $0xb8;
	[tilespmem:$0xC400] =	vst v63  }
0x208: {  	s10 =	simm.s32 $0x2800  }
0x209: {  	[hbm4b:s4+s3] =	stream.indirect_vreg.scatter [tilespmem:s10], [sflag:$0x3], $0x80, v35, vm0, $0xb8;
	[tilespmem:$0xC400] =	vst v63  }
0x20a: {  	s11 =	simm.s32 $0x3000  }
0x20b: {  	[hbm4b:s6+s3] =	stream.indirect_vreg.scatter [tilespmem:s11], [sflag:$0x3], $0x80, v35, vm1, $0xb8;
	[tilespmem:$0xC400] =	vst v63  }
0x20c: {  	v35 =	vld [tilespmem:$0x220];
	_ =	sdelay $0x4  }
0x20d: {  	v44 =	vshrl.u32 v35, $0x3  }
0x20e: {  	v36 =	vmul.u32 $0x18, v44  }
0x20f: {  	v35 =	vand.u32 $0x7, v35  }
0x210: {  	v35 =	vor.u32 v35, v36  }
0x211: {  	v36 =	vperm.xlane v35, v32;
	_ =	sdelay $0x1  }
0x212: {  	v36 =	vadd.s32 v33, v36;
	_ =	sdelay $0x1  }
0x213: {  	v35 =	vperm.xlane v35, v34;
	_ =	sdelay $0x1  }
0x214: {  	s25 =	simm.s32 $0x3400;
	v35 =	vadd.s32 v33, v35  }
0x215: {  	[hbm4b:s4+s3] =	stream.indirect_vreg.scatter [tilespmem:s25], [sflag:$0x3], $0x80, v36, vm0, $0xb8;
	[tilespmem:$0xC400] =	vst v63  }
0x216: {  	s26 =	simm.s32 $0x3C00  }
0x217: {  	[hbm4b:s6+s3] =	stream.indirect_vreg.scatter [tilespmem:s26], [sflag:$0x3], $0x80, v36, vm1, $0xb8;
	[tilespmem:$0xC400] =	vst v63  }
0x218: {  	s28 =	simm.s32 $0x4000  }
0x219: {  	[hbm4b:s4+s3] =	stream.indirect_vreg.scatter [tilespmem:s28], [sflag:$0x3], $0x80, v35, vm0, $0xb8;
	[tilespmem:$0xC400] =	vst v63  }
0x21a: {  	s12 =	simm.s32 $0x4800  }
0x21b: {  	[hbm4b:s6+s3] =	stream.indirect_vreg.scatter [tilespmem:s12], [sflag:$0x3], $0x80, v35, vm1, $0xb8;
	[tilespmem:$0xC400] =	vst v63  }
0x21c: {  	v35 =	vld [tilespmem:$0x230];
	_ =	sdelay $0x4  }
0x21d: {  	v45 =	vshrl.u32 v35, $0x3  }
0x21e: {  	v36 =	vmul.u32 $0x18, v45  }
0x21f: {  	v35 =	vand.u32 $0x7, v35  }
0x220: {  	v35 =	vor.u32 v35, v36  }
0x221: {  	v36 =	vperm.xlane v35, v32;
	_ =	sdelay $0x1  }
0x222: {  	v36 =	vadd.s32 v33, v36;
	_ =	sdelay $0x1  }
0x223: {  	v35 =	vperm.xlane v35, v34;
	_ =	sdelay $0x1  }
0x224: {  	s13 =	simm.s32 $0x4C00;
	v35 =	vadd.s32 v33, v35  }
0x225: {  	[hbm4b:s4+s3] =	stream.indirect_vreg.scatter [tilespmem:s13], [sflag:$0x3], $0x80, v36, vm0, $0xb8;
	[tilespmem:$0xC400] =	vst v63  }
0x226: {  	s15 =	simm.s32 $0x5400  }
0x227: {  	[hbm4b:s6+s3] =	stream.indirect_vreg.scatter [tilespmem:s15], [sflag:$0x3], $0x80, v36, vm1, $0xb8;
	[tilespmem:$0xC400] =	vst v63  }
0x228: {  	s21 =	simm.s32 $0x5800  }
0x229: {  	[hbm4b:s4+s3] =	stream.indirect_vreg.scatter [tilespmem:s21], [sflag:$0x3], $0x80, v35, vm0, $0xb8;
	[tilespmem:$0xC400] =	vst v63  }
0x22a: {  	s22 =	simm.s32 $0x6000  }
0x22b: {  	[hbm4b:s6+s3] =	stream.indirect_vreg.scatter [tilespmem:s22], [sflag:$0x3], $0x80, v35, vm1, $0xb8;
	[tilespmem:$0xC400] =	vst v63  }
0x22c: {  	_ =	swait.ge [sflag:s20], $0x6000  }
0x22d: {  	[sflag:s20] =	ssyncset.done $0x0  }
0x22e: {  	[sflag:s20] =	ssyncadd.s32 $0xFFFFA000  }
0x22f: {  	[tilespmem:$0x300] =	vst v16  }
0x230: {  	v46 =	vld [tilespmem:$0x300];
	_ =	sdelay $0x4  }
0x231: {  	v49 =	vshrl.u32 v46, $0x3  }
0x232: {  	v38 =	vmul.u32 $0x18, v49  }
0x233: {  	v47 =	vld [tilespmem:$0x100];
	v35 =	vand.u32 $0x7, v46  }
0x234: {  	v48 =	vld [tilespmem:$0x110];
	v35 =	vor.u32 v35, v38  }
0x235: {  	v50 =	vld [tilespmem:$0x120];
	[tilespmem:$0x310] =	vst v17;
	v38 =	vperm.xlane v35, v32  }
0x236: {  	v51 =	vld [tilespmem:$0x130];
	[tilespmem:$0x320] =	vst v18  }
0x237: {  	[tilespmem:$0x330] =	vst v19;
	v52 =	vadd.s32 v33, v38  }
0x238: {  	[tilespmem:$0x200] =	vst v47  }
0x239: {  	[tilespmem:$0x210] =	vst v48;
	v35 =	vperm.xlane v35, v34  }
0x23a: {  	[tilespmem:$0x220] =	vst v50  }
0x23b: {  	[tilespmem:$0x230] =	vst v51;
	v35 =	vadd.s32 v33, v35  }
0x23c: {  	[tilespmem:s23], [sflag:$0x1] =	stream.indirect_vreg.gather [hbm4b:s1+s3], $0x80, v52, vm0, $0xb8;
	[tilespmem:$0xC400] =	vst v63  }
0x23d: {  	_ = 	snop  }
0x23e: {  	[tilespmem:s24], [sflag:$0x1] =	stream.indirect_vreg.gather [hbm4b:s5+s3], $0x80, v52, vm1, $0xb8;
	[tilespmem:$0xC400] =	vst v63  }
0x23f: {  	_ = 	snop  }
0x240: {  	[tilespmem:s0], [sflag:$0x1] =	stream.indirect_vreg.gather [hbm4b:s1+s3], $0x80, v35, vm0, $0xb8;
	[tilespmem:$0xC400] =	vst v63  }
0x241: {  	_ = 	snop  }
0x242: {  	[tilespmem:s2], [sflag:$0x1] =	stream.indirect_vreg.gather [hbm4b:s5+s3], $0x80, v35, vm1, $0xb8;
	[tilespmem:$0xC400] =	vst v63  }
0x243: {  	v35 =	vld [tilespmem:$0x310];
	_ =	sdelay $0x4  }
0x244: {  	v53 =	vshrl.u32 v35, $0x3  }
0x245: {  	v36 =	vmul.u32 $0x18, v53  }
0x246: {  	v35 =	vand.u32 $0x7, v35  }
0x247: {  	v35 =	vor.u32 v35, v36  }
0x248: {  	v36 =	vperm.xlane v35, v32;
	_ =	sdelay $0x1  }
0x249: {  	v36 =	vadd.s32 v33, v36;
	_ =	sdelay $0x1  }
0x24a: {  	v35 =	vperm.xlane v35, v34;
	_ =	sdelay $0x1  }
0x24b: {  	v35 =	vadd.s32 v33, v35  }
0x24c: {  	[tilespmem:s8], [sflag:$0x1] =	stream.indirect_vreg.gather [hbm4b:s1+s3], $0x80, v36, vm0, $0xb8;
	[tilespmem:$0xC400] =	vst v63  }
0x24d: {  	_ = 	snop  }
0x24e: {  	[tilespmem:s9], [sflag:$0x1] =	stream.indirect_vreg.gather [hbm4b:s5+s3], $0x80, v36, vm1, $0xb8;
	[tilespmem:$0xC400] =	vst v63  }
0x24f: {  	_ = 	snop  }
0x250: {  	[tilespmem:s10], [sflag:$0x1] =	stream.indirect_vreg.gather [hbm4b:s1+s3], $0x80, v35, vm0, $0xb8;
	[tilespmem:$0xC400] =	vst v63  }
0x251: {  	_ = 	snop  }
0x252: {  	[tilespmem:s11], [sflag:$0x1] =	stream.indirect_vreg.gather [hbm4b:s5+s3], $0x80, v35, vm1, $0xb8;
	[tilespmem:$0xC400] =	vst v63  }
0x253: {  	v35 =	vld [tilespmem:$0x320];
	_ =	sdelay $0x4  }
0x254: {  	v54 =	vshrl.u32 v35, $0x3  }
0x255: {  	v36 =	vmul.u32 $0x18, v54  }
0x256: {  	v35 =	vand.u32 $0x7, v35  }
0x257: {  	v35 =	vor.u32 v35, v36  }
0x258: {  	v36 =	vperm.xlane v35, v32;
	_ =	sdelay $0x1  }
0x259: {  	v36 =	vadd.s32 v33, v36;
	_ =	sdelay $0x1  }
0x25a: {  	v35 =	vperm.xlane v35, v34;
	_ =	sdelay $0x1  }
0x25b: {  	v35 =	vadd.s32 v33, v35  }
0x25c: {  	[tilespmem:s25], [sflag:$0x1] =	stream.indirect_vreg.gather [hbm4b:s1+s3], $0x80, v36, vm0, $0xb8;
	[tilespmem:$0xC400] =	vst v63  }
0x25d: {  	_ = 	snop  }
0x25e: {  	[tilespmem:s26], [sflag:$0x1] =	stream.indirect_vreg.gather [hbm4b:s5+s3], $0x80, v36, vm1, $0xb8;
	[tilespmem:$0xC400] =	vst v63  }
0x25f: {  	_ = 	snop  }
0x260: {  	[tilespmem:s28], [sflag:$0x1] =	stream.indirect_vreg.gather [hbm4b:s1+s3], $0x80, v35, vm0, $0xb8;
	[tilespmem:$0xC400] =	vst v63  }
0x261: {  	_ = 	snop  }
0x262: {  	[tilespmem:s12], [sflag:$0x1] =	stream.indirect_vreg.gather [hbm4b:s5+s3], $0x80, v35, vm1, $0xb8;
	[tilespmem:$0xC400] =	vst v63  }
0x263: {  	v35 =	vld [tilespmem:$0x330];
	_ =	sdelay $0x4  }
0x264: {  	v55 =	vshrl.u32 v35, $0x3  }
0x265: {  	v36 =	vmul.u32 $0x18, v55  }
0x266: {  	v35 =	vand.u32 $0x7, v35  }
0x267: {  	v35 =	vor.u32 v35, v36  }
0x268: {  	v36 =	vperm.xlane v35, v32;
	_ =	sdelay $0x1  }
0x269: {  	v36 =	vadd.s32 v33, v36;
	_ =	sdelay $0x1  }
0x26a: {  	v35 =	vperm.xlane v35, v34;
	_ =	sdelay $0x1  }
0x26b: {  	v35 =	vadd.s32 v33, v35  }
0x26c: {  	[tilespmem:s13], [sflag:$0x1] =	stream.indirect_vreg.gather [hbm4b:s1+s3], $0x80, v36, vm0, $0xb8;
	[tilespmem:$0xC400] =	vst v63  }
0x26d: {  	_ = 	snop  }
0x26e: {  	[tilespmem:s15], [sflag:$0x1] =	stream.indirect_vreg.gather [hbm4b:s5+s3], $0x80, v36, vm1, $0xb8;
	[tilespmem:$0xC400] =	vst v63  }
0x26f: {  	_ = 	snop  }
0x270: {  	[tilespmem:s21], [sflag:$0x1] =	stream.indirect_vreg.gather [hbm4b:s1+s3], $0x80, v35, vm0, $0xb8;
	[tilespmem:$0xC400] =	vst v63  }
0x271: {  	_ = 	snop  }
0x272: {  	[tilespmem:s22], [sflag:$0x1] =	stream.indirect_vreg.gather [hbm4b:s5+s3], $0x80, v35, vm1, $0xb8;
	[tilespmem:$0xC400] =	vst v63  }
0x273: {  	_ =	swait.ge [sflag:s19], $0x6000  }
0x274: {  	[sflag:s19] =	ssyncset.done $0x0  }
0x275: {  	[sflag:s19] =	ssyncadd.s32 $0xFFFFA000  }
0x276: {  	v56 =	vld [tilespmem:$0x280];
	_ =	sdelay $0x4  }
0x277: {  	v57 =	vshrl.u32 v56, $0x3  }
0x278: {  	v36 =	vmul.u32 $0x18, v57  }
0x279: {  	v35 =	vand.u32 $0x7, v56  }
0x27a: {  	v35 =	vor.u32 v35, v36  }
0x27b: {  	v36 =	vperm.xlane v35, v32;
	_ =	sdelay $0x1  }
0x27c: {  	v36 =	vadd.s32 v33, v36;
	_ =	sdelay $0x1  }
0x27d: {  	v35 =	vperm.xlane v35, v34;
	_ =	sdelay $0x1  }
0x27e: {  	s11 =	simm.s32 $0x6400;
	v35 =	vadd.s32 v33, v35  }
0x27f: {  	[hbm4b:s4+s3] =	stream.indirect_vreg.scatter [tilespmem:s11], [sflag:$0x4], $0x80, v36, vm0, $0xb8;
	[tilespmem:$0xC400] =	vst v63  }
0x280: {  	s12 =	simm.s32 $0x6C00  }
0x281: {  	[hbm4b:s6+s3] =	stream.indirect_vreg.scatter [tilespmem:s12], [sflag:$0x4], $0x80, v36, vm1, $0xb8;
	[tilespmem:$0xC400] =	vst v63  }
0x282: {  	s13 =	simm.s32 $0x7000  }
0x283: {  	[hbm4b:s4+s3] =	stream.indirect_vreg.scatter [tilespmem:s13], [sflag:$0x4], $0x80, v35, vm0, $0xb8;
	[tilespmem:$0xC400] =	vst v63  }
0x284: {  	s14 =	simm.s32 $0x7800  }
0x285: {  	[hbm4b:s6+s3] =	stream.indirect_vreg.scatter [tilespmem:s14], [sflag:$0x4], $0x80, v35, vm1, $0xb8;
	[tilespmem:$0xC400] =	vst v63  }
0x286: {  	v35 =	vld [tilespmem:$0x290];
	_ =	sdelay $0x4  }
0x287: {  	v58 =	vshrl.u32 v35, $0x3  }
0x288: {  	v36 =	vmul.u32 $0x18, v58  }
0x289: {  	v35 =	vand.u32 $0x7, v35  }
0x28a: {  	v35 =	vor.u32 v35, v36  }
0x28b: {  	v36 =	vperm.xlane v35, v32;
	_ =	sdelay $0x1  }
0x28c: {  	v36 =	vadd.s32 v33, v36;
	_ =	sdelay $0x1  }
0x28d: {  	v35 =	vperm.xlane v35, v34;
	_ =	sdelay $0x1  }
0x28e: {  	s15 =	simm.s32 $0x7C00;
	v35 =	vadd.s32 v33, v35  }
0x28f: {  	[hbm4b:s4+s3] =	stream.indirect_vreg.scatter [tilespmem:s15], [sflag:$0x4], $0x80, v36, vm0, $0xb8;
	[tilespmem:$0xC400] =	vst v63  }
0x290: {  	s21 =	simm.s32 $0x8400  }
0x291: {  	[hbm4b:s6+s3] =	stream.indirect_vreg.scatter [tilespmem:s21], [sflag:$0x4], $0x80, v36, vm1, $0xb8;
	[tilespmem:$0xC400] =	vst v63  }
0x292: {  	s23 =	simm.s32 $0x8800  }
0x293: {  	[hbm4b:s4+s3] =	stream.indirect_vreg.scatter [tilespmem:s23], [sflag:$0x4], $0x80, v35, vm0, $0xb8;
	[tilespmem:$0xC400] =	vst v63  }
0x294: {  	s30 =	simm.s32 $0x9000  }
0x295: {  	[hbm4b:s6+s3] =	stream.indirect_vreg.scatter [tilespmem:s30], [sflag:$0x4], $0x80, v35, vm1, $0xb8;
	[tilespmem:$0xC400] =	vst v63  }
0x296: {  	v35 =	vld [tilespmem:$0x2A0];
	_ =	sdelay $0x4  }
0x297: {  	v59 =	vshrl.u32 v35, $0x3  }
0x298: {  	v36 =	vmul.u32 $0x18, v59  }
0x299: {  	v35 =	vand.u32 $0x7, v35  }
0x29a: {  	v35 =	vor.u32 v35, v36  }
0x29b: {  	v36 =	vperm.xlane v35, v32;
	_ =	sdelay $0x1  }
0x29c: {  	v36 =	vadd.s32 v33, v36;
	_ =	sdelay $0x1  }
0x29d: {  	v35 =	vperm.xlane v35, v34;
	_ =	sdelay $0x1  }
0x29e: {  	s31 =	simm.s32 $0x9400;
	v35 =	vadd.s32 v33, v35  }
0x29f: {  	[hbm4b:s4+s3] =	stream.indirect_vreg.scatter [tilespmem:s31], [sflag:$0x4], $0x80, v36, vm0, $0xb8;
	[tilespmem:$0xC400] =	vst v63  }
0x2a0: {  	s0 =	simm.s32 $0x9C00  }
0x2a1: {  	[hbm4b:s6+s3] =	stream.indirect_vreg.scatter [tilespmem:s0], [sflag:$0x4], $0x80, v36, vm1, $0xb8;
	[tilespmem:$0xC400] =	vst v63  }
0x2a2: {  	s2 =	simm.s32 $0xA000  }
0x2a3: {  	[hbm4b:s4+s3] =	stream.indirect_vreg.scatter [tilespmem:s2], [sflag:$0x4], $0x80, v35, vm0, $0xb8;
	[tilespmem:$0xC400] =	vst v63  }
0x2a4: {  	s7 =	simm.s32 $0xA800  }
0x2a5: {  	[hbm4b:s6+s3] =	stream.indirect_vreg.scatter [tilespmem:s7], [sflag:$0x4], $0x80, v35, vm1, $0xb8;
	[tilespmem:$0xC400] =	vst v63  }
0x2a6: {  	v35 =	vld [tilespmem:$0x2B0];
	_ =	sdelay $0x4  }
0x2a7: {  	v60 =	vshrl.u32 v35, $0x3  }
0x2a8: {  	v36 =	vmul.u32 $0x18, v60  }
0x2a9: {  	v35 =	vand.u32 $0x7, v35  }
0x2aa: {  	v35 =	vor.u32 v35, v36  }
0x2ab: {  	v36 =	vperm.xlane v35, v32;
	_ =	sdelay $0x1  }
0x2ac: {  	v36 =	vadd.s32 v33, v36;
	_ =	sdelay $0x1  }
0x2ad: {  	v35 =	vperm.xlane v35, v34;
	_ =	sdelay $0x1  }
0x2ae: {  	s8 =	simm.s32 $0xAC00;
	v35 =	vadd.s32 v33, v35  }
0x2af: {  	[hbm4b:s4+s3] =	stream.indirect_vreg.scatter [tilespmem:s8], [sflag:$0x4], $0x80, v36, vm0, $0xb8;
	[tilespmem:$0xC400] =	vst v63  }
0x2b0: {  	s25 =	simm.s32 $0xB400  }
0x2b1: {  	[hbm4b:s6+s3] =	stream.indirect_vreg.scatter [tilespmem:s25], [sflag:$0x4], $0x80, v36, vm1, $0xb8;
	[tilespmem:$0xC400] =	vst v63  }
0x2b2: {  	s26 =	simm.s32 $0xB800  }
0x2b3: {  	[hbm4b:s4+s3] =	stream.indirect_vreg.scatter [tilespmem:s26], [sflag:$0x4], $0x80, v35, vm0, $0xb8;
	[tilespmem:$0xC400] =	vst v63  }
0x2b4: {  	s29 =	simm.s32 $0xC000  }
0x2b5: {  	[hbm4b:s6+s3] =	stream.indirect_vreg.scatter [tilespmem:s29], [sflag:$0x4], $0x80, v35, vm1, $0xb8;
	[tilespmem:$0xC400] =	vst v63  }
0x2b6: {  	_ =	swait.ge [sflag:s17], $0x6000  }
0x2b7: {  	[sflag:s17] =	ssyncset.done $0x0  }
0x2b8: {  	[sflag:s17] =	ssyncadd.s32 $0xFFFFA000  }
0x2b9: {  	[tilespmem:$0x380] =	vst v20  }
0x2ba: {  	v61 =	vld [tilespmem:$0x380];
	_ =	sdelay $0x4  }
0x2bb: {  	v42 =	vshrl.u32 v61, $0x3  }
0x2bc: {  	v38 =	vmul.u32 $0x18, v42  }
0x2bd: {  	v62 =	vld [tilespmem:$0x140];
	v35 =	vand.u32 $0x7, v61  }
0x2be: {  	v63 =	vld [tilespmem:$0x150];
	v35 =	vor.u32 v35, v38  }
0x2bf: {  	v43 =	vld [tilespmem:$0x160];
	[tilespmem:$0x390] =	vst v21;
	v38 =	vperm.xlane v35, v32  }
0x2c0: {  	v44 =	vld [tilespmem:$0x170];
	[tilespmem:$0x3A0] =	vst v22  }
0x2c1: {  	[tilespmem:$0x3B0] =	vst v23;
	v45 =	vadd.s32 v33, v38  }
0x2c2: {  	[tilespmem:$0x280] =	vst v62  }
0x2c3: {  	[tilespmem:$0x290] =	vst v63;
	v35 =	vperm.xlane v35, v34  }
0x2c4: {  	[tilespmem:$0x2A0] =	vst v43  }
0x2c5: {  	[tilespmem:$0x2B0] =	vst v44;
	v35 =	vadd.s32 v33, v35  }
0x2c6: {  	[tilespmem:s11], [sflag:$0x2] =	stream.indirect_vreg.gather [hbm4b:s1+s3], $0x80, v45, vm0, $0xb8;
	[tilespmem:$0xC400] =	vst v63  }
0x2c7: {  	_ = 	snop  }
0x2c8: {  	[tilespmem:s12], [sflag:$0x2] =	stream.indirect_vreg.gather [hbm4b:s5+s3], $0x80, v45, vm1, $0xb8;
	[tilespmem:$0xC400] =	vst v63  }
0x2c9: {  	_ = 	snop  }
0x2ca: {  	[tilespmem:s13], [sflag:$0x2] =	stream.indirect_vreg.gather [hbm4b:s1+s3], $0x80, v35, vm0, $0xb8;
	[tilespmem:$0xC400] =	vst v63  }
0x2cb: {  	_ = 	snop  }
0x2cc: {  	[tilespmem:s14], [sflag:$0x2] =	stream.indirect_vreg.gather [hbm4b:s5+s3], $0x80, v35, vm1, $0xb8;
	[tilespmem:$0xC400] =	vst v63  }
0x2cd: {  	v35 =	vld [tilespmem:$0x390];
	_ =	sdelay $0x4  }
0x2ce: {  	v46 =	vshrl.u32 v35, $0x3  }
0x2cf: {  	v36 =	vmul.u32 $0x18, v46  }
0x2d0: {  	v35 =	vand.u32 $0x7, v35  }
0x2d1: {  	v35 =	vor.u32 v35, v36  }
0x2d2: {  	v36 =	vperm.xlane v35, v32;
	_ =	sdelay $0x1  }
0x2d3: {  	v36 =	vadd.s32 v33, v36;
	_ =	sdelay $0x1  }
0x2d4: {  	v35 =	vperm.xlane v35, v34;
	_ =	sdelay $0x1  }
0x2d5: {  	v35 =	vadd.s32 v33, v35  }
0x2d6: {  	[tilespmem:s15], [sflag:$0x2] =	stream.indirect_vreg.gather [hbm4b:s1+s3], $0x80, v36, vm0, $0xb8;
	[tilespmem:$0xC400] =	vst v63  }
0x2d7: {  	_ = 	snop  }
0x2d8: {  	[tilespmem:s21], [sflag:$0x2] =	stream.indirect_vreg.gather [hbm4b:s5+s3], $0x80, v36, vm1, $0xb8;
	[tilespmem:$0xC400] =	vst v63  }
0x2d9: {  	_ = 	snop  }
0x2da: {  	[tilespmem:s23], [sflag:$0x2] =	stream.indirect_vreg.gather [hbm4b:s1+s3], $0x80, v35, vm0, $0xb8;
	[tilespmem:$0xC400] =	vst v63  }
0x2db: {  	_ = 	snop  }
0x2dc: {  	[tilespmem:s30], [sflag:$0x2] =	stream.indirect_vreg.gather [hbm4b:s5+s3], $0x80, v35, vm1, $0xb8;
	[tilespmem:$0xC400] =	vst v63  }
0x2dd: {  	v35 =	vld [tilespmem:$0x3A0];
	_ =	sdelay $0x4  }
0x2de: {  	v47 =	vshrl.u32 v35, $0x3  }
0x2df: {  	v36 =	vmul.u32 $0x18, v47  }
0x2e0: {  	v35 =	vand.u32 $0x7, v35  }
0x2e1: {  	v35 =	vor.u32 v35, v36  }
0x2e2: {  	v36 =	vperm.xlane v35, v32;
	_ =	sdelay $0x1  }
0x2e3: {  	v36 =	vadd.s32 v33, v36;
	_ =	sdelay $0x1  }
0x2e4: {  	v35 =	vperm.xlane v35, v34;
	_ =	sdelay $0x1  }
0x2e5: {  	v35 =	vadd.s32 v33, v35  }
0x2e6: {  	[tilespmem:s31], [sflag:$0x2] =	stream.indirect_vreg.gather [hbm4b:s1+s3], $0x80, v36, vm0, $0xb8;
	[tilespmem:$0xC400] =	vst v63  }
0x2e7: {  	_ = 	snop  }
0x2e8: {  	[tilespmem:s0], [sflag:$0x2] =	stream.indirect_vreg.gather [hbm4b:s5+s3], $0x80, v36, vm1, $0xb8;
	[tilespmem:$0xC400] =	vst v63  }
0x2e9: {  	_ = 	snop  }
0x2ea: {  	[tilespmem:s2], [sflag:$0x2] =	stream.indirect_vreg.gather [hbm4b:s1+s3], $0x80, v35, vm0, $0xb8;
	[tilespmem:$0xC400] =	vst v63  }
0x2eb: {  	_ = 	snop  }
0x2ec: {  	[tilespmem:s7], [sflag:$0x2] =	stream.indirect_vreg.gather [hbm4b:s5+s3], $0x80, v35, vm1, $0xb8;
	[tilespmem:$0xC400] =	vst v63  }
0x2ed: {  	v35 =	vld [tilespmem:$0x3B0];
	_ =	sdelay $0x4  }
0x2ee: {  	v48 =	vshrl.u32 v35, $0x3  }
0x2ef: {  	v36 =	vmul.u32 $0x18, v48  }
0x2f0: {  	v35 =	vand.u32 $0x7, v35  }
0x2f1: {  	v35 =	vor.u32 v35, v36  }
0x2f2: {  	v36 =	vperm.xlane v35, v32;
	_ =	sdelay $0x1  }
0x2f3: {  	v36 =	vadd.s32 v33, v36;
	_ =	sdelay $0x1  }
0x2f4: {  	v35 =	vperm.xlane v35, v34;
	_ =	sdelay $0x1  }
0x2f5: {  	v35 =	vadd.s32 v33, v35  }
0x2f6: {  	[tilespmem:s8], [sflag:$0x2] =	stream.indirect_vreg.gather [hbm4b:s1+s3], $0x80, v36, vm0, $0xb8;
	[tilespmem:$0xC400] =	vst v63  }
0x2f7: {  	_ = 	snop  }
0x2f8: {  	[tilespmem:s25], [sflag:$0x2] =	stream.indirect_vreg.gather [hbm4b:s5+s3], $0x80, v36, vm1, $0xb8;
	[tilespmem:$0xC400] =	vst v63  }
0x2f9: {  	_ = 	snop  }
0x2fa: {  	[tilespmem:s26], [sflag:$0x2] =	stream.indirect_vreg.gather [hbm4b:s1+s3], $0x80, v35, vm0, $0xb8;
	[tilespmem:$0xC400] =	vst v63  }
0x2fb: {  	_ = 	snop  }
0x2fc: {  	[tilespmem:s29], [sflag:$0x2] =	stream.indirect_vreg.gather [hbm4b:s5+s3], $0x80, v35, vm1, $0xb8;
	[tilespmem:$0xC400] =	vst v63  }
0x2fd: {  	_ =	swait.ge [sflag:s18], $0x6000  }
0x2fe: {  	[sflag:s18] =	ssyncset.done $0x0  }
0x2ff: {  	[sflag:s18] =	ssyncadd.s32 $0xFFFFA000  }
0x300: {  	v49 =	vld [tilespmem:$0x200];
	_ =	sdelay $0x4  }
0x301: {  	v50 =	vshrl.u32 v49, $0x3  }
0x302: {  	v36 =	vmul.u32 $0x18, v50  }
0x303: {  	v35 =	vand.u32 $0x7, v49  }
0x304: {  	v35 =	vor.u32 v35, v36  }
0x305: {  	v36 =	vperm.xlane v35, v32;
	_ =	sdelay $0x1  }
0x306: {  	v36 =	vadd.s32 v33, v36;
	_ =	sdelay $0x1  }
0x307: {  	v35 =	vperm.xlane v35, v34;
	_ =	sdelay $0x1  }
0x308: {  	s2 =	simm.s32 $0x400;
	v35 =	vadd.s32 v33, v35  }
0x309: {  	[hbm4b:s4+s3] =	stream.indirect_vreg.scatter [tilespmem:s2], [sflag:$0x3], $0x80, v36, vm0, $0xb8;
	[tilespmem:$0xC400] =	vst v63  }
0x30a: {  	s25 =	simm.s32 $0xC00  }
0x30b: {  	[hbm4b:s6+s3] =	stream.indirect_vreg.scatter [tilespmem:s25], [sflag:$0x3], $0x80, v36, vm1, $0xb8;
	[tilespmem:$0xC400] =	vst v63  }
0x30c: {  	s30 =	simm.s32 $0x1000  }
0x30d: {  	[hbm4b:s4+s3] =	stream.indirect_vreg.scatter [tilespmem:s30], [sflag:$0x3], $0x80, v35, vm0, $0xb8;
	[tilespmem:$0xC400] =	vst v63  }
0x30e: {  	s12 =	simm.s32 $0x1800  }
0x30f: {  	[hbm4b:s6+s3] =	stream.indirect_vreg.scatter [tilespmem:s12], [sflag:$0x3], $0x80, v35, vm1, $0xb8;
	[tilespmem:$0xC400] =	vst v63  }
0x310: {  	v35 =	vld [tilespmem:$0x210];
	_ =	sdelay $0x4  }
0x311: {  	v51 =	vshrl.u32 v35, $0x3  }
0x312: {  	v36 =	vmul.u32 $0x18, v51  }
0x313: {  	v35 =	vand.u32 $0x7, v35  }
0x314: {  	v35 =	vor.u32 v35, v36  }
0x315: {  	v36 =	vperm.xlane v35, v32;
	_ =	sdelay $0x1  }
0x316: {  	v36 =	vadd.s32 v33, v36;
	_ =	sdelay $0x1  }
0x317: {  	v35 =	vperm.xlane v35, v34;
	_ =	sdelay $0x1  }
0x318: {  	s31 =	simm.s32 $0x1C00;
	v35 =	vadd.s32 v33, v35  }
0x319: {  	[hbm4b:s4+s3] =	stream.indirect_vreg.scatter [tilespmem:s31], [sflag:$0x3], $0x80, v36, vm0, $0xb8;
	[tilespmem:$0xC400] =	vst v63  }
0x31a: {  	s0 =	simm.s32 $0x2400  }
0x31b: {  	[hbm4b:s6+s3] =	stream.indirect_vreg.scatter [tilespmem:s0], [sflag:$0x3], $0x80, v36, vm1, $0xb8;
	[tilespmem:$0xC400] =	vst v63  }
0x31c: {  	s8 =	simm.s32 $0x2800  }
0x31d: {  	[hbm4b:s4+s3] =	stream.indirect_vreg.scatter [tilespmem:s8], [sflag:$0x3], $0x80, v35, vm0, $0xb8;
	[tilespmem:$0xC400] =	vst v63  }
0x31e: {  	s14 =	simm.s32 $0x3000  }
0x31f: {  	[hbm4b:s6+s3] =	stream.indirect_vreg.scatter [tilespmem:s14], [sflag:$0x3], $0x80, v35, vm1, $0xb8;
	[tilespmem:$0xC400] =	vst v63  }
0x320: {  	v35 =	vld [tilespmem:$0x220];
	_ =	sdelay $0x4  }
0x321: {  	v52 =	vshrl.u32 v35, $0x3  }
0x322: {  	v36 =	vmul.u32 $0x18, v52  }
0x323: {  	v35 =	vand.u32 $0x7, v35  }
0x324: {  	v35 =	vor.u32 v35, v36  }
0x325: {  	v36 =	vperm.xlane v35, v32;
	_ =	sdelay $0x1  }
0x326: {  	v36 =	vadd.s32 v33, v36;
	_ =	sdelay $0x1  }
0x327: {  	v35 =	vperm.xlane v35, v34;
	_ =	sdelay $0x1  }
0x328: {  	s9 =	simm.s32 $0x3400;
	v35 =	vadd.s32 v33, v35  }
0x329: {  	[hbm4b:s4+s3] =	stream.indirect_vreg.scatter [tilespmem:s9], [sflag:$0x3], $0x80, v36, vm0, $0xb8;
	[tilespmem:$0xC400] =	vst v63  }
0x32a: {  	s10 =	simm.s32 $0x3C00  }
0x32b: {  	[hbm4b:s6+s3] =	stream.indirect_vreg.scatter [tilespmem:s10], [sflag:$0x3], $0x80, v36, vm1, $0xb8;
	[tilespmem:$0xC400] =	vst v63  }
0x32c: {  	s11 =	simm.s32 $0x4000  }
0x32d: {  	[hbm4b:s4+s3] =	stream.indirect_vreg.scatter [tilespmem:s11], [sflag:$0x3], $0x80, v35, vm0, $0xb8;
	[tilespmem:$0xC400] =	vst v63  }
0x32e: {  	s13 =	simm.s32 $0x4800  }
0x32f: {  	[hbm4b:s6+s3] =	stream.indirect_vreg.scatter [tilespmem:s13], [sflag:$0x3], $0x80, v35, vm1, $0xb8;
	[tilespmem:$0xC400] =	vst v63  }
0x330: {  	v35 =	vld [tilespmem:$0x230];
	_ =	sdelay $0x4  }
0x331: {  	v53 =	vshrl.u32 v35, $0x3  }
0x332: {  	v36 =	vmul.u32 $0x18, v53  }
0x333: {  	v35 =	vand.u32 $0x7, v35  }
0x334: {  	v35 =	vor.u32 v35, v36  }
0x335: {  	v36 =	vperm.xlane v35, v32;
	_ =	sdelay $0x1  }
0x336: {  	v36 =	vadd.s32 v33, v36;
	_ =	sdelay $0x1  }
0x337: {  	v35 =	vperm.xlane v35, v34;
	_ =	sdelay $0x1  }
0x338: {  	s26 =	simm.s32 $0x4C00;
	v35 =	vadd.s32 v33, v35  }
0x339: {  	[hbm4b:s4+s3] =	stream.indirect_vreg.scatter [tilespmem:s26], [sflag:$0x3], $0x80, v36, vm0, $0xb8;
	[tilespmem:$0xC400] =	vst v63  }
0x33a: {  	s29 =	simm.s32 $0x5400  }
0x33b: {  	[hbm4b:s6+s3] =	stream.indirect_vreg.scatter [tilespmem:s29], [sflag:$0x3], $0x80, v36, vm1, $0xb8;
	[tilespmem:$0xC400] =	vst v63  }
0x33c: {  	s7 =	simm.s32 $0x5800  }
0x33d: {  	[hbm4b:s4+s3] =	stream.indirect_vreg.scatter [tilespmem:s7], [sflag:$0x3], $0x80, v35, vm0, $0xb8;
	[tilespmem:$0xC400] =	vst v63  }
0x33e: {  	s15 =	simm.s32 $0x6000  }
0x33f: {  	[hbm4b:s6+s3] =	stream.indirect_vreg.scatter [tilespmem:s15], [sflag:$0x3], $0x80, v35, vm1, $0xb8;
	[tilespmem:$0xC400] =	vst v63  }
0x340: {  	_ =	swait.ge [sflag:s20], $0x6000  }
0x341: {  	[sflag:s20] =	ssyncset.done $0x0  }
0x342: {  	[sflag:s20] =	ssyncadd.s32 $0xFFFFA000  }
0x343: {  	[tilespmem:$0x300] =	vst v24  }
0x344: {  	v54 =	vld [tilespmem:$0x300];
	_ =	sdelay $0x4  }
0x345: {  	v57 =	vshrl.u32 v54, $0x3  }
0x346: {  	v38 =	vmul.u32 $0x18, v57  }
0x347: {  	v55 =	vld [tilespmem:$0x180];
	v35 =	vand.u32 $0x7, v54  }
0x348: {  	v56 =	vld [tilespmem:$0x190];
	v35 =	vor.u32 v35, v38  }
0x349: {  	v58 =	vld [tilespmem:$0x1A0];
	[tilespmem:$0x310] =	vst v25;
	v38 =	vperm.xlane v35, v32  }
0x34a: {  	v59 =	vld [tilespmem:$0x1B0];
	[tilespmem:$0x320] =	vst v26  }
0x34b: {  	[tilespmem:$0x330] =	vst v27;
	v60 =	vadd.s32 v33, v38  }
0x34c: {  	[tilespmem:$0x200] =	vst v55  }
0x34d: {  	[tilespmem:$0x210] =	vst v56;
	v35 =	vperm.xlane v35, v34  }
0x34e: {  	[tilespmem:$0x220] =	vst v58  }
0x34f: {  	[tilespmem:$0x230] =	vst v59;
	v35 =	vadd.s32 v33, v35  }
0x350: {  	[tilespmem:s2], [sflag:$0x1] =	stream.indirect_vreg.gather [hbm4b:s1+s3], $0x80, v60, vm0, $0xb8;
	[tilespmem:$0xC400] =	vst v63  }
0x351: {  	_ = 	snop  }
0x352: {  	[tilespmem:s25], [sflag:$0x1] =	stream.indirect_vreg.gather [hbm4b:s5+s3], $0x80, v60, vm1, $0xb8;
	[tilespmem:$0xC400] =	vst v63  }
0x353: {  	_ = 	snop  }
0x354: {  	[tilespmem:s30], [sflag:$0x1] =	stream.indirect_vreg.gather [hbm4b:s1+s3], $0x80, v35, vm0, $0xb8;
	[tilespmem:$0xC400] =	vst v63  }
0x355: {  	_ = 	snop  }
0x356: {  	[tilespmem:s12], [sflag:$0x1] =	stream.indirect_vreg.gather [hbm4b:s5+s3], $0x80, v35, vm1, $0xb8;
	[tilespmem:$0xC400] =	vst v63  }
0x357: {  	v35 =	vld [tilespmem:$0x310];
	_ =	sdelay $0x4  }
0x358: {  	v61 =	vshrl.u32 v35, $0x3  }
0x359: {  	v36 =	vmul.u32 $0x18, v61  }
0x35a: {  	v35 =	vand.u32 $0x7, v35  }
0x35b: {  	v35 =	vor.u32 v35, v36  }
0x35c: {  	v36 =	vperm.xlane v35, v32;
	_ =	sdelay $0x1  }
0x35d: {  	v36 =	vadd.s32 v33, v36;
	_ =	sdelay $0x1  }
0x35e: {  	v35 =	vperm.xlane v35, v34;
	_ =	sdelay $0x1  }
0x35f: {  	v35 =	vadd.s32 v33, v35  }
0x360: {  	[tilespmem:s31], [sflag:$0x1] =	stream.indirect_vreg.gather [hbm4b:s1+s3], $0x80, v36, vm0, $0xb8;
	[tilespmem:$0xC400] =	vst v63  }
0x361: {  	_ = 	snop  }
0x362: {  	[tilespmem:s0], [sflag:$0x1] =	stream.indirect_vreg.gather [hbm4b:s5+s3], $0x80, v36, vm1, $0xb8;
	[tilespmem:$0xC400] =	vst v63  }
0x363: {  	_ = 	snop  }
0x364: {  	[tilespmem:s8], [sflag:$0x1] =	stream.indirect_vreg.gather [hbm4b:s1+s3], $0x80, v35, vm0, $0xb8;
	[tilespmem:$0xC400] =	vst v63  }
0x365: {  	_ = 	snop  }
0x366: {  	[tilespmem:s14], [sflag:$0x1] =	stream.indirect_vreg.gather [hbm4b:s5+s3], $0x80, v35, vm1, $0xb8;
	[tilespmem:$0xC400] =	vst v63  }
0x367: {  	v35 =	vld [tilespmem:$0x320];
	_ =	sdelay $0x4  }
0x368: {  	v62 =	vshrl.u32 v35, $0x3  }
0x369: {  	v36 =	vmul.u32 $0x18, v62  }
0x36a: {  	v35 =	vand.u32 $0x7, v35  }
0x36b: {  	v35 =	vor.u32 v35, v36  }
0x36c: {  	v36 =	vperm.xlane v35, v32;
	_ =	sdelay $0x1  }
0x36d: {  	v36 =	vadd.s32 v33, v36;
	_ =	sdelay $0x1  }
0x36e: {  	v35 =	vperm.xlane v35, v34;
	_ =	sdelay $0x1  }
0x36f: {  	v35 =	vadd.s32 v33, v35  }
0x370: {  	[tilespmem:s9], [sflag:$0x1] =	stream.indirect_vreg.gather [hbm4b:s1+s3], $0x80, v36, vm0, $0xb8;
	[tilespmem:$0xC400] =	vst v63  }
0x371: {  	_ = 	snop  }
0x372: {  	[tilespmem:s10], [sflag:$0x1] =	stream.indirect_vreg.gather [hbm4b:s5+s3], $0x80, v36, vm1, $0xb8;
	[tilespmem:$0xC400] =	vst v63  }
0x373: {  	_ = 	snop  }
0x374: {  	[tilespmem:s11], [sflag:$0x1] =	stream.indirect_vreg.gather [hbm4b:s1+s3], $0x80, v35, vm0, $0xb8;
	[tilespmem:$0xC400] =	vst v63  }
0x375: {  	_ = 	snop  }
0x376: {  	[tilespmem:s13], [sflag:$0x1] =	stream.indirect_vreg.gather [hbm4b:s5+s3], $0x80, v35, vm1, $0xb8;
	[tilespmem:$0xC400] =	vst v63  }
0x377: {  	v35 =	vld [tilespmem:$0x330];
	_ =	sdelay $0x4  }
0x378: {  	v63 =	vshrl.u32 v35, $0x3  }
0x379: {  	v36 =	vmul.u32 $0x18, v63  }
0x37a: {  	v35 =	vand.u32 $0x7, v35  }
0x37b: {  	v35 =	vor.u32 v35, v36  }
0x37c: {  	v36 =	vperm.xlane v35, v32;
	_ =	sdelay $0x1  }
0x37d: {  	v36 =	vadd.s32 v33, v36;
	_ =	sdelay $0x1  }
0x37e: {  	v35 =	vperm.xlane v35, v34;
	_ =	sdelay $0x1  }
0x37f: {  	v35 =	vadd.s32 v33, v35  }
0x380: {  	[tilespmem:s26], [sflag:$0x1] =	stream.indirect_vreg.gather [hbm4b:s1+s3], $0x80, v36, vm0, $0xb8;
	[tilespmem:$0xC400] =	vst v63  }
0x381: {  	_ = 	snop  }
0x382: {  	[tilespmem:s29], [sflag:$0x1] =	stream.indirect_vreg.gather [hbm4b:s5+s3], $0x80, v36, vm1, $0xb8;
	[tilespmem:$0xC400] =	vst v63  }
0x383: {  	_ = 	snop  }
0x384: {  	[tilespmem:s7], [sflag:$0x1] =	stream.indirect_vreg.gather [hbm4b:s1+s3], $0x80, v35, vm0, $0xb8;
	[tilespmem:$0xC400] =	vst v63  }
0x385: {  	_ = 	snop  }
0x386: {  	[tilespmem:s15], [sflag:$0x1] =	stream.indirect_vreg.gather [hbm4b:s5+s3], $0x80, v35, vm1, $0xb8;
	[tilespmem:$0xC400] =	vst v63  }
0x387: {  	_ =	swait.ge [sflag:s19], $0x6000  }
0x388: {  	[sflag:s19] =	ssyncset.done $0x0  }
0x389: {  	[sflag:s19] =	ssyncadd.s32 $0xFFFFA000  }
0x38a: {  	v40 =	vld [tilespmem:$0x280];
	_ =	sdelay $0x4  }
0x38b: {  	v41 =	vshrl.u32 v40, $0x3  }
0x38c: {  	v36 =	vmul.u32 $0x18, v41  }
0x38d: {  	v35 =	vand.u32 $0x7, v40  }
0x38e: {  	v35 =	vor.u32 v35, v36  }
0x38f: {  	v36 =	vperm.xlane v35, v32;
	_ =	sdelay $0x1  }
0x390: {  	v36 =	vadd.s32 v33, v36;
	_ =	sdelay $0x1  }
0x391: {  	v35 =	vperm.xlane v35, v34;
	_ =	sdelay $0x1  }
0x392: {  	s13 =	simm.s32 $0x6400;
	v35 =	vadd.s32 v33, v35  }
0x393: {  	[hbm4b:s4+s3] =	stream.indirect_vreg.scatter [tilespmem:s13], [sflag:$0x4], $0x80, v36, vm0, $0xb8;
	[tilespmem:$0xC400] =	vst v63  }
0x394: {  	s16 =	simm.s32 $0x6C00  }
0x395: {  	[hbm4b:s6+s3] =	stream.indirect_vreg.scatter [tilespmem:s16], [sflag:$0x4], $0x80, v36, vm1, $0xb8;
	[tilespmem:$0xC400] =	vst v63  }
0x396: {  	s22 =	simm.s32 $0x7000  }
0x397: {  	[hbm4b:s4+s3] =	stream.indirect_vreg.scatter [tilespmem:s22], [sflag:$0x4], $0x80, v35, vm0, $0xb8;
	[tilespmem:$0xC400] =	vst v63  }
0x398: {  	s9 =	simm.s32 $0x7800  }
0x399: {  	[hbm4b:s6+s3] =	stream.indirect_vreg.scatter [tilespmem:s9], [sflag:$0x4], $0x80, v35, vm1, $0xb8;
	[tilespmem:$0xC400] =	vst v63  }
0x39a: {  	v35 =	vld [tilespmem:$0x290];
	_ =	sdelay $0x4  }
0x39b: {  	v42 =	vshrl.u32 v35, $0x3  }
0x39c: {  	v36 =	vmul.u32 $0x18, v42  }
0x39d: {  	v35 =	vand.u32 $0x7, v35  }
0x39e: {  	v35 =	vor.u32 v35, v36  }
0x39f: {  	v36 =	vperm.xlane v35, v32;
	_ =	sdelay $0x1  }
0x3a0: {  	v36 =	vadd.s32 v33, v36;
	_ =	sdelay $0x1  }
0x3a1: {  	v35 =	vperm.xlane v35, v34;
	_ =	sdelay $0x1  }
0x3a2: {  	s24 =	simm.s32 $0x7C00;
	v35 =	vadd.s32 v33, v35  }
0x3a3: {  	[hbm4b:s4+s3] =	stream.indirect_vreg.scatter [tilespmem:s24], [sflag:$0x4], $0x80, v36, vm0, $0xb8;
	[tilespmem:$0xC400] =	vst v63  }
0x3a4: {  	s8 =	simm.s32 $0x8400  }
0x3a5: {  	[hbm4b:s6+s3] =	stream.indirect_vreg.scatter [tilespmem:s8], [sflag:$0x4], $0x80, v36, vm1, $0xb8;
	[tilespmem:$0xC400] =	vst v63  }
0x3a6: {  	s12 =	simm.s32 $0x8800  }
0x3a7: {  	[hbm4b:s4+s3] =	stream.indirect_vreg.scatter [tilespmem:s12], [sflag:$0x4], $0x80, v35, vm0, $0xb8;
	[tilespmem:$0xC400] =	vst v63  }
0x3a8: {  	s10 =	simm.s32 $0x9000  }
0x3a9: {  	[hbm4b:s6+s3] =	stream.indirect_vreg.scatter [tilespmem:s10], [sflag:$0x4], $0x80, v35, vm1, $0xb8;
	[tilespmem:$0xC400] =	vst v63  }
0x3aa: {  	v35 =	vld [tilespmem:$0x2A0];
	_ =	sdelay $0x4  }
0x3ab: {  	v43 =	vshrl.u32 v35, $0x3  }
0x3ac: {  	v36 =	vmul.u32 $0x18, v43  }
0x3ad: {  	v35 =	vand.u32 $0x7, v35  }
0x3ae: {  	v35 =	vor.u32 v35, v36  }
0x3af: {  	v36 =	vperm.xlane v35, v32;
	_ =	sdelay $0x1  }
0x3b0: {  	v36 =	vadd.s32 v33, v36;
	_ =	sdelay $0x1  }
0x3b1: {  	v35 =	vperm.xlane v35, v34;
	_ =	sdelay $0x1  }
0x3b2: {  	s14 =	simm.s32 $0x9400;
	v35 =	vadd.s32 v33, v35  }
0x3b3: {  	[hbm4b:s4+s3] =	stream.indirect_vreg.scatter [tilespmem:s14], [sflag:$0x4], $0x80, v36, vm0, $0xb8;
	[tilespmem:$0xC400] =	vst v63  }
0x3b4: {  	s23 =	simm.s32 $0x9C00  }
0x3b5: {  	[hbm4b:s6+s3] =	stream.indirect_vreg.scatter [tilespmem:s23], [sflag:$0x4], $0x80, v36, vm1, $0xb8;
	[tilespmem:$0xC400] =	vst v63  }
0x3b6: {  	s21 =	simm.s32 $0xA000  }
0x3b7: {  	[hbm4b:s4+s3] =	stream.indirect_vreg.scatter [tilespmem:s21], [sflag:$0x4], $0x80, v35, vm0, $0xb8;
	[tilespmem:$0xC400] =	vst v63  }
0x3b8: {  	s11 =	simm.s32 $0xA800  }
0x3b9: {  	[hbm4b:s6+s3] =	stream.indirect_vreg.scatter [tilespmem:s11], [sflag:$0x4], $0x80, v35, vm1, $0xb8;
	[tilespmem:$0xC400] =	vst v63  }
0x3ba: {  	v35 =	vld [tilespmem:$0x2B0];
	_ =	sdelay $0x4  }
0x3bb: {  	v44 =	vshrl.u32 v35, $0x3  }
0x3bc: {  	v36 =	vmul.u32 $0x18, v44  }
0x3bd: {  	v35 =	vand.u32 $0x7, v35  }
0x3be: {  	v35 =	vor.u32 v35, v36  }
0x3bf: {  	v36 =	vperm.xlane v35, v32;
	_ =	sdelay $0x1  }
0x3c0: {  	v36 =	vadd.s32 v33, v36;
	_ =	sdelay $0x1  }
0x3c1: {  	v35 =	vperm.xlane v35, v34;
	_ =	sdelay $0x1  }
0x3c2: {  	s28 =	simm.s32 $0xAC00;
	v35 =	vadd.s32 v33, v35  }
0x3c3: {  	[hbm4b:s4+s3] =	stream.indirect_vreg.scatter [tilespmem:s28], [sflag:$0x4], $0x80, v36, vm0, $0xb8;
	[tilespmem:$0xC400] =	vst v63  }
0x3c4: {  	s15 =	simm.s32 $0xB400  }
0x3c5: {  	[hbm4b:s6+s3] =	stream.indirect_vreg.scatter [tilespmem:s15], [sflag:$0x4], $0x80, v36, vm1, $0xb8;
	[tilespmem:$0xC400] =	vst v63  }
0x3c6: {  	s0 =	simm.s32 $0xB800  }
0x3c7: {  	[hbm4b:s4+s3] =	stream.indirect_vreg.scatter [tilespmem:s0], [sflag:$0x4], $0x80, v35, vm0, $0xb8;
	[tilespmem:$0xC400] =	vst v63  }
0x3c8: {  	s7 =	simm.s32 $0xC000  }
0x3c9: {  	[hbm4b:s6+s3] =	stream.indirect_vreg.scatter [tilespmem:s7], [sflag:$0x4], $0x80, v35, vm1, $0xb8;
	[tilespmem:$0xC400] =	vst v63  }
0x3ca: {  	_ =	swait.ge [sflag:s17], $0x6000  }
0x3cb: {  	[sflag:s17] =	ssyncset.done $0x0  }
0x3cc: {  	[sflag:s17] =	ssyncadd.s32 $0xFFFFA000  }
0x3cd: {  	[tilespmem:$0x380] =	vst v28  }
0x3ce: {  	v45 =	vld [tilespmem:$0x380];
	_ =	sdelay $0x4  }
0x3cf: {  	v48 =	vshrl.u32 v45, $0x3  }
0x3d0: {  	v38 =	vmul.u32 $0x18, v48  }
0x3d1: {  	v46 =	vld [tilespmem:$0x1C0];
	v35 =	vand.u32 $0x7, v45  }
0x3d2: {  	v47 =	vld [tilespmem:$0x1D0];
	v35 =	vor.u32 v35, v38  }
0x3d3: {  	v49 =	vld [tilespmem:$0x1E0];
	[tilespmem:$0x390] =	vst v29;
	v50 =	vperm.xlane v35, v32  }
0x3d4: {  	v40 =	vld [tilespmem:$0x1F0];
	[tilespmem:$0x3A0] =	vst v30  }
0x3d5: {  	[tilespmem:$0x3B0] =	vst v31;
	v36 =	vadd.s32 v33, v50  }
0x3d6: {  	[tilespmem:$0x280] =	vst v46  }
0x3d7: {  	[tilespmem:$0x290] =	vst v47;
	v35 =	vperm.xlane v35, v34  }
0x3d8: {  	[tilespmem:$0x2A0] =	vst v49  }
0x3d9: {  	[tilespmem:$0x2B0] =	vst v40;
	v35 =	vadd.s32 v33, v35  }
0x3da: {  	[tilespmem:s13], [sflag:$0x2] =	stream.indirect_vreg.gather [hbm4b:s1+s3], $0x80, v36, vm0, $0xb8;
	[tilespmem:$0xC400] =	vst v63  }
0x3db: {  	_ = 	snop  }
0x3dc: {  	[tilespmem:s16], [sflag:$0x2] =	stream.indirect_vreg.gather [hbm4b:s5+s3], $0x80, v36, vm1, $0xb8;
	[tilespmem:$0xC400] =	vst v63  }
0x3dd: {  	_ = 	snop  }
0x3de: {  	[tilespmem:s22], [sflag:$0x2] =	stream.indirect_vreg.gather [hbm4b:s1+s3], $0x80, v35, vm0, $0xb8;
	[tilespmem:$0xC400] =	vst v63  }
0x3df: {  	_ = 	snop  }
0x3e0: {  	[tilespmem:s9], [sflag:$0x2] =	stream.indirect_vreg.gather [hbm4b:s5+s3], $0x80, v35, vm1, $0xb8;
	[tilespmem:$0xC400] =	vst v63  }
0x3e1: {  	v35 =	vld [tilespmem:$0x390];
	_ =	sdelay $0x4  }
0x3e2: {  	v51 =	vshrl.u32 v35, $0x3  }
0x3e3: {  	v36 =	vmul.u32 $0x18, v51  }
0x3e4: {  	v35 =	vand.u32 $0x7, v35  }
0x3e5: {  	v35 =	vor.u32 v35, v36  }
0x3e6: {  	v36 =	vperm.xlane v35, v32;
	_ =	sdelay $0x1  }
0x3e7: {  	v36 =	vadd.s32 v33, v36;
	_ =	sdelay $0x1  }
0x3e8: {  	v35 =	vperm.xlane v35, v34;
	_ =	sdelay $0x1  }
0x3e9: {  	v35 =	vadd.s32 v33, v35  }
0x3ea: {  	[tilespmem:s24], [sflag:$0x2] =	stream.indirect_vreg.gather [hbm4b:s1+s3], $0x80, v36, vm0, $0xb8;
	[tilespmem:$0xC400] =	vst v63  }
0x3eb: {  	_ = 	snop  }
0x3ec: {  	[tilespmem:s8], [sflag:$0x2] =	stream.indirect_vreg.gather [hbm4b:s5+s3], $0x80, v36, vm1, $0xb8;
	[tilespmem:$0xC400] =	vst v63  }
0x3ed: {  	_ = 	snop  }
0x3ee: {  	[tilespmem:s12], [sflag:$0x2] =	stream.indirect_vreg.gather [hbm4b:s1+s3], $0x80, v35, vm0, $0xb8;
	[tilespmem:$0xC400] =	vst v63  }
0x3ef: {  	_ = 	snop  }
0x3f0: {  	[tilespmem:s10], [sflag:$0x2] =	stream.indirect_vreg.gather [hbm4b:s5+s3], $0x80, v35, vm1, $0xb8;
	[tilespmem:$0xC400] =	vst v63  }
0x3f1: {  	v35 =	vld [tilespmem:$0x3A0];
	_ =	sdelay $0x4  }
0x3f2: {  	v52 =	vshrl.u32 v35, $0x3  }
0x3f3: {  	v36 =	vmul.u32 $0x18, v52  }
0x3f4: {  	v35 =	vand.u32 $0x7, v35  }
0x3f5: {  	v35 =	vor.u32 v35, v36  }
0x3f6: {  	v36 =	vperm.xlane v35, v32;
	_ =	sdelay $0x1  }
0x3f7: {  	v36 =	vadd.s32 v33, v36;
	_ =	sdelay $0x1  }
0x3f8: {  	v35 =	vperm.xlane v35, v34;
	_ =	sdelay $0x1  }
0x3f9: {  	v35 =	vadd.s32 v33, v35  }
0x3fa: {  	[tilespmem:s14], [sflag:$0x2] =	stream.indirect_vreg.gather [hbm4b:s1+s3], $0x80, v36, vm0, $0xb8;
	[tilespmem:$0xC400] =	vst v63  }
0x3fb: {  	_ = 	snop  }
0x3fc: {  	[tilespmem:s23], [sflag:$0x2] =	stream.indirect_vreg.gather [hbm4b:s5+s3], $0x80, v36, vm1, $0xb8;
	[tilespmem:$0xC400] =	vst v63  }
0x3fd: {  	_ = 	snop  }
0x3fe: {  	[tilespmem:s21], [sflag:$0x2] =	stream.indirect_vreg.gather [hbm4b:s1+s3], $0x80, v35, vm0, $0xb8;
	[tilespmem:$0xC400] =	vst v63  }
0x3ff: {  	_ = 	snop  }
0x400: {  	[tilespmem:s11], [sflag:$0x2] =	stream.indirect_vreg.gather [hbm4b:s5+s3], $0x80, v35, vm1, $0xb8;
	[tilespmem:$0xC400] =	vst v63  }
0x401: {  	v35 =	vld [tilespmem:$0x3B0];
	_ =	sdelay $0x4  }
0x402: {  	v53 =	vshrl.u32 v35, $0x3  }
0x403: {  	v36 =	vmul.u32 $0x18, v53  }
0x404: {  	v35 =	vand.u32 $0x7, v35  }
0x405: {  	v35 =	vor.u32 v35, v36  }
0x406: {  	v36 =	vperm.xlane v35, v32;
	_ =	sdelay $0x1  }
0x407: {  	v36 =	vadd.s32 v33, v36;
	_ =	sdelay $0x1  }
0x408: {  	v35 =	vperm.xlane v35, v34;
	_ =	sdelay $0x1  }
0x409: {  	v35 =	vadd.s32 v33, v35  }
0x40a: {  	[tilespmem:s28], [sflag:$0x2] =	stream.indirect_vreg.gather [hbm4b:s1+s3], $0x80, v36, vm0, $0xb8;
	[tilespmem:$0xC400] =	vst v63  }
0x40b: {  	_ = 	snop  }
0x40c: {  	[tilespmem:s15], [sflag:$0x2] =	stream.indirect_vreg.gather [hbm4b:s5+s3], $0x80, v36, vm1, $0xb8;
	[tilespmem:$0xC400] =	vst v63  }
0x40d: {  	_ = 	snop  }
0x40e: {  	[tilespmem:s0], [sflag:$0x2] =	stream.indirect_vreg.gather [hbm4b:s1+s3], $0x80, v35, vm0, $0xb8;
	[tilespmem:$0xC400] =	vst v63  }
0x40f: {  	_ = 	snop  }
0x410: {  	[tilespmem:s7], [sflag:$0x2] =	stream.indirect_vreg.gather [hbm4b:s5+s3], $0x80, v35, vm1, $0xb8;
	[tilespmem:$0xC400] =	vst v63  }
0x411: {  	_ =	swait.ge [sflag:s18], $0x6000  }
0x412: {  	[sflag:s18] =	ssyncset.done $0x0  }
0x413: {  	[sflag:s18] =	ssyncadd.s32 $0xFFFFA000  }
0x414: {  	v54 =	vld [tilespmem:$0x200];
	_ =	sdelay $0x4  }
0x415: {  	v55 =	vshrl.u32 v54, $0x3  }
0x416: {  	v36 =	vmul.u32 $0x18, v55  }
0x417: {  	v35 =	vand.u32 $0x7, v54  }
0x418: {  	v35 =	vor.u32 v35, v36  }
0x419: {  	v36 =	vperm.xlane v35, v32;
	_ =	sdelay $0x1  }
0x41a: {  	v36 =	vadd.s32 v33, v36;
	_ =	sdelay $0x1  }
0x41b: {  	v35 =	vperm.xlane v35, v34;
	_ =	sdelay $0x1  }
0x41c: {  	s2 =	simm.s32 $0x400;
	v35 =	vadd.s32 v33, v35  }
0x41d: {  	[hbm4b:s4+s3] =	stream.indirect_vreg.scatter [tilespmem:s2], [sflag:$0x3], $0x80, v36, vm0, $0xb8;
	[tilespmem:$0xC400] =	vst v63  }
0x41e: {  	s25 =	simm.s32 $0xC00  }
0x41f: {  	[hbm4b:s6+s3] =	stream.indirect_vreg.scatter [tilespmem:s25], [sflag:$0x3], $0x80, v36, vm1, $0xb8;
	[tilespmem:$0xC400] =	vst v63  }
0x420: {  	s30 =	simm.s32 $0x1000  }
0x421: {  	[hbm4b:s4+s3] =	stream.indirect_vreg.scatter [tilespmem:s30], [sflag:$0x3], $0x80, v35, vm0, $0xb8;
	[tilespmem:$0xC400] =	vst v63  }
0x422: {  	s30 =	simm.s32 $0x1800  }
0x423: {  	[hbm4b:s6+s3] =	stream.indirect_vreg.scatter [tilespmem:s30], [sflag:$0x3], $0x80, v35, vm1, $0xb8;
	[tilespmem:$0xC400] =	vst v63  }
0x424: {  	v35 =	vld [tilespmem:$0x210];
	_ =	sdelay $0x4  }
0x425: {  	v56 =	vshrl.u32 v35, $0x3  }
0x426: {  	v36 =	vmul.u32 $0x18, v56  }
0x427: {  	v35 =	vand.u32 $0x7, v35  }
0x428: {  	v35 =	vor.u32 v35, v36  }
0x429: {  	v36 =	vperm.xlane v35, v32;
	_ =	sdelay $0x1  }
0x42a: {  	v36 =	vadd.s32 v33, v36;
	_ =	sdelay $0x1  }
0x42b: {  	v35 =	vperm.xlane v35, v34;
	_ =	sdelay $0x1  }
0x42c: {  	s31 =	simm.s32 $0x1C00;
	v35 =	vadd.s32 v33, v35  }
0x42d: {  	[hbm4b:s4+s3] =	stream.indirect_vreg.scatter [tilespmem:s31], [sflag:$0x3], $0x80, v36, vm0, $0xb8;
	[tilespmem:$0xC400] =	vst v63  }
0x42e: {  	s31 =	simm.s32 $0x2400  }
0x42f: {  	[hbm4b:s6+s3] =	stream.indirect_vreg.scatter [tilespmem:s31], [sflag:$0x3], $0x80, v36, vm1, $0xb8;
	[tilespmem:$0xC400] =	vst v63  }
0x430: {  	s18 =	simm.s32 $0x2800  }
0x431: {  	[hbm4b:s4+s3] =	stream.indirect_vreg.scatter [tilespmem:s18], [sflag:$0x3], $0x80, v35, vm0, $0xb8;
	[tilespmem:$0xC400] =	vst v63  }
0x432: {  	s25 =	simm.s32 $0x3000  }
0x433: {  	[hbm4b:s6+s3] =	stream.indirect_vreg.scatter [tilespmem:s25], [sflag:$0x3], $0x80, v35, vm1, $0xb8;
	[tilespmem:$0xC400] =	vst v63  }
0x434: {  	v35 =	vld [tilespmem:$0x220];
	_ =	sdelay $0x4  }
0x435: {  	v57 =	vshrl.u32 v35, $0x3  }
0x436: {  	v36 =	vmul.u32 $0x18, v57  }
0x437: {  	v35 =	vand.u32 $0x7, v35  }
0x438: {  	v35 =	vor.u32 v35, v36  }
0x439: {  	v36 =	vperm.xlane v35, v32;
	_ =	sdelay $0x1  }
0x43a: {  	v36 =	vadd.s32 v33, v36;
	_ =	sdelay $0x1  }
0x43b: {  	v35 =	vperm.xlane v35, v34;
	_ =	sdelay $0x1  }
0x43c: {  	s30 =	simm.s32 $0x3400;
	v35 =	vadd.s32 v33, v35  }
0x43d: {  	[hbm4b:s4+s3] =	stream.indirect_vreg.scatter [tilespmem:s30], [sflag:$0x3], $0x80, v36, vm0, $0xb8;
	[tilespmem:$0xC400] =	vst v63  }
0x43e: {  	s31 =	simm.s32 $0x3C00  }
0x43f: {  	[hbm4b:s6+s3] =	stream.indirect_vreg.scatter [tilespmem:s31], [sflag:$0x3], $0x80, v36, vm1, $0xb8;
	[tilespmem:$0xC400] =	vst v63  }
0x440: {  	s18 =	simm.s32 $0x4000  }
0x441: {  	[hbm4b:s4+s3] =	stream.indirect_vreg.scatter [tilespmem:s18], [sflag:$0x3], $0x80, v35, vm0, $0xb8;
	[tilespmem:$0xC400] =	vst v63  }
0x442: {  	s25 =	simm.s32 $0x4800  }
0x443: {  	[hbm4b:s6+s3] =	stream.indirect_vreg.scatter [tilespmem:s25], [sflag:$0x3], $0x80, v35, vm1, $0xb8;
	[tilespmem:$0xC400] =	vst v63  }
0x444: {  	v35 =	vld [tilespmem:$0x230];
	_ =	sdelay $0x4  }
0x445: {  	v58 =	vshrl.u32 v35, $0x3  }
0x446: {  	v36 =	vmul.u32 $0x18, v58  }
0x447: {  	v35 =	vand.u32 $0x7, v35  }
0x448: {  	v35 =	vor.u32 v35, v36  }
0x449: {  	v36 =	vperm.xlane v35, v32;
	_ =	sdelay $0x1  }
0x44a: {  	v36 =	vadd.s32 v33, v36;
	_ =	sdelay $0x1  }
0x44b: {  	v35 =	vperm.xlane v35, v34;
	_ =	sdelay $0x1  }
0x44c: {  	s26 =	simm.s32 $0x4C00;
	v35 =	vadd.s32 v33, v35  }
0x44d: {  	[hbm4b:s4+s3] =	stream.indirect_vreg.scatter [tilespmem:s26], [sflag:$0x3], $0x80, v36, vm0, $0xb8;
	[tilespmem:$0xC400] =	vst v63  }
0x44e: {  	s29 =	simm.s32 $0x5400  }
0x44f: {  	[hbm4b:s6+s3] =	stream.indirect_vreg.scatter [tilespmem:s29], [sflag:$0x3], $0x80, v36, vm1, $0xb8;
	[tilespmem:$0xC400] =	vst v63  }
0x450: {  	s29 =	simm.s32 $0x5800  }
0x451: {  	[hbm4b:s4+s3] =	stream.indirect_vreg.scatter [tilespmem:s29], [sflag:$0x3], $0x80, v35, vm0, $0xb8;
	[tilespmem:$0xC400] =	vst v63  }
0x452: {  	s31 =	simm.s32 $0x6000  }
0x453: {  	[hbm4b:s6+s3] =	stream.indirect_vreg.scatter [tilespmem:s31], [sflag:$0x3], $0x80, v35, vm1, $0xb8;
	[tilespmem:$0xC400] =	vst v63  }
0x454: {  	s30 =	rddreg [dreg:$0x4];
	_ =	swait.ge [sflag:s19], $0x6000  }
0x455: {  	[sflag:s19] =	ssyncset.done $0x0  }
0x456: {  	[sflag:s19] =	ssyncadd.s32 $0xFFFFA000  }
0x457: {  	v59 =	vld [tilespmem:$0x280];
	_ =	sdelay $0x4  }
0x458: {  	v60 =	vshrl.u32 v59, $0x3  }
0x459: {  	v36 =	vmul.u32 $0x18, v60  }
0x45a: {  	v35 =	vand.u32 $0x7, v59  }
0x45b: {  	v35 =	vor.u32 v35, v36  }
0x45c: {  	v36 =	vperm.xlane v35, v32;
	_ =	sdelay $0x1  }
0x45d: {  	v36 =	vadd.s32 v33, v36;
	_ =	sdelay $0x1  }
0x45e: {  	v35 =	vperm.xlane v35, v34;
	_ =	sdelay $0x1  }
0x45f: {  	s13 =	simm.s32 $0x6400;
	v35 =	vadd.s32 v33, v35  }
0x460: {  	[hbm4b:s4+s3] =	stream.indirect_vreg.scatter [tilespmem:s13], [sflag:$0x4], $0x80, v36, vm0, $0xb8;
	[tilespmem:$0xC400] =	vst v63  }
0x461: {  	_ = 	snop  }
0x462: {  	[hbm4b:s6+s3] =	stream.indirect_vreg.scatter [tilespmem:s16], [sflag:$0x4], $0x80, v36, vm1, $0xb8;
	[tilespmem:$0xC400] =	vst v63  }
0x463: {  	_ = 	snop  }
0x464: {  	[hbm4b:s4+s3] =	stream.indirect_vreg.scatter [tilespmem:s22], [sflag:$0x4], $0x80, v35, vm0, $0xb8;
	[tilespmem:$0xC400] =	vst v63  }
0x465: {  	s9 =	simm.s32 $0x7800  }
0x466: {  	[hbm4b:s6+s3] =	stream.indirect_vreg.scatter [tilespmem:s9], [sflag:$0x4], $0x80, v35, vm1, $0xb8;
	[tilespmem:$0xC400] =	vst v63  }
0x467: {  	v35 =	vld [tilespmem:$0x290];
	_ =	sdelay $0x4  }
0x468: {  	v61 =	vshrl.u32 v35, $0x3  }
0x469: {  	v36 =	vmul.u32 $0x18, v61  }
0x46a: {  	v35 =	vand.u32 $0x7, v35  }
0x46b: {  	v35 =	vor.u32 v35, v36  }
0x46c: {  	v36 =	vperm.xlane v35, v32;
	_ =	sdelay $0x1  }
0x46d: {  	v36 =	vadd.s32 v33, v36;
	_ =	sdelay $0x1  }
0x46e: {  	v35 =	vperm.xlane v35, v34;
	_ =	sdelay $0x1  }
0x46f: {  	v35 =	vadd.s32 v33, v35  }
0x470: {  	[hbm4b:s4+s3] =	stream.indirect_vreg.scatter [tilespmem:s24], [sflag:$0x4], $0x80, v36, vm0, $0xb8;
	[tilespmem:$0xC400] =	vst v63  }
0x471: {  	s8 =	simm.s32 $0x8400  }
0x472: {  	[hbm4b:s6+s3] =	stream.indirect_vreg.scatter [tilespmem:s8], [sflag:$0x4], $0x80, v36, vm1, $0xb8;
	[tilespmem:$0xC400] =	vst v63  }
0x473: {  	s12 =	simm.s32 $0x8800  }
0x474: {  	[hbm4b:s4+s3] =	stream.indirect_vreg.scatter [tilespmem:s12], [sflag:$0x4], $0x80, v35, vm0, $0xb8;
	[tilespmem:$0xC400] =	vst v63  }
0x475: {  	s10 =	simm.s32 $0x9000  }
0x476: {  	[hbm4b:s6+s3] =	stream.indirect_vreg.scatter [tilespmem:s10], [sflag:$0x4], $0x80, v35, vm1, $0xb8;
	[tilespmem:$0xC400] =	vst v63  }
0x477: {  	v35 =	vld [tilespmem:$0x2A0];
	_ =	sdelay $0x4  }
0x478: {  	v62 =	vshrl.u32 v35, $0x3  }
0x479: {  	v36 =	vmul.u32 $0x18, v62  }
0x47a: {  	v35 =	vand.u32 $0x7, v35  }
0x47b: {  	v35 =	vor.u32 v35, v36  }
0x47c: {  	v36 =	vperm.xlane v35, v32;
	_ =	sdelay $0x1  }
0x47d: {  	v36 =	vadd.s32 v33, v36;
	_ =	sdelay $0x1  }
0x47e: {  	v35 =	vperm.xlane v35, v34;
	_ =	sdelay $0x1  }
0x47f: {  	s14 =	simm.s32 $0x9400;
	v35 =	vadd.s32 v33, v35  }
0x480: {  	[hbm4b:s4+s3] =	stream.indirect_vreg.scatter [tilespmem:s14], [sflag:$0x4], $0x80, v36, vm0, $0xb8;
	[tilespmem:$0xC400] =	vst v63  }
0x481: {  	_ = 	snop  }
0x482: {  	[hbm4b:s6+s3] =	stream.indirect_vreg.scatter [tilespmem:s23], [sflag:$0x4], $0x80, v36, vm1, $0xb8;
	[tilespmem:$0xC400] =	vst v63  }
0x483: {  	_ = 	snop  }
0x484: {  	[hbm4b:s4+s3] =	stream.indirect_vreg.scatter [tilespmem:s21], [sflag:$0x4], $0x80, v35, vm0, $0xb8;
	[tilespmem:$0xC400] =	vst v63  }
0x485: {  	s11 =	simm.s32 $0xA800  }
0x486: {  	[hbm4b:s6+s3] =	stream.indirect_vreg.scatter [tilespmem:s11], [sflag:$0x4], $0x80, v35, vm1, $0xb8;
	[tilespmem:$0xC400] =	vst v63  }
0x487: {  	v35 =	vld [tilespmem:$0x2B0];
	_ =	sdelay $0x4  }
0x488: {  	v63 =	vshrl.u32 v35, $0x3  }
0x489: {  	v36 =	vmul.u32 $0x18, v63  }
0x48a: {  	v35 =	vand.u32 $0x7, v35  }
0x48b: {  	v35 =	vor.u32 v35, v36  }
0x48c: {  	v36 =	vperm.xlane v35, v32;
	_ =	sdelay $0x1  }
0x48d: {  	v36 =	vadd.s32 v33, v36;
	_ =	sdelay $0x1  }
0x48e: {  	v35 =	vperm.xlane v35, v34;
	_ =	sdelay $0x1  }
0x48f: {  	v35 =	vadd.s32 v33, v35  }
0x490: {  	[hbm4b:s4+s3] =	stream.indirect_vreg.scatter [tilespmem:s28], [sflag:$0x4], $0x80, v36, vm0, $0xb8;
	[tilespmem:$0xC400] =	vst v63  }
0x491: {  	s15 =	simm.s32 $0xB400  }
0x492: {  	[hbm4b:s6+s3] =	stream.indirect_vreg.scatter [tilespmem:s15], [sflag:$0x4], $0x80, v36, vm1, $0xb8;
	[tilespmem:$0xC400] =	vst v63  }
0x493: {  	s0 =	simm.s32 $0xB800  }
0x494: {  	[hbm4b:s4+s3] =	stream.indirect_vreg.scatter [tilespmem:s0], [sflag:$0x4], $0x80, v35, vm0, $0xb8;
	[tilespmem:$0xC400] =	vst v63  }
0x495: {  	s7 =	simm.s32 $0xC000  }
0x496: {  	[hbm4b:s6+s3] =	stream.indirect_vreg.scatter [tilespmem:s7], [sflag:$0x4], $0x80, v35, vm1, $0xb8;
	[tilespmem:$0xC400] =	vst v63  }
0x497: {  	p0 =	sne.s32 s30, $0x1;
	_ =	swait.ge [sflag:s20], $0x6000  }
.Ltmp0:
0x498: {  	[sflag:s20] =	ssyncset.done $0x0;
	(pc) =	sbr.rel @p0 .LBB2_1-.Ltmp0, $4  }
0x499: {  	[sflag:s20] =	ssyncadd.s32 $0xFFFFA000  }
0x49a: {  	_ =	swait.ge [sflag:s17], $0x6000  }
0x49b: {  	[sflag:s17] =	ssyncset.done $0x0  }
0x49c: {  	s2 =	sadd.s32 $0xFFFFFFFF, s30;
	[sflag:s17] =	ssyncadd.s32 $0xFFFFA000  }
0x49d: {  	_ =	sfence.sel $0x180000  }
0x49e: {  	[bflag:$0x0] =	sbarrier.arrive $0xFFFF  }
0x49f: {  	_ =	strace $0x90000047  }
0x4a0: {  	s0 =	stileid.u32;
	[bflag:$0x2] =	sbarrier.arrive $0xFFFF  }
0x4a1: {  	p0 =	sne.s32 s0, $0x0;
	s0 =	rddreg [dreg:$0x2]  }
0x4a2: {  	s0 =	sadd.s32 @!p0 $0x100000, s0  }
0x4a3: {  	[sflag:s0] =	ssyncadd.tile.s32 @!p0 $0x1;
	_ =	shalt  }
.Lfunc_end2:
_tile_overlayer_lowered:
.L_overlay_start_2:
0x4a4: {  	(tag) =	ssettag $0x2  }
0x4a5: {  	s0 =	rddreg [dreg:$0x0];
	s2 =	stileid.u32  }
0x4a6: {  	s1 =	rddreg [dreg:$0x1];
	p0 =	sne.s32 s2, $0x0  }
0x4a7: {  	s3 =	rddreg [dreg:$0x2];
	[bflag:$0x3] =	sbarrier.arrive $0xFFFF;
	s2 =	simm.s32 @!p0 $0x1C05  }
0x4a8: {  	[timem:s3], [sflag:s2] =	dma.local @!p0 [hbm:s0], s1  }
0x4a9: {  	s0 =	simm.s32 @!p0 $0x5  }
0x4aa: {  	_ =	swait.ge @!p0 [sflag:s0], s1  }
0x4ab: {  	s1 =	ssub.s32 @!p0 $0x0, s1;
	[sflag:s0] =	ssyncset.done @!p0 $0x0  }
0x4ac: {  	[sflag:s0] =	ssyncadd.s32 @!p0 s1  }
0x4ad: {  	[bflag:$0x3] =	sbarrier.arrive $0xFFFF  }
0x4ae: {  	_ =	shalt  }

</sc_bundles>
